<compile_context>
chip_gen: v7x
topology: tpu7x:2x2x1
jax: 0.10.2.dev20260603
libtpu: 0.0.44.dev20260713+nightly
codegen_flags: <defaults>
</compile_context>

<pallas_src>
import functools

import jax
import jax.numpy as jnp
from jax import lax
from jax.experimental import pallas as pl
from jax.experimental.pallas import tpu as pltpu
from jax.experimental.pallas import tpu_sc as plsc

N_DRUGS = 2000
N_PROTS = 10000
HID = 64
E_DP = 64000
E_PP = 320000

NC = 2
NS = 16
NW = NC * NS
CHUNK = 80

DP_CHUNKS = E_DP // (NW * CHUNK)
PP_CHUNKS = E_PP // (NW * CHUNK)
DRUG_ROWS = 128
ACC_DRUGS = NS * DRUG_ROWS
PROT_ROWS = 640
ACC_PROTS = NS * PROT_ROWS


ZROWS = 16


def _zero_fill(zbuf):
    def body(i, _):
        r = i // (HID // 16)
        k = i % (HID // 16)
        zbuf[r, pl.ds(k * 16, 16)] = jnp.zeros((16,), jnp.float32)
        return 0
    lax.fori_loop(0, ZROWS * (HID // 16), body, 0)


def _zero_region(zbuf, acc, base, n_rows):
    def body(i, _):
        pltpu.sync_copy(zbuf, acc.at[pl.ds(base + i * ZROWS, ZROWS)])
        return 0
    lax.fori_loop(0, n_rows // ZROWS, body, 0)


K = 5


def _edge_sweep(tab, vg2, vs2, acc, n_chunks, rows, gsem, ssem):
    n_super = n_chunks // K
    assert n_super % 2 == 1, "pair-pipelined sweep expects odd superstep count"
    npairs = n_super // 2

    def gslice(j):
        return vg2.at[pl.ds(j * CHUNK, CHUNK)]

    def sslice(j):
        return vs2.at[pl.ds(j * CHUNK, CHUNK)]

    def issue(t, g):
        for b in range(K):
            pltpu.async_copy(tab.at[gslice(t * K + b)], rows[g][b], gsem[g])

    def drain_issue(t, g):
        for b in range(K):
            pltpu.make_async_copy(
                tab.at[gslice(t * K + b)], rows[g][b], gsem[g]).wait()

    def scat(t, g):
        return [pltpu.async_copy(rows[g][b], acc.at[sslice(t * K + b)],
                                 ssem[g], add=True) for b in range(K)]

    issue(0, 0)
    issue(1, 1)

    def body(i, _):
        t0 = 2 * i
        drain_issue(t0, 0)
        for d in scat(t0, 0):
            d.wait()
        issue(t0 + 2, 0)
        drain_issue(t0 + 1, 1)
        for d in scat(t0 + 1, 1):
            d.wait()

        @pl.when(t0 + 3 < n_super)
        def _():
            issue(t0 + 3, 1)
        return 0
    lax.fori_loop(0, npairs, body, 0)

    drain_issue(n_super - 1, 0)
    for d in scat(n_super - 1, 0):
        d.wait()


_SC_MESH = plsc.VectorSubcoreMesh(core_axis_name="c", subcore_axis_name="s")
_SC_PARAMS = pltpu.CompilerParams(use_tc_tiling_on_sc=False)


@functools.partial(
    pl.kernel,
    out_type=[
        jax.ShapeDtypeStruct((NC * ACC_DRUGS, HID), jnp.float32),
        jax.ShapeDtypeStruct((NC * ACC_PROTS, HID), jnp.float32),
    ],
    mesh=_SC_MESH,
    compiler_params=_SC_PARAMS,
    scratch_types=[
        pltpu.VMEM_SHARED((ACC_DRUGS, HID), jnp.float32),
        pltpu.VMEM_SHARED((ACC_PROTS, HID), jnp.float32),
        pltpu.VMEM((DP_CHUNKS * CHUNK,), jnp.int32),
        pltpu.VMEM((DP_CHUNKS * CHUNK,), jnp.int32),
        pltpu.VMEM((PP_CHUNKS * CHUNK,), jnp.int32),
        pltpu.VMEM((PP_CHUNKS * CHUNK,), jnp.int32),
        [[pltpu.VMEM((CHUNK, HID), jnp.float32)] * K for _ in range(2)],
        pltpu.VMEM((ZROWS, HID), jnp.float32),
        [pltpu.SemaphoreType.DMA] * 2,
        [pltpu.SemaphoreType.DMA] * 2,
    ],
)
def _sc_conv1(tab_p2d, tab_d2p, tab_pp, d2p_src, d2p_dst, pp_src, pp_dst,
              out_drug, out_prot,
              acc_drug, acc_prot, v_ds, v_dd, v_ps, v_pd, rows, zbuf,
              gsem, ssem):
    c = lax.axis_index("c")
    s = lax.axis_index("s")
    w = s * NC + c

    _zero_fill(zbuf)
    _zero_region(zbuf, acc_drug, s * DRUG_ROWS, DRUG_ROWS)
    _zero_region(zbuf, acc_prot, s * PROT_ROWS, PROT_ROWS)
    plsc.subcore_barrier()

    n_dp = DP_CHUNKS * CHUNK
    n_pp = PP_CHUNKS * CHUNK
    pltpu.sync_copy(d2p_src.at[pl.ds(w * n_dp, n_dp)], v_ds)
    pltpu.sync_copy(d2p_dst.at[pl.ds(w * n_dp, n_dp)], v_dd)
    pltpu.sync_copy(pp_src.at[pl.ds(w * n_pp, n_pp)], v_ps)
    pltpu.sync_copy(pp_dst.at[pl.ds(w * n_pp, n_pp)], v_pd)

    _edge_sweep(tab_p2d, v_dd, v_ds, acc_drug, DP_CHUNKS, rows, gsem, ssem)
    _edge_sweep(tab_d2p, v_ds, v_dd, acc_prot, DP_CHUNKS, rows, gsem, ssem)
    _edge_sweep(tab_pp, v_ps, v_pd, acc_prot, PP_CHUNKS, rows, gsem, ssem)
    plsc.subcore_barrier()

    pltpu.sync_copy(acc_drug.at[pl.ds(s * DRUG_ROWS, DRUG_ROWS)],
                    out_drug.at[pl.ds(c * ACC_DRUGS + s * DRUG_ROWS, DRUG_ROWS)])
    pltpu.sync_copy(acc_prot.at[pl.ds(s * PROT_ROWS, PROT_ROWS)],
                    out_prot.at[pl.ds(c * ACC_PROTS + s * PROT_ROWS, PROT_ROWS)])


@functools.partial(
    pl.kernel,
    out_type=[jax.ShapeDtypeStruct((NC * ACC_DRUGS, HID), jnp.float32)],
    mesh=_SC_MESH,
    compiler_params=_SC_PARAMS,
    scratch_types=[
        pltpu.VMEM_SHARED((ACC_DRUGS, HID), jnp.float32),
        pltpu.VMEM((DP_CHUNKS * CHUNK,), jnp.int32),
        pltpu.VMEM((DP_CHUNKS * CHUNK,), jnp.int32),
        [[pltpu.VMEM((CHUNK, HID), jnp.float32)] * K for _ in range(2)],
        pltpu.VMEM((ZROWS, HID), jnp.float32),
        [pltpu.SemaphoreType.DMA] * 2,
        [pltpu.SemaphoreType.DMA] * 2,
    ],
)
def _sc_resid(tab_r, d2p_src, d2p_dst, out_drug,
              acc_drug, v_ds, v_dd, rows, zbuf, gsem, ssem):
    c = lax.axis_index("c")
    s = lax.axis_index("s")
    w = s * NC + c

    _zero_fill(zbuf)
    _zero_region(zbuf, acc_drug, s * DRUG_ROWS, DRUG_ROWS)
    plsc.subcore_barrier()

    n_dp = DP_CHUNKS * CHUNK
    pltpu.sync_copy(d2p_src.at[pl.ds(w * n_dp, n_dp)], v_ds)
    pltpu.sync_copy(d2p_dst.at[pl.ds(w * n_dp, n_dp)], v_dd)
    _edge_sweep(tab_r, v_dd, v_ds, acc_drug, DP_CHUNKS, rows, gsem, ssem)
    plsc.subcore_barrier()

    pltpu.sync_copy(acc_drug.at[pl.ds(s * DRUG_ROWS, DRUG_ROWS)],
                    out_drug.at[pl.ds(c * ACC_DRUGS + s * DRUG_ROWS, DRUG_ROWS)])



def _tc_proj_body(pe, xf, xd, we, wf, wd,
                  t_p2d, t_pp, b_p, t_d2p, b_d):
    P = (jnp.dot(pe[...], we[...], preferred_element_type=jnp.float32)
         + jnp.dot(xf[...], wf[...], preferred_element_type=jnp.float32))
    t_p2d[...] = P[:, :HID]
    t_pp[...] = P[:, HID:2 * HID]
    b_p[...] = P[:, 2 * HID:]
    D = jnp.dot(xd[...], wd[...], preferred_element_type=jnp.float32)
    t_d2p[...] = D[:, :HID]
    b_d[...] = D[:, HID:]


def _tc_mid_body(bp, pacc, rp, proj_r):
    pm = pacc[0:N_PROTS] + pacc[ACC_PROTS:ACC_PROTS + N_PROTS]
    hp = jnp.maximum(bp[...] + pm, 0.0)
    proj_r[...] = jnp.dot(hp, rp[...], preferred_element_type=jnp.float32)


def _tc_fin_body(bd, dacc, dacc2, rds, out):
    d1 = dacc[0:N_DRUGS] + dacc[ACC_DRUGS:ACC_DRUGS + N_DRUGS]
    h = jnp.maximum(bd[...] + d1, 0.0)
    d2 = dacc2[0:N_DRUGS] + dacc2[ACC_DRUGS:ACC_DRUGS + N_DRUGS]
    out[...] = jnp.maximum(
        jnp.dot(h, rds[...], preferred_element_type=jnp.float32) + d2, 0.0) + h


def kernel(x_drugs, x_prots, d2p_src, d2p_dst, pp_src, pp_dst, prot_emb,
           W_ds, W_p2d, W_ps, W_d2p, W_pp,
           R_ds, R_p2d, R_ps, R_d2p, R_pp):
    f32 = jnp.float32
    Wp = jnp.concatenate([W_p2d, W_pp, W_ps], axis=1)
    We, Wf = Wp[:prot_emb.shape[1]], Wp[prot_emb.shape[1]:]
    Wd = jnp.concatenate([W_d2p, W_ds], axis=1)

    tab_p2d, tab_pp, base_p, tab_d2p, base_d = pl.pallas_call(
        _tc_proj_body,
        out_shape=[
            jax.ShapeDtypeStruct((N_PROTS, HID), f32),
            jax.ShapeDtypeStruct((N_PROTS, HID), f32),
            jax.ShapeDtypeStruct((N_PROTS, HID), f32),
            jax.ShapeDtypeStruct((N_DRUGS, HID), f32),
            jax.ShapeDtypeStruct((N_DRUGS, HID), f32),
        ],
    )(prot_emb, x_prots, x_drugs, We, Wf, Wd)

    dpart, ppart = _sc_conv1(tab_p2d, tab_d2p, tab_pp,
                             d2p_src, d2p_dst, pp_src, pp_dst)

    (proj_r,) = pl.pallas_call(
        _tc_mid_body,
        out_shape=[jax.ShapeDtypeStruct((N_PROTS, HID), f32)],
    )(base_p, ppart, R_p2d)

    (dpart2,) = _sc_resid(proj_r, d2p_src, d2p_dst)

    (h_d2,) = pl.pallas_call(
        _tc_fin_body,
        out_shape=[jax.ShapeDtypeStruct((N_DRUGS, HID), f32)],
    )(base_d, dpart, dpart2, R_ds)
    return h_d2

# --- scband reference (transcript-rebuilt; emitter-appended) ---
"""Pipeline reference for scband-giant-graph-gcn-74483322847875 (READ-ONLY COPY).

The authoritative reference and input builder live on the scoring server;
editing this copy changes nothing except your own understanding.
"""

import jax, jax.numpy as jnp
import numpy as np

N_DRUGS = 2000
N_PROTS = 10000
D_DRUG = 128
D_PROT_FEAT = 128
PROT_EMB_DIM = 64
HID = 64
E_DP = 64000
E_PP = 320000


def setup_inputs(seed: int = 0) -> dict:
    key = jax.random.key(seed)
    ks = jax.random.split(key, 20)
    d_prot_in = PROT_EMB_DIM + D_PROT_FEAT  # 192
    inp = {}
    inp['x_drugs'] = jax.random.normal(ks[0], (N_DRUGS, D_DRUG), dtype=jnp.float32)
    inp['x_prots'] = jax.random.normal(ks[1], (N_PROTS, D_PROT_FEAT), dtype=jnp.float32)
    inp['d2p_src'] = jax.random.randint(ks[2], (E_DP,), 0, N_DRUGS, dtype=jnp.int64) if jax.config.jax_enable_x64 else jax.random.randint(ks[2], (E_DP,), 0, N_DRUGS).astype(jnp.int32)
    inp['d2p_dst'] = jax.random.randint(ks[3], (E_DP,), 0, N_PROTS).astype(inp['d2p_src'].dtype)
    inp['pp_src'] = jax.random.randint(ks[4], (E_PP,), 0, N_PROTS).astype(inp['d2p_src'].dtype)
    inp['pp_dst'] = jax.random.randint(ks[5], (E_PP,), 0, N_PROTS).astype(inp['d2p_src'].dtype)
    # learned parameters
    inp['prot_emb'] = 0.01 * jax.random.normal(ks[6], (N_PROTS, PROT_EMB_DIM), dtype=jnp.float32)
    sc = lambda fan_in: 1.0 / np.sqrt(fan_in)
    inp['W_ds'] = sc(D_DRUG) * jax.random.normal(ks[7], (D_DRUG, HID), dtype=jnp.float32)
    inp['W_p2d'] = sc(d_prot_in) * jax.random.normal(ks[8], (d_prot_in, HID), dtype=jnp.float32)
    inp['W_ps'] = sc(d_prot_in) * jax.random.normal(ks[9], (d_prot_in, HID), dtype=jnp.float32)
    inp['W_d2p'] = sc(D_DRUG) * jax.random.normal(ks[10], (D_DRUG, HID), dtype=jnp.float32)
    inp['W_pp'] = sc(d_prot_in) * jax.random.normal(ks[11], (d_prot_in, HID), dtype=jnp.float32)
    inp['R_ds'] = sc(HID) * jax.random.normal(ks[12], (HID, HID), dtype=jnp.float32)
    inp['R_p2d'] = sc(HID) * jax.random.normal(ks[13], (HID, HID), dtype=jnp.float32)
    inp['R_ps'] = sc(HID) * jax.random.normal(ks[14], (HID, HID), dtype=jnp.float32)
    inp['R_d2p'] = sc(HID) * jax.random.normal(ks[15], (HID, HID), dtype=jnp.float32)
    inp['R_pp'] = sc(HID) * jax.random.normal(ks[16], (HID, HID), dtype=jnp.float32)
    return inp


def reference(x_drugs, x_prots, d2p_src, d2p_dst, pp_src, pp_dst, prot_emb,
              W_ds, W_p2d, W_ps, W_d2p, W_pp,
              R_ds, R_p2d, R_ps, R_d2p, R_pp):
    # prot input: learned embedding concat raw features (use_prot_emb & use_prot_feats)
    xp = jnp.concatenate([prot_emb, x_prots], axis=1)  # [N_PROTS, 192]
    # ---- conv1: bipartite message passing with self loops ----
    # p2d messages: gather prot feats at edge src (= d2p_dst), project, scatter-add to drugs
    msg_p2d = jax.ops.segment_sum(jnp.take(xp, d2p_dst, axis=0) @ W_p2d, d2p_src, num_segments=N_DRUGS)
    h_d = jax.nn.relu(x_drugs @ W_ds + msg_p2d)
    # d2p messages: gather drug feats at src, scatter-add to prots; p2p messages likewise
    msg_d2p = jax.ops.segment_sum(jnp.take(x_drugs, d2p_src, axis=0) @ W_d2p, d2p_dst, num_segments=N_PROTS)
    msg_p2p = jax.ops.segment_sum(jnp.take(xp, pp_src, axis=0) @ W_pp, pp_dst, num_segments=N_PROTS)
    h_p = jax.nn.relu(xp @ W_ps + msg_d2p + msg_p2p)
    # ---- residual layer (num_res_layers = 1) ----
    msg_p2d_r = jax.ops.segment_sum(jnp.take(h_p, d2p_dst, axis=0) @ R_p2d, d2p_src, num_segments=N_DRUGS)
    h_d2 = jax.nn.relu(h_d @ R_ds + msg_p2d_r) + h_d
    msg_d2p_r = jax.ops.segment_sum(jnp.take(h_d, d2p_src, axis=0) @ R_d2p, d2p_dst, num_segments=N_PROTS)
    msg_p2p_r = jax.ops.segment_sum(jnp.take(h_p, pp_src, axis=0) @ R_pp, pp_dst, num_segments=N_PROTS)
    h_p2 = jax.nn.relu(h_p @ R_ps + msg_d2p_r + msg_p2p_r) + h_p
    # model returns drug embeddings (fed pairwise to the synergy predictor)
    return h_d2

if __name__ == "__main__":
    import jax
    _d = setup_inputs()
    print(jax.jit(kernel)(*tuple(_d.values())))

</pallas_src>

<mosaic_0001>
#map = affine_map<(d0, d1) -> (0, 0)>
#map1 = affine_map<(d0, d1) -> (0)>
module attributes {stable_mosaic.version = 14 : i64} {
  func.func @_sc_conv1(%arg0: i32, %arg1: i32, %arg2: memref<10000x64xf32, #tpu.memory_space<hbm>>, %arg3: memref<2000x64xf32, #tpu.memory_space<hbm>>, %arg4: memref<10000x64xf32, #tpu.memory_space<hbm>>, %arg5: memref<64000xi32, #tpu.memory_space<hbm>>, %arg6: memref<64000xi32, #tpu.memory_space<hbm>>, %arg7: memref<320000xi32, #tpu.memory_space<hbm>>, %arg8: memref<320000xi32, #tpu.memory_space<hbm>>, %arg9: memref<4096x64xf32, #tpu.memory_space<hbm>>, %arg10: memref<20480x64xf32, #tpu.memory_space<hbm>>, %arg11: memref<2048x64xf32, #tpu.memory_space<vmem_shared>>, %arg12: memref<10240x64xf32, #tpu.memory_space<vmem_shared>>, %arg13: memref<2000xi32, #tpu.memory_space<vmem>>, %arg14: memref<2000xi32, #tpu.memory_space<vmem>>, %arg15: memref<10000xi32, #tpu.memory_space<vmem>>, %arg16: memref<10000xi32, #tpu.memory_space<vmem>>, %arg17: memref<80x64xf32, #tpu.memory_space<vmem>>, %arg18: memref<80x64xf32, #tpu.memory_space<vmem>>, %arg19: memref<80x64xf32, #tpu.memory_space<vmem>>, %arg20: memref<80x64xf32, #tpu.memory_space<vmem>>, %arg21: memref<80x64xf32, #tpu.memory_space<vmem>>, %arg22: memref<80x64xf32, #tpu.memory_space<vmem>>, %arg23: memref<80x64xf32, #tpu.memory_space<vmem>>, %arg24: memref<80x64xf32, #tpu.memory_space<vmem>>, %arg25: memref<80x64xf32, #tpu.memory_space<vmem>>, %arg26: memref<80x64xf32, #tpu.memory_space<vmem>>, %arg27: memref<16x64xf32, #tpu.memory_space<vmem>>, %arg28: memref<!tpu.dma_semaphore, #tpu.memory_space<semaphore_mem>>, %arg29: memref<!tpu.dma_semaphore, #tpu.memory_space<semaphore_mem>>, %arg30: memref<!tpu.dma_semaphore, #tpu.memory_space<semaphore_mem>>, %arg31: memref<!tpu.dma_semaphore, #tpu.memory_space<semaphore_mem>>) attributes {dimension_semantics = [#tpu.dimension_semantics<core_parallel>, #tpu.dimension_semantics<subcore_parallel>], iteration_bounds = array<i64: 2, 16>, scalar_prefetch = 0 : i64, scratch_operands = 21 : i64, tpu.core_type = #tpu.core_type<sc_vector_subcore>, window_params = [{transform_indices = #map}, {transform_indices = #map}, {transform_indices = #map}, {transform_indices = #map1}, {transform_indices = #map1}, {transform_indices = #map1}, {transform_indices = #map1}, {transform_indices = #map}, {transform_indices = #map}]} {
    %mul3A = arith.constant 2 : i32
    %mul3A_0 = arith.muli %arg1, %mul3A : i32
    %add3A = arith.addi %mul3A_0, %arg0 : i32
    %scan3A = arith.constant 0 : i32
    %scan3A_1 = arith.constant 0 : i32
    %scan3A_2 = arith.constant 64 : i32
    %scan3A_3 = arith.addi %scan3A_1, %scan3A_2 : i32
    %scan3A_4 = arith.constant 1 : i32
    %scan3A_5 = scf.for %scan3A_442 = %scan3A_1 to %scan3A_3 step %scan3A_4 iter_args(%scan3A_443 = %scan3A) -> (i32)  : i32 {
      %jit3A = arith.constant 4 : i32
      %div3A = arith.divsi %scan3A_442, %jit3A : i32
      %sign3A = arith.constant 0 : i32
      %sign3A_444 = arith.cmpi sgt, %scan3A_442, %sign3A : i32
      %sign3A_445 = arith.extui %sign3A_444 : i1 to i32
      %sign3A_446 = arith.constant 0 : i32
      %sign3A_447 = arith.cmpi slt, %scan3A_442, %sign3A_446 : i32
      %sign3A_448 = arith.extui %sign3A_447 : i1 to i32
      %sign3A_449 = arith.subi %sign3A_445, %sign3A_448 : i32
      %sign3A_450 = arith.constant 0 : i32
      %sign3A_451 = arith.cmpi sgt, %jit3A, %sign3A_450 : i32
      %sign3A_452 = arith.extui %sign3A_451 : i1 to i32
      %sign3A_453 = arith.constant 0 : i32
      %sign3A_454 = arith.cmpi slt, %jit3A, %sign3A_453 : i32
      %sign3A_455 = arith.extui %sign3A_454 : i1 to i32
      %sign3A_456 = arith.subi %sign3A_452, %sign3A_455 : i32
      %ne3A = arith.cmpi ne, %sign3A_449, %sign3A_456 : i32
      %rem3A = arith.remsi %scan3A_442, %jit3A : i32
      %ne3A_457 = arith.constant 0 : i32
      %ne3A_458 = arith.cmpi ne, %rem3A, %ne3A_457 : i32
      %and3A = arith.andi %ne3A, %ne3A_458 : i1
      %sub3A = arith.constant 1 : i32
      %sub3A_459 = arith.subi %div3A, %sub3A : i32
      %select_n3A = arith.select %and3A, %sub3A_459, %div3A : i32
      %jit3A_460 = arith.constant 4 : i32
      %eq3A = arith.constant 0 : i32
      %eq3A_461 = arith.cmpi eq, %jit3A_460, %eq3A : i32
      %jit3A_462 = arith.constant 1 : i32
      %select_n3A_463 = arith.select %eq3A_461, %jit3A_462, %jit3A_460 : i32
      %rem3A_464 = arith.remsi %scan3A_442, %select_n3A_463 : i32
      %ne3A_465 = arith.constant 0 : i32
      %ne3A_466 = arith.cmpi ne, %rem3A_464, %ne3A_465 : i32
      %lt3A = arith.constant 0 : i32
      %lt3A_467 = arith.cmpi slt, %rem3A_464, %lt3A : i32
      %lt3A_468 = arith.constant 0 : i32
      %lt3A_469 = arith.cmpi slt, %select_n3A_463, %lt3A_468 : i32
      %ne3A_470 = arith.xori %lt3A_467, %lt3A_469 : i1
      %and3A_471 = arith.andi %ne3A_470, %ne3A_466 : i1
      %add3A_472 = arith.addi %rem3A_464, %select_n3A_463 : i32
      %select_n3A_473 = arith.select %and3A_471, %add3A_472, %rem3A_464 : i32
      %broadcast_in_dim3A = arith.constant 0.000000e+00 : f32
      %broadcast_in_dim3A_474 = vector.broadcast %broadcast_in_dim3A : f32 to vector<16xf32>
      %mul3A_475 = arith.constant 16 : i32
      %mul3A_476 = arith.muli %select_n3A_473, %mul3A_475 : i32
      %swap3A = arith.index_cast %select_n3A : i32 to index
      %swap3A_477 = arith.index_cast %mul3A_476 : i32 to index
      %swap3A_478 = tpu.vector_load %arg27[%swap3A, %swap3A_477] {strides = array<i32>} : memref<16x64xf32, #tpu.memory_space<vmem>>, vector<1x16xf32>,
      %swap3A_479 = vector.shape_cast %swap3A_478 : vector<1x16xf32> to vector<16xf32>
      %swap3A_480 = vector.shape_cast %broadcast_in_dim3A_474 : vector<16xf32> to vector<1x16xf32>
      tpu.vector_store %arg27[%swap3A, %swap3A_477], %swap3A_480 {strides = array<i32>} : memref<16x64xf32, #tpu.memory_space<vmem>>, vector<1x16xf32>,
      %scan3A_481 = arith.constant 0 : i32
      scf.yield %scan3A_481 : i32
    }
    %scan3A_6 = arith.constant 64 : i32
    %mul3A_7 = arith.constant 128 : i32
    %mul3A_8 = arith.muli %arg1, %mul3A_7 : i32
    %scan3A_9 = arith.constant 0 : i32
    %scan3A_10 = arith.constant 0 : i32
    %scan3A_11 = arith.constant 8 : i32
    %scan3A_12 = arith.addi %scan3A_10, %scan3A_11 : i32
    %scan3A_13 = arith.constant 1 : i32
    %scan3A_14 = scf.for %scan3A_442 = %scan3A_10 to %scan3A_12 step %scan3A_13 iter_args(%scan3A_443 = %scan3A_9) -> (i32)  : i32 {
      %mul3A_444 = arith.constant 16 : i32
      %mul3A_445 = arith.muli %scan3A_442, %mul3A_444 : i32
      %add3A_446 = arith.addi %mul3A_8, %mul3A_445 : i32
      "tpu.region"() ({
        %run_scoped3A = tpu.sem_alloc : memref<!tpu.dma_semaphore, #tpu.memory_space<semaphore_mem>>
        %dma_start3A_448 = arith.constant 0 : i32
        %dma_start3A_449 = tpu.memref_slice %arg11[%add3A_446, %dma_start3A_448] : memref<2048x64xf32, #tpu.memory_space<vmem_shared>> -> memref<16x64xf32, #tpu.memory_space<vmem_shared>>
        %dma_start3A_450 = arith.constant 0 : i32
        %dma_start3A_451 = tpu.memref_slice %arg11[%add3A_446, %dma_start3A_450] : memref<2048x64xf32, #tpu.memory_space<vmem_shared>> -> memref<16x64xf32, #tpu.memory_space<vmem_shared>>
        tpu.enqueue_dma source(%arg27 : memref<16x64xf32, #tpu.memory_space<vmem>>) target(%dma_start3A_451 : memref<16x64xf32, #tpu.memory_space<vmem_shared>>) target_semaphore(%run_scoped3A : memref<!tpu.dma_semaphore, #tpu.memory_space<semaphore_mem>>)
        %dma_wait3A_452 = arith.constant 0 : i32
        %dma_wait3A_453 = tpu.memref_slice %arg11[%add3A_446, %dma_wait3A_452] : memref<2048x64xf32, #tpu.memory_space<vmem_shared>> -> memref<16x64xf32, #tpu.memory_space<vmem_shared>>
        %dma_wait3A_454 = arith.constant 0 : i32
        %dma_wait3A_455 = tpu.memref_slice %arg11[%add3A_446, %dma_wait3A_454] : memref<2048x64xf32, #tpu.memory_space<vmem_shared>> -> memref<16x64xf32, #tpu.memory_space<vmem_shared>>
        tpu.wait_dma2 semaphore(%run_scoped3A : memref<!tpu.dma_semaphore, #tpu.memory_space<semaphore_mem>>) src(%arg27 : memref<16x64xf32, #tpu.memory_space<vmem>>) dst(%dma_wait3A_455 : memref<16x64xf32, #tpu.memory_space<vmem_shared>>)
        tpu.yield
      }) : () -> ()
      %scan3A_447 = arith.constant 0 : i32
      scf.yield %scan3A_447 : i32
    }
    %scan3A_15 = arith.constant 8 : i32
    %mul3A_16 = arith.constant 640 : i32
    %mul3A_17 = arith.muli %arg1, %mul3A_16 : i32
    %scan3A_18 = arith.constant 0 : i32
    %scan3A_19 = arith.constant 0 : i32
    %scan3A_20 = arith.constant 40 : i32
    %scan3A_21 = arith.addi %scan3A_19, %scan3A_20 : i32
    %scan3A_22 = arith.constant 1 : i32
    %scan3A_23 = scf.for %scan3A_442 = %scan3A_19 to %scan3A_21 step %scan3A_22 iter_args(%scan3A_443 = %scan3A_18) -> (i32)  : i32 {
      %mul3A_444 = arith.constant 16 : i32
      %mul3A_445 = arith.muli %scan3A_442, %mul3A_444 : i32
      %add3A_446 = arith.addi %mul3A_17, %mul3A_445 : i32
      "tpu.region"() ({
        %run_scoped3A = tpu.sem_alloc : memref<!tpu.dma_semaphore, #tpu.memory_space<semaphore_mem>>
        %dma_start3A_448 = arith.constant 0 : i32
        %dma_start3A_449 = tpu.memref_slice %arg12[%add3A_446, %dma_start3A_448] : memref<10240x64xf32, #tpu.memory_space<vmem_shared>> -> memref<16x64xf32, #tpu.memory_space<vmem_shared>>
        %dma_start3A_450 = arith.constant 0 : i32
        %dma_start3A_451 = tpu.memref_slice %arg12[%add3A_446, %dma_start3A_450] : memref<10240x64xf32, #tpu.memory_space<vmem_shared>> -> memref<16x64xf32, #tpu.memory_space<vmem_shared>>
        tpu.enqueue_dma source(%arg27 : memref<16x64xf32, #tpu.memory_space<vmem>>) target(%dma_start3A_451 : memref<16x64xf32, #tpu.memory_space<vmem_shared>>) target_semaphore(%run_scoped3A : memref<!tpu.dma_semaphore, #tpu.memory_space<semaphore_mem>>)
        %dma_wait3A_452 = arith.constant 0 : i32
        %dma_wait3A_453 = tpu.memref_slice %arg12[%add3A_446, %dma_wait3A_452] : memref<10240x64xf32, #tpu.memory_space<vmem_shared>> -> memref<16x64xf32, #tpu.memory_space<vmem_shared>>
        %dma_wait3A_454 = arith.constant 0 : i32
        %dma_wait3A_455 = tpu.memref_slice %arg12[%add3A_446, %dma_wait3A_454] : memref<10240x64xf32, #tpu.memory_space<vmem_shared>> -> memref<16x64xf32, #tpu.memory_space<vmem_shared>>
        tpu.wait_dma2 semaphore(%run_scoped3A : memref<!tpu.dma_semaphore, #tpu.memory_space<semaphore_mem>>) src(%arg27 : memref<16x64xf32, #tpu.memory_space<vmem>>) dst(%dma_wait3A_455 : memref<16x64xf32, #tpu.memory_space<vmem_shared>>)
        tpu.yield
      }) : () -> ()
      %scan3A_447 = arith.constant 0 : i32
      scf.yield %scan3A_447 : i32
    }
    %scan3A_24 = arith.constant 40 : i32
    %barrier3A = arith.constant 0 : index
    tpu.barrier barrier_id(%barrier3A)
    %mul3A_25 = arith.constant 2000 : i32
    %mul3A_26 = arith.muli %add3A, %mul3A_25 : i32
    "tpu.region"() ({
      %run_scoped3A = tpu.sem_alloc : memref<!tpu.dma_semaphore, #tpu.memory_space<semaphore_mem>>
      %dma_start3A_442 = tpu.memref_slice %arg5[%mul3A_26] : memref<64000xi32, #tpu.memory_space<hbm>> -> memref<2000xi32, #tpu.memory_space<hbm>>
      %dma_start3A_443 = tpu.memref_slice %arg5[%mul3A_26] : memref<64000xi32, #tpu.memory_space<hbm>> -> memref<2000xi32, #tpu.memory_space<hbm>>
      tpu.enqueue_dma source(%dma_start3A_443 : memref<2000xi32, #tpu.memory_space<hbm>>) target(%arg13 : memref<2000xi32, #tpu.memory_space<vmem>>) target_semaphore(%run_scoped3A : memref<!tpu.dma_semaphore, #tpu.memory_space<semaphore_mem>>)
      %dma_wait3A_444 = tpu.memref_slice %arg5[%mul3A_26] : memref<64000xi32, #tpu.memory_space<hbm>> -> memref<2000xi32, #tpu.memory_space<hbm>>
      %dma_wait3A_445 = tpu.memref_slice %arg5[%mul3A_26] : memref<64000xi32, #tpu.memory_space<hbm>> -> memref<2000xi32, #tpu.memory_space<hbm>>
      tpu.wait_dma2 semaphore(%run_scoped3A : memref<!tpu.dma_semaphore, #tpu.memory_space<semaphore_mem>>) src(%dma_wait3A_445 : memref<2000xi32, #tpu.memory_space<hbm>>) dst(%arg13 : memref<2000xi32, #tpu.memory_space<vmem>>)
      tpu.yield
    }) : () -> ()
    %mul3A_27 = arith.constant 2000 : i32
    %mul3A_28 = arith.muli %add3A, %mul3A_27 : i32
    "tpu.region"() ({
      %run_scoped3A = tpu.sem_alloc : memref<!tpu.dma_semaphore, #tpu.memory_space<semaphore_mem>>
      %dma_start3A_442 = tpu.memref_slice %arg6[%mul3A_28] : memref<64000xi32, #tpu.memory_space<hbm>> -> memref<2000xi32, #tpu.memory_space<hbm>>
      %dma_start3A_443 = tpu.memref_slice %arg6[%mul3A_28] : memref<64000xi32, #tpu.memory_space<hbm>> -> memref<2000xi32, #tpu.memory_space<hbm>>
      tpu.enqueue_dma source(%dma_start3A_443 : memref<2000xi32, #tpu.memory_space<hbm>>) target(%arg14 : memref<2000xi32, #tpu.memory_space<vmem>>) target_semaphore(%run_scoped3A : memref<!tpu.dma_semaphore, #tpu.memory_space<semaphore_mem>>)
      %dma_wait3A_444 = tpu.memref_slice %arg6[%mul3A_28] : memref<64000xi32, #tpu.memory_space<hbm>> -> memref<2000xi32, #tpu.memory_space<hbm>>
      %dma_wait3A_445 = tpu.memref_slice %arg6[%mul3A_28] : memref<64000xi32, #tpu.memory_space<hbm>> -> memref<2000xi32, #tpu.memory_space<hbm>>
      tpu.wait_dma2 semaphore(%run_scoped3A : memref<!tpu.dma_semaphore, #tpu.memory_space<semaphore_mem>>) src(%dma_wait3A_445 : memref<2000xi32, #tpu.memory_space<hbm>>) dst(%arg14 : memref<2000xi32, #tpu.memory_space<vmem>>)
      tpu.yield
    }) : () -> ()
    %mul3A_29 = arith.constant 10000 : i32
    %mul3A_30 = arith.muli %add3A, %mul3A_29 : i32
    "tpu.region"() ({
      %run_scoped3A = tpu.sem_alloc : memref<!tpu.dma_semaphore, #tpu.memory_space<semaphore_mem>>
      %dma_start3A_442 = tpu.memref_slice %arg7[%mul3A_30] : memref<320000xi32, #tpu.memory_space<hbm>> -> memref<10000xi32, #tpu.memory_space<hbm>>
      %dma_start3A_443 = tpu.memref_slice %arg7[%mul3A_30] : memref<320000xi32, #tpu.memory_space<hbm>> -> memref<10000xi32, #tpu.memory_space<hbm>>
      tpu.enqueue_dma source(%dma_start3A_443 : memref<10000xi32, #tpu.memory_space<hbm>>) target(%arg15 : memref<10000xi32, #tpu.memory_space<vmem>>) target_semaphore(%run_scoped3A : memref<!tpu.dma_semaphore, #tpu.memory_space<semaphore_mem>>)
      %dma_wait3A_444 = tpu.memref_slice %arg7[%mul3A_30] : memref<320000xi32, #tpu.memory_space<hbm>> -> memref<10000xi32, #tpu.memory_space<hbm>>
      %dma_wait3A_445 = tpu.memref_slice %arg7[%mul3A_30] : memref<320000xi32, #tpu.memory_space<hbm>> -> memref<10000xi32, #tpu.memory_space<hbm>>
      tpu.wait_dma2 semaphore(%run_scoped3A : memref<!tpu.dma_semaphore, #tpu.memory_space<semaphore_mem>>) src(%dma_wait3A_445 : memref<10000xi32, #tpu.memory_space<hbm>>) dst(%arg15 : memref<10000xi32, #tpu.memory_space<vmem>>)
      tpu.yield
    }) : () -> ()
    %mul3A_31 = arith.constant 10000 : i32
    %mul3A_32 = arith.muli %add3A, %mul3A_31 : i32
    "tpu.region"() ({
      %run_scoped3A = tpu.sem_alloc : memref<!tpu.dma_semaphore, #tpu.memory_space<semaphore_mem>>
      %dma_start3A_442 = tpu.memref_slice %arg8[%mul3A_32] : memref<320000xi32, #tpu.memory_space<hbm>> -> memref<10000xi32, #tpu.memory_space<hbm>>
      %dma_start3A_443 = tpu.memref_slice %arg8[%mul3A_32] : memref<320000xi32, #tpu.memory_space<hbm>> -> memref<10000xi32, #tpu.memory_space<hbm>>
      tpu.enqueue_dma source(%dma_start3A_443 : memref<10000xi32, #tpu.memory_space<hbm>>) target(%arg16 : memref<10000xi32, #tpu.memory_space<vmem>>) target_semaphore(%run_scoped3A : memref<!tpu.dma_semaphore, #tpu.memory_space<semaphore_mem>>)
      %dma_wait3A_444 = tpu.memref_slice %arg8[%mul3A_32] : memref<320000xi32, #tpu.memory_space<hbm>> -> memref<10000xi32, #tpu.memory_space<hbm>>
      %dma_wait3A_445 = tpu.memref_slice %arg8[%mul3A_32] : memref<320000xi32, #tpu.memory_space<hbm>> -> memref<10000xi32, #tpu.memory_space<hbm>>
      tpu.wait_dma2 semaphore(%run_scoped3A : memref<!tpu.dma_semaphore, #tpu.memory_space<semaphore_mem>>) src(%dma_wait3A_445 : memref<10000xi32, #tpu.memory_space<hbm>>) dst(%arg16 : memref<10000xi32, #tpu.memory_space<vmem>>)
      tpu.yield
    }) : () -> ()
    %dma_start3A = arith.constant 0 : i32
    %dma_start3A_33 = tpu.memref_slice %arg14[%dma_start3A] : memref<2000xi32, #tpu.memory_space<vmem>> -> memref<80xi32, #tpu.memory_space<vmem>>
    %dma_start3A_34 = arith.constant 0 : i32
    %dma_start3A_35 = arith.constant 0 : i32
    %dma_start3A_36 = tpu.memref_slice %arg2[%dma_start3A_34, %dma_start3A_35] : memref<10000x64xf32, #tpu.memory_space<hbm>> -> memref<10000x64xf32, #tpu.memory_space<hbm>>
    tpu.enqueue_indirect_dma source(%dma_start3A_36 : memref<10000x64xf32, #tpu.memory_space<hbm>>) target(%arg17 : memref<80x64xf32, #tpu.memory_space<vmem>>) offsets(%dma_start3A_33 : memref<80xi32, #tpu.memory_space<vmem>>) semaphore(%arg28 : memref<!tpu.dma_semaphore, #tpu.memory_space<semaphore_mem>>)
    %dma_start3A_37 = arith.constant 80 : i32
    %dma_start3A_38 = tpu.memref_slice %arg14[%dma_start3A_37] : memref<2000xi32, #tpu.memory_space<vmem>> -> memref<80xi32, #tpu.memory_space<vmem>>
    %dma_start3A_39 = arith.constant 0 : i32
    %dma_start3A_40 = arith.constant 0 : i32
    %dma_start3A_41 = tpu.memref_slice %arg2[%dma_start3A_39, %dma_start3A_40] : memref<10000x64xf32, #tpu.memory_space<hbm>> -> memref<10000x64xf32, #tpu.memory_space<hbm>>
    tpu.enqueue_indirect_dma source(%dma_start3A_41 : memref<10000x64xf32, #tpu.memory_space<hbm>>) target(%arg18 : memref<80x64xf32, #tpu.memory_space<vmem>>) offsets(%dma_start3A_38 : memref<80xi32, #tpu.memory_space<vmem>>) semaphore(%arg28 : memref<!tpu.dma_semaphore, #tpu.memory_space<semaphore_mem>>)
    %dma_start3A_42 = arith.constant 160 : i32
    %dma_start3A_43 = tpu.memref_slice %arg14[%dma_start3A_42] : memref<2000xi32, #tpu.memory_space<vmem>> -> memref<80xi32, #tpu.memory_space<vmem>>
    %dma_start3A_44 = arith.constant 0 : i32
    %dma_start3A_45 = arith.constant 0 : i32
    %dma_start3A_46 = tpu.memref_slice %arg2[%dma_start3A_44, %dma_start3A_45] : memref<10000x64xf32, #tpu.memory_space<hbm>> -> memref<10000x64xf32, #tpu.memory_space<hbm>>
    tpu.enqueue_indirect_dma source(%dma_start3A_46 : memref<10000x64xf32, #tpu.memory_space<hbm>>) target(%arg19 : memref<80x64xf32, #tpu.memory_space<vmem>>) offsets(%dma_start3A_43 : memref<80xi32, #tpu.memory_space<vmem>>) semaphore(%arg28 : memref<!tpu.dma_semaphore, #tpu.memory_space<semaphore_mem>>)
    %dma_start3A_47 = arith.constant 240 : i32
    %dma_start3A_48 = tpu.memref_slice %arg14[%dma_start3A_47] : memref<2000xi32, #tpu.memory_space<vmem>> -> memref<80xi32, #tpu.memory_space<vmem>>
    %dma_start3A_49 = arith.constant 0 : i32
    %dma_start3A_50 = arith.constant 0 : i32
    %dma_start3A_51 = tpu.memref_slice %arg2[%dma_start3A_49, %dma_start3A_50] : memref<10000x64xf32, #tpu.memory_space<hbm>> -> memref<10000x64xf32, #tpu.memory_space<hbm>>
    tpu.enqueue_indirect_dma source(%dma_start3A_51 : memref<10000x64xf32, #tpu.memory_space<hbm>>) target(%arg20 : memref<80x64xf32, #tpu.memory_space<vmem>>) offsets(%dma_start3A_48 : memref<80xi32, #tpu.memory_space<vmem>>) semaphore(%arg28 : memref<!tpu.dma_semaphore, #tpu.memory_space<semaphore_mem>>)
    %dma_start3A_52 = arith.constant 320 : i32
    %dma_start3A_53 = tpu.memref_slice %arg14[%dma_start3A_52] : memref<2000xi32, #tpu.memory_space<vmem>> -> memref<80xi32, #tpu.memory_space<vmem>>
    %dma_start3A_54 = arith.constant 0 : i32
    %dma_start3A_55 = arith.constant 0 : i32
    %dma_start3A_56 = tpu.memref_slice %arg2[%dma_start3A_54, %dma_start3A_55] : memref<10000x64xf32, #tpu.memory_space<hbm>> -> memref<10000x64xf32, #tpu.memory_space<hbm>>
    tpu.enqueue_indirect_dma source(%dma_start3A_56 : memref<10000x64xf32, #tpu.memory_space<hbm>>) target(%arg21 : memref<80x64xf32, #tpu.memory_space<vmem>>) offsets(%dma_start3A_53 : memref<80xi32, #tpu.memory_space<vmem>>) semaphore(%arg28 : memref<!tpu.dma_semaphore, #tpu.memory_space<semaphore_mem>>)
    %dma_start3A_57 = arith.constant 400 : i32
    %dma_start3A_58 = tpu.memref_slice %arg14[%dma_start3A_57] : memref<2000xi32, #tpu.memory_space<vmem>> -> memref<80xi32, #tpu.memory_space<vmem>>
    %dma_start3A_59 = arith.constant 0 : i32
    %dma_start3A_60 = arith.constant 0 : i32
    %dma_start3A_61 = tpu.memref_slice %arg2[%dma_start3A_59, %dma_start3A_60] : memref<10000x64xf32, #tpu.memory_space<hbm>> -> memref<10000x64xf32, #tpu.memory_space<hbm>>
    tpu.enqueue_indirect_dma source(%dma_start3A_61 : memref<10000x64xf32, #tpu.memory_space<hbm>>) target(%arg22 : memref<80x64xf32, #tpu.memory_space<vmem>>) offsets(%dma_start3A_58 : memref<80xi32, #tpu.memory_space<vmem>>) semaphore(%arg29 : memref<!tpu.dma_semaphore, #tpu.memory_space<semaphore_mem>>)
    %dma_start3A_62 = arith.constant 480 : i32
    %dma_start3A_63 = tpu.memref_slice %arg14[%dma_start3A_62] : memref<2000xi32, #tpu.memory_space<vmem>> -> memref<80xi32, #tpu.memory_space<vmem>>
    %dma_start3A_64 = arith.constant 0 : i32
    %dma_start3A_65 = arith.constant 0 : i32
    %dma_start3A_66 = tpu.memref_slice %arg2[%dma_start3A_64, %dma_start3A_65] : memref<10000x64xf32, #tpu.memory_space<hbm>> -> memref<10000x64xf32, #tpu.memory_space<hbm>>
    tpu.enqueue_indirect_dma source(%dma_start3A_66 : memref<10000x64xf32, #tpu.memory_space<hbm>>) target(%arg23 : memref<80x64xf32, #tpu.memory_space<vmem>>) offsets(%dma_start3A_63 : memref<80xi32, #tpu.memory_space<vmem>>) semaphore(%arg29 : memref<!tpu.dma_semaphore, #tpu.memory_space<semaphore_mem>>)
    %dma_start3A_67 = arith.constant 560 : i32
    %dma_start3A_68 = tpu.memref_slice %arg14[%dma_start3A_67] : memref<2000xi32, #tpu.memory_space<vmem>> -> memref<80xi32, #tpu.memory_space<vmem>>
    %dma_start3A_69 = arith.constant 0 : i32
    %dma_start3A_70 = arith.constant 0 : i32
    %dma_start3A_71 = tpu.memref_slice %arg2[%dma_start3A_69, %dma_start3A_70] : memref<10000x64xf32, #tpu.memory_space<hbm>> -> memref<10000x64xf32, #tpu.memory_space<hbm>>
    tpu.enqueue_indirect_dma source(%dma_start3A_71 : memref<10000x64xf32, #tpu.memory_space<hbm>>) target(%arg24 : memref<80x64xf32, #tpu.memory_space<vmem>>) offsets(%dma_start3A_68 : memref<80xi32, #tpu.memory_space<vmem>>) semaphore(%arg29 : memref<!tpu.dma_semaphore, #tpu.memory_space<semaphore_mem>>)
    %dma_start3A_72 = arith.constant 640 : i32
    %dma_start3A_73 = tpu.memref_slice %arg14[%dma_start3A_72] : memref<2000xi32, #tpu.memory_space<vmem>> -> memref<80xi32, #tpu.memory_space<vmem>>
    %dma_start3A_74 = arith.constant 0 : i32
    %dma_start3A_75 = arith.constant 0 : i32
    %dma_start3A_76 = tpu.memref_slice %arg2[%dma_start3A_74, %dma_start3A_75] : memref<10000x64xf32, #tpu.memory_space<hbm>> -> memref<10000x64xf32, #tpu.memory_space<hbm>>
    tpu.enqueue_indirect_dma source(%dma_start3A_76 : memref<10000x64xf32, #tpu.memory_space<hbm>>) target(%arg25 : memref<80x64xf32, #tpu.memory_space<vmem>>) offsets(%dma_start3A_73 : memref<80xi32, #tpu.memory_space<vmem>>) semaphore(%arg29 : memref<!tpu.dma_semaphore, #tpu.memory_space<semaphore_mem>>)
    %dma_start3A_77 = arith.constant 720 : i32
    %dma_start3A_78 = tpu.memref_slice %arg14[%dma_start3A_77] : memref<2000xi32, #tpu.memory_space<vmem>> -> memref<80xi32, #tpu.memory_space<vmem>>
    %dma_start3A_79 = arith.constant 0 : i32
    %dma_start3A_80 = arith.constant 0 : i32
    %dma_start3A_81 = tpu.memref_slice %arg2[%dma_start3A_79, %dma_start3A_80] : memref<10000x64xf32, #tpu.memory_space<hbm>> -> memref<10000x64xf32, #tpu.memory_space<hbm>>
    tpu.enqueue_indirect_dma source(%dma_start3A_81 : memref<10000x64xf32, #tpu.memory_space<hbm>>) target(%arg26 : memref<80x64xf32, #tpu.memory_space<vmem>>) offsets(%dma_start3A_78 : memref<80xi32, #tpu.memory_space<vmem>>) semaphore(%arg29 : memref<!tpu.dma_semaphore, #tpu.memory_space<semaphore_mem>>)
    %scan3A_82 = arith.constant 0 : i32
    %scan3A_83 = arith.constant 0 : i32
    %scan3A_84 = arith.constant 2 : i32
    %scan3A_85 = arith.addi %scan3A_83, %scan3A_84 : i32
    %scan3A_86 = arith.constant 1 : i32
    %scan3A_87 = scf.for %scan3A_442 = %scan3A_83 to %scan3A_85 step %scan3A_86 iter_args(%scan3A_443 = %scan3A_82) -> (i32)  : i32 {
      %mul3A_444 = arith.constant 2 : i32
      %mul3A_445 = arith.muli %mul3A_444, %scan3A_442 : i32
      %mul3A_446 = arith.constant 5 : i32
      %mul3A_447 = arith.muli %mul3A_445, %mul3A_446 : i32
      %add3A_448 = arith.constant 0 : i32
      %add3A_449 = arith.addi %mul3A_447, %add3A_448 : i32
      %mul3A_450 = arith.constant 80 : i32
      %mul3A_451 = arith.muli %add3A_449, %mul3A_450 : i32
      %dma_wait3A_452 = tpu.memref_slice %arg14[%mul3A_451] : memref<2000xi32, #tpu.memory_space<vmem>> -> memref<80xi32, #tpu.memory_space<vmem>>
      %dma_wait3A_453 = arith.constant 0 : i32
      %dma_wait3A_454 = arith.constant 0 : i32
      %dma_wait3A_455 = tpu.memref_slice %arg2[%dma_wait3A_453, %dma_wait3A_454] : memref<10000x64xf32, #tpu.memory_space<hbm>> -> memref<10000x64xf32, #tpu.memory_space<hbm>>
      tpu.wait_indirect_dma semaphore(%arg28 : memref<!tpu.dma_semaphore, #tpu.memory_space<semaphore_mem>>) src(%dma_wait3A_455 : memref<10000x64xf32, #tpu.memory_space<hbm>>) dst(%arg17 : memref<80x64xf32, #tpu.memory_space<vmem>>)
      %mul3A_456 = arith.constant 5 : i32
      %mul3A_457 = arith.muli %mul3A_445, %mul3A_456 : i32
      %add3A_458 = arith.constant 1 : i32
      %add3A_459 = arith.addi %mul3A_457, %add3A_458 : i32
      %mul3A_460 = arith.constant 80 : i32
      %mul3A_461 = arith.muli %add3A_459, %mul3A_460 : i32
      %dma_wait3A_462 = tpu.memref_slice %arg14[%mul3A_461] : memref<2000xi32, #tpu.memory_space<vmem>> -> memref<80xi32, #tpu.memory_space<vmem>>
      %dma_wait3A_463 = arith.constant 0 : i32
      %dma_wait3A_464 = arith.constant 0 : i32
      %dma_wait3A_465 = tpu.memref_slice %arg2[%dma_wait3A_463, %dma_wait3A_464] : memref<10000x64xf32, #tpu.memory_space<hbm>> -> memref<10000x64xf32, #tpu.memory_space<hbm>>
      tpu.wait_indirect_dma semaphore(%arg28 : memref<!tpu.dma_semaphore, #tpu.memory_space<semaphore_mem>>) src(%dma_wait3A_465 : memref<10000x64xf32, #tpu.memory_space<hbm>>) dst(%arg18 : memref<80x64xf32, #tpu.memory_space<vmem>>)
      %mul3A_466 = arith.constant 5 : i32
      %mul3A_467 = arith.muli %mul3A_445, %mul3A_466 : i32
      %add3A_468 = arith.constant 2 : i32
      %add3A_469 = arith.addi %mul3A_467, %add3A_468 : i32
      %mul3A_470 = arith.constant 80 : i32
      %mul3A_471 = arith.muli %add3A_469, %mul3A_470 : i32
      %dma_wait3A_472 = tpu.memref_slice %arg14[%mul3A_471] : memref<2000xi32, #tpu.memory_space<vmem>> -> memref<80xi32, #tpu.memory_space<vmem>>
      %dma_wait3A_473 = arith.constant 0 : i32
      %dma_wait3A_474 = arith.constant 0 : i32
      %dma_wait3A_475 = tpu.memref_slice %arg2[%dma_wait3A_473, %dma_wait3A_474] : memref<10000x64xf32, #tpu.memory_space<hbm>> -> memref<10000x64xf32, #tpu.memory_space<hbm>>
      tpu.wait_indirect_dma semaphore(%arg28 : memref<!tpu.dma_semaphore, #tpu.memory_space<semaphore_mem>>) src(%dma_wait3A_475 : memref<10000x64xf32, #tpu.memory_space<hbm>>) dst(%arg19 : memref<80x64xf32, #tpu.memory_space<vmem>>)
      %mul3A_476 = arith.constant 5 : i32
      %mul3A_477 = arith.muli %mul3A_445, %mul3A_476 : i32
      %add3A_478 = arith.constant 3 : i32
      %add3A_479 = arith.addi %mul3A_477, %add3A_478 : i32
      %mul3A_480 = arith.constant 80 : i32
      %mul3A_481 = arith.muli %add3A_479, %mul3A_480 : i32
      %dma_wait3A_482 = tpu.memref_slice %arg14[%mul3A_481] : memref<2000xi32, #tpu.memory_space<vmem>> -> memref<80xi32, #tpu.memory_space<vmem>>
      %dma_wait3A_483 = arith.constant 0 : i32
      %dma_wait3A_484 = arith.constant 0 : i32
      %dma_wait3A_485 = tpu.memref_slice %arg2[%dma_wait3A_483, %dma_wait3A_484] : memref<10000x64xf32, #tpu.memory_space<hbm>> -> memref<10000x64xf32, #tpu.memory_space<hbm>>
      tpu.wait_indirect_dma semaphore(%arg28 : memref<!tpu.dma_semaphore, #tpu.memory_space<semaphore_mem>>) src(%dma_wait3A_485 : memref<10000x64xf32, #tpu.memory_space<hbm>>) dst(%arg20 : memref<80x64xf32, #tpu.memory_space<vmem>>)
      %mul3A_486 = arith.constant 5 : i32
      %mul3A_487 = arith.muli %mul3A_445, %mul3A_486 : i32
      %add3A_488 = arith.constant 4 : i32
      %add3A_489 = arith.addi %mul3A_487, %add3A_488 : i32
      %mul3A_490 = arith.constant 80 : i32
      %mul3A_491 = arith.muli %add3A_489, %mul3A_490 : i32
      %dma_wait3A_492 = tpu.memref_slice %arg14[%mul3A_491] : memref<2000xi32, #tpu.memory_space<vmem>> -> memref<80xi32, #tpu.memory_space<vmem>>
      %dma_wait3A_493 = arith.constant 0 : i32
      %dma_wait3A_494 = arith.constant 0 : i32
      %dma_wait3A_495 = tpu.memref_slice %arg2[%dma_wait3A_493, %dma_wait3A_494] : memref<10000x64xf32, #tpu.memory_space<hbm>> -> memref<10000x64xf32, #tpu.memory_space<hbm>>
      tpu.wait_indirect_dma semaphore(%arg28 : memref<!tpu.dma_semaphore, #tpu.memory_space<semaphore_mem>>) src(%dma_wait3A_495 : memref<10000x64xf32, #tpu.memory_space<hbm>>) dst(%arg21 : memref<80x64xf32, #tpu.memory_space<vmem>>)
      %mul3A_496 = arith.constant 5 : i32
      %mul3A_497 = arith.muli %mul3A_445, %mul3A_496 : i32
      %add3A_498 = arith.constant 0 : i32
      %add3A_499 = arith.addi %mul3A_497, %add3A_498 : i32
      %mul3A_500 = arith.constant 80 : i32
      %mul3A_501 = arith.muli %add3A_499, %mul3A_500 : i32
      %dma_start3A_502 = tpu.memref_slice %arg13[%mul3A_501] : memref<2000xi32, #tpu.memory_space<vmem>> -> memref<80xi32, #tpu.memory_space<vmem>>
      %dma_start3A_503 = arith.constant 0 : i32
      %dma_start3A_504 = arith.constant 0 : i32
      %dma_start3A_505 = tpu.memref_slice %arg11[%dma_start3A_503, %dma_start3A_504] : memref<2048x64xf32, #tpu.memory_space<vmem_shared>> -> memref<2048x64xf32, #tpu.memory_space<vmem_shared>>
      tpu.enqueue_indirect_dma source(%arg17 : memref<80x64xf32, #tpu.memory_space<vmem>>) target(%dma_start3A_505 : memref<2048x64xf32, #tpu.memory_space<vmem_shared>>) offsets(%dma_start3A_502 : memref<80xi32, #tpu.memory_space<vmem>>) semaphore(%arg30 : memref<!tpu.dma_semaphore, #tpu.memory_space<semaphore_mem>>) {add = true}
      %mul3A_506 = arith.constant 5 : i32
      %mul3A_507 = arith.muli %mul3A_445, %mul3A_506 : i32
      %add3A_508 = arith.constant 1 : i32
      %add3A_509 = arith.addi %mul3A_507, %add3A_508 : i32
      %mul3A_510 = arith.constant 80 : i32
      %mul3A_511 = arith.muli %add3A_509, %mul3A_510 : i32
      %dma_start3A_512 = tpu.memref_slice %arg13[%mul3A_511] : memref<2000xi32, #tpu.memory_space<vmem>> -> memref<80xi32, #tpu.memory_space<vmem>>
      %dma_start3A_513 = arith.constant 0 : i32
      %dma_start3A_514 = arith.constant 0 : i32
      %dma_start3A_515 = tpu.memref_slice %arg11[%dma_start3A_513, %dma_start3A_514] : memref<2048x64xf32, #tpu.memory_space<vmem_shared>> -> memref<2048x64xf32, #tpu.memory_space<vmem_shared>>
      tpu.enqueue_indirect_dma source(%arg18 : memref<80x64xf32, #tpu.memory_space<vmem>>) target(%dma_start3A_515 : memref<2048x64xf32, #tpu.memory_space<vmem_shared>>) offsets(%dma_start3A_512 : memref<80xi32, #tpu.memory_space<vmem>>) semaphore(%arg30 : memref<!tpu.dma_semaphore, #tpu.memory_space<semaphore_mem>>) {add = true}
      %mul3A_516 = arith.constant 5 : i32
      %mul3A_517 = arith.muli %mul3A_445, %mul3A_516 : i32
      %add3A_518 = arith.constant 2 : i32
      %add3A_519 = arith.addi %mul3A_517, %add3A_518 : i32
      %mul3A_520 = arith.constant 80 : i32
      %mul3A_521 = arith.muli %add3A_519, %mul3A_520 : i32
      %dma_start3A_522 = tpu.memref_slice %arg13[%mul3A_521] : memref<2000xi32, #tpu.memory_space<vmem>> -> memref<80xi32, #tpu.memory_space<vmem>>
      %dma_start3A_523 = arith.constant 0 : i32
      %dma_start3A_524 = arith.constant 0 : i32
      %dma_start3A_525 = tpu.memref_slice %arg11[%dma_start3A_523, %dma_start3A_524] : memref<2048x64xf32, #tpu.memory_space<vmem_shared>> -> memref<2048x64xf32, #tpu.memory_space<vmem_shared>>
      tpu.enqueue_indirect_dma source(%arg19 : memref<80x64xf32, #tpu.memory_space<vmem>>) target(%dma_start3A_525 : memref<2048x64xf32, #tpu.memory_space<vmem_shared>>) offsets(%dma_start3A_522 : memref<80xi32, #tpu.memory_space<vmem>>) semaphore(%arg30 : memref<!tpu.dma_semaphore, #tpu.memory_space<semaphore_mem>>) {add = true}
      %mul3A_526 = arith.constant 5 : i32
      %mul3A_527 = arith.muli %mul3A_445, %mul3A_526 : i32
      %add3A_528 = arith.constant 3 : i32
      %add3A_529 = arith.addi %mul3A_527, %add3A_528 : i32
      %mul3A_530 = arith.constant 80 : i32
      %mul3A_531 = arith.muli %add3A_529, %mul3A_530 : i32
      %dma_start3A_532 = tpu.memref_slice %arg13[%mul3A_531] : memref<2000xi32, #tpu.memory_space<vmem>> -> memref<80xi32, #tpu.memory_space<vmem>>
      %dma_start3A_533 = arith.constant 0 : i32
      %dma_start3A_534 = arith.constant 0 : i32
      %dma_start3A_535 = tpu.memref_slice %arg11[%dma_start3A_533, %dma_start3A_534] : memref<2048x64xf32, #tpu.memory_space<vmem_shared>> -> memref<2048x64xf32, #tpu.memory_space<vmem_shared>>
      tpu.enqueue_indirect_dma source(%arg20 : memref<80x64xf32, #tpu.memory_space<vmem>>) target(%dma_start3A_535 : memref<2048x64xf32, #tpu.memory_space<vmem_shared>>) offsets(%dma_start3A_532 : memref<80xi32, #tpu.memory_space<vmem>>) semaphore(%arg30 : memref<!tpu.dma_semaphore, #tpu.memory_space<semaphore_mem>>) {add = true}
      %mul3A_536 = arith.constant 5 : i32
      %mul3A_537 = arith.muli %mul3A_445, %mul3A_536 : i32
      %add3A_538 = arith.constant 4 : i32
      %add3A_539 = arith.addi %mul3A_537, %add3A_538 : i32
      %mul3A_540 = arith.constant 80 : i32
      %mul3A_541 = arith.muli %add3A_539, %mul3A_540 : i32
      %dma_start3A_542 = tpu.memref_slice %arg13[%mul3A_541] : memref<2000xi32, #tpu.memory_space<vmem>> -> memref<80xi32, #tpu.memory_space<vmem>>
      %dma_start3A_543 = arith.constant 0 : i32
      %dma_start3A_544 = arith.constant 0 : i32
      %dma_start3A_545 = tpu.memref_slice %arg11[%dma_start3A_543, %dma_start3A_544] : memref<2048x64xf32, #tpu.memory_space<vmem_shared>> -> memref<2048x64xf32, #tpu.memory_space<vmem_shared>>
      tpu.enqueue_indirect_dma source(%arg21 : memref<80x64xf32, #tpu.memory_space<vmem>>) target(%dma_start3A_545 : memref<2048x64xf32, #tpu.memory_space<vmem_shared>>) offsets(%dma_start3A_542 : memref<80xi32, #tpu.memory_space<vmem>>) semaphore(%arg30 : memref<!tpu.dma_semaphore, #tpu.memory_space<semaphore_mem>>) {add = true}
      %dma_wait3A_546 = tpu.memref_slice %arg13[%mul3A_501] : memref<2000xi32, #tpu.memory_space<vmem>> -> memref<80xi32, #tpu.memory_space<vmem>>
      %dma_wait3A_547 = arith.constant 0 : i32
      %dma_wait3A_548 = arith.constant 0 : i32
      %dma_wait3A_549 = tpu.memref_slice %arg11[%dma_wait3A_547, %dma_wait3A_548] : memref<2048x64xf32, #tpu.memory_space<vmem_shared>> -> memref<2048x64xf32, #tpu.memory_space<vmem_shared>>
      tpu.wait_indirect_dma semaphore(%arg30 : memref<!tpu.dma_semaphore, #tpu.memory_space<semaphore_mem>>) src(%arg17 : memref<80x64xf32, #tpu.memory_space<vmem>>) dst(%dma_wait3A_549 : memref<2048x64xf32, #tpu.memory_space<vmem_shared>>)
      %dma_wait3A_550 = tpu.memref_slice %arg13[%mul3A_511] : memref<2000xi32, #tpu.memory_space<vmem>> -> memref<80xi32, #tpu.memory_space<vmem>>
      %dma_wait3A_551 = arith.constant 0 : i32
      %dma_wait3A_552 = arith.constant 0 : i32
      %dma_wait3A_553 = tpu.memref_slice %arg11[%dma_wait3A_551, %dma_wait3A_552] : memref<2048x64xf32, #tpu.memory_space<vmem_shared>> -> memref<2048x64xf32, #tpu.memory_space<vmem_shared>>
      tpu.wait_indirect_dma semaphore(%arg30 : memref<!tpu.dma_semaphore, #tpu.memory_space<semaphore_mem>>) src(%arg18 : memref<80x64xf32, #tpu.memory_space<vmem>>) dst(%dma_wait3A_553 : memref<2048x64xf32, #tpu.memory_space<vmem_shared>>)
      %dma_wait3A_554 = tpu.memref_slice %arg13[%mul3A_521] : memref<2000xi32, #tpu.memory_space<vmem>> -> memref<80xi32, #tpu.memory_space<vmem>>
      %dma_wait3A_555 = arith.constant 0 : i32
      %dma_wait3A_556 = arith.constant 0 : i32
      %dma_wait3A_557 = tpu.memref_slice %arg11[%dma_wait3A_555, %dma_wait3A_556] : memref<2048x64xf32, #tpu.memory_space<vmem_shared>> -> memref<2048x64xf32, #tpu.memory_space<vmem_shared>>
      tpu.wait_indirect_dma semaphore(%arg30 : memref<!tpu.dma_semaphore, #tpu.memory_space<semaphore_mem>>) src(%arg19 : memref<80x64xf32, #tpu.memory_space<vmem>>) dst(%dma_wait3A_557 : memref<2048x64xf32, #tpu.memory_space<vmem_shared>>)
      %dma_wait3A_558 = tpu.memref_slice %arg13[%mul3A_531] : memref<2000xi32, #tpu.memory_space<vmem>> -> memref<80xi32, #tpu.memory_space<vmem>>
      %dma_wait3A_559 = arith.constant 0 : i32
      %dma_wait3A_560 = arith.constant 0 : i32
      %dma_wait3A_561 = tpu.memref_slice %arg11[%dma_wait3A_559, %dma_wait3A_560] : memref<2048x64xf32, #tpu.memory_space<vmem_shared>> -> memref<2048x64xf32, #tpu.memory_space<vmem_shared>>
      tpu.wait_indirect_dma semaphore(%arg30 : memref<!tpu.dma_semaphore, #tpu.memory_space<semaphore_mem>>) src(%arg20 : memref<80x64xf32, #tpu.memory_space<vmem>>) dst(%dma_wait3A_561 : memref<2048x64xf32, #tpu.memory_space<vmem_shared>>)
      %dma_wait3A_562 = tpu.memref_slice %arg13[%mul3A_541] : memref<2000xi32, #tpu.memory_space<vmem>> -> memref<80xi32, #tpu.memory_space<vmem>>
      %dma_wait3A_563 = arith.constant 0 : i32
      %dma_wait3A_564 = arith.constant 0 : i32
      %dma_wait3A_565 = tpu.memref_slice %arg11[%dma_wait3A_563, %dma_wait3A_564] : memref<2048x64xf32, #tpu.memory_space<vmem_shared>> -> memref<2048x64xf32, #tpu.memory_space<vmem_shared>>
      tpu.wait_indirect_dma semaphore(%arg30 : memref<!tpu.dma_semaphore, #tpu.memory_space<semaphore_mem>>) src(%arg21 : memref<80x64xf32, #tpu.memory_space<vmem>>) dst(%dma_wait3A_565 : memref<2048x64xf32, #tpu.memory_space<vmem_shared>>)
      %add3A_566 = arith.constant 2 : i32
      %add3A_567 = arith.addi %mul3A_445, %add3A_566 : i32
      %mul3A_568 = arith.constant 5 : i32
      %mul3A_569 = arith.muli %add3A_567, %mul3A_568 : i32
      %add3A_570 = arith.constant 0 : i32
      %add3A_571 = arith.addi %mul3A_569, %add3A_570 : i32
      %mul3A_572 = arith.constant 80 : i32
      %mul3A_573 = arith.muli %add3A_571, %mul3A_572 : i32
      %dma_start3A_574 = tpu.memref_slice %arg14[%mul3A_573] : memref<2000xi32, #tpu.memory_space<vmem>> -> memref<80xi32, #tpu.memory_space<vmem>>
      %dma_start3A_575 = arith.constant 0 : i32
      %dma_start3A_576 = arith.constant 0 : i32
      %dma_start3A_577 = tpu.memref_slice %arg2[%dma_start3A_575, %dma_start3A_576] : memref<10000x64xf32, #tpu.memory_space<hbm>> -> memref<10000x64xf32, #tpu.memory_space<hbm>>
      tpu.enqueue_indirect_dma source(%dma_start3A_577 : memref<10000x64xf32, #tpu.memory_space<hbm>>) target(%arg17 : memref<80x64xf32, #tpu.memory_space<vmem>>) offsets(%dma_start3A_574 : memref<80xi32, #tpu.memory_space<vmem>>) semaphore(%arg28 : memref<!tpu.dma_semaphore, #tpu.memory_space<semaphore_mem>>)
      %mul3A_578 = arith.constant 5 : i32
      %mul3A_579 = arith.muli %add3A_567, %mul3A_578 : i32
      %add3A_580 = arith.constant 1 : i32
      %add3A_581 = arith.addi %mul3A_579, %add3A_580 : i32
      %mul3A_582 = arith.constant 80 : i32
      %mul3A_583 = arith.muli %add3A_581, %mul3A_582 : i32
      %dma_start3A_584 = tpu.memref_slice %arg14[%mul3A_583] : memref<2000xi32, #tpu.memory_space<vmem>> -> memref<80xi32, #tpu.memory_space<vmem>>
      %dma_start3A_585 = arith.constant 0 : i32
      %dma_start3A_586 = arith.constant 0 : i32
      %dma_start3A_587 = tpu.memref_slice %arg2[%dma_start3A_585, %dma_start3A_586] : memref<10000x64xf32, #tpu.memory_space<hbm>> -> memref<10000x64xf32, #tpu.memory_space<hbm>>
      tpu.enqueue_indirect_dma source(%dma_start3A_587 : memref<10000x64xf32, #tpu.memory_space<hbm>>) target(%arg18 : memref<80x64xf32, #tpu.memory_space<vmem>>) offsets(%dma_start3A_584 : memref<80xi32, #tpu.memory_space<vmem>>) semaphore(%arg28 : memref<!tpu.dma_semaphore, #tpu.memory_space<semaphore_mem>>)
      %mul3A_588 = arith.constant 5 : i32
      %mul3A_589 = arith.muli %add3A_567, %mul3A_588 : i32
      %add3A_590 = arith.constant 2 : i32
      %add3A_591 = arith.addi %mul3A_589, %add3A_590 : i32
      %mul3A_592 = arith.constant 80 : i32
      %mul3A_593 = arith.muli %add3A_591, %mul3A_592 : i32
      %dma_start3A_594 = tpu.memref_slice %arg14[%mul3A_593] : memref<2000xi32, #tpu.memory_space<vmem>> -> memref<80xi32, #tpu.memory_space<vmem>>
      %dma_start3A_595 = arith.constant 0 : i32
      %dma_start3A_596 = arith.constant 0 : i32
      %dma_start3A_597 = tpu.memref_slice %arg2[%dma_start3A_595, %dma_start3A_596] : memref<10000x64xf32, #tpu.memory_space<hbm>> -> memref<10000x64xf32, #tpu.memory_space<hbm>>
      tpu.enqueue_indirect_dma source(%dma_start3A_597 : memref<10000x64xf32, #tpu.memory_space<hbm>>) target(%arg19 : memref<80x64xf32, #tpu.memory_space<vmem>>) offsets(%dma_start3A_594 : memref<80xi32, #tpu.memory_space<vmem>>) semaphore(%arg28 : memref<!tpu.dma_semaphore, #tpu.memory_space<semaphore_mem>>)
      %mul3A_598 = arith.constant 5 : i32
      %mul3A_599 = arith.muli %add3A_567, %mul3A_598 : i32
      %add3A_600 = arith.constant 3 : i32
      %add3A_601 = arith.addi %mul3A_599, %add3A_600 : i32
      %mul3A_602 = arith.constant 80 : i32
      %mul3A_603 = arith.muli %add3A_601, %mul3A_602 : i32
      %dma_start3A_604 = tpu.memref_slice %arg14[%mul3A_603] : memref<2000xi32, #tpu.memory_space<vmem>> -> memref<80xi32, #tpu.memory_space<vmem>>
      %dma_start3A_605 = arith.constant 0 : i32
      %dma_start3A_606 = arith.constant 0 : i32
      %dma_start3A_607 = tpu.memref_slice %arg2[%dma_start3A_605, %dma_start3A_606] : memref<10000x64xf32, #tpu.memory_space<hbm>> -> memref<10000x64xf32, #tpu.memory_space<hbm>>
      tpu.enqueue_indirect_dma source(%dma_start3A_607 : memref<10000x64xf32, #tpu.memory_space<hbm>>) target(%arg20 : memref<80x64xf32, #tpu.memory_space<vmem>>) offsets(%dma_start3A_604 : memref<80xi32, #tpu.memory_space<vmem>>) semaphore(%arg28 : memref<!tpu.dma_semaphore, #tpu.memory_space<semaphore_mem>>)
      %mul3A_608 = arith.constant 5 : i32
      %mul3A_609 = arith.muli %add3A_567, %mul3A_608 : i32
      %add3A_610 = arith.constant 4 : i32
      %add3A_611 = arith.addi %mul3A_609, %add3A_610 : i32
      %mul3A_612 = arith.constant 80 : i32
      %mul3A_613 = arith.muli %add3A_611, %mul3A_612 : i32
      %dma_start3A_614 = tpu.memref_slice %arg14[%mul3A_613] : memref<2000xi32, #tpu.memory_space<vmem>> -> memref<80xi32, #tpu.memory_space<vmem>>
      %dma_start3A_615 = arith.constant 0 : i32
      %dma_start3A_616 = arith.constant 0 : i32
      %dma_start3A_617 = tpu.memref_slice %arg2[%dma_start3A_615, %dma_start3A_616] : memref<10000x64xf32, #tpu.memory_space<hbm>> -> memref<10000x64xf32, #tpu.memory_space<hbm>>
      tpu.enqueue_indirect_dma source(%dma_start3A_617 : memref<10000x64xf32, #tpu.memory_space<hbm>>) target(%arg21 : memref<80x64xf32, #tpu.memory_space<vmem>>) offsets(%dma_start3A_614 : memref<80xi32, #tpu.memory_space<vmem>>) semaphore(%arg28 : memref<!tpu.dma_semaphore, #tpu.memory_space<semaphore_mem>>)
      %add3A_618 = arith.constant 1 : i32
      %add3A_619 = arith.addi %mul3A_445, %add3A_618 : i32
      %mul3A_620 = arith.constant 5 : i32
      %mul3A_621 = arith.muli %add3A_619, %mul3A_620 : i32
      %add3A_622 = arith.constant 0 : i32
      %add3A_623 = arith.addi %mul3A_621, %add3A_622 : i32
      %mul3A_624 = arith.constant 80 : i32
      %mul3A_625 = arith.muli %add3A_623, %mul3A_624 : i32
      %dma_wait3A_626 = tpu.memref_slice %arg14[%mul3A_625] : memref<2000xi32, #tpu.memory_space<vmem>> -> memref<80xi32, #tpu.memory_space<vmem>>
      %dma_wait3A_627 = arith.constant 0 : i32
      %dma_wait3A_628 = arith.constant 0 : i32
      %dma_wait3A_629 = tpu.memref_slice %arg2[%dma_wait3A_627, %dma_wait3A_628] : memref<10000x64xf32, #tpu.memory_space<hbm>> -> memref<10000x64xf32, #tpu.memory_space<hbm>>
      tpu.wait_indirect_dma semaphore(%arg29 : memref<!tpu.dma_semaphore, #tpu.memory_space<semaphore_mem>>) src(%dma_wait3A_629 : memref<10000x64xf32, #tpu.memory_space<hbm>>) dst(%arg22 : memref<80x64xf32, #tpu.memory_space<vmem>>)
      %mul3A_630 = arith.constant 5 : i32
      %mul3A_631 = arith.muli %add3A_619, %mul3A_630 : i32
      %add3A_632 = arith.constant 1 : i32
      %add3A_633 = arith.addi %mul3A_631, %add3A_632 : i32
      %mul3A_634 = arith.constant 80 : i32
      %mul3A_635 = arith.muli %add3A_633, %mul3A_634 : i32
      %dma_wait3A_636 = tpu.memref_slice %arg14[%mul3A_635] : memref<2000xi32, #tpu.memory_space<vmem>> -> memref<80xi32, #tpu.memory_space<vmem>>
      %dma_wait3A_637 = arith.constant 0 : i32
      %dma_wait3A_638 = arith.constant 0 : i32
      %dma_wait3A_639 = tpu.memref_slice %arg2[%dma_wait3A_637, %dma_wait3A_638] : memref<10000x64xf32, #tpu.memory_space<hbm>> -> memref<10000x64xf32, #tpu.memory_space<hbm>>
      tpu.wait_indirect_dma semaphore(%arg29 : memref<!tpu.dma_semaphore, #tpu.memory_space<semaphore_mem>>) src(%dma_wait3A_639 : memref<10000x64xf32, #tpu.memory_space<hbm>>) dst(%arg23 : memref<80x64xf32, #tpu.memory_space<vmem>>)
      %mul3A_640 = arith.constant 5 : i32
      %mul3A_641 = arith.muli %add3A_619, %mul3A_640 : i32
      %add3A_642 = arith.constant 2 : i32
      %add3A_643 = arith.addi %mul3A_641, %add3A_642 : i32
      %mul3A_644 = arith.constant 80 : i32
      %mul3A_645 = arith.muli %add3A_643, %mul3A_644 : i32
      %dma_wait3A_646 = tpu.memref_slice %arg14[%mul3A_645] : memref<2000xi32, #tpu.memory_space<vmem>> -> memref<80xi32, #tpu.memory_space<vmem>>
      %dma_wait3A_647 = arith.constant 0 : i32
      %dma_wait3A_648 = arith.constant 0 : i32
      %dma_wait3A_649 = tpu.memref_slice %arg2[%dma_wait3A_647, %dma_wait3A_648] : memref<10000x64xf32, #tpu.memory_space<hbm>> -> memref<10000x64xf32, #tpu.memory_space<hbm>>
      tpu.wait_indirect_dma semaphore(%arg29 : memref<!tpu.dma_semaphore, #tpu.memory_space<semaphore_mem>>) src(%dma_wait3A_649 : memref<10000x64xf32, #tpu.memory_space<hbm>>) dst(%arg24 : memref<80x64xf32, #tpu.memory_space<vmem>>)
      %mul3A_650 = arith.constant 5 : i32
      %mul3A_651 = arith.muli %add3A_619, %mul3A_650 : i32
      %add3A_652 = arith.constant 3 : i32
      %add3A_653 = arith.addi %mul3A_651, %add3A_652 : i32
      %mul3A_654 = arith.constant 80 : i32
      %mul3A_655 = arith.muli %add3A_653, %mul3A_654 : i32
      %dma_wait3A_656 = tpu.memref_slice %arg14[%mul3A_655] : memref<2000xi32, #tpu.memory_space<vmem>> -> memref<80xi32, #tpu.memory_space<vmem>>
      %dma_wait3A_657 = arith.constant 0 : i32
      %dma_wait3A_658 = arith.constant 0 : i32
      %dma_wait3A_659 = tpu.memref_slice %arg2[%dma_wait3A_657, %dma_wait3A_658] : memref<10000x64xf32, #tpu.memory_space<hbm>> -> memref<10000x64xf32, #tpu.memory_space<hbm>>
      tpu.wait_indirect_dma semaphore(%arg29 : memref<!tpu.dma_semaphore, #tpu.memory_space<semaphore_mem>>) src(%dma_wait3A_659 : memref<10000x64xf32, #tpu.memory_space<hbm>>) dst(%arg25 : memref<80x64xf32, #tpu.memory_space<vmem>>)
      %mul3A_660 = arith.constant 5 : i32
      %mul3A_661 = arith.muli %add3A_619, %mul3A_660 : i32
      %add3A_662 = arith.constant 4 : i32
      %add3A_663 = arith.addi %mul3A_661, %add3A_662 : i32
      %mul3A_664 = arith.constant 80 : i32
      %mul3A_665 = arith.muli %add3A_663, %mul3A_664 : i32
      %dma_wait3A_666 = tpu.memref_slice %arg14[%mul3A_665] : memref<2000xi32, #tpu.memory_space<vmem>> -> memref<80xi32, #tpu.memory_space<vmem>>
      %dma_wait3A_667 = arith.constant 0 : i32
      %dma_wait3A_668 = arith.constant 0 : i32
      %dma_wait3A_669 = tpu.memref_slice %arg2[%dma_wait3A_667, %dma_wait3A_668] : memref<10000x64xf32, #tpu.memory_space<hbm>> -> memref<10000x64xf32, #tpu.memory_space<hbm>>
      tpu.wait_indirect_dma semaphore(%arg29 : memref<!tpu.dma_semaphore, #tpu.memory_space<semaphore_mem>>) src(%dma_wait3A_669 : memref<10000x64xf32, #tpu.memory_space<hbm>>) dst(%arg26 : memref<80x64xf32, #tpu.memory_space<vmem>>)
      %add3A_670 = arith.constant 1 : i32
      %add3A_671 = arith.addi %mul3A_445, %add3A_670 : i32
      %mul3A_672 = arith.constant 5 : i32
      %mul3A_673 = arith.muli %add3A_671, %mul3A_672 : i32
      %add3A_674 = arith.constant 0 : i32
      %add3A_675 = arith.addi %mul3A_673, %add3A_674 : i32
      %mul3A_676 = arith.constant 80 : i32
      %mul3A_677 = arith.muli %add3A_675, %mul3A_676 : i32
      %dma_start3A_678 = tpu.memref_slice %arg13[%mul3A_677] : memref<2000xi32, #tpu.memory_space<vmem>> -> memref<80xi32, #tpu.memory_space<vmem>>
      %dma_start3A_679 = arith.constant 0 : i32
      %dma_start3A_680 = arith.constant 0 : i32
      %dma_start3A_681 = tpu.memref_slice %arg11[%dma_start3A_679, %dma_start3A_680] : memref<2048x64xf32, #tpu.memory_space<vmem_shared>> -> memref<2048x64xf32, #tpu.memory_space<vmem_shared>>
      tpu.enqueue_indirect_dma source(%arg22 : memref<80x64xf32, #tpu.memory_space<vmem>>) target(%dma_start3A_681 : memref<2048x64xf32, #tpu.memory_space<vmem_shared>>) offsets(%dma_start3A_678 : memref<80xi32, #tpu.memory_space<vmem>>) semaphore(%arg31 : memref<!tpu.dma_semaphore, #tpu.memory_space<semaphore_mem>>) {add = true}
      %mul3A_682 = arith.constant 5 : i32
      %mul3A_683 = arith.muli %add3A_671, %mul3A_682 : i32
      %add3A_684 = arith.constant 1 : i32
      %add3A_685 = arith.addi %mul3A_683, %add3A_684 : i32
      %mul3A_686 = arith.constant 80 : i32
      %mul3A_687 = arith.muli %add3A_685, %mul3A_686 : i32
      %dma_start3A_688 = tpu.memref_slice %arg13[%mul3A_687] : memref<2000xi32, #tpu.memory_space<vmem>> -> memref<80xi32, #tpu.memory_space<vmem>>
      %dma_start3A_689 = arith.constant 0 : i32
      %dma_start3A_690 = arith.constant 0 : i32
      %dma_start3A_691 = tpu.memref_slice %arg11[%dma_start3A_689, %dma_start3A_690] : memref<2048x64xf32, #tpu.memory_space<vmem_shared>> -> memref<2048x64xf32, #tpu.memory_space<vmem_shared>>
      tpu.enqueue_indirect_dma source(%arg23 : memref<80x64xf32, #tpu.memory_space<vmem>>) target(%dma_start3A_691 : memref<2048x64xf32, #tpu.memory_space<vmem_shared>>) offsets(%dma_start3A_688 : memref<80xi32, #tpu.memory_space<vmem>>) semaphore(%arg31 : memref<!tpu.dma_semaphore, #tpu.memory_space<semaphore_mem>>) {add = true}
      %mul3A_692 = arith.constant 5 : i32
      %mul3A_693 = arith.muli %add3A_671, %mul3A_692 : i32
      %add3A_694 = arith.constant 2 : i32
      %add3A_695 = arith.addi %mul3A_693, %add3A_694 : i32
      %mul3A_696 = arith.constant 80 : i32
      %mul3A_697 = arith.muli %add3A_695, %mul3A_696 : i32
      %dma_start3A_698 = tpu.memref_slice %arg13[%mul3A_697] : memref<2000xi32, #tpu.memory_space<vmem>> -> memref<80xi32, #tpu.memory_space<vmem>>
      %dma_start3A_699 = arith.constant 0 : i32
      %dma_start3A_700 = arith.constant 0 : i32
      %dma_start3A_701 = tpu.memref_slice %arg11[%dma_start3A_699, %dma_start3A_700] : memref<2048x64xf32, #tpu.memory_space<vmem_shared>> -> memref<2048x64xf32, #tpu.memory_space<vmem_shared>>
      tpu.enqueue_indirect_dma source(%arg24 : memref<80x64xf32, #tpu.memory_space<vmem>>) target(%dma_start3A_701 : memref<2048x64xf32, #tpu.memory_space<vmem_shared>>) offsets(%dma_start3A_698 : memref<80xi32, #tpu.memory_space<vmem>>) semaphore(%arg31 : memref<!tpu.dma_semaphore, #tpu.memory_space<semaphore_mem>>) {add = true}
      %mul3A_702 = arith.constant 5 : i32
      %mul3A_703 = arith.muli %add3A_671, %mul3A_702 : i32
      %add3A_704 = arith.constant 3 : i32
      %add3A_705 = arith.addi %mul3A_703, %add3A_704 : i32
      %mul3A_706 = arith.constant 80 : i32
      %mul3A_707 = arith.muli %add3A_705, %mul3A_706 : i32
      %dma_start3A_708 = tpu.memref_slice %arg13[%mul3A_707] : memref<2000xi32, #tpu.memory_space<vmem>> -> memref<80xi32, #tpu.memory_space<vmem>>
      %dma_start3A_709 = arith.constant 0 : i32
      %dma_start3A_710 = arith.constant 0 : i32
      %dma_start3A_711 = tpu.memref_slice %arg11[%dma_start3A_709, %dma_start3A_710] : memref<2048x64xf32, #tpu.memory_space<vmem_shared>> -> memref<2048x64xf32, #tpu.memory_space<vmem_shared>>
      tpu.enqueue_indirect_dma source(%arg25 : memref<80x64xf32, #tpu.memory_space<vmem>>) target(%dma_start3A_711 : memref<2048x64xf32, #tpu.memory_space<vmem_shared>>) offsets(%dma_start3A_708 : memref<80xi32, #tpu.memory_space<vmem>>) semaphore(%arg31 : memref<!tpu.dma_semaphore, #tpu.memory_space<semaphore_mem>>) {add = true}
      %mul3A_712 = arith.constant 5 : i32
      %mul3A_713 = arith.muli %add3A_671, %mul3A_712 : i32
      %add3A_714 = arith.constant 4 : i32
      %add3A_715 = arith.addi %mul3A_713, %add3A_714 : i32
      %mul3A_716 = arith.constant 80 : i32
      %mul3A_717 = arith.muli %add3A_715, %mul3A_716 : i32
      %dma_start3A_718 = tpu.memref_slice %arg13[%mul3A_717] : memref<2000xi32, #tpu.memory_space<vmem>> -> memref<80xi32, #tpu.memory_space<vmem>>
      %dma_start3A_719 = arith.constant 0 : i32
      %dma_start3A_720 = arith.constant 0 : i32
      %dma_start3A_721 = tpu.memref_slice %arg11[%dma_start3A_719, %dma_start3A_720] : memref<2048x64xf32, #tpu.memory_space<vmem_shared>> -> memref<2048x64xf32, #tpu.memory_space<vmem_shared>>
      tpu.enqueue_indirect_dma source(%arg26 : memref<80x64xf32, #tpu.memory_space<vmem>>) target(%dma_start3A_721 : memref<2048x64xf32, #tpu.memory_space<vmem_shared>>) offsets(%dma_start3A_718 : memref<80xi32, #tpu.memory_space<vmem>>) semaphore(%arg31 : memref<!tpu.dma_semaphore, #tpu.memory_space<semaphore_mem>>) {add = true}
      %dma_wait3A_722 = tpu.memref_slice %arg13[%mul3A_677] : memref<2000xi32, #tpu.memory_space<vmem>> -> memref<80xi32, #tpu.memory_space<vmem>>
      %dma_wait3A_723 = arith.constant 0 : i32
      %dma_wait3A_724 = arith.constant 0 : i32
      %dma_wait3A_725 = tpu.memref_slice %arg11[%dma_wait3A_723, %dma_wait3A_724] : memref<2048x64xf32, #tpu.memory_space<vmem_shared>> -> memref<2048x64xf32, #tpu.memory_space<vmem_shared>>
      tpu.wait_indirect_dma semaphore(%arg31 : memref<!tpu.dma_semaphore, #tpu.memory_space<semaphore_mem>>) src(%arg22 : memref<80x64xf32, #tpu.memory_space<vmem>>) dst(%dma_wait3A_725 : memref<2048x64xf32, #tpu.memory_space<vmem_shared>>)
      %dma_wait3A_726 = tpu.memref_slice %arg13[%mul3A_687] : memref<2000xi32, #tpu.memory_space<vmem>> -> memref<80xi32, #tpu.memory_space<vmem>>
      %dma_wait3A_727 = arith.constant 0 : i32
      %dma_wait3A_728 = arith.constant 0 : i32
      %dma_wait3A_729 = tpu.memref_slice %arg11[%dma_wait3A_727, %dma_wait3A_728] : memref<2048x64xf32, #tpu.memory_space<vmem_shared>> -> memref<2048x64xf32, #tpu.memory_space<vmem_shared>>
      tpu.wait_indirect_dma semaphore(%arg31 : memref<!tpu.dma_semaphore, #tpu.memory_space<semaphore_mem>>) src(%arg23 : memref<80x64xf32, #tpu.memory_space<vmem>>) dst(%dma_wait3A_729 : memref<2048x64xf32, #tpu.memory_space<vmem_shared>>)
      %dma_wait3A_730 = tpu.memref_slice %arg13[%mul3A_697] : memref<2000xi32, #tpu.memory_space<vmem>> -> memref<80xi32, #tpu.memory_space<vmem>>
      %dma_wait3A_731 = arith.constant 0 : i32
      %dma_wait3A_732 = arith.constant 0 : i32
      %dma_wait3A_733 = tpu.memref_slice %arg11[%dma_wait3A_731, %dma_wait3A_732] : memref<2048x64xf32, #tpu.memory_space<vmem_shared>> -> memref<2048x64xf32, #tpu.memory_space<vmem_shared>>
      tpu.wait_indirect_dma semaphore(%arg31 : memref<!tpu.dma_semaphore, #tpu.memory_space<semaphore_mem>>) src(%arg24 : memref<80x64xf32, #tpu.memory_space<vmem>>) dst(%dma_wait3A_733 : memref<2048x64xf32, #tpu.memory_space<vmem_shared>>)
      %dma_wait3A_734 = tpu.memref_slice %arg13[%mul3A_707] : memref<2000xi32, #tpu.memory_space<vmem>> -> memref<80xi32, #tpu.memory_space<vmem>>
      %dma_wait3A_735 = arith.constant 0 : i32
      %dma_wait3A_736 = arith.constant 0 : i32
      %dma_wait3A_737 = tpu.memref_slice %arg11[%dma_wait3A_735, %dma_wait3A_736] : memref<2048x64xf32, #tpu.memory_space<vmem_shared>> -> memref<2048x64xf32, #tpu.memory_space<vmem_shared>>
      tpu.wait_indirect_dma semaphore(%arg31 : memref<!tpu.dma_semaphore, #tpu.memory_space<semaphore_mem>>) src(%arg25 : memref<80x64xf32, #tpu.memory_space<vmem>>) dst(%dma_wait3A_737 : memref<2048x64xf32, #tpu.memory_space<vmem_shared>>)
      %dma_wait3A_738 = tpu.memref_slice %arg13[%mul3A_717] : memref<2000xi32, #tpu.memory_space<vmem>> -> memref<80xi32, #tpu.memory_space<vmem>>
      %dma_wait3A_739 = arith.constant 0 : i32
      %dma_wait3A_740 = arith.constant 0 : i32
      %dma_wait3A_741 = tpu.memref_slice %arg11[%dma_wait3A_739, %dma_wait3A_740] : memref<2048x64xf32, #tpu.memory_space<vmem_shared>> -> memref<2048x64xf32, #tpu.memory_space<vmem_shared>>
      tpu.wait_indirect_dma semaphore(%arg31 : memref<!tpu.dma_semaphore, #tpu.memory_space<semaphore_mem>>) src(%arg26 : memref<80x64xf32, #tpu.memory_space<vmem>>) dst(%dma_wait3A_741 : memref<2048x64xf32, #tpu.memory_space<vmem_shared>>)
      %add3A_742 = arith.constant 3 : i32
      %add3A_743 = arith.addi %mul3A_445, %add3A_742 : i32
      %lt3A = arith.constant 5 : i32
      %lt3A_744 = arith.cmpi slt, %add3A_743, %lt3A : i32
      %convert_element_type3A = arith.extui %lt3A_744 : i1 to i32
      %cond3A = arith.constant 0 : i32
      %cond3A_745 = arith.cmpi ne, %convert_element_type3A, %cond3A : i32
      scf.if %cond3A_745 {
        %add3A_747 = arith.constant 3 : i32
        %add3A_748 = arith.addi %mul3A_445, %add3A_747 : i32
        %mul3A_749 = arith.constant 5 : i32
        %mul3A_750 = arith.muli %add3A_748, %mul3A_749 : i32
        %add3A_751 = arith.constant 0 : i32
        %add3A_752 = arith.addi %mul3A_750, %add3A_751 : i32
        %mul3A_753 = arith.constant 80 : i32
        %mul3A_754 = arith.muli %add3A_752, %mul3A_753 : i32
        %dma_start3A_755 = tpu.memref_slice %arg14[%mul3A_754] : memref<2000xi32, #tpu.memory_space<vmem>> -> memref<80xi32, #tpu.memory_space<vmem>>
        %dma_start3A_756 = arith.constant 0 : i32
        %dma_start3A_757 = arith.constant 0 : i32
        %dma_start3A_758 = tpu.memref_slice %arg2[%dma_start3A_756, %dma_start3A_757] : memref<10000x64xf32, #tpu.memory_space<hbm>> -> memref<10000x64xf32, #tpu.memory_space<hbm>>
        tpu.enqueue_indirect_dma source(%dma_start3A_758 : memref<10000x64xf32, #tpu.memory_space<hbm>>) target(%arg22 : memref<80x64xf32, #tpu.memory_space<vmem>>) offsets(%dma_start3A_755 : memref<80xi32, #tpu.memory_space<vmem>>) semaphore(%arg29 : memref<!tpu.dma_semaphore, #tpu.memory_space<semaphore_mem>>)
        %mul3A_759 = arith.constant 5 : i32
        %mul3A_760 = arith.muli %add3A_748, %mul3A_759 : i32
        %add3A_761 = arith.constant 1 : i32
        %add3A_762 = arith.addi %mul3A_760, %add3A_761 : i32
        %mul3A_763 = arith.constant 80 : i32
        %mul3A_764 = arith.muli %add3A_762, %mul3A_763 : i32
        %dma_start3A_765 = tpu.memref_slice %arg14[%mul3A_764] : memref<2000xi32, #tpu.memory_space<vmem>> -> memref<80xi32, #tpu.memory_space<vmem>>
        %dma_start3A_766 = arith.constant 0 : i32
        %dma_start3A_767 = arith.constant 0 : i32
        %dma_start3A_768 = tpu.memref_slice %arg2[%dma_start3A_766, %dma_start3A_767] : memref<10000x64xf32, #tpu.memory_space<hbm>> -> memref<10000x64xf32, #tpu.memory_space<hbm>>
        tpu.enqueue_indirect_dma source(%dma_start3A_768 : memref<10000x64xf32, #tpu.memory_space<hbm>>) target(%arg23 : memref<80x64xf32, #tpu.memory_space<vmem>>) offsets(%dma_start3A_765 : memref<80xi32, #tpu.memory_space<vmem>>) semaphore(%arg29 : memref<!tpu.dma_semaphore, #tpu.memory_space<semaphore_mem>>)
        %mul3A_769 = arith.constant 5 : i32
        %mul3A_770 = arith.muli %add3A_748, %mul3A_769 : i32
        %add3A_771 = arith.constant 2 : i32
        %add3A_772 = arith.addi %mul3A_770, %add3A_771 : i32
        %mul3A_773 = arith.constant 80 : i32
        %mul3A_774 = arith.muli %add3A_772, %mul3A_773 : i32
        %dma_start3A_775 = tpu.memref_slice %arg14[%mul3A_774] : memref<2000xi32, #tpu.memory_space<vmem>> -> memref<80xi32, #tpu.memory_space<vmem>>
        %dma_start3A_776 = arith.constant 0 : i32
        %dma_start3A_777 = arith.constant 0 : i32
        %dma_start3A_778 = tpu.memref_slice %arg2[%dma_start3A_776, %dma_start3A_777] : memref<10000x64xf32, #tpu.memory_space<hbm>> -> memref<10000x64xf32, #tpu.memory_space<hbm>>
        tpu.enqueue_indirect_dma source(%dma_start3A_778 : memref<10000x64xf32, #tpu.memory_space<hbm>>) target(%arg24 : memref<80x64xf32, #tpu.memory_space<vmem>>) offsets(%dma_start3A_775 : memref<80xi32, #tpu.memory_space<vmem>>) semaphore(%arg29 : memref<!tpu.dma_semaphore, #tpu.memory_space<semaphore_mem>>)
        %mul3A_779 = arith.constant 5 : i32
        %mul3A_780 = arith.muli %add3A_748, %mul3A_779 : i32
        %add3A_781 = arith.constant 3 : i32
        %add3A_782 = arith.addi %mul3A_780, %add3A_781 : i32
        %mul3A_783 = arith.constant 80 : i32
        %mul3A_784 = arith.muli %add3A_782, %mul3A_783 : i32
        %dma_start3A_785 = tpu.memref_slice %arg14[%mul3A_784] : memref<2000xi32, #tpu.memory_space<vmem>> -> memref<80xi32, #tpu.memory_space<vmem>>
        %dma_start3A_786 = arith.constant 0 : i32
        %dma_start3A_787 = arith.constant 0 : i32
        %dma_start3A_788 = tpu.memref_slice %arg2[%dma_start3A_786, %dma_start3A_787] : memref<10000x64xf32, #tpu.memory_space<hbm>> -> memref<10000x64xf32, #tpu.memory_space<hbm>>
        tpu.enqueue_indirect_dma source(%dma_start3A_788 : memref<10000x64xf32, #tpu.memory_space<hbm>>) target(%arg25 : memref<80x64xf32, #tpu.memory_space<vmem>>) offsets(%dma_start3A_785 : memref<80xi32, #tpu.memory_space<vmem>>) semaphore(%arg29 : memref<!tpu.dma_semaphore, #tpu.memory_space<semaphore_mem>>)
        %mul3A_789 = arith.constant 5 : i32
        %mul3A_790 = arith.muli %add3A_748, %mul3A_789 : i32
        %add3A_791 = arith.constant 4 : i32
        %add3A_792 = arith.addi %mul3A_790, %add3A_791 : i32
        %mul3A_793 = arith.constant 80 : i32
        %mul3A_794 = arith.muli %add3A_792, %mul3A_793 : i32
        %dma_start3A_795 = tpu.memref_slice %arg14[%mul3A_794] : memref<2000xi32, #tpu.memory_space<vmem>> -> memref<80xi32, #tpu.memory_space<vmem>>
        %dma_start3A_796 = arith.constant 0 : i32
        %dma_start3A_797 = arith.constant 0 : i32
        %dma_start3A_798 = tpu.memref_slice %arg2[%dma_start3A_796, %dma_start3A_797] : memref<10000x64xf32, #tpu.memory_space<hbm>> -> memref<10000x64xf32, #tpu.memory_space<hbm>>
        tpu.enqueue_indirect_dma source(%dma_start3A_798 : memref<10000x64xf32, #tpu.memory_space<hbm>>) target(%arg26 : memref<80x64xf32, #tpu.memory_space<vmem>>) offsets(%dma_start3A_795 : memref<80xi32, #tpu.memory_space<vmem>>) semaphore(%arg29 : memref<!tpu.dma_semaphore, #tpu.memory_space<semaphore_mem>>)
      } else {
      }
      %scan3A_746 = arith.constant 0 : i32
      scf.yield %scan3A_746 : i32
    }
    %scan3A_88 = arith.constant 2 : i32
    %dma_wait3A = arith.constant 1600 : i32
    %dma_wait3A_89 = tpu.memref_slice %arg14[%dma_wait3A] : memref<2000xi32, #tpu.memory_space<vmem>> -> memref<80xi32, #tpu.memory_space<vmem>>
    %dma_wait3A_90 = arith.constant 0 : i32
    %dma_wait3A_91 = arith.constant 0 : i32
    %dma_wait3A_92 = tpu.memref_slice %arg2[%dma_wait3A_90, %dma_wait3A_91] : memref<10000x64xf32, #tpu.memory_space<hbm>> -> memref<10000x64xf32, #tpu.memory_space<hbm>>
    tpu.wait_indirect_dma semaphore(%arg28 : memref<!tpu.dma_semaphore, #tpu.memory_space<semaphore_mem>>) src(%dma_wait3A_92 : memref<10000x64xf32, #tpu.memory_space<hbm>>) dst(%arg17 : memref<80x64xf32, #tpu.memory_space<vmem>>)
    %dma_wait3A_93 = arith.constant 1680 : i32
    %dma_wait3A_94 = tpu.memref_slice %arg14[%dma_wait3A_93] : memref<2000xi32, #tpu.memory_space<vmem>> -> memref<80xi32, #tpu.memory_space<vmem>>
    %dma_wait3A_95 = arith.constant 0 : i32
    %dma_wait3A_96 = arith.constant 0 : i32
    %dma_wait3A_97 = tpu.memref_slice %arg2[%dma_wait3A_95, %dma_wait3A_96] : memref<10000x64xf32, #tpu.memory_space<hbm>> -> memref<10000x64xf32, #tpu.memory_space<hbm>>
    tpu.wait_indirect_dma semaphore(%arg28 : memref<!tpu.dma_semaphore, #tpu.memory_space<semaphore_mem>>) src(%dma_wait3A_97 : memref<10000x64xf32, #tpu.memory_space<hbm>>) dst(%arg18 : memref<80x64xf32, #tpu.memory_space<vmem>>)
    %dma_wait3A_98 = arith.constant 1760 : i32
    %dma_wait3A_99 = tpu.memref_slice %arg14[%dma_wait3A_98] : memref<2000xi32, #tpu.memory_space<vmem>> -> memref<80xi32, #tpu.memory_space<vmem>>
    %dma_wait3A_100 = arith.constant 0 : i32
    %dma_wait3A_101 = arith.constant 0 : i32
    %dma_wait3A_102 = tpu.memref_slice %arg2[%dma_wait3A_100, %dma_wait3A_101] : memref<10000x64xf32, #tpu.memory_space<hbm>> -> memref<10000x64xf32, #tpu.memory_space<hbm>>
    tpu.wait_indirect_dma semaphore(%arg28 : memref<!tpu.dma_semaphore, #tpu.memory_space<semaphore_mem>>) src(%dma_wait3A_102 : memref<10000x64xf32, #tpu.memory_space<hbm>>) dst(%arg19 : memref<80x64xf32, #tpu.memory_space<vmem>>)
    %dma_wait3A_103 = arith.constant 1840 : i32
    %dma_wait3A_104 = tpu.memref_slice %arg14[%dma_wait3A_103] : memref<2000xi32, #tpu.memory_space<vmem>> -> memref<80xi32, #tpu.memory_space<vmem>>
    %dma_wait3A_105 = arith.constant 0 : i32
    %dma_wait3A_106 = arith.constant 0 : i32
    %dma_wait3A_107 = tpu.memref_slice %arg2[%dma_wait3A_105, %dma_wait3A_106] : memref<10000x64xf32, #tpu.memory_space<hbm>> -> memref<10000x64xf32, #tpu.memory_space<hbm>>
    tpu.wait_indirect_dma semaphore(%arg28 : memref<!tpu.dma_semaphore, #tpu.memory_space<semaphore_mem>>) src(%dma_wait3A_107 : memref<10000x64xf32, #tpu.memory_space<hbm>>) dst(%arg20 : memref<80x64xf32, #tpu.memory_space<vmem>>)
    %dma_wait3A_108 = arith.constant 1920 : i32
    %dma_wait3A_109 = tpu.memref_slice %arg14[%dma_wait3A_108] : memref<2000xi32, #tpu.memory_space<vmem>> -> memref<80xi32, #tpu.memory_space<vmem>>
    %dma_wait3A_110 = arith.constant 0 : i32
    %dma_wait3A_111 = arith.constant 0 : i32
    %dma_wait3A_112 = tpu.memref_slice %arg2[%dma_wait3A_110, %dma_wait3A_111] : memref<10000x64xf32, #tpu.memory_space<hbm>> -> memref<10000x64xf32, #tpu.memory_space<hbm>>
    tpu.wait_indirect_dma semaphore(%arg28 : memref<!tpu.dma_semaphore, #tpu.memory_space<semaphore_mem>>) src(%dma_wait3A_112 : memref<10000x64xf32, #tpu.memory_space<hbm>>) dst(%arg21 : memref<80x64xf32, #tpu.memory_space<vmem>>)
    %dma_start3A_113 = arith.constant 1600 : i32
    %dma_start3A_114 = tpu.memref_slice %arg13[%dma_start3A_113] : memref<2000xi32, #tpu.memory_space<vmem>> -> memref<80xi32, #tpu.memory_space<vmem>>
    %dma_start3A_115 = arith.constant 0 : i32
    %dma_start3A_116 = arith.constant 0 : i32
    %dma_start3A_117 = tpu.memref_slice %arg11[%dma_start3A_115, %dma_start3A_116] : memref<2048x64xf32, #tpu.memory_space<vmem_shared>> -> memref<2048x64xf32, #tpu.memory_space<vmem_shared>>
    tpu.enqueue_indirect_dma source(%arg17 : memref<80x64xf32, #tpu.memory_space<vmem>>) target(%dma_start3A_117 : memref<2048x64xf32, #tpu.memory_space<vmem_shared>>) offsets(%dma_start3A_114 : memref<80xi32, #tpu.memory_space<vmem>>) semaphore(%arg30 : memref<!tpu.dma_semaphore, #tpu.memory_space<semaphore_mem>>) {add = true}
    %dma_start3A_118 = arith.constant 1680 : i32
    %dma_start3A_119 = tpu.memref_slice %arg13[%dma_start3A_118] : memref<2000xi32, #tpu.memory_space<vmem>> -> memref<80xi32, #tpu.memory_space<vmem>>
    %dma_start3A_120 = arith.constant 0 : i32
    %dma_start3A_121 = arith.constant 0 : i32
    %dma_start3A_122 = tpu.memref_slice %arg11[%dma_start3A_120, %dma_start3A_121] : memref<2048x64xf32, #tpu.memory_space<vmem_shared>> -> memref<2048x64xf32, #tpu.memory_space<vmem_shared>>
    tpu.enqueue_indirect_dma source(%arg18 : memref<80x64xf32, #tpu.memory_space<vmem>>) target(%dma_start3A_122 : memref<2048x64xf32, #tpu.memory_space<vmem_shared>>) offsets(%dma_start3A_119 : memref<80xi32, #tpu.memory_space<vmem>>) semaphore(%arg30 : memref<!tpu.dma_semaphore, #tpu.memory_space<semaphore_mem>>) {add = true}
    %dma_start3A_123 = arith.constant 1760 : i32
    %dma_start3A_124 = tpu.memref_slice %arg13[%dma_start3A_123] : memref<2000xi32, #tpu.memory_space<vmem>> -> memref<80xi32, #tpu.memory_space<vmem>>
    %dma_start3A_125 = arith.constant 0 : i32
    %dma_start3A_126 = arith.constant 0 : i32
    %dma_start3A_127 = tpu.memref_slice %arg11[%dma_start3A_125, %dma_start3A_126] : memref<2048x64xf32, #tpu.memory_space<vmem_shared>> -> memref<2048x64xf32, #tpu.memory_space<vmem_shared>>
    tpu.enqueue_indirect_dma source(%arg19 : memref<80x64xf32, #tpu.memory_space<vmem>>) target(%dma_start3A_127 : memref<2048x64xf32, #tpu.memory_space<vmem_shared>>) offsets(%dma_start3A_124 : memref<80xi32, #tpu.memory_space<vmem>>) semaphore(%arg30 : memref<!tpu.dma_semaphore, #tpu.memory_space<semaphore_mem>>) {add = true}
    %dma_start3A_128 = arith.constant 1840 : i32
    %dma_start3A_129 = tpu.memref_slice %arg13[%dma_start3A_128] : memref<2000xi32, #tpu.memory_space<vmem>> -> memref<80xi32, #tpu.memory_space<vmem>>
    %dma_start3A_130 = arith.constant 0 : i32
    %dma_start3A_131 = arith.constant 0 : i32
    %dma_start3A_132 = tpu.memref_slice %arg11[%dma_start3A_130, %dma_start3A_131] : memref<2048x64xf32, #tpu.memory_space<vmem_shared>> -> memref<2048x64xf32, #tpu.memory_space<vmem_shared>>
    tpu.enqueue_indirect_dma source(%arg20 : memref<80x64xf32, #tpu.memory_space<vmem>>) target(%dma_start3A_132 : memref<2048x64xf32, #tpu.memory_space<vmem_shared>>) offsets(%dma_start3A_129 : memref<80xi32, #tpu.memory_space<vmem>>) semaphore(%arg30 : memref<!tpu.dma_semaphore, #tpu.memory_space<semaphore_mem>>) {add = true}
    %dma_start3A_133 = arith.constant 1920 : i32
    %dma_start3A_134 = tpu.memref_slice %arg13[%dma_start3A_133] : memref<2000xi32, #tpu.memory_space<vmem>> -> memref<80xi32, #tpu.memory_space<vmem>>
    %dma_start3A_135 = arith.constant 0 : i32
    %dma_start3A_136 = arith.constant 0 : i32
    %dma_start3A_137 = tpu.memref_slice %arg11[%dma_start3A_135, %dma_start3A_136] : memref<2048x64xf32, #tpu.memory_space<vmem_shared>> -> memref<2048x64xf32, #tpu.memory_space<vmem_shared>>
    tpu.enqueue_indirect_dma source(%arg21 : memref<80x64xf32, #tpu.memory_space<vmem>>) target(%dma_start3A_137 : memref<2048x64xf32, #tpu.memory_space<vmem_shared>>) offsets(%dma_start3A_134 : memref<80xi32, #tpu.memory_space<vmem>>) semaphore(%arg30 : memref<!tpu.dma_semaphore, #tpu.memory_space<semaphore_mem>>) {add = true}
    %dma_wait3A_138 = arith.constant 1600 : i32
    %dma_wait3A_139 = tpu.memref_slice %arg13[%dma_wait3A_138] : memref<2000xi32, #tpu.memory_space<vmem>> -> memref<80xi32, #tpu.memory_space<vmem>>
    %dma_wait3A_140 = arith.constant 0 : i32
    %dma_wait3A_141 = arith.constant 0 : i32
    %dma_wait3A_142 = tpu.memref_slice %arg11[%dma_wait3A_140, %dma_wait3A_141] : memref<2048x64xf32, #tpu.memory_space<vmem_shared>> -> memref<2048x64xf32, #tpu.memory_space<vmem_shared>>
    tpu.wait_indirect_dma semaphore(%arg30 : memref<!tpu.dma_semaphore, #tpu.memory_space<semaphore_mem>>) src(%arg17 : memref<80x64xf32, #tpu.memory_space<vmem>>) dst(%dma_wait3A_142 : memref<2048x64xf32, #tpu.memory_space<vmem_shared>>)
    %dma_wait3A_143 = arith.constant 1680 : i32
    %dma_wait3A_144 = tpu.memref_slice %arg13[%dma_wait3A_143] : memref<2000xi32, #tpu.memory_space<vmem>> -> memref<80xi32, #tpu.memory_space<vmem>>
    %dma_wait3A_145 = arith.constant 0 : i32
    %dma_wait3A_146 = arith.constant 0 : i32
    %dma_wait3A_147 = tpu.memref_slice %arg11[%dma_wait3A_145, %dma_wait3A_146] : memref<2048x64xf32, #tpu.memory_space<vmem_shared>> -> memref<2048x64xf32, #tpu.memory_space<vmem_shared>>
    tpu.wait_indirect_dma semaphore(%arg30 : memref<!tpu.dma_semaphore, #tpu.memory_space<semaphore_mem>>) src(%arg18 : memref<80x64xf32, #tpu.memory_space<vmem>>) dst(%dma_wait3A_147 : memref<2048x64xf32, #tpu.memory_space<vmem_shared>>)
    %dma_wait3A_148 = arith.constant 1760 : i32
    %dma_wait3A_149 = tpu.memref_slice %arg13[%dma_wait3A_148] : memref<2000xi32, #tpu.memory_space<vmem>> -> memref<80xi32, #tpu.memory_space<vmem>>
    %dma_wait3A_150 = arith.constant 0 : i32
    %dma_wait3A_151 = arith.constant 0 : i32
    %dma_wait3A_152 = tpu.memref_slice %arg11[%dma_wait3A_150, %dma_wait3A_151] : memref<2048x64xf32, #tpu.memory_space<vmem_shared>> -> memref<2048x64xf32, #tpu.memory_space<vmem_shared>>
    tpu.wait_indirect_dma semaphore(%arg30 : memref<!tpu.dma_semaphore, #tpu.memory_space<semaphore_mem>>) src(%arg19 : memref<80x64xf32, #tpu.memory_space<vmem>>) dst(%dma_wait3A_152 : memref<2048x64xf32, #tpu.memory_space<vmem_shared>>)
    %dma_wait3A_153 = arith.constant 1840 : i32
    %dma_wait3A_154 = tpu.memref_slice %arg13[%dma_wait3A_153] : memref<2000xi32, #tpu.memory_space<vmem>> -> memref<80xi32, #tpu.memory_space<vmem>>
    %dma_wait3A_155 = arith.constant 0 : i32
    %dma_wait3A_156 = arith.constant 0 : i32
    %dma_wait3A_157 = tpu.memref_slice %arg11[%dma_wait3A_155, %dma_wait3A_156] : memref<2048x64xf32, #tpu.memory_space<vmem_shared>> -> memref<2048x64xf32, #tpu.memory_space<vmem_shared>>
    tpu.wait_indirect_dma semaphore(%arg30 : memref<!tpu.dma_semaphore, #tpu.memory_space<semaphore_mem>>) src(%arg20 : memref<80x64xf32, #tpu.memory_space<vmem>>) dst(%dma_wait3A_157 : memref<2048x64xf32, #tpu.memory_space<vmem_shared>>)
    %dma_wait3A_158 = arith.constant 1920 : i32
    %dma_wait3A_159 = tpu.memref_slice %arg13[%dma_wait3A_158] : memref<2000xi32, #tpu.memory_space<vmem>> -> memref<80xi32, #tpu.memory_space<vmem>>
    %dma_wait3A_160 = arith.constant 0 : i32
    %dma_wait3A_161 = arith.constant 0 : i32
    %dma_wait3A_162 = tpu.memref_slice %arg11[%dma_wait3A_160, %dma_wait3A_161] : memref<2048x64xf32, #tpu.memory_space<vmem_shared>> -> memref<2048x64xf32, #tpu.memory_space<vmem_shared>>
    tpu.wait_indirect_dma semaphore(%arg30 : memref<!tpu.dma_semaphore, #tpu.memory_space<semaphore_mem>>) src(%arg21 : memref<80x64xf32, #tpu.memory_space<vmem>>) dst(%dma_wait3A_162 : memref<2048x64xf32, #tpu.memory_space<vmem_shared>>)
    %dma_start3A_163 = arith.constant 0 : i32
    %dma_start3A_164 = tpu.memref_slice %arg13[%dma_start3A_163] : memref<2000xi32, #tpu.memory_space<vmem>> -> memref<80xi32, #tpu.memory_space<vmem>>
    %dma_start3A_165 = arith.constant 0 : i32
    %dma_start3A_166 = arith.constant 0 : i32
    %dma_start3A_167 = tpu.memref_slice %arg3[%dma_start3A_165, %dma_start3A_166] : memref<2000x64xf32, #tpu.memory_space<hbm>> -> memref<2000x64xf32, #tpu.memory_space<hbm>>
    tpu.enqueue_indirect_dma source(%dma_start3A_167 : memref<2000x64xf32, #tpu.memory_space<hbm>>) target(%arg17 : memref<80x64xf32, #tpu.memory_space<vmem>>) offsets(%dma_start3A_164 : memref<80xi32, #tpu.memory_space<vmem>>) semaphore(%arg28 : memref<!tpu.dma_semaphore, #tpu.memory_space<semaphore_mem>>)
    %dma_start3A_168 = arith.constant 80 : i32
    %dma_start3A_169 = tpu.memref_slice %arg13[%dma_start3A_168] : memref<2000xi32, #tpu.memory_space<vmem>> -> memref<80xi32, #tpu.memory_space<vmem>>
    %dma_start3A_170 = arith.constant 0 : i32
    %dma_start3A_171 = arith.constant 0 : i32
    %dma_start3A_172 = tpu.memref_slice %arg3[%dma_start3A_170, %dma_start3A_171] : memref<2000x64xf32, #tpu.memory_space<hbm>> -> memref<2000x64xf32, #tpu.memory_space<hbm>>
    tpu.enqueue_indirect_dma source(%dma_start3A_172 : memref<2000x64xf32, #tpu.memory_space<hbm>>) target(%arg18 : memref<80x64xf32, #tpu.memory_space<vmem>>) offsets(%dma_start3A_169 : memref<80xi32, #tpu.memory_space<vmem>>) semaphore(%arg28 : memref<!tpu.dma_semaphore, #tpu.memory_space<semaphore_mem>>)
    %dma_start3A_173 = arith.constant 160 : i32
    %dma_start3A_174 = tpu.memref_slice %arg13[%dma_start3A_173] : memref<2000xi32, #tpu.memory_space<vmem>> -> memref<80xi32, #tpu.memory_space<vmem>>
    %dma_start3A_175 = arith.constant 0 : i32
    %dma_start3A_176 = arith.constant 0 : i32
    %dma_start3A_177 = tpu.memref_slice %arg3[%dma_start3A_175, %dma_start3A_176] : memref<2000x64xf32, #tpu.memory_space<hbm>> -> memref<2000x64xf32, #tpu.memory_space<hbm>>
    tpu.enqueue_indirect_dma source(%dma_start3A_177 : memref<2000x64xf32, #tpu.memory_space<hbm>>) target(%arg19 : memref<80x64xf32, #tpu.memory_space<vmem>>) offsets(%dma_start3A_174 : memref<80xi32, #tpu.memory_space<vmem>>) semaphore(%arg28 : memref<!tpu.dma_semaphore, #tpu.memory_space<semaphore_mem>>)
    %dma_start3A_178 = arith.constant 240 : i32
    %dma_start3A_179 = tpu.memref_slice %arg13[%dma_start3A_178] : memref<2000xi32, #tpu.memory_space<vmem>> -> memref<80xi32, #tpu.memory_space<vmem>>
    %dma_start3A_180 = arith.constant 0 : i32
    %dma_start3A_181 = arith.constant 0 : i32
    %dma_start3A_182 = tpu.memref_slice %arg3[%dma_start3A_180, %dma_start3A_181] : memref<2000x64xf32, #tpu.memory_space<hbm>> -> memref<2000x64xf32, #tpu.memory_space<hbm>>
    tpu.enqueue_indirect_dma source(%dma_start3A_182 : memref<2000x64xf32, #tpu.memory_space<hbm>>) target(%arg20 : memref<80x64xf32, #tpu.memory_space<vmem>>) offsets(%dma_start3A_179 : memref<80xi32, #tpu.memory_space<vmem>>) semaphore(%arg28 : memref<!tpu.dma_semaphore, #tpu.memory_space<semaphore_mem>>)
    %dma_start3A_183 = arith.constant 320 : i32
    %dma_start3A_184 = tpu.memref_slice %arg13[%dma_start3A_183] : memref<2000xi32, #tpu.memory_space<vmem>> -> memref<80xi32, #tpu.memory_space<vmem>>
    %dma_start3A_185 = arith.constant 0 : i32
    %dma_start3A_186 = arith.constant 0 : i32
    %dma_start3A_187 = tpu.memref_slice %arg3[%dma_start3A_185, %dma_start3A_186] : memref<2000x64xf32, #tpu.memory_space<hbm>> -> memref<2000x64xf32, #tpu.memory_space<hbm>>
    tpu.enqueue_indirect_dma source(%dma_start3A_187 : memref<2000x64xf32, #tpu.memory_space<hbm>>) target(%arg21 : memref<80x64xf32, #tpu.memory_space<vmem>>) offsets(%dma_start3A_184 : memref<80xi32, #tpu.memory_space<vmem>>) semaphore(%arg28 : memref<!tpu.dma_semaphore, #tpu.memory_space<semaphore_mem>>)
    %dma_start3A_188 = arith.constant 400 : i32
    %dma_start3A_189 = tpu.memref_slice %arg13[%dma_start3A_188] : memref<2000xi32, #tpu.memory_space<vmem>> -> memref<80xi32, #tpu.memory_space<vmem>>
    %dma_start3A_190 = arith.constant 0 : i32
    %dma_start3A_191 = arith.constant 0 : i32
    %dma_start3A_192 = tpu.memref_slice %arg3[%dma_start3A_190, %dma_start3A_191] : memref<2000x64xf32, #tpu.memory_space<hbm>> -> memref<2000x64xf32, #tpu.memory_space<hbm>>
    tpu.enqueue_indirect_dma source(%dma_start3A_192 : memref<2000x64xf32, #tpu.memory_space<hbm>>) target(%arg22 : memref<80x64xf32, #tpu.memory_space<vmem>>) offsets(%dma_start3A_189 : memref<80xi32, #tpu.memory_space<vmem>>) semaphore(%arg29 : memref<!tpu.dma_semaphore, #tpu.memory_space<semaphore_mem>>)
    %dma_start3A_193 = arith.constant 480 : i32
    %dma_start3A_194 = tpu.memref_slice %arg13[%dma_start3A_193] : memref<2000xi32, #tpu.memory_space<vmem>> -> memref<80xi32, #tpu.memory_space<vmem>>
    %dma_start3A_195 = arith.constant 0 : i32
    %dma_start3A_196 = arith.constant 0 : i32
    %dma_start3A_197 = tpu.memref_slice %arg3[%dma_start3A_195, %dma_start3A_196] : memref<2000x64xf32, #tpu.memory_space<hbm>> -> memref<2000x64xf32, #tpu.memory_space<hbm>>
    tpu.enqueue_indirect_dma source(%dma_start3A_197 : memref<2000x64xf32, #tpu.memory_space<hbm>>) target(%arg23 : memref<80x64xf32, #tpu.memory_space<vmem>>) offsets(%dma_start3A_194 : memref<80xi32, #tpu.memory_space<vmem>>) semaphore(%arg29 : memref<!tpu.dma_semaphore, #tpu.memory_space<semaphore_mem>>)
    %dma_start3A_198 = arith.constant 560 : i32
    %dma_start3A_199 = tpu.memref_slice %arg13[%dma_start3A_198] : memref<2000xi32, #tpu.memory_space<vmem>> -> memref<80xi32, #tpu.memory_space<vmem>>
    %dma_start3A_200 = arith.constant 0 : i32
    %dma_start3A_201 = arith.constant 0 : i32
    %dma_start3A_202 = tpu.memref_slice %arg3[%dma_start3A_200, %dma_start3A_201] : memref<2000x64xf32, #tpu.memory_space<hbm>> -> memref<2000x64xf32, #tpu.memory_space<hbm>>
    tpu.enqueue_indirect_dma source(%dma_start3A_202 : memref<2000x64xf32, #tpu.memory_space<hbm>>) target(%arg24 : memref<80x64xf32, #tpu.memory_space<vmem>>) offsets(%dma_start3A_199 : memref<80xi32, #tpu.memory_space<vmem>>) semaphore(%arg29 : memref<!tpu.dma_semaphore, #tpu.memory_space<semaphore_mem>>)
    %dma_start3A_203 = arith.constant 640 : i32
    %dma_start3A_204 = tpu.memref_slice %arg13[%dma_start3A_203] : memref<2000xi32, #tpu.memory_space<vmem>> -> memref<80xi32, #tpu.memory_space<vmem>>
    %dma_start3A_205 = arith.constant 0 : i32
    %dma_start3A_206 = arith.constant 0 : i32
    %dma_start3A_207 = tpu.memref_slice %arg3[%dma_start3A_205, %dma_start3A_206] : memref<2000x64xf32, #tpu.memory_space<hbm>> -> memref<2000x64xf32, #tpu.memory_space<hbm>>
    tpu.enqueue_indirect_dma source(%dma_start3A_207 : memref<2000x64xf32, #tpu.memory_space<hbm>>) target(%arg25 : memref<80x64xf32, #tpu.memory_space<vmem>>) offsets(%dma_start3A_204 : memref<80xi32, #tpu.memory_space<vmem>>) semaphore(%arg29 : memref<!tpu.dma_semaphore, #tpu.memory_space<semaphore_mem>>)
    %dma_start3A_208 = arith.constant 720 : i32
    %dma_start3A_209 = tpu.memref_slice %arg13[%dma_start3A_208] : memref<2000xi32, #tpu.memory_space<vmem>> -> memref<80xi32, #tpu.memory_space<vmem>>
    %dma_start3A_210 = arith.constant 0 : i32
    %dma_start3A_211 = arith.constant 0 : i32
    %dma_start3A_212 = tpu.memref_slice %arg3[%dma_start3A_210, %dma_start3A_211] : memref<2000x64xf32, #tpu.memory_space<hbm>> -> memref<2000x64xf32, #tpu.memory_space<hbm>>
    tpu.enqueue_indirect_dma source(%dma_start3A_212 : memref<2000x64xf32, #tpu.memory_space<hbm>>) target(%arg26 : memref<80x64xf32, #tpu.memory_space<vmem>>) offsets(%dma_start3A_209 : memref<80xi32, #tpu.memory_space<vmem>>) semaphore(%arg29 : memref<!tpu.dma_semaphore, #tpu.memory_space<semaphore_mem>>)
    %scan3A_213 = arith.constant 0 : i32
    %scan3A_214 = arith.constant 0 : i32
    %scan3A_215 = arith.constant 2 : i32
    %scan3A_216 = arith.addi %scan3A_214, %scan3A_215 : i32
    %scan3A_217 = arith.constant 1 : i32
    %scan3A_218 = scf.for %scan3A_442 = %scan3A_214 to %scan3A_216 step %scan3A_217 iter_args(%scan3A_443 = %scan3A_213) -> (i32)  : i32 {
      %mul3A_444 = arith.constant 2 : i32
      %mul3A_445 = arith.muli %mul3A_444, %scan3A_442 : i32
      %mul3A_446 = arith.constant 5 : i32
      %mul3A_447 = arith.muli %mul3A_445, %mul3A_446 : i32
      %add3A_448 = arith.constant 0 : i32
      %add3A_449 = arith.addi %mul3A_447, %add3A_448 : i32
      %mul3A_450 = arith.constant 80 : i32
      %mul3A_451 = arith.muli %add3A_449, %mul3A_450 : i32
      %dma_wait3A_452 = tpu.memref_slice %arg13[%mul3A_451] : memref<2000xi32, #tpu.memory_space<vmem>> -> memref<80xi32, #tpu.memory_space<vmem>>
      %dma_wait3A_453 = arith.constant 0 : i32
      %dma_wait3A_454 = arith.constant 0 : i32
      %dma_wait3A_455 = tpu.memref_slice %arg3[%dma_wait3A_453, %dma_wait3A_454] : memref<2000x64xf32, #tpu.memory_space<hbm>> -> memref<2000x64xf32, #tpu.memory_space<hbm>>
      tpu.wait_indirect_dma semaphore(%arg28 : memref<!tpu.dma_semaphore, #tpu.memory_space<semaphore_mem>>) src(%dma_wait3A_455 : memref<2000x64xf32, #tpu.memory_space<hbm>>) dst(%arg17 : memref<80x64xf32, #tpu.memory_space<vmem>>)
      %mul3A_456 = arith.constant 5 : i32
      %mul3A_457 = arith.muli %mul3A_445, %mul3A_456 : i32
      %add3A_458 = arith.constant 1 : i32
      %add3A_459 = arith.addi %mul3A_457, %add3A_458 : i32
      %mul3A_460 = arith.constant 80 : i32
      %mul3A_461 = arith.muli %add3A_459, %mul3A_460 : i32
      %dma_wait3A_462 = tpu.memref_slice %arg13[%mul3A_461] : memref<2000xi32, #tpu.memory_space<vmem>> -> memref<80xi32, #tpu.memory_space<vmem>>
      %dma_wait3A_463 = arith.constant 0 : i32
      %dma_wait3A_464 = arith.constant 0 : i32
      %dma_wait3A_465 = tpu.memref_slice %arg3[%dma_wait3A_463, %dma_wait3A_464] : memref<2000x64xf32, #tpu.memory_space<hbm>> -> memref<2000x64xf32, #tpu.memory_space<hbm>>
      tpu.wait_indirect_dma semaphore(%arg28 : memref<!tpu.dma_semaphore, #tpu.memory_space<semaphore_mem>>) src(%dma_wait3A_465 : memref<2000x64xf32, #tpu.memory_space<hbm>>) dst(%arg18 : memref<80x64xf32, #tpu.memory_space<vmem>>)
      %mul3A_466 = arith.constant 5 : i32
      %mul3A_467 = arith.muli %mul3A_445, %mul3A_466 : i32
      %add3A_468 = arith.constant 2 : i32
      %add3A_469 = arith.addi %mul3A_467, %add3A_468 : i32
      %mul3A_470 = arith.constant 80 : i32
      %mul3A_471 = arith.muli %add3A_469, %mul3A_470 : i32
      %dma_wait3A_472 = tpu.memref_slice %arg13[%mul3A_471] : memref<2000xi32, #tpu.memory_space<vmem>> -> memref<80xi32, #tpu.memory_space<vmem>>
      %dma_wait3A_473 = arith.constant 0 : i32
      %dma_wait3A_474 = arith.constant 0 : i32
      %dma_wait3A_475 = tpu.memref_slice %arg3[%dma_wait3A_473, %dma_wait3A_474] : memref<2000x64xf32, #tpu.memory_space<hbm>> -> memref<2000x64xf32, #tpu.memory_space<hbm>>
      tpu.wait_indirect_dma semaphore(%arg28 : memref<!tpu.dma_semaphore, #tpu.memory_space<semaphore_mem>>) src(%dma_wait3A_475 : memref<2000x64xf32, #tpu.memory_space<hbm>>) dst(%arg19 : memref<80x64xf32, #tpu.memory_space<vmem>>)
      %mul3A_476 = arith.constant 5 : i32
      %mul3A_477 = arith.muli %mul3A_445, %mul3A_476 : i32
      %add3A_478 = arith.constant 3 : i32
      %add3A_479 = arith.addi %mul3A_477, %add3A_478 : i32
      %mul3A_480 = arith.constant 80 : i32
      %mul3A_481 = arith.muli %add3A_479, %mul3A_480 : i32
      %dma_wait3A_482 = tpu.memref_slice %arg13[%mul3A_481] : memref<2000xi32, #tpu.memory_space<vmem>> -> memref<80xi32, #tpu.memory_space<vmem>>
      %dma_wait3A_483 = arith.constant 0 : i32
      %dma_wait3A_484 = arith.constant 0 : i32
      %dma_wait3A_485 = tpu.memref_slice %arg3[%dma_wait3A_483, %dma_wait3A_484] : memref<2000x64xf32, #tpu.memory_space<hbm>> -> memref<2000x64xf32, #tpu.memory_space<hbm>>
      tpu.wait_indirect_dma semaphore(%arg28 : memref<!tpu.dma_semaphore, #tpu.memory_space<semaphore_mem>>) src(%dma_wait3A_485 : memref<2000x64xf32, #tpu.memory_space<hbm>>) dst(%arg20 : memref<80x64xf32, #tpu.memory_space<vmem>>)
      %mul3A_486 = arith.constant 5 : i32
      %mul3A_487 = arith.muli %mul3A_445, %mul3A_486 : i32
      %add3A_488 = arith.constant 4 : i32
      %add3A_489 = arith.addi %mul3A_487, %add3A_488 : i32
      %mul3A_490 = arith.constant 80 : i32
      %mul3A_491 = arith.muli %add3A_489, %mul3A_490 : i32
      %dma_wait3A_492 = tpu.memref_slice %arg13[%mul3A_491] : memref<2000xi32, #tpu.memory_space<vmem>> -> memref<80xi32, #tpu.memory_space<vmem>>
      %dma_wait3A_493 = arith.constant 0 : i32
      %dma_wait3A_494 = arith.constant 0 : i32
      %dma_wait3A_495 = tpu.memref_slice %arg3[%dma_wait3A_493, %dma_wait3A_494] : memref<2000x64xf32, #tpu.memory_space<hbm>> -> memref<2000x64xf32, #tpu.memory_space<hbm>>
      tpu.wait_indirect_dma semaphore(%arg28 : memref<!tpu.dma_semaphore, #tpu.memory_space<semaphore_mem>>) src(%dma_wait3A_495 : memref<2000x64xf32, #tpu.memory_space<hbm>>) dst(%arg21 : memref<80x64xf32, #tpu.memory_space<vmem>>)
      %mul3A_496 = arith.constant 5 : i32
      %mul3A_497 = arith.muli %mul3A_445, %mul3A_496 : i32
      %add3A_498 = arith.constant 0 : i32
      %add3A_499 = arith.addi %mul3A_497, %add3A_498 : i32
      %mul3A_500 = arith.constant 80 : i32
      %mul3A_501 = arith.muli %add3A_499, %mul3A_500 : i32
      %dma_start3A_502 = tpu.memref_slice %arg14[%mul3A_501] : memref<2000xi32, #tpu.memory_space<vmem>> -> memref<80xi32, #tpu.memory_space<vmem>>
      %dma_start3A_503 = arith.constant 0 : i32
      %dma_start3A_504 = arith.constant 0 : i32
      %dma_start3A_505 = tpu.memref_slice %arg12[%dma_start3A_503, %dma_start3A_504] : memref<10240x64xf32, #tpu.memory_space<vmem_shared>> -> memref<10240x64xf32, #tpu.memory_space<vmem_shared>>
      tpu.enqueue_indirect_dma source(%arg17 : memref<80x64xf32, #tpu.memory_space<vmem>>) target(%dma_start3A_505 : memref<10240x64xf32, #tpu.memory_space<vmem_shared>>) offsets(%dma_start3A_502 : memref<80xi32, #tpu.memory_space<vmem>>) semaphore(%arg30 : memref<!tpu.dma_semaphore, #tpu.memory_space<semaphore_mem>>) {add = true}
      %mul3A_506 = arith.constant 5 : i32
      %mul3A_507 = arith.muli %mul3A_445, %mul3A_506 : i32
      %add3A_508 = arith.constant 1 : i32
      %add3A_509 = arith.addi %mul3A_507, %add3A_508 : i32
      %mul3A_510 = arith.constant 80 : i32
      %mul3A_511 = arith.muli %add3A_509, %mul3A_510 : i32
      %dma_start3A_512 = tpu.memref_slice %arg14[%mul3A_511] : memref<2000xi32, #tpu.memory_space<vmem>> -> memref<80xi32, #tpu.memory_space<vmem>>
      %dma_start3A_513 = arith.constant 0 : i32
      %dma_start3A_514 = arith.constant 0 : i32
      %dma_start3A_515 = tpu.memref_slice %arg12[%dma_start3A_513, %dma_start3A_514] : memref<10240x64xf32, #tpu.memory_space<vmem_shared>> -> memref<10240x64xf32, #tpu.memory_space<vmem_shared>>
      tpu.enqueue_indirect_dma source(%arg18 : memref<80x64xf32, #tpu.memory_space<vmem>>) target(%dma_start3A_515 : memref<10240x64xf32, #tpu.memory_space<vmem_shared>>) offsets(%dma_start3A_512 : memref<80xi32, #tpu.memory_space<vmem>>) semaphore(%arg30 : memref<!tpu.dma_semaphore, #tpu.memory_space<semaphore_mem>>) {add = true}
      %mul3A_516 = arith.constant 5 : i32
      %mul3A_517 = arith.muli %mul3A_445, %mul3A_516 : i32
      %add3A_518 = arith.constant 2 : i32
      %add3A_519 = arith.addi %mul3A_517, %add3A_518 : i32
      %mul3A_520 = arith.constant 80 : i32
      %mul3A_521 = arith.muli %add3A_519, %mul3A_520 : i32
      %dma_start3A_522 = tpu.memref_slice %arg14[%mul3A_521] : memref<2000xi32, #tpu.memory_space<vmem>> -> memref<80xi32, #tpu.memory_space<vmem>>
      %dma_start3A_523 = arith.constant 0 : i32
      %dma_start3A_524 = arith.constant 0 : i32
      %dma_start3A_525 = tpu.memref_slice %arg12[%dma_start3A_523, %dma_start3A_524] : memref<10240x64xf32, #tpu.memory_space<vmem_shared>> -> memref<10240x64xf32, #tpu.memory_space<vmem_shared>>
      tpu.enqueue_indirect_dma source(%arg19 : memref<80x64xf32, #tpu.memory_space<vmem>>) target(%dma_start3A_525 : memref<10240x64xf32, #tpu.memory_space<vmem_shared>>) offsets(%dma_start3A_522 : memref<80xi32, #tpu.memory_space<vmem>>) semaphore(%arg30 : memref<!tpu.dma_semaphore, #tpu.memory_space<semaphore_mem>>) {add = true}
      %mul3A_526 = arith.constant 5 : i32
      %mul3A_527 = arith.muli %mul3A_445, %mul3A_526 : i32
      %add3A_528 = arith.constant 3 : i32
      %add3A_529 = arith.addi %mul3A_527, %add3A_528 : i32
      %mul3A_530 = arith.constant 80 : i32
      %mul3A_531 = arith.muli %add3A_529, %mul3A_530 : i32
      %dma_start3A_532 = tpu.memref_slice %arg14[%mul3A_531] : memref<2000xi32, #tpu.memory_space<vmem>> -> memref<80xi32, #tpu.memory_space<vmem>>
      %dma_start3A_533 = arith.constant 0 : i32
      %dma_start3A_534 = arith.constant 0 : i32
      %dma_start3A_535 = tpu.memref_slice %arg12[%dma_start3A_533, %dma_start3A_534] : memref<10240x64xf32, #tpu.memory_space<vmem_shared>> -> memref<10240x64xf32, #tpu.memory_space<vmem_shared>>
      tpu.enqueue_indirect_dma source(%arg20 : memref<80x64xf32, #tpu.memory_space<vmem>>) target(%dma_start3A_535 : memref<10240x64xf32, #tpu.memory_space<vmem_shared>>) offsets(%dma_start3A_532 : memref<80xi32, #tpu.memory_space<vmem>>) semaphore(%arg30 : memref<!tpu.dma_semaphore, #tpu.memory_space<semaphore_mem>>) {add = true}
      %mul3A_536 = arith.constant 5 : i32
      %mul3A_537 = arith.muli %mul3A_445, %mul3A_536 : i32
      %add3A_538 = arith.constant 4 : i32
      %add3A_539 = arith.addi %mul3A_537, %add3A_538 : i32
      %mul3A_540 = arith.constant 80 : i32
      %mul3A_541 = arith.muli %add3A_539, %mul3A_540 : i32
      %dma_start3A_542 = tpu.memref_slice %arg14[%mul3A_541] : memref<2000xi32, #tpu.memory_space<vmem>> -> memref<80xi32, #tpu.memory_space<vmem>>
      %dma_start3A_543 = arith.constant 0 : i32
      %dma_start3A_544 = arith.constant 0 : i32
      %dma_start3A_545 = tpu.memref_slice %arg12[%dma_start3A_543, %dma_start3A_544] : memref<10240x64xf32, #tpu.memory_space<vmem_shared>> -> memref<10240x64xf32, #tpu.memory_space<vmem_shared>>
      tpu.enqueue_indirect_dma source(%arg21 : memref<80x64xf32, #tpu.memory_space<vmem>>) target(%dma_start3A_545 : memref<10240x64xf32, #tpu.memory_space<vmem_shared>>) offsets(%dma_start3A_542 : memref<80xi32, #tpu.memory_space<vmem>>) semaphore(%arg30 : memref<!tpu.dma_semaphore, #tpu.memory_space<semaphore_mem>>) {add = true}
      %dma_wait3A_546 = tpu.memref_slice %arg14[%mul3A_501] : memref<2000xi32, #tpu.memory_space<vmem>> -> memref<80xi32, #tpu.memory_space<vmem>>
      %dma_wait3A_547 = arith.constant 0 : i32
      %dma_wait3A_548 = arith.constant 0 : i32
      %dma_wait3A_549 = tpu.memref_slice %arg12[%dma_wait3A_547, %dma_wait3A_548] : memref<10240x64xf32, #tpu.memory_space<vmem_shared>> -> memref<10240x64xf32, #tpu.memory_space<vmem_shared>>
      tpu.wait_indirect_dma semaphore(%arg30 : memref<!tpu.dma_semaphore, #tpu.memory_space<semaphore_mem>>) src(%arg17 : memref<80x64xf32, #tpu.memory_space<vmem>>) dst(%dma_wait3A_549 : memref<10240x64xf32, #tpu.memory_space<vmem_shared>>)
      %dma_wait3A_550 = tpu.memref_slice %arg14[%mul3A_511] : memref<2000xi32, #tpu.memory_space<vmem>> -> memref<80xi32, #tpu.memory_space<vmem>>
      %dma_wait3A_551 = arith.constant 0 : i32
      %dma_wait3A_552 = arith.constant 0 : i32
      %dma_wait3A_553 = tpu.memref_slice %arg12[%dma_wait3A_551, %dma_wait3A_552] : memref<10240x64xf32, #tpu.memory_space<vmem_shared>> -> memref<10240x64xf32, #tpu.memory_space<vmem_shared>>
      tpu.wait_indirect_dma semaphore(%arg30 : memref<!tpu.dma_semaphore, #tpu.memory_space<semaphore_mem>>) src(%arg18 : memref<80x64xf32, #tpu.memory_space<vmem>>) dst(%dma_wait3A_553 : memref<10240x64xf32, #tpu.memory_space<vmem_shared>>)
      %dma_wait3A_554 = tpu.memref_slice %arg14[%mul3A_521] : memref<2000xi32, #tpu.memory_space<vmem>> -> memref<80xi32, #tpu.memory_space<vmem>>
      %dma_wait3A_555 = arith.constant 0 : i32
      %dma_wait3A_556 = arith.constant 0 : i32
      %dma_wait3A_557 = tpu.memref_slice %arg12[%dma_wait3A_555, %dma_wait3A_556] : memref<10240x64xf32, #tpu.memory_space<vmem_shared>> -> memref<10240x64xf32, #tpu.memory_space<vmem_shared>>
      tpu.wait_indirect_dma semaphore(%arg30 : memref<!tpu.dma_semaphore, #tpu.memory_space<semaphore_mem>>) src(%arg19 : memref<80x64xf32, #tpu.memory_space<vmem>>) dst(%dma_wait3A_557 : memref<10240x64xf32, #tpu.memory_space<vmem_shared>>)
      %dma_wait3A_558 = tpu.memref_slice %arg14[%mul3A_531] : memref<2000xi32, #tpu.memory_space<vmem>> -> memref<80xi32, #tpu.memory_space<vmem>>
      %dma_wait3A_559 = arith.constant 0 : i32
      %dma_wait3A_560 = arith.constant 0 : i32
      %dma_wait3A_561 = tpu.memref_slice %arg12[%dma_wait3A_559, %dma_wait3A_560] : memref<10240x64xf32, #tpu.memory_space<vmem_shared>> -> memref<10240x64xf32, #tpu.memory_space<vmem_shared>>
      tpu.wait_indirect_dma semaphore(%arg30 : memref<!tpu.dma_semaphore, #tpu.memory_space<semaphore_mem>>) src(%arg20 : memref<80x64xf32, #tpu.memory_space<vmem>>) dst(%dma_wait3A_561 : memref<10240x64xf32, #tpu.memory_space<vmem_shared>>)
      %dma_wait3A_562 = tpu.memref_slice %arg14[%mul3A_541] : memref<2000xi32, #tpu.memory_space<vmem>> -> memref<80xi32, #tpu.memory_space<vmem>>
      %dma_wait3A_563 = arith.constant 0 : i32
      %dma_wait3A_564 = arith.constant 0 : i32
      %dma_wait3A_565 = tpu.memref_slice %arg12[%dma_wait3A_563, %dma_wait3A_564] : memref<10240x64xf32, #tpu.memory_space<vmem_shared>> -> memref<10240x64xf32, #tpu.memory_space<vmem_shared>>
      tpu.wait_indirect_dma semaphore(%arg30 : memref<!tpu.dma_semaphore, #tpu.memory_space<semaphore_mem>>) src(%arg21 : memref<80x64xf32, #tpu.memory_space<vmem>>) dst(%dma_wait3A_565 : memref<10240x64xf32, #tpu.memory_space<vmem_shared>>)
      %add3A_566 = arith.constant 2 : i32
      %add3A_567 = arith.addi %mul3A_445, %add3A_566 : i32
      %mul3A_568 = arith.constant 5 : i32
      %mul3A_569 = arith.muli %add3A_567, %mul3A_568 : i32
      %add3A_570 = arith.constant 0 : i32
      %add3A_571 = arith.addi %mul3A_569, %add3A_570 : i32
      %mul3A_572 = arith.constant 80 : i32
      %mul3A_573 = arith.muli %add3A_571, %mul3A_572 : i32
      %dma_start3A_574 = tpu.memref_slice %arg13[%mul3A_573] : memref<2000xi32, #tpu.memory_space<vmem>> -> memref<80xi32, #tpu.memory_space<vmem>>
      %dma_start3A_575 = arith.constant 0 : i32
      %dma_start3A_576 = arith.constant 0 : i32
      %dma_start3A_577 = tpu.memref_slice %arg3[%dma_start3A_575, %dma_start3A_576] : memref<2000x64xf32, #tpu.memory_space<hbm>> -> memref<2000x64xf32, #tpu.memory_space<hbm>>
      tpu.enqueue_indirect_dma source(%dma_start3A_577 : memref<2000x64xf32, #tpu.memory_space<hbm>>) target(%arg17 : memref<80x64xf32, #tpu.memory_space<vmem>>) offsets(%dma_start3A_574 : memref<80xi32, #tpu.memory_space<vmem>>) semaphore(%arg28 : memref<!tpu.dma_semaphore, #tpu.memory_space<semaphore_mem>>)
      %mul3A_578 = arith.constant 5 : i32
      %mul3A_579 = arith.muli %add3A_567, %mul3A_578 : i32
      %add3A_580 = arith.constant 1 : i32
      %add3A_581 = arith.addi %mul3A_579, %add3A_580 : i32
      %mul3A_582 = arith.constant 80 : i32
      %mul3A_583 = arith.muli %add3A_581, %mul3A_582 : i32
      %dma_start3A_584 = tpu.memref_slice %arg13[%mul3A_583] : memref<2000xi32, #tpu.memory_space<vmem>> -> memref<80xi32, #tpu.memory_space<vmem>>
      %dma_start3A_585 = arith.constant 0 : i32
      %dma_start3A_586 = arith.constant 0 : i32
      %dma_start3A_587 = tpu.memref_slice %arg3[%dma_start3A_585, %dma_start3A_586] : memref<2000x64xf32, #tpu.memory_space<hbm>> -> memref<2000x64xf32, #tpu.memory_space<hbm>>
      tpu.enqueue_indirect_dma source(%dma_start3A_587 : memref<2000x64xf32, #tpu.memory_space<hbm>>) target(%arg18 : memref<80x64xf32, #tpu.memory_space<vmem>>) offsets(%dma_start3A_584 : memref<80xi32, #tpu.memory_space<vmem>>) semaphore(%arg28 : memref<!tpu.dma_semaphore, #tpu.memory_space<semaphore_mem>>)
      %mul3A_588 = arith.constant 5 : i32
      %mul3A_589 = arith.muli %add3A_567, %mul3A_588 : i32
      %add3A_590 = arith.constant 2 : i32
      %add3A_591 = arith.addi %mul3A_589, %add3A_590 : i32
      %mul3A_592 = arith.constant 80 : i32
      %mul3A_593 = arith.muli %add3A_591, %mul3A_592 : i32
      %dma_start3A_594 = tpu.memref_slice %arg13[%mul3A_593] : memref<2000xi32, #tpu.memory_space<vmem>> -> memref<80xi32, #tpu.memory_space<vmem>>
      %dma_start3A_595 = arith.constant 0 : i32
      %dma_start3A_596 = arith.constant 0 : i32
      %dma_start3A_597 = tpu.memref_slice %arg3[%dma_start3A_595, %dma_start3A_596] : memref<2000x64xf32, #tpu.memory_space<hbm>> -> memref<2000x64xf32, #tpu.memory_space<hbm>>
      tpu.enqueue_indirect_dma source(%dma_start3A_597 : memref<2000x64xf32, #tpu.memory_space<hbm>>) target(%arg19 : memref<80x64xf32, #tpu.memory_space<vmem>>) offsets(%dma_start3A_594 : memref<80xi32, #tpu.memory_space<vmem>>) semaphore(%arg28 : memref<!tpu.dma_semaphore, #tpu.memory_space<semaphore_mem>>)
      %mul3A_598 = arith.constant 5 : i32
      %mul3A_599 = arith.muli %add3A_567, %mul3A_598 : i32
      %add3A_600 = arith.constant 3 : i32
      %add3A_601 = arith.addi %mul3A_599, %add3A_600 : i32
      %mul3A_602 = arith.constant 80 : i32
      %mul3A_603 = arith.muli %add3A_601, %mul3A_602 : i32
      %dma_start3A_604 = tpu.memref_slice %arg13[%mul3A_603] : memref<2000xi32, #tpu.memory_space<vmem>> -> memref<80xi32, #tpu.memory_space<vmem>>
      %dma_start3A_605 = arith.constant 0 : i32
      %dma_start3A_606 = arith.constant 0 : i32
      %dma_start3A_607 = tpu.memref_slice %arg3[%dma_start3A_605, %dma_start3A_606] : memref<2000x64xf32, #tpu.memory_space<hbm>> -> memref<2000x64xf32, #tpu.memory_space<hbm>>
      tpu.enqueue_indirect_dma source(%dma_start3A_607 : memref<2000x64xf32, #tpu.memory_space<hbm>>) target(%arg20 : memref<80x64xf32, #tpu.memory_space<vmem>>) offsets(%dma_start3A_604 : memref<80xi32, #tpu.memory_space<vmem>>) semaphore(%arg28 : memref<!tpu.dma_semaphore, #tpu.memory_space<semaphore_mem>>)
      %mul3A_608 = arith.constant 5 : i32
      %mul3A_609 = arith.muli %add3A_567, %mul3A_608 : i32
      %add3A_610 = arith.constant 4 : i32
      %add3A_611 = arith.addi %mul3A_609, %add3A_610 : i32
      %mul3A_612 = arith.constant 80 : i32
      %mul3A_613 = arith.muli %add3A_611, %mul3A_612 : i32
      %dma_start3A_614 = tpu.memref_slice %arg13[%mul3A_613] : memref<2000xi32, #tpu.memory_space<vmem>> -> memref<80xi32, #tpu.memory_space<vmem>>
      %dma_start3A_615 = arith.constant 0 : i32
      %dma_start3A_616 = arith.constant 0 : i32
      %dma_start3A_617 = tpu.memref_slice %arg3[%dma_start3A_615, %dma_start3A_616] : memref<2000x64xf32, #tpu.memory_space<hbm>> -> memref<2000x64xf32, #tpu.memory_space<hbm>>
      tpu.enqueue_indirect_dma source(%dma_start3A_617 : memref<2000x64xf32, #tpu.memory_space<hbm>>) target(%arg21 : memref<80x64xf32, #tpu.memory_space<vmem>>) offsets(%dma_start3A_614 : memref<80xi32, #tpu.memory_space<vmem>>) semaphore(%arg28 : memref<!tpu.dma_semaphore, #tpu.memory_space<semaphore_mem>>)
      %add3A_618 = arith.constant 1 : i32
      %add3A_619 = arith.addi %mul3A_445, %add3A_618 : i32
      %mul3A_620 = arith.constant 5 : i32
      %mul3A_621 = arith.muli %add3A_619, %mul3A_620 : i32
      %add3A_622 = arith.constant 0 : i32
      %add3A_623 = arith.addi %mul3A_621, %add3A_622 : i32
      %mul3A_624 = arith.constant 80 : i32
      %mul3A_625 = arith.muli %add3A_623, %mul3A_624 : i32
      %dma_wait3A_626 = tpu.memref_slice %arg13[%mul3A_625] : memref<2000xi32, #tpu.memory_space<vmem>> -> memref<80xi32, #tpu.memory_space<vmem>>
      %dma_wait3A_627 = arith.constant 0 : i32
      %dma_wait3A_628 = arith.constant 0 : i32
      %dma_wait3A_629 = tpu.memref_slice %arg3[%dma_wait3A_627, %dma_wait3A_628] : memref<2000x64xf32, #tpu.memory_space<hbm>> -> memref<2000x64xf32, #tpu.memory_space<hbm>>
      tpu.wait_indirect_dma semaphore(%arg29 : memref<!tpu.dma_semaphore, #tpu.memory_space<semaphore_mem>>) src(%dma_wait3A_629 : memref<2000x64xf32, #tpu.memory_space<hbm>>) dst(%arg22 : memref<80x64xf32, #tpu.memory_space<vmem>>)
      %mul3A_630 = arith.constant 5 : i32
      %mul3A_631 = arith.muli %add3A_619, %mul3A_630 : i32
      %add3A_632 = arith.constant 1 : i32
      %add3A_633 = arith.addi %mul3A_631, %add3A_632 : i32
      %mul3A_634 = arith.constant 80 : i32
      %mul3A_635 = arith.muli %add3A_633, %mul3A_634 : i32
      %dma_wait3A_636 = tpu.memref_slice %arg13[%mul3A_635] : memref<2000xi32, #tpu.memory_space<vmem>> -> memref<80xi32, #tpu.memory_space<vmem>>
      %dma_wait3A_637 = arith.constant 0 : i32
      %dma_wait3A_638 = arith.constant 0 : i32
      %dma_wait3A_639 = tpu.memref_slice %arg3[%dma_wait3A_637, %dma_wait3A_638] : memref<2000x64xf32, #tpu.memory_space<hbm>> -> memref<2000x64xf32, #tpu.memory_space<hbm>>
      tpu.wait_indirect_dma semaphore(%arg29 : memref<!tpu.dma_semaphore, #tpu.memory_space<semaphore_mem>>) src(%dma_wait3A_639 : memref<2000x64xf32, #tpu.memory_space<hbm>>) dst(%arg23 : memref<80x64xf32, #tpu.memory_space<vmem>>)
      %mul3A_640 = arith.constant 5 : i32
      %mul3A_641 = arith.muli %add3A_619, %mul3A_640 : i32
      %add3A_642 = arith.constant 2 : i32
      %add3A_643 = arith.addi %mul3A_641, %add3A_642 : i32
      %mul3A_644 = arith.constant 80 : i32
      %mul3A_645 = arith.muli %add3A_643, %mul3A_644 : i32
      %dma_wait3A_646 = tpu.memref_slice %arg13[%mul3A_645] : memref<2000xi32, #tpu.memory_space<vmem>> -> memref<80xi32, #tpu.memory_space<vmem>>
      %dma_wait3A_647 = arith.constant 0 : i32
      %dma_wait3A_648 = arith.constant 0 : i32
      %dma_wait3A_649 = tpu.memref_slice %arg3[%dma_wait3A_647, %dma_wait3A_648] : memref<2000x64xf32, #tpu.memory_space<hbm>> -> memref<2000x64xf32, #tpu.memory_space<hbm>>
      tpu.wait_indirect_dma semaphore(%arg29 : memref<!tpu.dma_semaphore, #tpu.memory_space<semaphore_mem>>) src(%dma_wait3A_649 : memref<2000x64xf32, #tpu.memory_space<hbm>>) dst(%arg24 : memref<80x64xf32, #tpu.memory_space<vmem>>)
      %mul3A_650 = arith.constant 5 : i32
      %mul3A_651 = arith.muli %add3A_619, %mul3A_650 : i32
      %add3A_652 = arith.constant 3 : i32
      %add3A_653 = arith.addi %mul3A_651, %add3A_652 : i32
      %mul3A_654 = arith.constant 80 : i32
      %mul3A_655 = arith.muli %add3A_653, %mul3A_654 : i32
      %dma_wait3A_656 = tpu.memref_slice %arg13[%mul3A_655] : memref<2000xi32, #tpu.memory_space<vmem>> -> memref<80xi32, #tpu.memory_space<vmem>>
      %dma_wait3A_657 = arith.constant 0 : i32
      %dma_wait3A_658 = arith.constant 0 : i32
      %dma_wait3A_659 = tpu.memref_slice %arg3[%dma_wait3A_657, %dma_wait3A_658] : memref<2000x64xf32, #tpu.memory_space<hbm>> -> memref<2000x64xf32, #tpu.memory_space<hbm>>
      tpu.wait_indirect_dma semaphore(%arg29 : memref<!tpu.dma_semaphore, #tpu.memory_space<semaphore_mem>>) src(%dma_wait3A_659 : memref<2000x64xf32, #tpu.memory_space<hbm>>) dst(%arg25 : memref<80x64xf32, #tpu.memory_space<vmem>>)
      %mul3A_660 = arith.constant 5 : i32
      %mul3A_661 = arith.muli %add3A_619, %mul3A_660 : i32
      %add3A_662 = arith.constant 4 : i32
      %add3A_663 = arith.addi %mul3A_661, %add3A_662 : i32
      %mul3A_664 = arith.constant 80 : i32
      %mul3A_665 = arith.muli %add3A_663, %mul3A_664 : i32
      %dma_wait3A_666 = tpu.memref_slice %arg13[%mul3A_665] : memref<2000xi32, #tpu.memory_space<vmem>> -> memref<80xi32, #tpu.memory_space<vmem>>
      %dma_wait3A_667 = arith.constant 0 : i32
      %dma_wait3A_668 = arith.constant 0 : i32
      %dma_wait3A_669 = tpu.memref_slice %arg3[%dma_wait3A_667, %dma_wait3A_668] : memref<2000x64xf32, #tpu.memory_space<hbm>> -> memref<2000x64xf32, #tpu.memory_space<hbm>>
      tpu.wait_indirect_dma semaphore(%arg29 : memref<!tpu.dma_semaphore, #tpu.memory_space<semaphore_mem>>) src(%dma_wait3A_669 : memref<2000x64xf32, #tpu.memory_space<hbm>>) dst(%arg26 : memref<80x64xf32, #tpu.memory_space<vmem>>)
      %add3A_670 = arith.constant 1 : i32
      %add3A_671 = arith.addi %mul3A_445, %add3A_670 : i32
      %mul3A_672 = arith.constant 5 : i32
      %mul3A_673 = arith.muli %add3A_671, %mul3A_672 : i32
      %add3A_674 = arith.constant 0 : i32
      %add3A_675 = arith.addi %mul3A_673, %add3A_674 : i32
      %mul3A_676 = arith.constant 80 : i32
      %mul3A_677 = arith.muli %add3A_675, %mul3A_676 : i32
      %dma_start3A_678 = tpu.memref_slice %arg14[%mul3A_677] : memref<2000xi32, #tpu.memory_space<vmem>> -> memref<80xi32, #tpu.memory_space<vmem>>
      %dma_start3A_679 = arith.constant 0 : i32
      %dma_start3A_680 = arith.constant 0 : i32
      %dma_start3A_681 = tpu.memref_slice %arg12[%dma_start3A_679, %dma_start3A_680] : memref<10240x64xf32, #tpu.memory_space<vmem_shared>> -> memref<10240x64xf32, #tpu.memory_space<vmem_shared>>
      tpu.enqueue_indirect_dma source(%arg22 : memref<80x64xf32, #tpu.memory_space<vmem>>) target(%dma_start3A_681 : memref<10240x64xf32, #tpu.memory_space<vmem_shared>>) offsets(%dma_start3A_678 : memref<80xi32, #tpu.memory_space<vmem>>) semaphore(%arg31 : memref<!tpu.dma_semaphore, #tpu.memory_space<semaphore_mem>>) {add = true}
      %mul3A_682 = arith.constant 5 : i32
      %mul3A_683 = arith.muli %add3A_671, %mul3A_682 : i32
      %add3A_684 = arith.constant 1 : i32
      %add3A_685 = arith.addi %mul3A_683, %add3A_684 : i32
      %mul3A_686 = arith.constant 80 : i32
      %mul3A_687 = arith.muli %add3A_685, %mul3A_686 : i32
      %dma_start3A_688 = tpu.memref_slice %arg14[%mul3A_687] : memref<2000xi32, #tpu.memory_space<vmem>> -> memref<80xi32, #tpu.memory_space<vmem>>
      %dma_start3A_689 = arith.constant 0 : i32
      %dma_start3A_690 = arith.constant 0 : i32
      %dma_start3A_691 = tpu.memref_slice %arg12[%dma_start3A_689, %dma_start3A_690] : memref<10240x64xf32, #tpu.memory_space<vmem_shared>> -> memref<10240x64xf32, #tpu.memory_space<vmem_shared>>
      tpu.enqueue_indirect_dma source(%arg23 : memref<80x64xf32, #tpu.memory_space<vmem>>) target(%dma_start3A_691 : memref<10240x64xf32, #tpu.memory_space<vmem_shared>>) offsets(%dma_start3A_688 : memref<80xi32, #tpu.memory_space<vmem>>) semaphore(%arg31 : memref<!tpu.dma_semaphore, #tpu.memory_space<semaphore_mem>>) {add = true}
      %mul3A_692 = arith.constant 5 : i32
      %mul3A_693 = arith.muli %add3A_671, %mul3A_692 : i32
      %add3A_694 = arith.constant 2 : i32
      %add3A_695 = arith.addi %mul3A_693, %add3A_694 : i32
      %mul3A_696 = arith.constant 80 : i32
      %mul3A_697 = arith.muli %add3A_695, %mul3A_696 : i32
      %dma_start3A_698 = tpu.memref_slice %arg14[%mul3A_697] : memref<2000xi32, #tpu.memory_space<vmem>> -> memref<80xi32, #tpu.memory_space<vmem>>
      %dma_start3A_699 = arith.constant 0 : i32
      %dma_start3A_700 = arith.constant 0 : i32
      %dma_start3A_701 = tpu.memref_slice %arg12[%dma_start3A_699, %dma_start3A_700] : memref<10240x64xf32, #tpu.memory_space<vmem_shared>> -> memref<10240x64xf32, #tpu.memory_space<vmem_shared>>
      tpu.enqueue_indirect_dma source(%arg24 : memref<80x64xf32, #tpu.memory_space<vmem>>) target(%dma_start3A_701 : memref<10240x64xf32, #tpu.memory_space<vmem_shared>>) offsets(%dma_start3A_698 : memref<80xi32, #tpu.memory_space<vmem>>) semaphore(%arg31 : memref<!tpu.dma_semaphore, #tpu.memory_space<semaphore_mem>>) {add = true}
      %mul3A_702 = arith.constant 5 : i32
      %mul3A_703 = arith.muli %add3A_671, %mul3A_702 : i32
      %add3A_704 = arith.constant 3 : i32
      %add3A_705 = arith.addi %mul3A_703, %add3A_704 : i32
      %mul3A_706 = arith.constant 80 : i32
      %mul3A_707 = arith.muli %add3A_705, %mul3A_706 : i32
      %dma_start3A_708 = tpu.memref_slice %arg14[%mul3A_707] : memref<2000xi32, #tpu.memory_space<vmem>> -> memref<80xi32, #tpu.memory_space<vmem>>
      %dma_start3A_709 = arith.constant 0 : i32
      %dma_start3A_710 = arith.constant 0 : i32
      %dma_start3A_711 = tpu.memref_slice %arg12[%dma_start3A_709, %dma_start3A_710] : memref<10240x64xf32, #tpu.memory_space<vmem_shared>> -> memref<10240x64xf32, #tpu.memory_space<vmem_shared>>
      tpu.enqueue_indirect_dma source(%arg25 : memref<80x64xf32, #tpu.memory_space<vmem>>) target(%dma_start3A_711 : memref<10240x64xf32, #tpu.memory_space<vmem_shared>>) offsets(%dma_start3A_708 : memref<80xi32, #tpu.memory_space<vmem>>) semaphore(%arg31 : memref<!tpu.dma_semaphore, #tpu.memory_space<semaphore_mem>>) {add = true}
      %mul3A_712 = arith.constant 5 : i32
      %mul3A_713 = arith.muli %add3A_671, %mul3A_712 : i32
      %add3A_714 = arith.constant 4 : i32
      %add3A_715 = arith.addi %mul3A_713, %add3A_714 : i32
      %mul3A_716 = arith.constant 80 : i32
      %mul3A_717 = arith.muli %add3A_715, %mul3A_716 : i32
      %dma_start3A_718 = tpu.memref_slice %arg14[%mul3A_717] : memref<2000xi32, #tpu.memory_space<vmem>> -> memref<80xi32, #tpu.memory_space<vmem>>
      %dma_start3A_719 = arith.constant 0 : i32
      %dma_start3A_720 = arith.constant 0 : i32
      %dma_start3A_721 = tpu.memref_slice %arg12[%dma_start3A_719, %dma_start3A_720] : memref<10240x64xf32, #tpu.memory_space<vmem_shared>> -> memref<10240x64xf32, #tpu.memory_space<vmem_shared>>
      tpu.enqueue_indirect_dma source(%arg26 : memref<80x64xf32, #tpu.memory_space<vmem>>) target(%dma_start3A_721 : memref<10240x64xf32, #tpu.memory_space<vmem_shared>>) offsets(%dma_start3A_718 : memref<80xi32, #tpu.memory_space<vmem>>) semaphore(%arg31 : memref<!tpu.dma_semaphore, #tpu.memory_space<semaphore_mem>>) {add = true}
      %dma_wait3A_722 = tpu.memref_slice %arg14[%mul3A_677] : memref<2000xi32, #tpu.memory_space<vmem>> -> memref<80xi32, #tpu.memory_space<vmem>>
      %dma_wait3A_723 = arith.constant 0 : i32
      %dma_wait3A_724 = arith.constant 0 : i32
      %dma_wait3A_725 = tpu.memref_slice %arg12[%dma_wait3A_723, %dma_wait3A_724] : memref<10240x64xf32, #tpu.memory_space<vmem_shared>> -> memref<10240x64xf32, #tpu.memory_space<vmem_shared>>
      tpu.wait_indirect_dma semaphore(%arg31 : memref<!tpu.dma_semaphore, #tpu.memory_space<semaphore_mem>>) src(%arg22 : memref<80x64xf32, #tpu.memory_space<vmem>>) dst(%dma_wait3A_725 : memref<10240x64xf32, #tpu.memory_space<vmem_shared>>)
      %dma_wait3A_726 = tpu.memref_slice %arg14[%mul3A_687] : memref<2000xi32, #tpu.memory_space<vmem>> -> memref<80xi32, #tpu.memory_space<vmem>>
      %dma_wait3A_727 = arith.constant 0 : i32
      %dma_wait3A_728 = arith.constant 0 : i32
      %dma_wait3A_729 = tpu.memref_slice %arg12[%dma_wait3A_727, %dma_wait3A_728] : memref<10240x64xf32, #tpu.memory_space<vmem_shared>> -> memref<10240x64xf32, #tpu.memory_space<vmem_shared>>
      tpu.wait_indirect_dma semaphore(%arg31 : memref<!tpu.dma_semaphore, #tpu.memory_space<semaphore_mem>>) src(%arg23 : memref<80x64xf32, #tpu.memory_space<vmem>>) dst(%dma_wait3A_729 : memref<10240x64xf32, #tpu.memory_space<vmem_shared>>)
      %dma_wait3A_730 = tpu.memref_slice %arg14[%mul3A_697] : memref<2000xi32, #tpu.memory_space<vmem>> -> memref<80xi32, #tpu.memory_space<vmem>>
      %dma_wait3A_731 = arith.constant 0 : i32
      %dma_wait3A_732 = arith.constant 0 : i32
      %dma_wait3A_733 = tpu.memref_slice %arg12[%dma_wait3A_731, %dma_wait3A_732] : memref<10240x64xf32, #tpu.memory_space<vmem_shared>> -> memref<10240x64xf32, #tpu.memory_space<vmem_shared>>
      tpu.wait_indirect_dma semaphore(%arg31 : memref<!tpu.dma_semaphore, #tpu.memory_space<semaphore_mem>>) src(%arg24 : memref<80x64xf32, #tpu.memory_space<vmem>>) dst(%dma_wait3A_733 : memref<10240x64xf32, #tpu.memory_space<vmem_shared>>)
      %dma_wait3A_734 = tpu.memref_slice %arg14[%mul3A_707] : memref<2000xi32, #tpu.memory_space<vmem>> -> memref<80xi32, #tpu.memory_space<vmem>>
      %dma_wait3A_735 = arith.constant 0 : i32
      %dma_wait3A_736 = arith.constant 0 : i32
      %dma_wait3A_737 = tpu.memref_slice %arg12[%dma_wait3A_735, %dma_wait3A_736] : memref<10240x64xf32, #tpu.memory_space<vmem_shared>> -> memref<10240x64xf32, #tpu.memory_space<vmem_shared>>
      tpu.wait_indirect_dma semaphore(%arg31 : memref<!tpu.dma_semaphore, #tpu.memory_space<semaphore_mem>>) src(%arg25 : memref<80x64xf32, #tpu.memory_space<vmem>>) dst(%dma_wait3A_737 : memref<10240x64xf32, #tpu.memory_space<vmem_shared>>)
      %dma_wait3A_738 = tpu.memref_slice %arg14[%mul3A_717] : memref<2000xi32, #tpu.memory_space<vmem>> -> memref<80xi32, #tpu.memory_space<vmem>>
      %dma_wait3A_739 = arith.constant 0 : i32
      %dma_wait3A_740 = arith.constant 0 : i32
      %dma_wait3A_741 = tpu.memref_slice %arg12[%dma_wait3A_739, %dma_wait3A_740] : memref<10240x64xf32, #tpu.memory_space<vmem_shared>> -> memref<10240x64xf32, #tpu.memory_space<vmem_shared>>
      tpu.wait_indirect_dma semaphore(%arg31 : memref<!tpu.dma_semaphore, #tpu.memory_space<semaphore_mem>>) src(%arg26 : memref<80x64xf32, #tpu.memory_space<vmem>>) dst(%dma_wait3A_741 : memref<10240x64xf32, #tpu.memory_space<vmem_shared>>)
      %add3A_742 = arith.constant 3 : i32
      %add3A_743 = arith.addi %mul3A_445, %add3A_742 : i32
      %lt3A = arith.constant 5 : i32
      %lt3A_744 = arith.cmpi slt, %add3A_743, %lt3A : i32
      %convert_element_type3A = arith.extui %lt3A_744 : i1 to i32
      %cond3A = arith.constant 0 : i32
      %cond3A_745 = arith.cmpi ne, %convert_element_type3A, %cond3A : i32
      scf.if %cond3A_745 {
        %add3A_747 = arith.constant 3 : i32
        %add3A_748 = arith.addi %mul3A_445, %add3A_747 : i32
        %mul3A_749 = arith.constant 5 : i32
        %mul3A_750 = arith.muli %add3A_748, %mul3A_749 : i32
        %add3A_751 = arith.constant 0 : i32
        %add3A_752 = arith.addi %mul3A_750, %add3A_751 : i32
        %mul3A_753 = arith.constant 80 : i32
        %mul3A_754 = arith.muli %add3A_752, %mul3A_753 : i32
        %dma_start3A_755 = tpu.memref_slice %arg13[%mul3A_754] : memref<2000xi32, #tpu.memory_space<vmem>> -> memref<80xi32, #tpu.memory_space<vmem>>
        %dma_start3A_756 = arith.constant 0 : i32
        %dma_start3A_757 = arith.constant 0 : i32
        %dma_start3A_758 = tpu.memref_slice %arg3[%dma_start3A_756, %dma_start3A_757] : memref<2000x64xf32, #tpu.memory_space<hbm>> -> memref<2000x64xf32, #tpu.memory_space<hbm>>
        tpu.enqueue_indirect_dma source(%dma_start3A_758 : memref<2000x64xf32, #tpu.memory_space<hbm>>) target(%arg22 : memref<80x64xf32, #tpu.memory_space<vmem>>) offsets(%dma_start3A_755 : memref<80xi32, #tpu.memory_space<vmem>>) semaphore(%arg29 : memref<!tpu.dma_semaphore, #tpu.memory_space<semaphore_mem>>)
        %mul3A_759 = arith.constant 5 : i32
        %mul3A_760 = arith.muli %add3A_748, %mul3A_759 : i32
        %add3A_761 = arith.constant 1 : i32
        %add3A_762 = arith.addi %mul3A_760, %add3A_761 : i32
        %mul3A_763 = arith.constant 80 : i32
        %mul3A_764 = arith.muli %add3A_762, %mul3A_763 : i32
        %dma_start3A_765 = tpu.memref_slice %arg13[%mul3A_764] : memref<2000xi32, #tpu.memory_space<vmem>> -> memref<80xi32, #tpu.memory_space<vmem>>
        %dma_start3A_766 = arith.constant 0 : i32
        %dma_start3A_767 = arith.constant 0 : i32
        %dma_start3A_768 = tpu.memref_slice %arg3[%dma_start3A_766, %dma_start3A_767] : memref<2000x64xf32, #tpu.memory_space<hbm>> -> memref<2000x64xf32, #tpu.memory_space<hbm>>
        tpu.enqueue_indirect_dma source(%dma_start3A_768 : memref<2000x64xf32, #tpu.memory_space<hbm>>) target(%arg23 : memref<80x64xf32, #tpu.memory_space<vmem>>) offsets(%dma_start3A_765 : memref<80xi32, #tpu.memory_space<vmem>>) semaphore(%arg29 : memref<!tpu.dma_semaphore, #tpu.memory_space<semaphore_mem>>)
        %mul3A_769 = arith.constant 5 : i32
        %mul3A_770 = arith.muli %add3A_748, %mul3A_769 : i32
        %add3A_771 = arith.constant 2 : i32
        %add3A_772 = arith.addi %mul3A_770, %add3A_771 : i32
        %mul3A_773 = arith.constant 80 : i32
        %mul3A_774 = arith.muli %add3A_772, %mul3A_773 : i32
        %dma_start3A_775 = tpu.memref_slice %arg13[%mul3A_774] : memref<2000xi32, #tpu.memory_space<vmem>> -> memref<80xi32, #tpu.memory_space<vmem>>
        %dma_start3A_776 = arith.constant 0 : i32
        %dma_start3A_777 = arith.constant 0 : i32
        %dma_start3A_778 = tpu.memref_slice %arg3[%dma_start3A_776, %dma_start3A_777] : memref<2000x64xf32, #tpu.memory_space<hbm>> -> memref<2000x64xf32, #tpu.memory_space<hbm>>
        tpu.enqueue_indirect_dma source(%dma_start3A_778 : memref<2000x64xf32, #tpu.memory_space<hbm>>) target(%arg24 : memref<80x64xf32, #tpu.memory_space<vmem>>) offsets(%dma_start3A_775 : memref<80xi32, #tpu.memory_space<vmem>>) semaphore(%arg29 : memref<!tpu.dma_semaphore, #tpu.memory_space<semaphore_mem>>)
        %mul3A_779 = arith.constant 5 : i32
        %mul3A_780 = arith.muli %add3A_748, %mul3A_779 : i32
        %add3A_781 = arith.constant 3 : i32
        %add3A_782 = arith.addi %mul3A_780, %add3A_781 : i32
        %mul3A_783 = arith.constant 80 : i32
        %mul3A_784 = arith.muli %add3A_782, %mul3A_783 : i32
        %dma_start3A_785 = tpu.memref_slice %arg13[%mul3A_784] : memref<2000xi32, #tpu.memory_space<vmem>> -> memref<80xi32, #tpu.memory_space<vmem>>
        %dma_start3A_786 = arith.constant 0 : i32
        %dma_start3A_787 = arith.constant 0 : i32
        %dma_start3A_788 = tpu.memref_slice %arg3[%dma_start3A_786, %dma_start3A_787] : memref<2000x64xf32, #tpu.memory_space<hbm>> -> memref<2000x64xf32, #tpu.memory_space<hbm>>
        tpu.enqueue_indirect_dma source(%dma_start3A_788 : memref<2000x64xf32, #tpu.memory_space<hbm>>) target(%arg25 : memref<80x64xf32, #tpu.memory_space<vmem>>) offsets(%dma_start3A_785 : memref<80xi32, #tpu.memory_space<vmem>>) semaphore(%arg29 : memref<!tpu.dma_semaphore, #tpu.memory_space<semaphore_mem>>)
        %mul3A_789 = arith.constant 5 : i32
        %mul3A_790 = arith.muli %add3A_748, %mul3A_789 : i32
        %add3A_791 = arith.constant 4 : i32
        %add3A_792 = arith.addi %mul3A_790, %add3A_791 : i32
        %mul3A_793 = arith.constant 80 : i32
        %mul3A_794 = arith.muli %add3A_792, %mul3A_793 : i32
        %dma_start3A_795 = tpu.memref_slice %arg13[%mul3A_794] : memref<2000xi32, #tpu.memory_space<vmem>> -> memref<80xi32, #tpu.memory_space<vmem>>
        %dma_start3A_796 = arith.constant 0 : i32
        %dma_start3A_797 = arith.constant 0 : i32
        %dma_start3A_798 = tpu.memref_slice %arg3[%dma_start3A_796, %dma_start3A_797] : memref<2000x64xf32, #tpu.memory_space<hbm>> -> memref<2000x64xf32, #tpu.memory_space<hbm>>
        tpu.enqueue_indirect_dma source(%dma_start3A_798 : memref<2000x64xf32, #tpu.memory_space<hbm>>) target(%arg26 : memref<80x64xf32, #tpu.memory_space<vmem>>) offsets(%dma_start3A_795 : memref<80xi32, #tpu.memory_space<vmem>>) semaphore(%arg29 : memref<!tpu.dma_semaphore, #tpu.memory_space<semaphore_mem>>)
      } else {
      }
      %scan3A_746 = arith.constant 0 : i32
      scf.yield %scan3A_746 : i32
    }
    %scan3A_219 = arith.constant 2 : i32
    %dma_wait3A_220 = arith.constant 1600 : i32
    %dma_wait3A_221 = tpu.memref_slice %arg13[%dma_wait3A_220] : memref<2000xi32, #tpu.memory_space<vmem>> -> memref<80xi32, #tpu.memory_space<vmem>>
    %dma_wait3A_222 = arith.constant 0 : i32
    %dma_wait3A_223 = arith.constant 0 : i32
    %dma_wait3A_224 = tpu.memref_slice %arg3[%dma_wait3A_222, %dma_wait3A_223] : memref<2000x64xf32, #tpu.memory_space<hbm>> -> memref<2000x64xf32, #tpu.memory_space<hbm>>
    tpu.wait_indirect_dma semaphore(%arg28 : memref<!tpu.dma_semaphore, #tpu.memory_space<semaphore_mem>>) src(%dma_wait3A_224 : memref<2000x64xf32, #tpu.memory_space<hbm>>) dst(%arg17 : memref<80x64xf32, #tpu.memory_space<vmem>>)
    %dma_wait3A_225 = arith.constant 1680 : i32
    %dma_wait3A_226 = tpu.memref_slice %arg13[%dma_wait3A_225] : memref<2000xi32, #tpu.memory_space<vmem>> -> memref<80xi32, #tpu.memory_space<vmem>>
    %dma_wait3A_227 = arith.constant 0 : i32
    %dma_wait3A_228 = arith.constant 0 : i32
    %dma_wait3A_229 = tpu.memref_slice %arg3[%dma_wait3A_227, %dma_wait3A_228] : memref<2000x64xf32, #tpu.memory_space<hbm>> -> memref<2000x64xf32, #tpu.memory_space<hbm>>
    tpu.wait_indirect_dma semaphore(%arg28 : memref<!tpu.dma_semaphore, #tpu.memory_space<semaphore_mem>>) src(%dma_wait3A_229 : memref<2000x64xf32, #tpu.memory_space<hbm>>) dst(%arg18 : memref<80x64xf32, #tpu.memory_space<vmem>>)
    %dma_wait3A_230 = arith.constant 1760 : i32
    %dma_wait3A_231 = tpu.memref_slice %arg13[%dma_wait3A_230] : memref<2000xi32, #tpu.memory_space<vmem>> -> memref<80xi32, #tpu.memory_space<vmem>>
    %dma_wait3A_232 = arith.constant 0 : i32
    %dma_wait3A_233 = arith.constant 0 : i32
    %dma_wait3A_234 = tpu.memref_slice %arg3[%dma_wait3A_232, %dma_wait3A_233] : memref<2000x64xf32, #tpu.memory_space<hbm>> -> memref<2000x64xf32, #tpu.memory_space<hbm>>
    tpu.wait_indirect_dma semaphore(%arg28 : memref<!tpu.dma_semaphore, #tpu.memory_space<semaphore_mem>>) src(%dma_wait3A_234 : memref<2000x64xf32, #tpu.memory_space<hbm>>) dst(%arg19 : memref<80x64xf32, #tpu.memory_space<vmem>>)
    %dma_wait3A_235 = arith.constant 1840 : i32
    %dma_wait3A_236 = tpu.memref_slice %arg13[%dma_wait3A_235] : memref<2000xi32, #tpu.memory_space<vmem>> -> memref<80xi32, #tpu.memory_space<vmem>>
    %dma_wait3A_237 = arith.constant 0 : i32
    %dma_wait3A_238 = arith.constant 0 : i32
    %dma_wait3A_239 = tpu.memref_slice %arg3[%dma_wait3A_237, %dma_wait3A_238] : memref<2000x64xf32, #tpu.memory_space<hbm>> -> memref<2000x64xf32, #tpu.memory_space<hbm>>
    tpu.wait_indirect_dma semaphore(%arg28 : memref<!tpu.dma_semaphore, #tpu.memory_space<semaphore_mem>>) src(%dma_wait3A_239 : memref<2000x64xf32, #tpu.memory_space<hbm>>) dst(%arg20 : memref<80x64xf32, #tpu.memory_space<vmem>>)
    %dma_wait3A_240 = arith.constant 1920 : i32
    %dma_wait3A_241 = tpu.memref_slice %arg13[%dma_wait3A_240] : memref<2000xi32, #tpu.memory_space<vmem>> -> memref<80xi32, #tpu.memory_space<vmem>>
    %dma_wait3A_242 = arith.constant 0 : i32
    %dma_wait3A_243 = arith.constant 0 : i32
    %dma_wait3A_244 = tpu.memref_slice %arg3[%dma_wait3A_242, %dma_wait3A_243] : memref<2000x64xf32, #tpu.memory_space<hbm>> -> memref<2000x64xf32, #tpu.memory_space<hbm>>
    tpu.wait_indirect_dma semaphore(%arg28 : memref<!tpu.dma_semaphore, #tpu.memory_space<semaphore_mem>>) src(%dma_wait3A_244 : memref<2000x64xf32, #tpu.memory_space<hbm>>) dst(%arg21 : memref<80x64xf32, #tpu.memory_space<vmem>>)
    %dma_start3A_245 = arith.constant 1600 : i32
    %dma_start3A_246 = tpu.memref_slice %arg14[%dma_start3A_245] : memref<2000xi32, #tpu.memory_space<vmem>> -> memref<80xi32, #tpu.memory_space<vmem>>
    %dma_start3A_247 = arith.constant 0 : i32
    %dma_start3A_248 = arith.constant 0 : i32
    %dma_start3A_249 = tpu.memref_slice %arg12[%dma_start3A_247, %dma_start3A_248] : memref<10240x64xf32, #tpu.memory_space<vmem_shared>> -> memref<10240x64xf32, #tpu.memory_space<vmem_shared>>
    tpu.enqueue_indirect_dma source(%arg17 : memref<80x64xf32, #tpu.memory_space<vmem>>) target(%dma_start3A_249 : memref<10240x64xf32, #tpu.memory_space<vmem_shared>>) offsets(%dma_start3A_246 : memref<80xi32, #tpu.memory_space<vmem>>) semaphore(%arg30 : memref<!tpu.dma_semaphore, #tpu.memory_space<semaphore_mem>>) {add = true}
    %dma_start3A_250 = arith.constant 1680 : i32
    %dma_start3A_251 = tpu.memref_slice %arg14[%dma_start3A_250] : memref<2000xi32, #tpu.memory_space<vmem>> -> memref<80xi32, #tpu.memory_space<vmem>>
    %dma_start3A_252 = arith.constant 0 : i32
    %dma_start3A_253 = arith.constant 0 : i32
    %dma_start3A_254 = tpu.memref_slice %arg12[%dma_start3A_252, %dma_start3A_253] : memref<10240x64xf32, #tpu.memory_space<vmem_shared>> -> memref<10240x64xf32, #tpu.memory_space<vmem_shared>>
    tpu.enqueue_indirect_dma source(%arg18 : memref<80x64xf32, #tpu.memory_space<vmem>>) target(%dma_start3A_254 : memref<10240x64xf32, #tpu.memory_space<vmem_shared>>) offsets(%dma_start3A_251 : memref<80xi32, #tpu.memory_space<vmem>>) semaphore(%arg30 : memref<!tpu.dma_semaphore, #tpu.memory_space<semaphore_mem>>) {add = true}
    %dma_start3A_255 = arith.constant 1760 : i32
    %dma_start3A_256 = tpu.memref_slice %arg14[%dma_start3A_255] : memref<2000xi32, #tpu.memory_space<vmem>> -> memref<80xi32, #tpu.memory_space<vmem>>
    %dma_start3A_257 = arith.constant 0 : i32
    %dma_start3A_258 = arith.constant 0 : i32
    %dma_start3A_259 = tpu.memref_slice %arg12[%dma_start3A_257, %dma_start3A_258] : memref<10240x64xf32, #tpu.memory_space<vmem_shared>> -> memref<10240x64xf32, #tpu.memory_space<vmem_shared>>
    tpu.enqueue_indirect_dma source(%arg19 : memref<80x64xf32, #tpu.memory_space<vmem>>) target(%dma_start3A_259 : memref<10240x64xf32, #tpu.memory_space<vmem_shared>>) offsets(%dma_start3A_256 : memref<80xi32, #tpu.memory_space<vmem>>) semaphore(%arg30 : memref<!tpu.dma_semaphore, #tpu.memory_space<semaphore_mem>>) {add = true}
    %dma_start3A_260 = arith.constant 1840 : i32
    %dma_start3A_261 = tpu.memref_slice %arg14[%dma_start3A_260] : memref<2000xi32, #tpu.memory_space<vmem>> -> memref<80xi32, #tpu.memory_space<vmem>>
    %dma_start3A_262 = arith.constant 0 : i32
    %dma_start3A_263 = arith.constant 0 : i32
    %dma_start3A_264 = tpu.memref_slice %arg12[%dma_start3A_262, %dma_start3A_263] : memref<10240x64xf32, #tpu.memory_space<vmem_shared>> -> memref<10240x64xf32, #tpu.memory_space<vmem_shared>>
    tpu.enqueue_indirect_dma source(%arg20 : memref<80x64xf32, #tpu.memory_space<vmem>>) target(%dma_start3A_264 : memref<10240x64xf32, #tpu.memory_space<vmem_shared>>) offsets(%dma_start3A_261 : memref<80xi32, #tpu.memory_space<vmem>>) semaphore(%arg30 : memref<!tpu.dma_semaphore, #tpu.memory_space<semaphore_mem>>) {add = true}
    %dma_start3A_265 = arith.constant 1920 : i32
    %dma_start3A_266 = tpu.memref_slice %arg14[%dma_start3A_265] : memref<2000xi32, #tpu.memory_space<vmem>> -> memref<80xi32, #tpu.memory_space<vmem>>
    %dma_start3A_267 = arith.constant 0 : i32
    %dma_start3A_268 = arith.constant 0 : i32
    %dma_start3A_269 = tpu.memref_slice %arg12[%dma_start3A_267, %dma_start3A_268] : memref<10240x64xf32, #tpu.memory_space<vmem_shared>> -> memref<10240x64xf32, #tpu.memory_space<vmem_shared>>
    tpu.enqueue_indirect_dma source(%arg21 : memref<80x64xf32, #tpu.memory_space<vmem>>) target(%dma_start3A_269 : memref<10240x64xf32, #tpu.memory_space<vmem_shared>>) offsets(%dma_start3A_266 : memref<80xi32, #tpu.memory_space<vmem>>) semaphore(%arg30 : memref<!tpu.dma_semaphore, #tpu.memory_space<semaphore_mem>>) {add = true}
    %dma_wait3A_270 = arith.constant 1600 : i32
    %dma_wait3A_271 = tpu.memref_slice %arg14[%dma_wait3A_270] : memref<2000xi32, #tpu.memory_space<vmem>> -> memref<80xi32, #tpu.memory_space<vmem>>
    %dma_wait3A_272 = arith.constant 0 : i32
    %dma_wait3A_273 = arith.constant 0 : i32
    %dma_wait3A_274 = tpu.memref_slice %arg12[%dma_wait3A_272, %dma_wait3A_273] : memref<10240x64xf32, #tpu.memory_space<vmem_shared>> -> memref<10240x64xf32, #tpu.memory_space<vmem_shared>>
    tpu.wait_indirect_dma semaphore(%arg30 : memref<!tpu.dma_semaphore, #tpu.memory_space<semaphore_mem>>) src(%arg17 : memref<80x64xf32, #tpu.memory_space<vmem>>) dst(%dma_wait3A_274 : memref<10240x64xf32, #tpu.memory_space<vmem_shared>>)
    %dma_wait3A_275 = arith.constant 1680 : i32
    %dma_wait3A_276 = tpu.memref_slice %arg14[%dma_wait3A_275] : memref<2000xi32, #tpu.memory_space<vmem>> -> memref<80xi32, #tpu.memory_space<vmem>>
    %dma_wait3A_277 = arith.constant 0 : i32
    %dma_wait3A_278 = arith.constant 0 : i32
    %dma_wait3A_279 = tpu.memref_slice %arg12[%dma_wait3A_277, %dma_wait3A_278] : memref<10240x64xf32, #tpu.memory_space<vmem_shared>> -> memref<10240x64xf32, #tpu.memory_space<vmem_shared>>
    tpu.wait_indirect_dma semaphore(%arg30 : memref<!tpu.dma_semaphore, #tpu.memory_space<semaphore_mem>>) src(%arg18 : memref<80x64xf32, #tpu.memory_space<vmem>>) dst(%dma_wait3A_279 : memref<10240x64xf32, #tpu.memory_space<vmem_shared>>)
    %dma_wait3A_280 = arith.constant 1760 : i32
    %dma_wait3A_281 = tpu.memref_slice %arg14[%dma_wait3A_280] : memref<2000xi32, #tpu.memory_space<vmem>> -> memref<80xi32, #tpu.memory_space<vmem>>
    %dma_wait3A_282 = arith.constant 0 : i32
    %dma_wait3A_283 = arith.constant 0 : i32
    %dma_wait3A_284 = tpu.memref_slice %arg12[%dma_wait3A_282, %dma_wait3A_283] : memref<10240x64xf32, #tpu.memory_space<vmem_shared>> -> memref<10240x64xf32, #tpu.memory_space<vmem_shared>>
    tpu.wait_indirect_dma semaphore(%arg30 : memref<!tpu.dma_semaphore, #tpu.memory_space<semaphore_mem>>) src(%arg19 : memref<80x64xf32, #tpu.memory_space<vmem>>) dst(%dma_wait3A_284 : memref<10240x64xf32, #tpu.memory_space<vmem_shared>>)
    %dma_wait3A_285 = arith.constant 1840 : i32
    %dma_wait3A_286 = tpu.memref_slice %arg14[%dma_wait3A_285] : memref<2000xi32, #tpu.memory_space<vmem>> -> memref<80xi32, #tpu.memory_space<vmem>>
    %dma_wait3A_287 = arith.constant 0 : i32
    %dma_wait3A_288 = arith.constant 0 : i32
    %dma_wait3A_289 = tpu.memref_slice %arg12[%dma_wait3A_287, %dma_wait3A_288] : memref<10240x64xf32, #tpu.memory_space<vmem_shared>> -> memref<10240x64xf32, #tpu.memory_space<vmem_shared>>
    tpu.wait_indirect_dma semaphore(%arg30 : memref<!tpu.dma_semaphore, #tpu.memory_space<semaphore_mem>>) src(%arg20 : memref<80x64xf32, #tpu.memory_space<vmem>>) dst(%dma_wait3A_289 : memref<10240x64xf32, #tpu.memory_space<vmem_shared>>)
    %dma_wait3A_290 = arith.constant 1920 : i32
    %dma_wait3A_291 = tpu.memref_slice %arg14[%dma_wait3A_290] : memref<2000xi32, #tpu.memory_space<vmem>> -> memref<80xi32, #tpu.memory_space<vmem>>
    %dma_wait3A_292 = arith.constant 0 : i32
    %dma_wait3A_293 = arith.constant 0 : i32
    %dma_wait3A_294 = tpu.memref_slice %arg12[%dma_wait3A_292, %dma_wait3A_293] : memref<10240x64xf32, #tpu.memory_space<vmem_shared>> -> memref<10240x64xf32, #tpu.memory_space<vmem_shared>>
    tpu.wait_indirect_dma semaphore(%arg30 : memref<!tpu.dma_semaphore, #tpu.memory_space<semaphore_mem>>) src(%arg21 : memref<80x64xf32, #tpu.memory_space<vmem>>) dst(%dma_wait3A_294 : memref<10240x64xf32, #tpu.memory_space<vmem_shared>>)
    %dma_start3A_295 = arith.constant 0 : i32
    %dma_start3A_296 = tpu.memref_slice %arg15[%dma_start3A_295] : memref<10000xi32, #tpu.memory_space<vmem>> -> memref<80xi32, #tpu.memory_space<vmem>>
    %dma_start3A_297 = arith.constant 0 : i32
    %dma_start3A_298 = arith.constant 0 : i32
    %dma_start3A_299 = tpu.memref_slice %arg4[%dma_start3A_297, %dma_start3A_298] : memref<10000x64xf32, #tpu.memory_space<hbm>> -> memref<10000x64xf32, #tpu.memory_space<hbm>>
    tpu.enqueue_indirect_dma source(%dma_start3A_299 : memref<10000x64xf32, #tpu.memory_space<hbm>>) target(%arg17 : memref<80x64xf32, #tpu.memory_space<vmem>>) offsets(%dma_start3A_296 : memref<80xi32, #tpu.memory_space<vmem>>) semaphore(%arg28 : memref<!tpu.dma_semaphore, #tpu.memory_space<semaphore_mem>>)
    %dma_start3A_300 = arith.constant 80 : i32
    %dma_start3A_301 = tpu.memref_slice %arg15[%dma_start3A_300] : memref<10000xi32, #tpu.memory_space<vmem>> -> memref<80xi32, #tpu.memory_space<vmem>>
    %dma_start3A_302 = arith.constant 0 : i32
    %dma_start3A_303 = arith.constant 0 : i32
    %dma_start3A_304 = tpu.memref_slice %arg4[%dma_start3A_302, %dma_start3A_303] : memref<10000x64xf32, #tpu.memory_space<hbm>> -> memref<10000x64xf32, #tpu.memory_space<hbm>>
    tpu.enqueue_indirect_dma source(%dma_start3A_304 : memref<10000x64xf32, #tpu.memory_space<hbm>>) target(%arg18 : memref<80x64xf32, #tpu.memory_space<vmem>>) offsets(%dma_start3A_301 : memref<80xi32, #tpu.memory_space<vmem>>) semaphore(%arg28 : memref<!tpu.dma_semaphore, #tpu.memory_space<semaphore_mem>>)
    %dma_start3A_305 = arith.constant 160 : i32
    %dma_start3A_306 = tpu.memref_slice %arg15[%dma_start3A_305] : memref<10000xi32, #tpu.memory_space<vmem>> -> memref<80xi32, #tpu.memory_space<vmem>>
    %dma_start3A_307 = arith.constant 0 : i32
    %dma_start3A_308 = arith.constant 0 : i32
    %dma_start3A_309 = tpu.memref_slice %arg4[%dma_start3A_307, %dma_start3A_308] : memref<10000x64xf32, #tpu.memory_space<hbm>> -> memref<10000x64xf32, #tpu.memory_space<hbm>>
    tpu.enqueue_indirect_dma source(%dma_start3A_309 : memref<10000x64xf32, #tpu.memory_space<hbm>>) target(%arg19 : memref<80x64xf32, #tpu.memory_space<vmem>>) offsets(%dma_start3A_306 : memref<80xi32, #tpu.memory_space<vmem>>) semaphore(%arg28 : memref<!tpu.dma_semaphore, #tpu.memory_space<semaphore_mem>>)
    %dma_start3A_310 = arith.constant 240 : i32
    %dma_start3A_311 = tpu.memref_slice %arg15[%dma_start3A_310] : memref<10000xi32, #tpu.memory_space<vmem>> -> memref<80xi32, #tpu.memory_space<vmem>>
    %dma_start3A_312 = arith.constant 0 : i32
    %dma_start3A_313 = arith.constant 0 : i32
    %dma_start3A_314 = tpu.memref_slice %arg4[%dma_start3A_312, %dma_start3A_313] : memref<10000x64xf32, #tpu.memory_space<hbm>> -> memref<10000x64xf32, #tpu.memory_space<hbm>>
    tpu.enqueue_indirect_dma source(%dma_start3A_314 : memref<10000x64xf32, #tpu.memory_space<hbm>>) target(%arg20 : memref<80x64xf32, #tpu.memory_space<vmem>>) offsets(%dma_start3A_311 : memref<80xi32, #tpu.memory_space<vmem>>) semaphore(%arg28 : memref<!tpu.dma_semaphore, #tpu.memory_space<semaphore_mem>>)
    %dma_start3A_315 = arith.constant 320 : i32
    %dma_start3A_316 = tpu.memref_slice %arg15[%dma_start3A_315] : memref<10000xi32, #tpu.memory_space<vmem>> -> memref<80xi32, #tpu.memory_space<vmem>>
    %dma_start3A_317 = arith.constant 0 : i32
    %dma_start3A_318 = arith.constant 0 : i32
    %dma_start3A_319 = tpu.memref_slice %arg4[%dma_start3A_317, %dma_start3A_318] : memref<10000x64xf32, #tpu.memory_space<hbm>> -> memref<10000x64xf32, #tpu.memory_space<hbm>>
    tpu.enqueue_indirect_dma source(%dma_start3A_319 : memref<10000x64xf32, #tpu.memory_space<hbm>>) target(%arg21 : memref<80x64xf32, #tpu.memory_space<vmem>>) offsets(%dma_start3A_316 : memref<80xi32, #tpu.memory_space<vmem>>) semaphore(%arg28 : memref<!tpu.dma_semaphore, #tpu.memory_space<semaphore_mem>>)
    %dma_start3A_320 = arith.constant 400 : i32
    %dma_start3A_321 = tpu.memref_slice %arg15[%dma_start3A_320] : memref<10000xi32, #tpu.memory_space<vmem>> -> memref<80xi32, #tpu.memory_space<vmem>>
    %dma_start3A_322 = arith.constant 0 : i32
    %dma_start3A_323 = arith.constant 0 : i32
    %dma_start3A_324 = tpu.memref_slice %arg4[%dma_start3A_322, %dma_start3A_323] : memref<10000x64xf32, #tpu.memory_space<hbm>> -> memref<10000x64xf32, #tpu.memory_space<hbm>>
    tpu.enqueue_indirect_dma source(%dma_start3A_324 : memref<10000x64xf32, #tpu.memory_space<hbm>>) target(%arg22 : memref<80x64xf32, #tpu.memory_space<vmem>>) offsets(%dma_start3A_321 : memref<80xi32, #tpu.memory_space<vmem>>) semaphore(%arg29 : memref<!tpu.dma_semaphore, #tpu.memory_space<semaphore_mem>>)
    %dma_start3A_325 = arith.constant 480 : i32
    %dma_start3A_326 = tpu.memref_slice %arg15[%dma_start3A_325] : memref<10000xi32, #tpu.memory_space<vmem>> -> memref<80xi32, #tpu.memory_space<vmem>>
    %dma_start3A_327 = arith.constant 0 : i32
    %dma_start3A_328 = arith.constant 0 : i32
    %dma_start3A_329 = tpu.memref_slice %arg4[%dma_start3A_327, %dma_start3A_328] : memref<10000x64xf32, #tpu.memory_space<hbm>> -> memref<10000x64xf32, #tpu.memory_space<hbm>>
    tpu.enqueue_indirect_dma source(%dma_start3A_329 : memref<10000x64xf32, #tpu.memory_space<hbm>>) target(%arg23 : memref<80x64xf32, #tpu.memory_space<vmem>>) offsets(%dma_start3A_326 : memref<80xi32, #tpu.memory_space<vmem>>) semaphore(%arg29 : memref<!tpu.dma_semaphore, #tpu.memory_space<semaphore_mem>>)
    %dma_start3A_330 = arith.constant 560 : i32
    %dma_start3A_331 = tpu.memref_slice %arg15[%dma_start3A_330] : memref<10000xi32, #tpu.memory_space<vmem>> -> memref<80xi32, #tpu.memory_space<vmem>>
    %dma_start3A_332 = arith.constant 0 : i32
    %dma_start3A_333 = arith.constant 0 : i32
    %dma_start3A_334 = tpu.memref_slice %arg4[%dma_start3A_332, %dma_start3A_333] : memref<10000x64xf32, #tpu.memory_space<hbm>> -> memref<10000x64xf32, #tpu.memory_space<hbm>>
    tpu.enqueue_indirect_dma source(%dma_start3A_334 : memref<10000x64xf32, #tpu.memory_space<hbm>>) target(%arg24 : memref<80x64xf32, #tpu.memory_space<vmem>>) offsets(%dma_start3A_331 : memref<80xi32, #tpu.memory_space<vmem>>) semaphore(%arg29 : memref<!tpu.dma_semaphore, #tpu.memory_space<semaphore_mem>>)
    %dma_start3A_335 = arith.constant 640 : i32
    %dma_start3A_336 = tpu.memref_slice %arg15[%dma_start3A_335] : memref<10000xi32, #tpu.memory_space<vmem>> -> memref<80xi32, #tpu.memory_space<vmem>>
    %dma_start3A_337 = arith.constant 0 : i32
    %dma_start3A_338 = arith.constant 0 : i32
    %dma_start3A_339 = tpu.memref_slice %arg4[%dma_start3A_337, %dma_start3A_338] : memref<10000x64xf32, #tpu.memory_space<hbm>> -> memref<10000x64xf32, #tpu.memory_space<hbm>>
    tpu.enqueue_indirect_dma source(%dma_start3A_339 : memref<10000x64xf32, #tpu.memory_space<hbm>>) target(%arg25 : memref<80x64xf32, #tpu.memory_space<vmem>>) offsets(%dma_start3A_336 : memref<80xi32, #tpu.memory_space<vmem>>) semaphore(%arg29 : memref<!tpu.dma_semaphore, #tpu.memory_space<semaphore_mem>>)
    %dma_start3A_340 = arith.constant 720 : i32
    %dma_start3A_341 = tpu.memref_slice %arg15[%dma_start3A_340] : memref<10000xi32, #tpu.memory_space<vmem>> -> memref<80xi32, #tpu.memory_space<vmem>>
    %dma_start3A_342 = arith.constant 0 : i32
    %dma_start3A_343 = arith.constant 0 : i32
    %dma_start3A_344 = tpu.memref_slice %arg4[%dma_start3A_342, %dma_start3A_343] : memref<10000x64xf32, #tpu.memory_space<hbm>> -> memref<10000x64xf32, #tpu.memory_space<hbm>>
    tpu.enqueue_indirect_dma source(%dma_start3A_344 : memref<10000x64xf32, #tpu.memory_space<hbm>>) target(%arg26 : memref<80x64xf32, #tpu.memory_space<vmem>>) offsets(%dma_start3A_341 : memref<80xi32, #tpu.memory_space<vmem>>) semaphore(%arg29 : memref<!tpu.dma_semaphore, #tpu.memory_space<semaphore_mem>>)
    %scan3A_345 = arith.constant 0 : i32
    %scan3A_346 = arith.constant 0 : i32
    %scan3A_347 = arith.constant 12 : i32
    %scan3A_348 = arith.addi %scan3A_346, %scan3A_347 : i32
    %scan3A_349 = arith.constant 1 : i32
    %scan3A_350 = scf.for %scan3A_442 = %scan3A_346 to %scan3A_348 step %scan3A_349 iter_args(%scan3A_443 = %scan3A_345) -> (i32)  : i32 {
      %mul3A_444 = arith.constant 2 : i32
      %mul3A_445 = arith.muli %mul3A_444, %scan3A_442 : i32
      %mul3A_446 = arith.constant 5 : i32
      %mul3A_447 = arith.muli %mul3A_445, %mul3A_446 : i32
      %add3A_448 = arith.constant 0 : i32
      %add3A_449 = arith.addi %mul3A_447, %add3A_448 : i32
      %mul3A_450 = arith.constant 80 : i32
      %mul3A_451 = arith.muli %add3A_449, %mul3A_450 : i32
      %dma_wait3A_452 = tpu.memref_slice %arg15[%mul3A_451] : memref<10000xi32, #tpu.memory_space<vmem>> -> memref<80xi32, #tpu.memory_space<vmem>>
      %dma_wait3A_453 = arith.constant 0 : i32
      %dma_wait3A_454 = arith.constant 0 : i32
      %dma_wait3A_455 = tpu.memref_slice %arg4[%dma_wait3A_453, %dma_wait3A_454] : memref<10000x64xf32, #tpu.memory_space<hbm>> -> memref<10000x64xf32, #tpu.memory_space<hbm>>
      tpu.wait_indirect_dma semaphore(%arg28 : memref<!tpu.dma_semaphore, #tpu.memory_space<semaphore_mem>>) src(%dma_wait3A_455 : memref<10000x64xf32, #tpu.memory_space<hbm>>) dst(%arg17 : memref<80x64xf32, #tpu.memory_space<vmem>>)
      %mul3A_456 = arith.constant 5 : i32
      %mul3A_457 = arith.muli %mul3A_445, %mul3A_456 : i32
      %add3A_458 = arith.constant 1 : i32
      %add3A_459 = arith.addi %mul3A_457, %add3A_458 : i32
      %mul3A_460 = arith.constant 80 : i32
      %mul3A_461 = arith.muli %add3A_459, %mul3A_460 : i32
      %dma_wait3A_462 = tpu.memref_slice %arg15[%mul3A_461] : memref<10000xi32, #tpu.memory_space<vmem>> -> memref<80xi32, #tpu.memory_space<vmem>>
      %dma_wait3A_463 = arith.constant 0 : i32
      %dma_wait3A_464 = arith.constant 0 : i32
      %dma_wait3A_465 = tpu.memref_slice %arg4[%dma_wait3A_463, %dma_wait3A_464] : memref<10000x64xf32, #tpu.memory_space<hbm>> -> memref<10000x64xf32, #tpu.memory_space<hbm>>
      tpu.wait_indirect_dma semaphore(%arg28 : memref<!tpu.dma_semaphore, #tpu.memory_space<semaphore_mem>>) src(%dma_wait3A_465 : memref<10000x64xf32, #tpu.memory_space<hbm>>) dst(%arg18 : memref<80x64xf32, #tpu.memory_space<vmem>>)
      %mul3A_466 = arith.constant 5 : i32
      %mul3A_467 = arith.muli %mul3A_445, %mul3A_466 : i32
      %add3A_468 = arith.constant 2 : i32
      %add3A_469 = arith.addi %mul3A_467, %add3A_468 : i32
      %mul3A_470 = arith.constant 80 : i32
      %mul3A_471 = arith.muli %add3A_469, %mul3A_470 : i32
      %dma_wait3A_472 = tpu.memref_slice %arg15[%mul3A_471] : memref<10000xi32, #tpu.memory_space<vmem>> -> memref<80xi32, #tpu.memory_space<vmem>>
      %dma_wait3A_473 = arith.constant 0 : i32
      %dma_wait3A_474 = arith.constant 0 : i32
      %dma_wait3A_475 = tpu.memref_slice %arg4[%dma_wait3A_473, %dma_wait3A_474] : memref<10000x64xf32, #tpu.memory_space<hbm>> -> memref<10000x64xf32, #tpu.memory_space<hbm>>
      tpu.wait_indirect_dma semaphore(%arg28 : memref<!tpu.dma_semaphore, #tpu.memory_space<semaphore_mem>>) src(%dma_wait3A_475 : memref<10000x64xf32, #tpu.memory_space<hbm>>) dst(%arg19 : memref<80x64xf32, #tpu.memory_space<vmem>>)
      %mul3A_476 = arith.constant 5 : i32
      %mul3A_477 = arith.muli %mul3A_445, %mul3A_476 : i32
      %add3A_478 = arith.constant 3 : i32
      %add3A_479 = arith.addi %mul3A_477, %add3A_478 : i32
      %mul3A_480 = arith.constant 80 : i32
      %mul3A_481 = arith.muli %add3A_479, %mul3A_480 : i32
      %dma_wait3A_482 = tpu.memref_slice %arg15[%mul3A_481] : memref<10000xi32, #tpu.memory_space<vmem>> -> memref<80xi32, #tpu.memory_space<vmem>>
      %dma_wait3A_483 = arith.constant 0 : i32
      %dma_wait3A_484 = arith.constant 0 : i32
      %dma_wait3A_485 = tpu.memref_slice %arg4[%dma_wait3A_483, %dma_wait3A_484] : memref<10000x64xf32, #tpu.memory_space<hbm>> -> memref<10000x64xf32, #tpu.memory_space<hbm>>
      tpu.wait_indirect_dma semaphore(%arg28 : memref<!tpu.dma_semaphore, #tpu.memory_space<semaphore_mem>>) src(%dma_wait3A_485 : memref<10000x64xf32, #tpu.memory_space<hbm>>) dst(%arg20 : memref<80x64xf32, #tpu.memory_space<vmem>>)
      %mul3A_486 = arith.constant 5 : i32
      %mul3A_487 = arith.muli %mul3A_445, %mul3A_486 : i32
      %add3A_488 = arith.constant 4 : i32
      %add3A_489 = arith.addi %mul3A_487, %add3A_488 : i32
      %mul3A_490 = arith.constant 80 : i32
      %mul3A_491 = arith.muli %add3A_489, %mul3A_490 : i32
      %dma_wait3A_492 = tpu.memref_slice %arg15[%mul3A_491] : memref<10000xi32, #tpu.memory_space<vmem>> -> memref<80xi32, #tpu.memory_space<vmem>>
      %dma_wait3A_493 = arith.constant 0 : i32
      %dma_wait3A_494 = arith.constant 0 : i32
      %dma_wait3A_495 = tpu.memref_slice %arg4[%dma_wait3A_493, %dma_wait3A_494] : memref<10000x64xf32, #tpu.memory_space<hbm>> -> memref<10000x64xf32, #tpu.memory_space<hbm>>
      tpu.wait_indirect_dma semaphore(%arg28 : memref<!tpu.dma_semaphore, #tpu.memory_space<semaphore_mem>>) src(%dma_wait3A_495 : memref<10000x64xf32, #tpu.memory_space<hbm>>) dst(%arg21 : memref<80x64xf32, #tpu.memory_space<vmem>>)
      %mul3A_496 = arith.constant 5 : i32
      %mul3A_497 = arith.muli %mul3A_445, %mul3A_496 : i32
      %add3A_498 = arith.constant 0 : i32
      %add3A_499 = arith.addi %mul3A_497, %add3A_498 : i32
      %mul3A_500 = arith.constant 80 : i32
      %mul3A_501 = arith.muli %add3A_499, %mul3A_500 : i32
      %dma_start3A_502 = tpu.memref_slice %arg16[%mul3A_501] : memref<10000xi32, #tpu.memory_space<vmem>> -> memref<80xi32, #tpu.memory_space<vmem>>
      %dma_start3A_503 = arith.constant 0 : i32
      %dma_start3A_504 = arith.constant 0 : i32
      %dma_start3A_505 = tpu.memref_slice %arg12[%dma_start3A_503, %dma_start3A_504] : memref<10240x64xf32, #tpu.memory_space<vmem_shared>> -> memref<10240x64xf32, #tpu.memory_space<vmem_shared>>
      tpu.enqueue_indirect_dma source(%arg17 : memref<80x64xf32, #tpu.memory_space<vmem>>) target(%dma_start3A_505 : memref<10240x64xf32, #tpu.memory_space<vmem_shared>>) offsets(%dma_start3A_502 : memref<80xi32, #tpu.memory_space<vmem>>) semaphore(%arg30 : memref<!tpu.dma_semaphore, #tpu.memory_space<semaphore_mem>>) {add = true}
      %mul3A_506 = arith.constant 5 : i32
      %mul3A_507 = arith.muli %mul3A_445, %mul3A_506 : i32
      %add3A_508 = arith.constant 1 : i32
      %add3A_509 = arith.addi %mul3A_507, %add3A_508 : i32
      %mul3A_510 = arith.constant 80 : i32
      %mul3A_511 = arith.muli %add3A_509, %mul3A_510 : i32
      %dma_start3A_512 = tpu.memref_slice %arg16[%mul3A_511] : memref<10000xi32, #tpu.memory_space<vmem>> -> memref<80xi32, #tpu.memory_space<vmem>>
      %dma_start3A_513 = arith.constant 0 : i32
      %dma_start3A_514 = arith.constant 0 : i32
      %dma_start3A_515 = tpu.memref_slice %arg12[%dma_start3A_513, %dma_start3A_514] : memref<10240x64xf32, #tpu.memory_space<vmem_shared>> -> memref<10240x64xf32, #tpu.memory_space<vmem_shared>>
      tpu.enqueue_indirect_dma source(%arg18 : memref<80x64xf32, #tpu.memory_space<vmem>>) target(%dma_start3A_515 : memref<10240x64xf32, #tpu.memory_space<vmem_shared>>) offsets(%dma_start3A_512 : memref<80xi32, #tpu.memory_space<vmem>>) semaphore(%arg30 : memref<!tpu.dma_semaphore, #tpu.memory_space<semaphore_mem>>) {add = true}
      %mul3A_516 = arith.constant 5 : i32
      %mul3A_517 = arith.muli %mul3A_445, %mul3A_516 : i32
      %add3A_518 = arith.constant 2 : i32
      %add3A_519 = arith.addi %mul3A_517, %add3A_518 : i32
      %mul3A_520 = arith.constant 80 : i32
      %mul3A_521 = arith.muli %add3A_519, %mul3A_520 : i32
      %dma_start3A_522 = tpu.memref_slice %arg16[%mul3A_521] : memref<10000xi32, #tpu.memory_space<vmem>> -> memref<80xi32, #tpu.memory_space<vmem>>
      %dma_start3A_523 = arith.constant 0 : i32
      %dma_start3A_524 = arith.constant 0 : i32
      %dma_start3A_525 = tpu.memref_slice %arg12[%dma_start3A_523, %dma_start3A_524] : memref<10240x64xf32, #tpu.memory_space<vmem_shared>> -> memref<10240x64xf32, #tpu.memory_space<vmem_shared>>
      tpu.enqueue_indirect_dma source(%arg19 : memref<80x64xf32, #tpu.memory_space<vmem>>) target(%dma_start3A_525 : memref<10240x64xf32, #tpu.memory_space<vmem_shared>>) offsets(%dma_start3A_522 : memref<80xi32, #tpu.memory_space<vmem>>) semaphore(%arg30 : memref<!tpu.dma_semaphore, #tpu.memory_space<semaphore_mem>>) {add = true}
      %mul3A_526 = arith.constant 5 : i32
      %mul3A_527 = arith.muli %mul3A_445, %mul3A_526 : i32
      %add3A_528 = arith.constant 3 : i32
      %add3A_529 = arith.addi %mul3A_527, %add3A_528 : i32
      %mul3A_530 = arith.constant 80 : i32
      %mul3A_531 = arith.muli %add3A_529, %mul3A_530 : i32
      %dma_start3A_532 = tpu.memref_slice %arg16[%mul3A_531] : memref<10000xi32, #tpu.memory_space<vmem>> -> memref<80xi32, #tpu.memory_space<vmem>>
      %dma_start3A_533 = arith.constant 0 : i32
      %dma_start3A_534 = arith.constant 0 : i32
      %dma_start3A_535 = tpu.memref_slice %arg12[%dma_start3A_533, %dma_start3A_534] : memref<10240x64xf32, #tpu.memory_space<vmem_shared>> -> memref<10240x64xf32, #tpu.memory_space<vmem_shared>>
      tpu.enqueue_indirect_dma source(%arg20 : memref<80x64xf32, #tpu.memory_space<vmem>>) target(%dma_start3A_535 : memref<10240x64xf32, #tpu.memory_space<vmem_shared>>) offsets(%dma_start3A_532 : memref<80xi32, #tpu.memory_space<vmem>>) semaphore(%arg30 : memref<!tpu.dma_semaphore, #tpu.memory_space<semaphore_mem>>) {add = true}
      %mul3A_536 = arith.constant 5 : i32
      %mul3A_537 = arith.muli %mul3A_445, %mul3A_536 : i32
      %add3A_538 = arith.constant 4 : i32
      %add3A_539 = arith.addi %mul3A_537, %add3A_538 : i32
      %mul3A_540 = arith.constant 80 : i32
      %mul3A_541 = arith.muli %add3A_539, %mul3A_540 : i32
      %dma_start3A_542 = tpu.memref_slice %arg16[%mul3A_541] : memref<10000xi32, #tpu.memory_space<vmem>> -> memref<80xi32, #tpu.memory_space<vmem>>
      %dma_start3A_543 = arith.constant 0 : i32
      %dma_start3A_544 = arith.constant 0 : i32
      %dma_start3A_545 = tpu.memref_slice %arg12[%dma_start3A_543, %dma_start3A_544] : memref<10240x64xf32, #tpu.memory_space<vmem_shared>> -> memref<10240x64xf32, #tpu.memory_space<vmem_shared>>
      tpu.enqueue_indirect_dma source(%arg21 : memref<80x64xf32, #tpu.memory_space<vmem>>) target(%dma_start3A_545 : memref<10240x64xf32, #tpu.memory_space<vmem_shared>>) offsets(%dma_start3A_542 : memref<80xi32, #tpu.memory_space<vmem>>) semaphore(%arg30 : memref<!tpu.dma_semaphore, #tpu.memory_space<semaphore_mem>>) {add = true}
      %dma_wait3A_546 = tpu.memref_slice %arg16[%mul3A_501] : memref<10000xi32, #tpu.memory_space<vmem>> -> memref<80xi32, #tpu.memory_space<vmem>>
      %dma_wait3A_547 = arith.constant 0 : i32
      %dma_wait3A_548 = arith.constant 0 : i32
      %dma_wait3A_549 = tpu.memref_slice %arg12[%dma_wait3A_547, %dma_wait3A_548] : memref<10240x64xf32, #tpu.memory_space<vmem_shared>> -> memref<10240x64xf32, #tpu.memory_space<vmem_shared>>
      tpu.wait_indirect_dma semaphore(%arg30 : memref<!tpu.dma_semaphore, #tpu.memory_space<semaphore_mem>>) src(%arg17 : memref<80x64xf32, #tpu.memory_space<vmem>>) dst(%dma_wait3A_549 : memref<10240x64xf32, #tpu.memory_space<vmem_shared>>)
      %dma_wait3A_550 = tpu.memref_slice %arg16[%mul3A_511] : memref<10000xi32, #tpu.memory_space<vmem>> -> memref<80xi32, #tpu.memory_space<vmem>>
      %dma_wait3A_551 = arith.constant 0 : i32
      %dma_wait3A_552 = arith.constant 0 : i32
      %dma_wait3A_553 = tpu.memref_slice %arg12[%dma_wait3A_551, %dma_wait3A_552] : memref<10240x64xf32, #tpu.memory_space<vmem_shared>> -> memref<10240x64xf32, #tpu.memory_space<vmem_shared>>
      tpu.wait_indirect_dma semaphore(%arg30 : memref<!tpu.dma_semaphore, #tpu.memory_space<semaphore_mem>>) src(%arg18 : memref<80x64xf32, #tpu.memory_space<vmem>>) dst(%dma_wait3A_553 : memref<10240x64xf32, #tpu.memory_space<vmem_shared>>)
      %dma_wait3A_554 = tpu.memref_slice %arg16[%mul3A_521] : memref<10000xi32, #tpu.memory_space<vmem>> -> memref<80xi32, #tpu.memory_space<vmem>>
      %dma_wait3A_555 = arith.constant 0 : i32
      %dma_wait3A_556 = arith.constant 0 : i32
      %dma_wait3A_557 = tpu.memref_slice %arg12[%dma_wait3A_555, %dma_wait3A_556] : memref<10240x64xf32, #tpu.memory_space<vmem_shared>> -> memref<10240x64xf32, #tpu.memory_space<vmem_shared>>
      tpu.wait_indirect_dma semaphore(%arg30 : memref<!tpu.dma_semaphore, #tpu.memory_space<semaphore_mem>>) src(%arg19 : memref<80x64xf32, #tpu.memory_space<vmem>>) dst(%dma_wait3A_557 : memref<10240x64xf32, #tpu.memory_space<vmem_shared>>)
      %dma_wait3A_558 = tpu.memref_slice %arg16[%mul3A_531] : memref<10000xi32, #tpu.memory_space<vmem>> -> memref<80xi32, #tpu.memory_space<vmem>>
      %dma_wait3A_559 = arith.constant 0 : i32
      %dma_wait3A_560 = arith.constant 0 : i32
      %dma_wait3A_561 = tpu.memref_slice %arg12[%dma_wait3A_559, %dma_wait3A_560] : memref<10240x64xf32, #tpu.memory_space<vmem_shared>> -> memref<10240x64xf32, #tpu.memory_space<vmem_shared>>
      tpu.wait_indirect_dma semaphore(%arg30 : memref<!tpu.dma_semaphore, #tpu.memory_space<semaphore_mem>>) src(%arg20 : memref<80x64xf32, #tpu.memory_space<vmem>>) dst(%dma_wait3A_561 : memref<10240x64xf32, #tpu.memory_space<vmem_shared>>)
      %dma_wait3A_562 = tpu.memref_slice %arg16[%mul3A_541] : memref<10000xi32, #tpu.memory_space<vmem>> -> memref<80xi32, #tpu.memory_space<vmem>>
      %dma_wait3A_563 = arith.constant 0 : i32
      %dma_wait3A_564 = arith.constant 0 : i32
      %dma_wait3A_565 = tpu.memref_slice %arg12[%dma_wait3A_563, %dma_wait3A_564] : memref<10240x64xf32, #tpu.memory_space<vmem_shared>> -> memref<10240x64xf32, #tpu.memory_space<vmem_shared>>
      tpu.wait_indirect_dma semaphore(%arg30 : memref<!tpu.dma_semaphore, #tpu.memory_space<semaphore_mem>>) src(%arg21 : memref<80x64xf32, #tpu.memory_space<vmem>>) dst(%dma_wait3A_565 : memref<10240x64xf32, #tpu.memory_space<vmem_shared>>)
      %add3A_566 = arith.constant 2 : i32
      %add3A_567 = arith.addi %mul3A_445, %add3A_566 : i32
      %mul3A_568 = arith.constant 5 : i32
      %mul3A_569 = arith.muli %add3A_567, %mul3A_568 : i32
      %add3A_570 = arith.constant 0 : i32
      %add3A_571 = arith.addi %mul3A_569, %add3A_570 : i32
      %mul3A_572 = arith.constant 80 : i32
      %mul3A_573 = arith.muli %add3A_571, %mul3A_572 : i32
      %dma_start3A_574 = tpu.memref_slice %arg15[%mul3A_573] : memref<10000xi32, #tpu.memory_space<vmem>> -> memref<80xi32, #tpu.memory_space<vmem>>
      %dma_start3A_575 = arith.constant 0 : i32
      %dma_start3A_576 = arith.constant 0 : i32
      %dma_start3A_577 = tpu.memref_slice %arg4[%dma_start3A_575, %dma_start3A_576] : memref<10000x64xf32, #tpu.memory_space<hbm>> -> memref<10000x64xf32, #tpu.memory_space<hbm>>
      tpu.enqueue_indirect_dma source(%dma_start3A_577 : memref<10000x64xf32, #tpu.memory_space<hbm>>) target(%arg17 : memref<80x64xf32, #tpu.memory_space<vmem>>) offsets(%dma_start3A_574 : memref<80xi32, #tpu.memory_space<vmem>>) semaphore(%arg28 : memref<!tpu.dma_semaphore, #tpu.memory_space<semaphore_mem>>)
      %mul3A_578 = arith.constant 5 : i32
      %mul3A_579 = arith.muli %add3A_567, %mul3A_578 : i32
      %add3A_580 = arith.constant 1 : i32
      %add3A_581 = arith.addi %mul3A_579, %add3A_580 : i32
      %mul3A_582 = arith.constant 80 : i32
      %mul3A_583 = arith.muli %add3A_581, %mul3A_582 : i32
      %dma_start3A_584 = tpu.memref_slice %arg15[%mul3A_583] : memref<10000xi32, #tpu.memory_space<vmem>> -> memref<80xi32, #tpu.memory_space<vmem>>
      %dma_start3A_585 = arith.constant 0 : i32
      %dma_start3A_586 = arith.constant 0 : i32
      %dma_start3A_587 = tpu.memref_slice %arg4[%dma_start3A_585, %dma_start3A_586] : memref<10000x64xf32, #tpu.memory_space<hbm>> -> memref<10000x64xf32, #tpu.memory_space<hbm>>
      tpu.enqueue_indirect_dma source(%dma_start3A_587 : memref<10000x64xf32, #tpu.memory_space<hbm>>) target(%arg18 : memref<80x64xf32, #tpu.memory_space<vmem>>) offsets(%dma_start3A_584 : memref<80xi32, #tpu.memory_space<vmem>>) semaphore(%arg28 : memref<!tpu.dma_semaphore, #tpu.memory_space<semaphore_mem>>)
      %mul3A_588 = arith.constant 5 : i32
      %mul3A_589 = arith.muli %add3A_567, %mul3A_588 : i32
      %add3A_590 = arith.constant 2 : i32
      %add3A_591 = arith.addi %mul3A_589, %add3A_590 : i32
      %mul3A_592 = arith.constant 80 : i32
      %mul3A_593 = arith.muli %add3A_591, %mul3A_592 : i32
      %dma_start3A_594 = tpu.memref_slice %arg15[%mul3A_593] : memref<10000xi32, #tpu.memory_space<vmem>> -> memref<80xi32, #tpu.memory_space<vmem>>
      %dma_start3A_595 = arith.constant 0 : i32
      %dma_start3A_596 = arith.constant 0 : i32
      %dma_start3A_597 = tpu.memref_slice %arg4[%dma_start3A_595, %dma_start3A_596] : memref<10000x64xf32, #tpu.memory_space<hbm>> -> memref<10000x64xf32, #tpu.memory_space<hbm>>
      tpu.enqueue_indirect_dma source(%dma_start3A_597 : memref<10000x64xf32, #tpu.memory_space<hbm>>) target(%arg19 : memref<80x64xf32, #tpu.memory_space<vmem>>) offsets(%dma_start3A_594 : memref<80xi32, #tpu.memory_space<vmem>>) semaphore(%arg28 : memref<!tpu.dma_semaphore, #tpu.memory_space<semaphore_mem>>)
      %mul3A_598 = arith.constant 5 : i32
      %mul3A_599 = arith.muli %add3A_567, %mul3A_598 : i32
      %add3A_600 = arith.constant 3 : i32
      %add3A_601 = arith.addi %mul3A_599, %add3A_600 : i32
      %mul3A_602 = arith.constant 80 : i32
      %mul3A_603 = arith.muli %add3A_601, %mul3A_602 : i32
      %dma_start3A_604 = tpu.memref_slice %arg15[%mul3A_603] : memref<10000xi32, #tpu.memory_space<vmem>> -> memref<80xi32, #tpu.memory_space<vmem>>
      %dma_start3A_605 = arith.constant 0 : i32
      %dma_start3A_606 = arith.constant 0 : i32
      %dma_start3A_607 = tpu.memref_slice %arg4[%dma_start3A_605, %dma_start3A_606] : memref<10000x64xf32, #tpu.memory_space<hbm>> -> memref<10000x64xf32, #tpu.memory_space<hbm>>
      tpu.enqueue_indirect_dma source(%dma_start3A_607 : memref<10000x64xf32, #tpu.memory_space<hbm>>) target(%arg20 : memref<80x64xf32, #tpu.memory_space<vmem>>) offsets(%dma_start3A_604 : memref<80xi32, #tpu.memory_space<vmem>>) semaphore(%arg28 : memref<!tpu.dma_semaphore, #tpu.memory_space<semaphore_mem>>)
      %mul3A_608 = arith.constant 5 : i32
      %mul3A_609 = arith.muli %add3A_567, %mul3A_608 : i32
      %add3A_610 = arith.constant 4 : i32
      %add3A_611 = arith.addi %mul3A_609, %add3A_610 : i32
      %mul3A_612 = arith.constant 80 : i32
      %mul3A_613 = arith.muli %add3A_611, %mul3A_612 : i32
      %dma_start3A_614 = tpu.memref_slice %arg15[%mul3A_613] : memref<10000xi32, #tpu.memory_space<vmem>> -> memref<80xi32, #tpu.memory_space<vmem>>
      %dma_start3A_615 = arith.constant 0 : i32
      %dma_start3A_616 = arith.constant 0 : i32
      %dma_start3A_617 = tpu.memref_slice %arg4[%dma_start3A_615, %dma_start3A_616] : memref<10000x64xf32, #tpu.memory_space<hbm>> -> memref<10000x64xf32, #tpu.memory_space<hbm>>
      tpu.enqueue_indirect_dma source(%dma_start3A_617 : memref<10000x64xf32, #tpu.memory_space<hbm>>) target(%arg21 : memref<80x64xf32, #tpu.memory_space<vmem>>) offsets(%dma_start3A_614 : memref<80xi32, #tpu.memory_space<vmem>>) semaphore(%arg28 : memref<!tpu.dma_semaphore, #tpu.memory_space<semaphore_mem>>)
      %add3A_618 = arith.constant 1 : i32
      %add3A_619 = arith.addi %mul3A_445, %add3A_618 : i32
      %mul3A_620 = arith.constant 5 : i32
      %mul3A_621 = arith.muli %add3A_619, %mul3A_620 : i32
      %add3A_622 = arith.constant 0 : i32
      %add3A_623 = arith.addi %mul3A_621, %add3A_622 : i32
      %mul3A_624 = arith.constant 80 : i32
      %mul3A_625 = arith.muli %add3A_623, %mul3A_624 : i32
      %dma_wait3A_626 = tpu.memref_slice %arg15[%mul3A_625] : memref<10000xi32, #tpu.memory_space<vmem>> -> memref<80xi32, #tpu.memory_space<vmem>>
      %dma_wait3A_627 = arith.constant 0 : i32
      %dma_wait3A_628 = arith.constant 0 : i32
      %dma_wait3A_629 = tpu.memref_slice %arg4[%dma_wait3A_627, %dma_wait3A_628] : memref<10000x64xf32, #tpu.memory_space<hbm>> -> memref<10000x64xf32, #tpu.memory_space<hbm>>
      tpu.wait_indirect_dma semaphore(%arg29 : memref<!tpu.dma_semaphore, #tpu.memory_space<semaphore_mem>>) src(%dma_wait3A_629 : memref<10000x64xf32, #tpu.memory_space<hbm>>) dst(%arg22 : memref<80x64xf32, #tpu.memory_space<vmem>>)
      %mul3A_630 = arith.constant 5 : i32
      %mul3A_631 = arith.muli %add3A_619, %mul3A_630 : i32
      %add3A_632 = arith.constant 1 : i32
      %add3A_633 = arith.addi %mul3A_631, %add3A_632 : i32
      %mul3A_634 = arith.constant 80 : i32
      %mul3A_635 = arith.muli %add3A_633, %mul3A_634 : i32
      %dma_wait3A_636 = tpu.memref_slice %arg15[%mul3A_635] : memref<10000xi32, #tpu.memory_space<vmem>> -> memref<80xi32, #tpu.memory_space<vmem>>
      %dma_wait3A_637 = arith.constant 0 : i32
      %dma_wait3A_638 = arith.constant 0 : i32
      %dma_wait3A_639 = tpu.memref_slice %arg4[%dma_wait3A_637, %dma_wait3A_638] : memref<10000x64xf32, #tpu.memory_space<hbm>> -> memref<10000x64xf32, #tpu.memory_space<hbm>>
      tpu.wait_indirect_dma semaphore(%arg29 : memref<!tpu.dma_semaphore, #tpu.memory_space<semaphore_mem>>) src(%dma_wait3A_639 : memref<10000x64xf32, #tpu.memory_space<hbm>>) dst(%arg23 : memref<80x64xf32, #tpu.memory_space<vmem>>)
      %mul3A_640 = arith.constant 5 : i32
      %mul3A_641 = arith.muli %add3A_619, %mul3A_640 : i32
      %add3A_642 = arith.constant 2 : i32
      %add3A_643 = arith.addi %mul3A_641, %add3A_642 : i32
      %mul3A_644 = arith.constant 80 : i32
      %mul3A_645 = arith.muli %add3A_643, %mul3A_644 : i32
      %dma_wait3A_646 = tpu.memref_slice %arg15[%mul3A_645] : memref<10000xi32, #tpu.memory_space<vmem>> -> memref<80xi32, #tpu.memory_space<vmem>>
      %dma_wait3A_647 = arith.constant 0 : i32
      %dma_wait3A_648 = arith.constant 0 : i32
      %dma_wait3A_649 = tpu.memref_slice %arg4[%dma_wait3A_647, %dma_wait3A_648] : memref<10000x64xf32, #tpu.memory_space<hbm>> -> memref<10000x64xf32, #tpu.memory_space<hbm>>
      tpu.wait_indirect_dma semaphore(%arg29 : memref<!tpu.dma_semaphore, #tpu.memory_space<semaphore_mem>>) src(%dma_wait3A_649 : memref<10000x64xf32, #tpu.memory_space<hbm>>) dst(%arg24 : memref<80x64xf32, #tpu.memory_space<vmem>>)
      %mul3A_650 = arith.constant 5 : i32
      %mul3A_651 = arith.muli %add3A_619, %mul3A_650 : i32
      %add3A_652 = arith.constant 3 : i32
      %add3A_653 = arith.addi %mul3A_651, %add3A_652 : i32
      %mul3A_654 = arith.constant 80 : i32
      %mul3A_655 = arith.muli %add3A_653, %mul3A_654 : i32
      %dma_wait3A_656 = tpu.memref_slice %arg15[%mul3A_655] : memref<10000xi32, #tpu.memory_space<vmem>> -> memref<80xi32, #tpu.memory_space<vmem>>
      %dma_wait3A_657 = arith.constant 0 : i32
      %dma_wait3A_658 = arith.constant 0 : i32
      %dma_wait3A_659 = tpu.memref_slice %arg4[%dma_wait3A_657, %dma_wait3A_658] : memref<10000x64xf32, #tpu.memory_space<hbm>> -> memref<10000x64xf32, #tpu.memory_space<hbm>>
      tpu.wait_indirect_dma semaphore(%arg29 : memref<!tpu.dma_semaphore, #tpu.memory_space<semaphore_mem>>) src(%dma_wait3A_659 : memref<10000x64xf32, #tpu.memory_space<hbm>>) dst(%arg25 : memref<80x64xf32, #tpu.memory_space<vmem>>)
      %mul3A_660 = arith.constant 5 : i32
      %mul3A_661 = arith.muli %add3A_619, %mul3A_660 : i32
      %add3A_662 = arith.constant 4 : i32
      %add3A_663 = arith.addi %mul3A_661, %add3A_662 : i32
      %mul3A_664 = arith.constant 80 : i32
      %mul3A_665 = arith.muli %add3A_663, %mul3A_664 : i32
      %dma_wait3A_666 = tpu.memref_slice %arg15[%mul3A_665] : memref<10000xi32, #tpu.memory_space<vmem>> -> memref<80xi32, #tpu.memory_space<vmem>>
      %dma_wait3A_667 = arith.constant 0 : i32
      %dma_wait3A_668 = arith.constant 0 : i32
      %dma_wait3A_669 = tpu.memref_slice %arg4[%dma_wait3A_667, %dma_wait3A_668] : memref<10000x64xf32, #tpu.memory_space<hbm>> -> memref<10000x64xf32, #tpu.memory_space<hbm>>
      tpu.wait_indirect_dma semaphore(%arg29 : memref<!tpu.dma_semaphore, #tpu.memory_space<semaphore_mem>>) src(%dma_wait3A_669 : memref<10000x64xf32, #tpu.memory_space<hbm>>) dst(%arg26 : memref<80x64xf32, #tpu.memory_space<vmem>>)
      %add3A_670 = arith.constant 1 : i32
      %add3A_671 = arith.addi %mul3A_445, %add3A_670 : i32
      %mul3A_672 = arith.constant 5 : i32
      %mul3A_673 = arith.muli %add3A_671, %mul3A_672 : i32
      %add3A_674 = arith.constant 0 : i32
      %add3A_675 = arith.addi %mul3A_673, %add3A_674 : i32
      %mul3A_676 = arith.constant 80 : i32
      %mul3A_677 = arith.muli %add3A_675, %mul3A_676 : i32
      %dma_start3A_678 = tpu.memref_slice %arg16[%mul3A_677] : memref<10000xi32, #tpu.memory_space<vmem>> -> memref<80xi32, #tpu.memory_space<vmem>>
      %dma_start3A_679 = arith.constant 0 : i32
      %dma_start3A_680 = arith.constant 0 : i32
      %dma_start3A_681 = tpu.memref_slice %arg12[%dma_start3A_679, %dma_start3A_680] : memref<10240x64xf32, #tpu.memory_space<vmem_shared>> -> memref<10240x64xf32, #tpu.memory_space<vmem_shared>>
      tpu.enqueue_indirect_dma source(%arg22 : memref<80x64xf32, #tpu.memory_space<vmem>>) target(%dma_start3A_681 : memref<10240x64xf32, #tpu.memory_space<vmem_shared>>) offsets(%dma_start3A_678 : memref<80xi32, #tpu.memory_space<vmem>>) semaphore(%arg31 : memref<!tpu.dma_semaphore, #tpu.memory_space<semaphore_mem>>) {add = true}
      %mul3A_682 = arith.constant 5 : i32
      %mul3A_683 = arith.muli %add3A_671, %mul3A_682 : i32
      %add3A_684 = arith.constant 1 : i32
      %add3A_685 = arith.addi %mul3A_683, %add3A_684 : i32
      %mul3A_686 = arith.constant 80 : i32
      %mul3A_687 = arith.muli %add3A_685, %mul3A_686 : i32
      %dma_start3A_688 = tpu.memref_slice %arg16[%mul3A_687] : memref<10000xi32, #tpu.memory_space<vmem>> -> memref<80xi32, #tpu.memory_space<vmem>>
      %dma_start3A_689 = arith.constant 0 : i32
      %dma_start3A_690 = arith.constant 0 : i32
      %dma_start3A_691 = tpu.memref_slice %arg12[%dma_start3A_689, %dma_start3A_690] : memref<10240x64xf32, #tpu.memory_space<vmem_shared>> -> memref<10240x64xf32, #tpu.memory_space<vmem_shared>>
      tpu.enqueue_indirect_dma source(%arg23 : memref<80x64xf32, #tpu.memory_space<vmem>>) target(%dma_start3A_691 : memref<10240x64xf32, #tpu.memory_space<vmem_shared>>) offsets(%dma_start3A_688 : memref<80xi32, #tpu.memory_space<vmem>>) semaphore(%arg31 : memref<!tpu.dma_semaphore, #tpu.memory_space<semaphore_mem>>) {add = true}
      %mul3A_692 = arith.constant 5 : i32
      %mul3A_693 = arith.muli %add3A_671, %mul3A_692 : i32
      %add3A_694 = arith.constant 2 : i32
      %add3A_695 = arith.addi %mul3A_693, %add3A_694 : i32
      %mul3A_696 = arith.constant 80 : i32
      %mul3A_697 = arith.muli %add3A_695, %mul3A_696 : i32
      %dma_start3A_698 = tpu.memref_slice %arg16[%mul3A_697] : memref<10000xi32, #tpu.memory_space<vmem>> -> memref<80xi32, #tpu.memory_space<vmem>>
      %dma_start3A_699 = arith.constant 0 : i32
      %dma_start3A_700 = arith.constant 0 : i32
      %dma_start3A_701 = tpu.memref_slice %arg12[%dma_start3A_699, %dma_start3A_700] : memref<10240x64xf32, #tpu.memory_space<vmem_shared>> -> memref<10240x64xf32, #tpu.memory_space<vmem_shared>>
      tpu.enqueue_indirect_dma source(%arg24 : memref<80x64xf32, #tpu.memory_space<vmem>>) target(%dma_start3A_701 : memref<10240x64xf32, #tpu.memory_space<vmem_shared>>) offsets(%dma_start3A_698 : memref<80xi32, #tpu.memory_space<vmem>>) semaphore(%arg31 : memref<!tpu.dma_semaphore, #tpu.memory_space<semaphore_mem>>) {add = true}
      %mul3A_702 = arith.constant 5 : i32
      %mul3A_703 = arith.muli %add3A_671, %mul3A_702 : i32
      %add3A_704 = arith.constant 3 : i32
      %add3A_705 = arith.addi %mul3A_703, %add3A_704 : i32
      %mul3A_706 = arith.constant 80 : i32
      %mul3A_707 = arith.muli %add3A_705, %mul3A_706 : i32
      %dma_start3A_708 = tpu.memref_slice %arg16[%mul3A_707] : memref<10000xi32, #tpu.memory_space<vmem>> -> memref<80xi32, #tpu.memory_space<vmem>>
      %dma_start3A_709 = arith.constant 0 : i32
      %dma_start3A_710 = arith.constant 0 : i32
      %dma_start3A_711 = tpu.memref_slice %arg12[%dma_start3A_709, %dma_start3A_710] : memref<10240x64xf32, #tpu.memory_space<vmem_shared>> -> memref<10240x64xf32, #tpu.memory_space<vmem_shared>>
      tpu.enqueue_indirect_dma source(%arg25 : memref<80x64xf32, #tpu.memory_space<vmem>>) target(%dma_start3A_711 : memref<10240x64xf32, #tpu.memory_space<vmem_shared>>) offsets(%dma_start3A_708 : memref<80xi32, #tpu.memory_space<vmem>>) semaphore(%arg31 : memref<!tpu.dma_semaphore, #tpu.memory_space<semaphore_mem>>) {add = true}
      %mul3A_712 = arith.constant 5 : i32
      %mul3A_713 = arith.muli %add3A_671, %mul3A_712 : i32
      %add3A_714 = arith.constant 4 : i32
      %add3A_715 = arith.addi %mul3A_713, %add3A_714 : i32
      %mul3A_716 = arith.constant 80 : i32
      %mul3A_717 = arith.muli %add3A_715, %mul3A_716 : i32
      %dma_start3A_718 = tpu.memref_slice %arg16[%mul3A_717] : memref<10000xi32, #tpu.memory_space<vmem>> -> memref<80xi32, #tpu.memory_space<vmem>>
      %dma_start3A_719 = arith.constant 0 : i32
      %dma_start3A_720 = arith.constant 0 : i32
      %dma_start3A_721 = tpu.memref_slice %arg12[%dma_start3A_719, %dma_start3A_720] : memref<10240x64xf32, #tpu.memory_space<vmem_shared>> -> memref<10240x64xf32, #tpu.memory_space<vmem_shared>>
      tpu.enqueue_indirect_dma source(%arg26 : memref<80x64xf32, #tpu.memory_space<vmem>>) target(%dma_start3A_721 : memref<10240x64xf32, #tpu.memory_space<vmem_shared>>) offsets(%dma_start3A_718 : memref<80xi32, #tpu.memory_space<vmem>>) semaphore(%arg31 : memref<!tpu.dma_semaphore, #tpu.memory_space<semaphore_mem>>) {add = true}
      %dma_wait3A_722 = tpu.memref_slice %arg16[%mul3A_677] : memref<10000xi32, #tpu.memory_space<vmem>> -> memref<80xi32, #tpu.memory_space<vmem>>
      %dma_wait3A_723 = arith.constant 0 : i32
      %dma_wait3A_724 = arith.constant 0 : i32
      %dma_wait3A_725 = tpu.memref_slice %arg12[%dma_wait3A_723, %dma_wait3A_724] : memref<10240x64xf32, #tpu.memory_space<vmem_shared>> -> memref<10240x64xf32, #tpu.memory_space<vmem_shared>>
      tpu.wait_indirect_dma semaphore(%arg31 : memref<!tpu.dma_semaphore, #tpu.memory_space<semaphore_mem>>) src(%arg22 : memref<80x64xf32, #tpu.memory_space<vmem>>) dst(%dma_wait3A_725 : memref<10240x64xf32, #tpu.memory_space<vmem_shared>>)
      %dma_wait3A_726 = tpu.memref_slice %arg16[%mul3A_687] : memref<10000xi32, #tpu.memory_space<vmem>> -> memref<80xi32, #tpu.memory_space<vmem>>
      %dma_wait3A_727 = arith.constant 0 : i32
      %dma_wait3A_728 = arith.constant 0 : i32
      %dma_wait3A_729 = tpu.memref_slice %arg12[%dma_wait3A_727, %dma_wait3A_728] : memref<10240x64xf32, #tpu.memory_space<vmem_shared>> -> memref<10240x64xf32, #tpu.memory_space<vmem_shared>>
      tpu.wait_indirect_dma semaphore(%arg31 : memref<!tpu.dma_semaphore, #tpu.memory_space<semaphore_mem>>) src(%arg23 : memref<80x64xf32, #tpu.memory_space<vmem>>) dst(%dma_wait3A_729 : memref<10240x64xf32, #tpu.memory_space<vmem_shared>>)
      %dma_wait3A_730 = tpu.memref_slice %arg16[%mul3A_697] : memref<10000xi32, #tpu.memory_space<vmem>> -> memref<80xi32, #tpu.memory_space<vmem>>
      %dma_wait3A_731 = arith.constant 0 : i32
      %dma_wait3A_732 = arith.constant 0 : i32
      %dma_wait3A_733 = tpu.memref_slice %arg12[%dma_wait3A_731, %dma_wait3A_732] : memref<10240x64xf32, #tpu.memory_space<vmem_shared>> -> memref<10240x64xf32, #tpu.memory_space<vmem_shared>>
      tpu.wait_indirect_dma semaphore(%arg31 : memref<!tpu.dma_semaphore, #tpu.memory_space<semaphore_mem>>) src(%arg24 : memref<80x64xf32, #tpu.memory_space<vmem>>) dst(%dma_wait3A_733 : memref<10240x64xf32, #tpu.memory_space<vmem_shared>>)
      %dma_wait3A_734 = tpu.memref_slice %arg16[%mul3A_707] : memref<10000xi32, #tpu.memory_space<vmem>> -> memref<80xi32, #tpu.memory_space<vmem>>
      %dma_wait3A_735 = arith.constant 0 : i32
      %dma_wait3A_736 = arith.constant 0 : i32
      %dma_wait3A_737 = tpu.memref_slice %arg12[%dma_wait3A_735, %dma_wait3A_736] : memref<10240x64xf32, #tpu.memory_space<vmem_shared>> -> memref<10240x64xf32, #tpu.memory_space<vmem_shared>>
      tpu.wait_indirect_dma semaphore(%arg31 : memref<!tpu.dma_semaphore, #tpu.memory_space<semaphore_mem>>) src(%arg25 : memref<80x64xf32, #tpu.memory_space<vmem>>) dst(%dma_wait3A_737 : memref<10240x64xf32, #tpu.memory_space<vmem_shared>>)
      %dma_wait3A_738 = tpu.memref_slice %arg16[%mul3A_717] : memref<10000xi32, #tpu.memory_space<vmem>> -> memref<80xi32, #tpu.memory_space<vmem>>
      %dma_wait3A_739 = arith.constant 0 : i32
      %dma_wait3A_740 = arith.constant 0 : i32
      %dma_wait3A_741 = tpu.memref_slice %arg12[%dma_wait3A_739, %dma_wait3A_740] : memref<10240x64xf32, #tpu.memory_space<vmem_shared>> -> memref<10240x64xf32, #tpu.memory_space<vmem_shared>>
      tpu.wait_indirect_dma semaphore(%arg31 : memref<!tpu.dma_semaphore, #tpu.memory_space<semaphore_mem>>) src(%arg26 : memref<80x64xf32, #tpu.memory_space<vmem>>) dst(%dma_wait3A_741 : memref<10240x64xf32, #tpu.memory_space<vmem_shared>>)
      %add3A_742 = arith.constant 3 : i32
      %add3A_743 = arith.addi %mul3A_445, %add3A_742 : i32
      %lt3A = arith.constant 25 : i32
      %lt3A_744 = arith.cmpi slt, %add3A_743, %lt3A : i32
      %convert_element_type3A = arith.extui %lt3A_744 : i1 to i32
      %cond3A = arith.constant 0 : i32
      %cond3A_745 = arith.cmpi ne, %convert_element_type3A, %cond3A : i32
      scf.if %cond3A_745 {
        %add3A_747 = arith.constant 3 : i32
        %add3A_748 = arith.addi %mul3A_445, %add3A_747 : i32
        %mul3A_749 = arith.constant 5 : i32
        %mul3A_750 = arith.muli %add3A_748, %mul3A_749 : i32
        %add3A_751 = arith.constant 0 : i32
        %add3A_752 = arith.addi %mul3A_750, %add3A_751 : i32
        %mul3A_753 = arith.constant 80 : i32
        %mul3A_754 = arith.muli %add3A_752, %mul3A_753 : i32
        %dma_start3A_755 = tpu.memref_slice %arg15[%mul3A_754] : memref<10000xi32, #tpu.memory_space<vmem>> -> memref<80xi32, #tpu.memory_space<vmem>>
        %dma_start3A_756 = arith.constant 0 : i32
        %dma_start3A_757 = arith.constant 0 : i32
        %dma_start3A_758 = tpu.memref_slice %arg4[%dma_start3A_756, %dma_start3A_757] : memref<10000x64xf32, #tpu.memory_space<hbm>> -> memref<10000x64xf32, #tpu.memory_space<hbm>>
        tpu.enqueue_indirect_dma source(%dma_start3A_758 : memref<10000x64xf32, #tpu.memory_space<hbm>>) target(%arg22 : memref<80x64xf32, #tpu.memory_space<vmem>>) offsets(%dma_start3A_755 : memref<80xi32, #tpu.memory_space<vmem>>) semaphore(%arg29 : memref<!tpu.dma_semaphore, #tpu.memory_space<semaphore_mem>>)
        %mul3A_759 = arith.constant 5 : i32
        %mul3A_760 = arith.muli %add3A_748, %mul3A_759 : i32
        %add3A_761 = arith.constant 1 : i32
        %add3A_762 = arith.addi %mul3A_760, %add3A_761 : i32
        %mul3A_763 = arith.constant 80 : i32
        %mul3A_764 = arith.muli %add3A_762, %mul3A_763 : i32
        %dma_start3A_765 = tpu.memref_slice %arg15[%mul3A_764] : memref<10000xi32, #tpu.memory_space<vmem>> -> memref<80xi32, #tpu.memory_space<vmem>>
        %dma_start3A_766 = arith.constant 0 : i32
        %dma_start3A_767 = arith.constant 0 : i32
        %dma_start3A_768 = tpu.memref_slice %arg4[%dma_start3A_766, %dma_start3A_767] : memref<10000x64xf32, #tpu.memory_space<hbm>> -> memref<10000x64xf32, #tpu.memory_space<hbm>>
        tpu.enqueue_indirect_dma source(%dma_start3A_768 : memref<10000x64xf32, #tpu.memory_space<hbm>>) target(%arg23 : memref<80x64xf32, #tpu.memory_space<vmem>>) offsets(%dma_start3A_765 : memref<80xi32, #tpu.memory_space<vmem>>) semaphore(%arg29 : memref<!tpu.dma_semaphore, #tpu.memory_space<semaphore_mem>>)
        %mul3A_769 = arith.constant 5 : i32
        %mul3A_770 = arith.muli %add3A_748, %mul3A_769 : i32
        %add3A_771 = arith.constant 2 : i32
        %add3A_772 = arith.addi %mul3A_770, %add3A_771 : i32
        %mul3A_773 = arith.constant 80 : i32
        %mul3A_774 = arith.muli %add3A_772, %mul3A_773 : i32
        %dma_start3A_775 = tpu.memref_slice %arg15[%mul3A_774] : memref<10000xi32, #tpu.memory_space<vmem>> -> memref<80xi32, #tpu.memory_space<vmem>>
        %dma_start3A_776 = arith.constant 0 : i32
        %dma_start3A_777 = arith.constant 0 : i32
        %dma_start3A_778 = tpu.memref_slice %arg4[%dma_start3A_776, %dma_start3A_777] : memref<10000x64xf32, #tpu.memory_space<hbm>> -> memref<10000x64xf32, #tpu.memory_space<hbm>>
        tpu.enqueue_indirect_dma source(%dma_start3A_778 : memref<10000x64xf32, #tpu.memory_space<hbm>>) target(%arg24 : memref<80x64xf32, #tpu.memory_space<vmem>>) offsets(%dma_start3A_775 : memref<80xi32, #tpu.memory_space<vmem>>) semaphore(%arg29 : memref<!tpu.dma_semaphore, #tpu.memory_space<semaphore_mem>>)
        %mul3A_779 = arith.constant 5 : i32
        %mul3A_780 = arith.muli %add3A_748, %mul3A_779 : i32
        %add3A_781 = arith.constant 3 : i32
        %add3A_782 = arith.addi %mul3A_780, %add3A_781 : i32
        %mul3A_783 = arith.constant 80 : i32
        %mul3A_784 = arith.muli %add3A_782, %mul3A_783 : i32
        %dma_start3A_785 = tpu.memref_slice %arg15[%mul3A_784] : memref<10000xi32, #tpu.memory_space<vmem>> -> memref<80xi32, #tpu.memory_space<vmem>>
        %dma_start3A_786 = arith.constant 0 : i32
        %dma_start3A_787 = arith.constant 0 : i32
        %dma_start3A_788 = tpu.memref_slice %arg4[%dma_start3A_786, %dma_start3A_787] : memref<10000x64xf32, #tpu.memory_space<hbm>> -> memref<10000x64xf32, #tpu.memory_space<hbm>>
        tpu.enqueue_indirect_dma source(%dma_start3A_788 : memref<10000x64xf32, #tpu.memory_space<hbm>>) target(%arg25 : memref<80x64xf32, #tpu.memory_space<vmem>>) offsets(%dma_start3A_785 : memref<80xi32, #tpu.memory_space<vmem>>) semaphore(%arg29 : memref<!tpu.dma_semaphore, #tpu.memory_space<semaphore_mem>>)
        %mul3A_789 = arith.constant 5 : i32
        %mul3A_790 = arith.muli %add3A_748, %mul3A_789 : i32
        %add3A_791 = arith.constant 4 : i32
        %add3A_792 = arith.addi %mul3A_790, %add3A_791 : i32
        %mul3A_793 = arith.constant 80 : i32
        %mul3A_794 = arith.muli %add3A_792, %mul3A_793 : i32
        %dma_start3A_795 = tpu.memref_slice %arg15[%mul3A_794] : memref<10000xi32, #tpu.memory_space<vmem>> -> memref<80xi32, #tpu.memory_space<vmem>>
        %dma_start3A_796 = arith.constant 0 : i32
        %dma_start3A_797 = arith.constant 0 : i32
        %dma_start3A_798 = tpu.memref_slice %arg4[%dma_start3A_796, %dma_start3A_797] : memref<10000x64xf32, #tpu.memory_space<hbm>> -> memref<10000x64xf32, #tpu.memory_space<hbm>>
        tpu.enqueue_indirect_dma source(%dma_start3A_798 : memref<10000x64xf32, #tpu.memory_space<hbm>>) target(%arg26 : memref<80x64xf32, #tpu.memory_space<vmem>>) offsets(%dma_start3A_795 : memref<80xi32, #tpu.memory_space<vmem>>) semaphore(%arg29 : memref<!tpu.dma_semaphore, #tpu.memory_space<semaphore_mem>>)
      } else {
      }
      %scan3A_746 = arith.constant 0 : i32
      scf.yield %scan3A_746 : i32
    }
    %scan3A_351 = arith.constant 12 : i32
    %dma_wait3A_352 = arith.constant 9600 : i32
    %dma_wait3A_353 = tpu.memref_slice %arg15[%dma_wait3A_352] : memref<10000xi32, #tpu.memory_space<vmem>> -> memref<80xi32, #tpu.memory_space<vmem>>
    %dma_wait3A_354 = arith.constant 0 : i32
    %dma_wait3A_355 = arith.constant 0 : i32
    %dma_wait3A_356 = tpu.memref_slice %arg4[%dma_wait3A_354, %dma_wait3A_355] : memref<10000x64xf32, #tpu.memory_space<hbm>> -> memref<10000x64xf32, #tpu.memory_space<hbm>>
    tpu.wait_indirect_dma semaphore(%arg28 : memref<!tpu.dma_semaphore, #tpu.memory_space<semaphore_mem>>) src(%dma_wait3A_356 : memref<10000x64xf32, #tpu.memory_space<hbm>>) dst(%arg17 : memref<80x64xf32, #tpu.memory_space<vmem>>)
    %dma_wait3A_357 = arith.constant 9680 : i32
    %dma_wait3A_358 = tpu.memref_slice %arg15[%dma_wait3A_357] : memref<10000xi32, #tpu.memory_space<vmem>> -> memref<80xi32, #tpu.memory_space<vmem>>
    %dma_wait3A_359 = arith.constant 0 : i32
    %dma_wait3A_360 = arith.constant 0 : i32
    %dma_wait3A_361 = tpu.memref_slice %arg4[%dma_wait3A_359, %dma_wait3A_360] : memref<10000x64xf32, #tpu.memory_space<hbm>> -> memref<10000x64xf32, #tpu.memory_space<hbm>>
    tpu.wait_indirect_dma semaphore(%arg28 : memref<!tpu.dma_semaphore, #tpu.memory_space<semaphore_mem>>) src(%dma_wait3A_361 : memref<10000x64xf32, #tpu.memory_space<hbm>>) dst(%arg18 : memref<80x64xf32, #tpu.memory_space<vmem>>)
    %dma_wait3A_362 = arith.constant 9760 : i32
    %dma_wait3A_363 = tpu.memref_slice %arg15[%dma_wait3A_362] : memref<10000xi32, #tpu.memory_space<vmem>> -> memref<80xi32, #tpu.memory_space<vmem>>
    %dma_wait3A_364 = arith.constant 0 : i32
    %dma_wait3A_365 = arith.constant 0 : i32
    %dma_wait3A_366 = tpu.memref_slice %arg4[%dma_wait3A_364, %dma_wait3A_365] : memref<10000x64xf32, #tpu.memory_space<hbm>> -> memref<10000x64xf32, #tpu.memory_space<hbm>>
    tpu.wait_indirect_dma semaphore(%arg28 : memref<!tpu.dma_semaphore, #tpu.memory_space<semaphore_mem>>) src(%dma_wait3A_366 : memref<10000x64xf32, #tpu.memory_space<hbm>>) dst(%arg19 : memref<80x64xf32, #tpu.memory_space<vmem>>)
    %dma_wait3A_367 = arith.constant 9840 : i32
    %dma_wait3A_368 = tpu.memref_slice %arg15[%dma_wait3A_367] : memref<10000xi32, #tpu.memory_space<vmem>> -> memref<80xi32, #tpu.memory_space<vmem>>
    %dma_wait3A_369 = arith.constant 0 : i32
    %dma_wait3A_370 = arith.constant 0 : i32
    %dma_wait3A_371 = tpu.memref_slice %arg4[%dma_wait3A_369, %dma_wait3A_370] : memref<10000x64xf32, #tpu.memory_space<hbm>> -> memref<10000x64xf32, #tpu.memory_space<hbm>>
    tpu.wait_indirect_dma semaphore(%arg28 : memref<!tpu.dma_semaphore, #tpu.memory_space<semaphore_mem>>) src(%dma_wait3A_371 : memref<10000x64xf32, #tpu.memory_space<hbm>>) dst(%arg20 : memref<80x64xf32, #tpu.memory_space<vmem>>)
    %dma_wait3A_372 = arith.constant 9920 : i32
    %dma_wait3A_373 = tpu.memref_slice %arg15[%dma_wait3A_372] : memref<10000xi32, #tpu.memory_space<vmem>> -> memref<80xi32, #tpu.memory_space<vmem>>
    %dma_wait3A_374 = arith.constant 0 : i32
    %dma_wait3A_375 = arith.constant 0 : i32
    %dma_wait3A_376 = tpu.memref_slice %arg4[%dma_wait3A_374, %dma_wait3A_375] : memref<10000x64xf32, #tpu.memory_space<hbm>> -> memref<10000x64xf32, #tpu.memory_space<hbm>>
    tpu.wait_indirect_dma semaphore(%arg28 : memref<!tpu.dma_semaphore, #tpu.memory_space<semaphore_mem>>) src(%dma_wait3A_376 : memref<10000x64xf32, #tpu.memory_space<hbm>>) dst(%arg21 : memref<80x64xf32, #tpu.memory_space<vmem>>)
    %dma_start3A_377 = arith.constant 9600 : i32
    %dma_start3A_378 = tpu.memref_slice %arg16[%dma_start3A_377] : memref<10000xi32, #tpu.memory_space<vmem>> -> memref<80xi32, #tpu.memory_space<vmem>>
    %dma_start3A_379 = arith.constant 0 : i32
    %dma_start3A_380 = arith.constant 0 : i32
    %dma_start3A_381 = tpu.memref_slice %arg12[%dma_start3A_379, %dma_start3A_380] : memref<10240x64xf32, #tpu.memory_space<vmem_shared>> -> memref<10240x64xf32, #tpu.memory_space<vmem_shared>>
    tpu.enqueue_indirect_dma source(%arg17 : memref<80x64xf32, #tpu.memory_space<vmem>>) target(%dma_start3A_381 : memref<10240x64xf32, #tpu.memory_space<vmem_shared>>) offsets(%dma_start3A_378 : memref<80xi32, #tpu.memory_space<vmem>>) semaphore(%arg30 : memref<!tpu.dma_semaphore, #tpu.memory_space<semaphore_mem>>) {add = true}
    %dma_start3A_382 = arith.constant 9680 : i32
    %dma_start3A_383 = tpu.memref_slice %arg16[%dma_start3A_382] : memref<10000xi32, #tpu.memory_space<vmem>> -> memref<80xi32, #tpu.memory_space<vmem>>
    %dma_start3A_384 = arith.constant 0 : i32
    %dma_start3A_385 = arith.constant 0 : i32
    %dma_start3A_386 = tpu.memref_slice %arg12[%dma_start3A_384, %dma_start3A_385] : memref<10240x64xf32, #tpu.memory_space<vmem_shared>> -> memref<10240x64xf32, #tpu.memory_space<vmem_shared>>
    tpu.enqueue_indirect_dma source(%arg18 : memref<80x64xf32, #tpu.memory_space<vmem>>) target(%dma_start3A_386 : memref<10240x64xf32, #tpu.memory_space<vmem_shared>>) offsets(%dma_start3A_383 : memref<80xi32, #tpu.memory_space<vmem>>) semaphore(%arg30 : memref<!tpu.dma_semaphore, #tpu.memory_space<semaphore_mem>>) {add = true}
    %dma_start3A_387 = arith.constant 9760 : i32
    %dma_start3A_388 = tpu.memref_slice %arg16[%dma_start3A_387] : memref<10000xi32, #tpu.memory_space<vmem>> -> memref<80xi32, #tpu.memory_space<vmem>>
    %dma_start3A_389 = arith.constant 0 : i32
    %dma_start3A_390 = arith.constant 0 : i32
    %dma_start3A_391 = tpu.memref_slice %arg12[%dma_start3A_389, %dma_start3A_390] : memref<10240x64xf32, #tpu.memory_space<vmem_shared>> -> memref<10240x64xf32, #tpu.memory_space<vmem_shared>>
    tpu.enqueue_indirect_dma source(%arg19 : memref<80x64xf32, #tpu.memory_space<vmem>>) target(%dma_start3A_391 : memref<10240x64xf32, #tpu.memory_space<vmem_shared>>) offsets(%dma_start3A_388 : memref<80xi32, #tpu.memory_space<vmem>>) semaphore(%arg30 : memref<!tpu.dma_semaphore, #tpu.memory_space<semaphore_mem>>) {add = true}
    %dma_start3A_392 = arith.constant 9840 : i32
    %dma_start3A_393 = tpu.memref_slice %arg16[%dma_start3A_392] : memref<10000xi32, #tpu.memory_space<vmem>> -> memref<80xi32, #tpu.memory_space<vmem>>
    %dma_start3A_394 = arith.constant 0 : i32
    %dma_start3A_395 = arith.constant 0 : i32
    %dma_start3A_396 = tpu.memref_slice %arg12[%dma_start3A_394, %dma_start3A_395] : memref<10240x64xf32, #tpu.memory_space<vmem_shared>> -> memref<10240x64xf32, #tpu.memory_space<vmem_shared>>
    tpu.enqueue_indirect_dma source(%arg20 : memref<80x64xf32, #tpu.memory_space<vmem>>) target(%dma_start3A_396 : memref<10240x64xf32, #tpu.memory_space<vmem_shared>>) offsets(%dma_start3A_393 : memref<80xi32, #tpu.memory_space<vmem>>) semaphore(%arg30 : memref<!tpu.dma_semaphore, #tpu.memory_space<semaphore_mem>>) {add = true}
    %dma_start3A_397 = arith.constant 9920 : i32
    %dma_start3A_398 = tpu.memref_slice %arg16[%dma_start3A_397] : memref<10000xi32, #tpu.memory_space<vmem>> -> memref<80xi32, #tpu.memory_space<vmem>>
    %dma_start3A_399 = arith.constant 0 : i32
    %dma_start3A_400 = arith.constant 0 : i32
    %dma_start3A_401 = tpu.memref_slice %arg12[%dma_start3A_399, %dma_start3A_400] : memref<10240x64xf32, #tpu.memory_space<vmem_shared>> -> memref<10240x64xf32, #tpu.memory_space<vmem_shared>>
    tpu.enqueue_indirect_dma source(%arg21 : memref<80x64xf32, #tpu.memory_space<vmem>>) target(%dma_start3A_401 : memref<10240x64xf32, #tpu.memory_space<vmem_shared>>) offsets(%dma_start3A_398 : memref<80xi32, #tpu.memory_space<vmem>>) semaphore(%arg30 : memref<!tpu.dma_semaphore, #tpu.memory_space<semaphore_mem>>) {add = true}
    %dma_wait3A_402 = arith.constant 9600 : i32
    %dma_wait3A_403 = tpu.memref_slice %arg16[%dma_wait3A_402] : memref<10000xi32, #tpu.memory_space<vmem>> -> memref<80xi32, #tpu.memory_space<vmem>>
    %dma_wait3A_404 = arith.constant 0 : i32
    %dma_wait3A_405 = arith.constant 0 : i32
    %dma_wait3A_406 = tpu.memref_slice %arg12[%dma_wait3A_404, %dma_wait3A_405] : memref<10240x64xf32, #tpu.memory_space<vmem_shared>> -> memref<10240x64xf32, #tpu.memory_space<vmem_shared>>
    tpu.wait_indirect_dma semaphore(%arg30 : memref<!tpu.dma_semaphore, #tpu.memory_space<semaphore_mem>>) src(%arg17 : memref<80x64xf32, #tpu.memory_space<vmem>>) dst(%dma_wait3A_406 : memref<10240x64xf32, #tpu.memory_space<vmem_shared>>)
    %dma_wait3A_407 = arith.constant 9680 : i32
    %dma_wait3A_408 = tpu.memref_slice %arg16[%dma_wait3A_407] : memref<10000xi32, #tpu.memory_space<vmem>> -> memref<80xi32, #tpu.memory_space<vmem>>
    %dma_wait3A_409 = arith.constant 0 : i32
    %dma_wait3A_410 = arith.constant 0 : i32
    %dma_wait3A_411 = tpu.memref_slice %arg12[%dma_wait3A_409, %dma_wait3A_410] : memref<10240x64xf32, #tpu.memory_space<vmem_shared>> -> memref<10240x64xf32, #tpu.memory_space<vmem_shared>>
    tpu.wait_indirect_dma semaphore(%arg30 : memref<!tpu.dma_semaphore, #tpu.memory_space<semaphore_mem>>) src(%arg18 : memref<80x64xf32, #tpu.memory_space<vmem>>) dst(%dma_wait3A_411 : memref<10240x64xf32, #tpu.memory_space<vmem_shared>>)
    %dma_wait3A_412 = arith.constant 9760 : i32
    %dma_wait3A_413 = tpu.memref_slice %arg16[%dma_wait3A_412] : memref<10000xi32, #tpu.memory_space<vmem>> -> memref<80xi32, #tpu.memory_space<vmem>>
    %dma_wait3A_414 = arith.constant 0 : i32
    %dma_wait3A_415 = arith.constant 0 : i32
    %dma_wait3A_416 = tpu.memref_slice %arg12[%dma_wait3A_414, %dma_wait3A_415] : memref<10240x64xf32, #tpu.memory_space<vmem_shared>> -> memref<10240x64xf32, #tpu.memory_space<vmem_shared>>
    tpu.wait_indirect_dma semaphore(%arg30 : memref<!tpu.dma_semaphore, #tpu.memory_space<semaphore_mem>>) src(%arg19 : memref<80x64xf32, #tpu.memory_space<vmem>>) dst(%dma_wait3A_416 : memref<10240x64xf32, #tpu.memory_space<vmem_shared>>)
    %dma_wait3A_417 = arith.constant 9840 : i32
    %dma_wait3A_418 = tpu.memref_slice %arg16[%dma_wait3A_417] : memref<10000xi32, #tpu.memory_space<vmem>> -> memref<80xi32, #tpu.memory_space<vmem>>
    %dma_wait3A_419 = arith.constant 0 : i32
    %dma_wait3A_420 = arith.constant 0 : i32
    %dma_wait3A_421 = tpu.memref_slice %arg12[%dma_wait3A_419, %dma_wait3A_420] : memref<10240x64xf32, #tpu.memory_space<vmem_shared>> -> memref<10240x64xf32, #tpu.memory_space<vmem_shared>>
    tpu.wait_indirect_dma semaphore(%arg30 : memref<!tpu.dma_semaphore, #tpu.memory_space<semaphore_mem>>) src(%arg20 : memref<80x64xf32, #tpu.memory_space<vmem>>) dst(%dma_wait3A_421 : memref<10240x64xf32, #tpu.memory_space<vmem_shared>>)
    %dma_wait3A_422 = arith.constant 9920 : i32
    %dma_wait3A_423 = tpu.memref_slice %arg16[%dma_wait3A_422] : memref<10000xi32, #tpu.memory_space<vmem>> -> memref<80xi32, #tpu.memory_space<vmem>>
    %dma_wait3A_424 = arith.constant 0 : i32
    %dma_wait3A_425 = arith.constant 0 : i32
    %dma_wait3A_426 = tpu.memref_slice %arg12[%dma_wait3A_424, %dma_wait3A_425] : memref<10240x64xf32, #tpu.memory_space<vmem_shared>> -> memref<10240x64xf32, #tpu.memory_space<vmem_shared>>
    tpu.wait_indirect_dma semaphore(%arg30 : memref<!tpu.dma_semaphore, #tpu.memory_space<semaphore_mem>>) src(%arg21 : memref<80x64xf32, #tpu.memory_space<vmem>>) dst(%dma_wait3A_426 : memref<10240x64xf32, #tpu.memory_space<vmem_shared>>)
    %barrier3A_427 = arith.constant 0 : index
    tpu.barrier barrier_id(%barrier3A_427)
    %mul3A_428 = arith.constant 128 : i32
    %mul3A_429 = arith.muli %arg1, %mul3A_428 : i32
    %mul3A_430 = arith.constant 2048 : i32
    %mul3A_431 = arith.muli %arg0, %mul3A_430 : i32
    %mul3A_432 = arith.constant 128 : i32
    %mul3A_433 = arith.muli %arg1, %mul3A_432 : i32
    %add3A_434 = arith.addi %mul3A_431, %mul3A_433 : i32
    "tpu.region"() ({
      %run_scoped3A = tpu.sem_alloc : memref<!tpu.dma_semaphore, #tpu.memory_space<semaphore_mem>>
      %dma_start3A_442 = arith.constant 0 : i32
      %dma_start3A_443 = tpu.memref_slice %arg9[%add3A_434, %dma_start3A_442] : memref<4096x64xf32, #tpu.memory_space<hbm>> -> memref<128x64xf32, #tpu.memory_space<hbm>>
      %dma_start3A_444 = arith.constant 0 : i32
      %dma_start3A_445 = tpu.memref_slice %arg11[%mul3A_429, %dma_start3A_444] : memref<2048x64xf32, #tpu.memory_space<vmem_shared>> -> memref<128x64xf32, #tpu.memory_space<vmem_shared>>
      tpu.enqueue_dma source(%dma_start3A_445 : memref<128x64xf32, #tpu.memory_space<vmem_shared>>) target(%dma_start3A_443 : memref<128x64xf32, #tpu.memory_space<hbm>>) target_semaphore(%run_scoped3A : memref<!tpu.dma_semaphore, #tpu.memory_space<semaphore_mem>>)
      %dma_wait3A_446 = arith.constant 0 : i32
      %dma_wait3A_447 = tpu.memref_slice %arg9[%add3A_434, %dma_wait3A_446] : memref<4096x64xf32, #tpu.memory_space<hbm>> -> memref<128x64xf32, #tpu.memory_space<hbm>>
      %dma_wait3A_448 = arith.constant 0 : i32
      %dma_wait3A_449 = tpu.memref_slice %arg11[%mul3A_429, %dma_wait3A_448] : memref<2048x64xf32, #tpu.memory_space<vmem_shared>> -> memref<128x64xf32, #tpu.memory_space<vmem_shared>>
      tpu.wait_dma2 semaphore(%run_scoped3A : memref<!tpu.dma_semaphore, #tpu.memory_space<semaphore_mem>>) src(%dma_wait3A_449 : memref<128x64xf32, #tpu.memory_space<vmem_shared>>) dst(%dma_wait3A_447 : memref<128x64xf32, #tpu.memory_space<hbm>>)
      tpu.yield
    }) : () -> ()
    %mul3A_435 = arith.constant 640 : i32
    %mul3A_436 = arith.muli %arg1, %mul3A_435 : i32
    %mul3A_437 = arith.constant 10240 : i32
    %mul3A_438 = arith.muli %arg0, %mul3A_437 : i32
    %mul3A_439 = arith.constant 640 : i32
    %mul3A_440 = arith.muli %arg1, %mul3A_439 : i32
    %add3A_441 = arith.addi %mul3A_438, %mul3A_440 : i32
    "tpu.region"() ({
      %run_scoped3A = tpu.sem_alloc : memref<!tpu.dma_semaphore, #tpu.memory_space<semaphore_mem>>
      %dma_start3A_442 = arith.constant 0 : i32
      %dma_start3A_443 = tpu.memref_slice %arg10[%add3A_441, %dma_start3A_442] : memref<20480x64xf32, #tpu.memory_space<hbm>> -> memref<640x64xf32, #tpu.memory_space<hbm>>
      %dma_start3A_444 = arith.constant 0 : i32
      %dma_start3A_445 = tpu.memref_slice %arg12[%mul3A_436, %dma_start3A_444] : memref<10240x64xf32, #tpu.memory_space<vmem_shared>> -> memref<640x64xf32, #tpu.memory_space<vmem_shared>>
      tpu.enqueue_dma source(%dma_start3A_445 : memref<640x64xf32, #tpu.memory_space<vmem_shared>>) target(%dma_start3A_443 : memref<640x64xf32, #tpu.memory_space<hbm>>) target_semaphore(%run_scoped3A : memref<!tpu.dma_semaphore, #tpu.memory_space<semaphore_mem>>)
      %dma_wait3A_446 = arith.constant 0 : i32
      %dma_wait3A_447 = tpu.memref_slice %arg10[%add3A_441, %dma_wait3A_446] : memref<20480x64xf32, #tpu.memory_space<hbm>> -> memref<640x64xf32, #tpu.memory_space<hbm>>
      %dma_wait3A_448 = arith.constant 0 : i32
      %dma_wait3A_449 = tpu.memref_slice %arg12[%mul3A_436, %dma_wait3A_448] : memref<10240x64xf32, #tpu.memory_space<vmem_shared>> -> memref<640x64xf32, #tpu.memory_space<vmem_shared>>
      tpu.wait_dma2 semaphore(%run_scoped3A : memref<!tpu.dma_semaphore, #tpu.memory_space<semaphore_mem>>) src(%dma_wait3A_449 : memref<640x64xf32, #tpu.memory_space<vmem_shared>>) dst(%dma_wait3A_447 : memref<640x64xf32, #tpu.memory_space<hbm>>)
      tpu.yield
    }) : () -> ()
    return
  }
}

#map = affine_map<(d0, d1) -> (0, 0)>
#map1 = affine_map<(d0, d1) -> (0)>
module attributes {stable_mosaic.version = 14 : i64} {
  func.func @_sc_resid(%arg0: i32, %arg1: i32, %arg2: memref<10000x64xf32, #tpu.memory_space<hbm>>, %arg3: memref<64000xi32, #tpu.memory_space<hbm>>, %arg4: memref<64000xi32, #tpu.memory_space<hbm>>, %arg5: memref<4096x64xf32, #tpu.memory_space<hbm>>, %arg6: memref<2048x64xf32, #tpu.memory_space<vmem_shared>>, %arg7: memref<2000xi32, #tpu.memory_space<vmem>>, %arg8: memref<2000xi32, #tpu.memory_space<vmem>>, %arg9: memref<80x64xf32, #tpu.memory_space<vmem>>, %arg10: memref<80x64xf32, #tpu.memory_space<vmem>>, %arg11: memref<80x64xf32, #tpu.memory_space<vmem>>, %arg12: memref<80x64xf32, #tpu.memory_space<vmem>>, %arg13: memref<80x64xf32, #tpu.memory_space<vmem>>, %arg14: memref<80x64xf32, #tpu.memory_space<vmem>>, %arg15: memref<80x64xf32, #tpu.memory_space<vmem>>, %arg16: memref<80x64xf32, #tpu.memory_space<vmem>>, %arg17: memref<80x64xf32, #tpu.memory_space<vmem>>, %arg18: memref<80x64xf32, #tpu.memory_space<vmem>>, %arg19: memref<16x64xf32, #tpu.memory_space<vmem>>, %arg20: memref<!tpu.dma_semaphore, #tpu.memory_space<semaphore_mem>>, %arg21: memref<!tpu.dma_semaphore, #tpu.memory_space<semaphore_mem>>, %arg22: memref<!tpu.dma_semaphore, #tpu.memory_space<semaphore_mem>>, %arg23: memref<!tpu.dma_semaphore, #tpu.memory_space<semaphore_mem>>) attributes {dimension_semantics = [#tpu.dimension_semantics<core_parallel>, #tpu.dimension_semantics<subcore_parallel>], iteration_bounds = array<i64: 2, 16>, scalar_prefetch = 0 : i64, scratch_operands = 18 : i64, tpu.core_type = #tpu.core_type<sc_vector_subcore>, window_params = [{transform_indices = #map}, {transform_indices = #map1}, {transform_indices = #map1}, {transform_indices = #map}]} {
    %mul3A = arith.constant 2 : i32
    %mul3A_0 = arith.muli %arg1, %mul3A : i32
    %add3A = arith.addi %mul3A_0, %arg0 : i32
    %scan3A = arith.constant 0 : i32
    %scan3A_1 = arith.constant 0 : i32
    %scan3A_2 = arith.constant 64 : i32
    %scan3A_3 = arith.addi %scan3A_1, %scan3A_2 : i32
    %scan3A_4 = arith.constant 1 : i32
    %scan3A_5 = scf.for %scan3A_158 = %scan3A_1 to %scan3A_3 step %scan3A_4 iter_args(%scan3A_159 = %scan3A) -> (i32)  : i32 {
      %jit3A = arith.constant 4 : i32
      %div3A = arith.divsi %scan3A_158, %jit3A : i32
      %sign3A = arith.constant 0 : i32
      %sign3A_160 = arith.cmpi sgt, %scan3A_158, %sign3A : i32
      %sign3A_161 = arith.extui %sign3A_160 : i1 to i32
      %sign3A_162 = arith.constant 0 : i32
      %sign3A_163 = arith.cmpi slt, %scan3A_158, %sign3A_162 : i32
      %sign3A_164 = arith.extui %sign3A_163 : i1 to i32
      %sign3A_165 = arith.subi %sign3A_161, %sign3A_164 : i32
      %sign3A_166 = arith.constant 0 : i32
      %sign3A_167 = arith.cmpi sgt, %jit3A, %sign3A_166 : i32
      %sign3A_168 = arith.extui %sign3A_167 : i1 to i32
      %sign3A_169 = arith.constant 0 : i32
      %sign3A_170 = arith.cmpi slt, %jit3A, %sign3A_169 : i32
      %sign3A_171 = arith.extui %sign3A_170 : i1 to i32
      %sign3A_172 = arith.subi %sign3A_168, %sign3A_171 : i32
      %ne3A = arith.cmpi ne, %sign3A_165, %sign3A_172 : i32
      %rem3A = arith.remsi %scan3A_158, %jit3A : i32
      %ne3A_173 = arith.constant 0 : i32
      %ne3A_174 = arith.cmpi ne, %rem3A, %ne3A_173 : i32
      %and3A = arith.andi %ne3A, %ne3A_174 : i1
      %sub3A = arith.constant 1 : i32
      %sub3A_175 = arith.subi %div3A, %sub3A : i32
      %select_n3A = arith.select %and3A, %sub3A_175, %div3A : i32
      %jit3A_176 = arith.constant 4 : i32
      %eq3A = arith.constant 0 : i32
      %eq3A_177 = arith.cmpi eq, %jit3A_176, %eq3A : i32
      %jit3A_178 = arith.constant 1 : i32
      %select_n3A_179 = arith.select %eq3A_177, %jit3A_178, %jit3A_176 : i32
      %rem3A_180 = arith.remsi %scan3A_158, %select_n3A_179 : i32
      %ne3A_181 = arith.constant 0 : i32
      %ne3A_182 = arith.cmpi ne, %rem3A_180, %ne3A_181 : i32
      %lt3A = arith.constant 0 : i32
      %lt3A_183 = arith.cmpi slt, %rem3A_180, %lt3A : i32
      %lt3A_184 = arith.constant 0 : i32
      %lt3A_185 = arith.cmpi slt, %select_n3A_179, %lt3A_184 : i32
      %ne3A_186 = arith.xori %lt3A_183, %lt3A_185 : i1
      %and3A_187 = arith.andi %ne3A_186, %ne3A_182 : i1
      %add3A_188 = arith.addi %rem3A_180, %select_n3A_179 : i32
      %select_n3A_189 = arith.select %and3A_187, %add3A_188, %rem3A_180 : i32
      %broadcast_in_dim3A = arith.constant 0.000000e+00 : f32
      %broadcast_in_dim3A_190 = vector.broadcast %broadcast_in_dim3A : f32 to vector<16xf32>
      %mul3A_191 = arith.constant 16 : i32
      %mul3A_192 = arith.muli %select_n3A_189, %mul3A_191 : i32
      %swap3A = arith.index_cast %select_n3A : i32 to index
      %swap3A_193 = arith.index_cast %mul3A_192 : i32 to index
      %swap3A_194 = tpu.vector_load %arg19[%swap3A, %swap3A_193] {strides = array<i32>} : memref<16x64xf32, #tpu.memory_space<vmem>>, vector<1x16xf32>,
      %swap3A_195 = vector.shape_cast %swap3A_194 : vector<1x16xf32> to vector<16xf32>
      %swap3A_196 = vector.shape_cast %broadcast_in_dim3A_190 : vector<16xf32> to vector<1x16xf32>
      tpu.vector_store %arg19[%swap3A, %swap3A_193], %swap3A_196 {strides = array<i32>} : memref<16x64xf32, #tpu.memory_space<vmem>>, vector<1x16xf32>,
      %scan3A_197 = arith.constant 0 : i32
      scf.yield %scan3A_197 : i32
    }
    %scan3A_6 = arith.constant 64 : i32
    %mul3A_7 = arith.constant 128 : i32
    %mul3A_8 = arith.muli %arg1, %mul3A_7 : i32
    %scan3A_9 = arith.constant 0 : i32
    %scan3A_10 = arith.constant 0 : i32
    %scan3A_11 = arith.constant 8 : i32
    %scan3A_12 = arith.addi %scan3A_10, %scan3A_11 : i32
    %scan3A_13 = arith.constant 1 : i32
    %scan3A_14 = scf.for %scan3A_158 = %scan3A_10 to %scan3A_12 step %scan3A_13 iter_args(%scan3A_159 = %scan3A_9) -> (i32)  : i32 {
      %mul3A_160 = arith.constant 16 : i32
      %mul3A_161 = arith.muli %scan3A_158, %mul3A_160 : i32
      %add3A_162 = arith.addi %mul3A_8, %mul3A_161 : i32
      "tpu.region"() ({
        %run_scoped3A = tpu.sem_alloc : memref<!tpu.dma_semaphore, #tpu.memory_space<semaphore_mem>>
        %dma_start3A_164 = arith.constant 0 : i32
        %dma_start3A_165 = tpu.memref_slice %arg6[%add3A_162, %dma_start3A_164] : memref<2048x64xf32, #tpu.memory_space<vmem_shared>> -> memref<16x64xf32, #tpu.memory_space<vmem_shared>>
        %dma_start3A_166 = arith.constant 0 : i32
        %dma_start3A_167 = tpu.memref_slice %arg6[%add3A_162, %dma_start3A_166] : memref<2048x64xf32, #tpu.memory_space<vmem_shared>> -> memref<16x64xf32, #tpu.memory_space<vmem_shared>>
        tpu.enqueue_dma source(%arg19 : memref<16x64xf32, #tpu.memory_space<vmem>>) target(%dma_start3A_167 : memref<16x64xf32, #tpu.memory_space<vmem_shared>>) target_semaphore(%run_scoped3A : memref<!tpu.dma_semaphore, #tpu.memory_space<semaphore_mem>>)
        %dma_wait3A_168 = arith.constant 0 : i32
        %dma_wait3A_169 = tpu.memref_slice %arg6[%add3A_162, %dma_wait3A_168] : memref<2048x64xf32, #tpu.memory_space<vmem_shared>> -> memref<16x64xf32, #tpu.memory_space<vmem_shared>>
        %dma_wait3A_170 = arith.constant 0 : i32
        %dma_wait3A_171 = tpu.memref_slice %arg6[%add3A_162, %dma_wait3A_170] : memref<2048x64xf32, #tpu.memory_space<vmem_shared>> -> memref<16x64xf32, #tpu.memory_space<vmem_shared>>
        tpu.wait_dma2 semaphore(%run_scoped3A : memref<!tpu.dma_semaphore, #tpu.memory_space<semaphore_mem>>) src(%arg19 : memref<16x64xf32, #tpu.memory_space<vmem>>) dst(%dma_wait3A_171 : memref<16x64xf32, #tpu.memory_space<vmem_shared>>)
        tpu.yield
      }) : () -> ()
      %scan3A_163 = arith.constant 0 : i32
      scf.yield %scan3A_163 : i32
    }
    %scan3A_15 = arith.constant 8 : i32
    %barrier3A = arith.constant 0 : index
    tpu.barrier barrier_id(%barrier3A)
    %mul3A_16 = arith.constant 2000 : i32
    %mul3A_17 = arith.muli %add3A, %mul3A_16 : i32
    "tpu.region"() ({
      %run_scoped3A = tpu.sem_alloc : memref<!tpu.dma_semaphore, #tpu.memory_space<semaphore_mem>>
      %dma_start3A_158 = tpu.memref_slice %arg3[%mul3A_17] : memref<64000xi32, #tpu.memory_space<hbm>> -> memref<2000xi32, #tpu.memory_space<hbm>>
      %dma_start3A_159 = tpu.memref_slice %arg3[%mul3A_17] : memref<64000xi32, #tpu.memory_space<hbm>> -> memref<2000xi32, #tpu.memory_space<hbm>>
      tpu.enqueue_dma source(%dma_start3A_159 : memref<2000xi32, #tpu.memory_space<hbm>>) target(%arg7 : memref<2000xi32, #tpu.memory_space<vmem>>) target_semaphore(%run_scoped3A : memref<!tpu.dma_semaphore, #tpu.memory_space<semaphore_mem>>)
      %dma_wait3A_160 = tpu.memref_slice %arg3[%mul3A_17] : memref<64000xi32, #tpu.memory_space<hbm>> -> memref<2000xi32, #tpu.memory_space<hbm>>
      %dma_wait3A_161 = tpu.memref_slice %arg3[%mul3A_17] : memref<64000xi32, #tpu.memory_space<hbm>> -> memref<2000xi32, #tpu.memory_space<hbm>>
      tpu.wait_dma2 semaphore(%run_scoped3A : memref<!tpu.dma_semaphore, #tpu.memory_space<semaphore_mem>>) src(%dma_wait3A_161 : memref<2000xi32, #tpu.memory_space<hbm>>) dst(%arg7 : memref<2000xi32, #tpu.memory_space<vmem>>)
      tpu.yield
    }) : () -> ()
    %mul3A_18 = arith.constant 2000 : i32
    %mul3A_19 = arith.muli %add3A, %mul3A_18 : i32
    "tpu.region"() ({
      %run_scoped3A = tpu.sem_alloc : memref<!tpu.dma_semaphore, #tpu.memory_space<semaphore_mem>>
      %dma_start3A_158 = tpu.memref_slice %arg4[%mul3A_19] : memref<64000xi32, #tpu.memory_space<hbm>> -> memref<2000xi32, #tpu.memory_space<hbm>>
      %dma_start3A_159 = tpu.memref_slice %arg4[%mul3A_19] : memref<64000xi32, #tpu.memory_space<hbm>> -> memref<2000xi32, #tpu.memory_space<hbm>>
      tpu.enqueue_dma source(%dma_start3A_159 : memref<2000xi32, #tpu.memory_space<hbm>>) target(%arg8 : memref<2000xi32, #tpu.memory_space<vmem>>) target_semaphore(%run_scoped3A : memref<!tpu.dma_semaphore, #tpu.memory_space<semaphore_mem>>)
      %dma_wait3A_160 = tpu.memref_slice %arg4[%mul3A_19] : memref<64000xi32, #tpu.memory_space<hbm>> -> memref<2000xi32, #tpu.memory_space<hbm>>
      %dma_wait3A_161 = tpu.memref_slice %arg4[%mul3A_19] : memref<64000xi32, #tpu.memory_space<hbm>> -> memref<2000xi32, #tpu.memory_space<hbm>>
      tpu.wait_dma2 semaphore(%run_scoped3A : memref<!tpu.dma_semaphore, #tpu.memory_space<semaphore_mem>>) src(%dma_wait3A_161 : memref<2000xi32, #tpu.memory_space<hbm>>) dst(%arg8 : memref<2000xi32, #tpu.memory_space<vmem>>)
      tpu.yield
    }) : () -> ()
    %dma_start3A = arith.constant 0 : i32
    %dma_start3A_20 = tpu.memref_slice %arg8[%dma_start3A] : memref<2000xi32, #tpu.memory_space<vmem>> -> memref<80xi32, #tpu.memory_space<vmem>>
    %dma_start3A_21 = arith.constant 0 : i32
    %dma_start3A_22 = arith.constant 0 : i32
    %dma_start3A_23 = tpu.memref_slice %arg2[%dma_start3A_21, %dma_start3A_22] : memref<10000x64xf32, #tpu.memory_space<hbm>> -> memref<10000x64xf32, #tpu.memory_space<hbm>>
    tpu.enqueue_indirect_dma source(%dma_start3A_23 : memref<10000x64xf32, #tpu.memory_space<hbm>>) target(%arg9 : memref<80x64xf32, #tpu.memory_space<vmem>>) offsets(%dma_start3A_20 : memref<80xi32, #tpu.memory_space<vmem>>) semaphore(%arg20 : memref<!tpu.dma_semaphore, #tpu.memory_space<semaphore_mem>>)
    %dma_start3A_24 = arith.constant 80 : i32
    %dma_start3A_25 = tpu.memref_slice %arg8[%dma_start3A_24] : memref<2000xi32, #tpu.memory_space<vmem>> -> memref<80xi32, #tpu.memory_space<vmem>>
    %dma_start3A_26 = arith.constant 0 : i32
    %dma_start3A_27 = arith.constant 0 : i32
    %dma_start3A_28 = tpu.memref_slice %arg2[%dma_start3A_26, %dma_start3A_27] : memref<10000x64xf32, #tpu.memory_space<hbm>> -> memref<10000x64xf32, #tpu.memory_space<hbm>>
    tpu.enqueue_indirect_dma source(%dma_start3A_28 : memref<10000x64xf32, #tpu.memory_space<hbm>>) target(%arg10 : memref<80x64xf32, #tpu.memory_space<vmem>>) offsets(%dma_start3A_25 : memref<80xi32, #tpu.memory_space<vmem>>) semaphore(%arg20 : memref<!tpu.dma_semaphore, #tpu.memory_space<semaphore_mem>>)
    %dma_start3A_29 = arith.constant 160 : i32
    %dma_start3A_30 = tpu.memref_slice %arg8[%dma_start3A_29] : memref<2000xi32, #tpu.memory_space<vmem>> -> memref<80xi32, #tpu.memory_space<vmem>>
    %dma_start3A_31 = arith.constant 0 : i32
    %dma_start3A_32 = arith.constant 0 : i32
    %dma_start3A_33 = tpu.memref_slice %arg2[%dma_start3A_31, %dma_start3A_32] : memref<10000x64xf32, #tpu.memory_space<hbm>> -> memref<10000x64xf32, #tpu.memory_space<hbm>>
    tpu.enqueue_indirect_dma source(%dma_start3A_33 : memref<10000x64xf32, #tpu.memory_space<hbm>>) target(%arg11 : memref<80x64xf32, #tpu.memory_space<vmem>>) offsets(%dma_start3A_30 : memref<80xi32, #tpu.memory_space<vmem>>) semaphore(%arg20 : memref<!tpu.dma_semaphore, #tpu.memory_space<semaphore_mem>>)
    %dma_start3A_34 = arith.constant 240 : i32
    %dma_start3A_35 = tpu.memref_slice %arg8[%dma_start3A_34] : memref<2000xi32, #tpu.memory_space<vmem>> -> memref<80xi32, #tpu.memory_space<vmem>>
    %dma_start3A_36 = arith.constant 0 : i32
    %dma_start3A_37 = arith.constant 0 : i32
    %dma_start3A_38 = tpu.memref_slice %arg2[%dma_start3A_36, %dma_start3A_37] : memref<10000x64xf32, #tpu.memory_space<hbm>> -> memref<10000x64xf32, #tpu.memory_space<hbm>>
    tpu.enqueue_indirect_dma source(%dma_start3A_38 : memref<10000x64xf32, #tpu.memory_space<hbm>>) target(%arg12 : memref<80x64xf32, #tpu.memory_space<vmem>>) offsets(%dma_start3A_35 : memref<80xi32, #tpu.memory_space<vmem>>) semaphore(%arg20 : memref<!tpu.dma_semaphore, #tpu.memory_space<semaphore_mem>>)
    %dma_start3A_39 = arith.constant 320 : i32
    %dma_start3A_40 = tpu.memref_slice %arg8[%dma_start3A_39] : memref<2000xi32, #tpu.memory_space<vmem>> -> memref<80xi32, #tpu.memory_space<vmem>>
    %dma_start3A_41 = arith.constant 0 : i32
    %dma_start3A_42 = arith.constant 0 : i32
    %dma_start3A_43 = tpu.memref_slice %arg2[%dma_start3A_41, %dma_start3A_42] : memref<10000x64xf32, #tpu.memory_space<hbm>> -> memref<10000x64xf32, #tpu.memory_space<hbm>>
    tpu.enqueue_indirect_dma source(%dma_start3A_43 : memref<10000x64xf32, #tpu.memory_space<hbm>>) target(%arg13 : memref<80x64xf32, #tpu.memory_space<vmem>>) offsets(%dma_start3A_40 : memref<80xi32, #tpu.memory_space<vmem>>) semaphore(%arg20 : memref<!tpu.dma_semaphore, #tpu.memory_space<semaphore_mem>>)
    %dma_start3A_44 = arith.constant 400 : i32
    %dma_start3A_45 = tpu.memref_slice %arg8[%dma_start3A_44] : memref<2000xi32, #tpu.memory_space<vmem>> -> memref<80xi32, #tpu.memory_space<vmem>>
    %dma_start3A_46 = arith.constant 0 : i32
    %dma_start3A_47 = arith.constant 0 : i32
    %dma_start3A_48 = tpu.memref_slice %arg2[%dma_start3A_46, %dma_start3A_47] : memref<10000x64xf32, #tpu.memory_space<hbm>> -> memref<10000x64xf32, #tpu.memory_space<hbm>>
    tpu.enqueue_indirect_dma source(%dma_start3A_48 : memref<10000x64xf32, #tpu.memory_space<hbm>>) target(%arg14 : memref<80x64xf32, #tpu.memory_space<vmem>>) offsets(%dma_start3A_45 : memref<80xi32, #tpu.memory_space<vmem>>) semaphore(%arg21 : memref<!tpu.dma_semaphore, #tpu.memory_space<semaphore_mem>>)
    %dma_start3A_49 = arith.constant 480 : i32
    %dma_start3A_50 = tpu.memref_slice %arg8[%dma_start3A_49] : memref<2000xi32, #tpu.memory_space<vmem>> -> memref<80xi32, #tpu.memory_space<vmem>>
    %dma_start3A_51 = arith.constant 0 : i32
    %dma_start3A_52 = arith.constant 0 : i32
    %dma_start3A_53 = tpu.memref_slice %arg2[%dma_start3A_51, %dma_start3A_52] : memref<10000x64xf32, #tpu.memory_space<hbm>> -> memref<10000x64xf32, #tpu.memory_space<hbm>>
    tpu.enqueue_indirect_dma source(%dma_start3A_53 : memref<10000x64xf32, #tpu.memory_space<hbm>>) target(%arg15 : memref<80x64xf32, #tpu.memory_space<vmem>>) offsets(%dma_start3A_50 : memref<80xi32, #tpu.memory_space<vmem>>) semaphore(%arg21 : memref<!tpu.dma_semaphore, #tpu.memory_space<semaphore_mem>>)
    %dma_start3A_54 = arith.constant 560 : i32
    %dma_start3A_55 = tpu.memref_slice %arg8[%dma_start3A_54] : memref<2000xi32, #tpu.memory_space<vmem>> -> memref<80xi32, #tpu.memory_space<vmem>>
    %dma_start3A_56 = arith.constant 0 : i32
    %dma_start3A_57 = arith.constant 0 : i32
    %dma_start3A_58 = tpu.memref_slice %arg2[%dma_start3A_56, %dma_start3A_57] : memref<10000x64xf32, #tpu.memory_space<hbm>> -> memref<10000x64xf32, #tpu.memory_space<hbm>>
    tpu.enqueue_indirect_dma source(%dma_start3A_58 : memref<10000x64xf32, #tpu.memory_space<hbm>>) target(%arg16 : memref<80x64xf32, #tpu.memory_space<vmem>>) offsets(%dma_start3A_55 : memref<80xi32, #tpu.memory_space<vmem>>) semaphore(%arg21 : memref<!tpu.dma_semaphore, #tpu.memory_space<semaphore_mem>>)
    %dma_start3A_59 = arith.constant 640 : i32
    %dma_start3A_60 = tpu.memref_slice %arg8[%dma_start3A_59] : memref<2000xi32, #tpu.memory_space<vmem>> -> memref<80xi32, #tpu.memory_space<vmem>>
    %dma_start3A_61 = arith.constant 0 : i32
    %dma_start3A_62 = arith.constant 0 : i32
    %dma_start3A_63 = tpu.memref_slice %arg2[%dma_start3A_61, %dma_start3A_62] : memref<10000x64xf32, #tpu.memory_space<hbm>> -> memref<10000x64xf32, #tpu.memory_space<hbm>>
    tpu.enqueue_indirect_dma source(%dma_start3A_63 : memref<10000x64xf32, #tpu.memory_space<hbm>>) target(%arg17 : memref<80x64xf32, #tpu.memory_space<vmem>>) offsets(%dma_start3A_60 : memref<80xi32, #tpu.memory_space<vmem>>) semaphore(%arg21 : memref<!tpu.dma_semaphore, #tpu.memory_space<semaphore_mem>>)
    %dma_start3A_64 = arith.constant 720 : i32
    %dma_start3A_65 = tpu.memref_slice %arg8[%dma_start3A_64] : memref<2000xi32, #tpu.memory_space<vmem>> -> memref<80xi32, #tpu.memory_space<vmem>>
    %dma_start3A_66 = arith.constant 0 : i32
    %dma_start3A_67 = arith.constant 0 : i32
    %dma_start3A_68 = tpu.memref_slice %arg2[%dma_start3A_66, %dma_start3A_67] : memref<10000x64xf32, #tpu.memory_space<hbm>> -> memref<10000x64xf32, #tpu.memory_space<hbm>>
    tpu.enqueue_indirect_dma source(%dma_start3A_68 : memref<10000x64xf32, #tpu.memory_space<hbm>>) target(%arg18 : memref<80x64xf32, #tpu.memory_space<vmem>>) offsets(%dma_start3A_65 : memref<80xi32, #tpu.memory_space<vmem>>) semaphore(%arg21 : memref<!tpu.dma_semaphore, #tpu.memory_space<semaphore_mem>>)
    %scan3A_69 = arith.constant 0 : i32
    %scan3A_70 = arith.constant 0 : i32
    %scan3A_71 = arith.constant 2 : i32
    %scan3A_72 = arith.addi %scan3A_70, %scan3A_71 : i32
    %scan3A_73 = arith.constant 1 : i32
    %scan3A_74 = scf.for %scan3A_158 = %scan3A_70 to %scan3A_72 step %scan3A_73 iter_args(%scan3A_159 = %scan3A_69) -> (i32)  : i32 {
      %mul3A_160 = arith.constant 2 : i32
      %mul3A_161 = arith.muli %mul3A_160, %scan3A_158 : i32
      %mul3A_162 = arith.constant 5 : i32
      %mul3A_163 = arith.muli %mul3A_161, %mul3A_162 : i32
      %add3A_164 = arith.constant 0 : i32
      %add3A_165 = arith.addi %mul3A_163, %add3A_164 : i32
      %mul3A_166 = arith.constant 80 : i32
      %mul3A_167 = arith.muli %add3A_165, %mul3A_166 : i32
      %dma_wait3A_168 = tpu.memref_slice %arg8[%mul3A_167] : memref<2000xi32, #tpu.memory_space<vmem>> -> memref<80xi32, #tpu.memory_space<vmem>>
      %dma_wait3A_169 = arith.constant 0 : i32
      %dma_wait3A_170 = arith.constant 0 : i32
      %dma_wait3A_171 = tpu.memref_slice %arg2[%dma_wait3A_169, %dma_wait3A_170] : memref<10000x64xf32, #tpu.memory_space<hbm>> -> memref<10000x64xf32, #tpu.memory_space<hbm>>
      tpu.wait_indirect_dma semaphore(%arg20 : memref<!tpu.dma_semaphore, #tpu.memory_space<semaphore_mem>>) src(%dma_wait3A_171 : memref<10000x64xf32, #tpu.memory_space<hbm>>) dst(%arg9 : memref<80x64xf32, #tpu.memory_space<vmem>>)
      %mul3A_172 = arith.constant 5 : i32
      %mul3A_173 = arith.muli %mul3A_161, %mul3A_172 : i32
      %add3A_174 = arith.constant 1 : i32
      %add3A_175 = arith.addi %mul3A_173, %add3A_174 : i32
      %mul3A_176 = arith.constant 80 : i32
      %mul3A_177 = arith.muli %add3A_175, %mul3A_176 : i32
      %dma_wait3A_178 = tpu.memref_slice %arg8[%mul3A_177] : memref<2000xi32, #tpu.memory_space<vmem>> -> memref<80xi32, #tpu.memory_space<vmem>>
      %dma_wait3A_179 = arith.constant 0 : i32
      %dma_wait3A_180 = arith.constant 0 : i32
      %dma_wait3A_181 = tpu.memref_slice %arg2[%dma_wait3A_179, %dma_wait3A_180] : memref<10000x64xf32, #tpu.memory_space<hbm>> -> memref<10000x64xf32, #tpu.memory_space<hbm>>
      tpu.wait_indirect_dma semaphore(%arg20 : memref<!tpu.dma_semaphore, #tpu.memory_space<semaphore_mem>>) src(%dma_wait3A_181 : memref<10000x64xf32, #tpu.memory_space<hbm>>) dst(%arg10 : memref<80x64xf32, #tpu.memory_space<vmem>>)
      %mul3A_182 = arith.constant 5 : i32
      %mul3A_183 = arith.muli %mul3A_161, %mul3A_182 : i32
      %add3A_184 = arith.constant 2 : i32
      %add3A_185 = arith.addi %mul3A_183, %add3A_184 : i32
      %mul3A_186 = arith.constant 80 : i32
      %mul3A_187 = arith.muli %add3A_185, %mul3A_186 : i32
      %dma_wait3A_188 = tpu.memref_slice %arg8[%mul3A_187] : memref<2000xi32, #tpu.memory_space<vmem>> -> memref<80xi32, #tpu.memory_space<vmem>>
      %dma_wait3A_189 = arith.constant 0 : i32
      %dma_wait3A_190 = arith.constant 0 : i32
      %dma_wait3A_191 = tpu.memref_slice %arg2[%dma_wait3A_189, %dma_wait3A_190] : memref<10000x64xf32, #tpu.memory_space<hbm>> -> memref<10000x64xf32, #tpu.memory_space<hbm>>
      tpu.wait_indirect_dma semaphore(%arg20 : memref<!tpu.dma_semaphore, #tpu.memory_space<semaphore_mem>>) src(%dma_wait3A_191 : memref<10000x64xf32, #tpu.memory_space<hbm>>) dst(%arg11 : memref<80x64xf32, #tpu.memory_space<vmem>>)
      %mul3A_192 = arith.constant 5 : i32
      %mul3A_193 = arith.muli %mul3A_161, %mul3A_192 : i32
      %add3A_194 = arith.constant 3 : i32
      %add3A_195 = arith.addi %mul3A_193, %add3A_194 : i32
      %mul3A_196 = arith.constant 80 : i32
      %mul3A_197 = arith.muli %add3A_195, %mul3A_196 : i32
      %dma_wait3A_198 = tpu.memref_slice %arg8[%mul3A_197] : memref<2000xi32, #tpu.memory_space<vmem>> -> memref<80xi32, #tpu.memory_space<vmem>>
      %dma_wait3A_199 = arith.constant 0 : i32
      %dma_wait3A_200 = arith.constant 0 : i32
      %dma_wait3A_201 = tpu.memref_slice %arg2[%dma_wait3A_199, %dma_wait3A_200] : memref<10000x64xf32, #tpu.memory_space<hbm>> -> memref<10000x64xf32, #tpu.memory_space<hbm>>
      tpu.wait_indirect_dma semaphore(%arg20 : memref<!tpu.dma_semaphore, #tpu.memory_space<semaphore_mem>>) src(%dma_wait3A_201 : memref<10000x64xf32, #tpu.memory_space<hbm>>) dst(%arg12 : memref<80x64xf32, #tpu.memory_space<vmem>>)
      %mul3A_202 = arith.constant 5 : i32
      %mul3A_203 = arith.muli %mul3A_161, %mul3A_202 : i32
      %add3A_204 = arith.constant 4 : i32
      %add3A_205 = arith.addi %mul3A_203, %add3A_204 : i32
      %mul3A_206 = arith.constant 80 : i32
      %mul3A_207 = arith.muli %add3A_205, %mul3A_206 : i32
      %dma_wait3A_208 = tpu.memref_slice %arg8[%mul3A_207] : memref<2000xi32, #tpu.memory_space<vmem>> -> memref<80xi32, #tpu.memory_space<vmem>>
      %dma_wait3A_209 = arith.constant 0 : i32
      %dma_wait3A_210 = arith.constant 0 : i32
      %dma_wait3A_211 = tpu.memref_slice %arg2[%dma_wait3A_209, %dma_wait3A_210] : memref<10000x64xf32, #tpu.memory_space<hbm>> -> memref<10000x64xf32, #tpu.memory_space<hbm>>
      tpu.wait_indirect_dma semaphore(%arg20 : memref<!tpu.dma_semaphore, #tpu.memory_space<semaphore_mem>>) src(%dma_wait3A_211 : memref<10000x64xf32, #tpu.memory_space<hbm>>) dst(%arg13 : memref<80x64xf32, #tpu.memory_space<vmem>>)
      %mul3A_212 = arith.constant 5 : i32
      %mul3A_213 = arith.muli %mul3A_161, %mul3A_212 : i32
      %add3A_214 = arith.constant 0 : i32
      %add3A_215 = arith.addi %mul3A_213, %add3A_214 : i32
      %mul3A_216 = arith.constant 80 : i32
      %mul3A_217 = arith.muli %add3A_215, %mul3A_216 : i32
      %dma_start3A_218 = tpu.memref_slice %arg7[%mul3A_217] : memref<2000xi32, #tpu.memory_space<vmem>> -> memref<80xi32, #tpu.memory_space<vmem>>
      %dma_start3A_219 = arith.constant 0 : i32
      %dma_start3A_220 = arith.constant 0 : i32
      %dma_start3A_221 = tpu.memref_slice %arg6[%dma_start3A_219, %dma_start3A_220] : memref<2048x64xf32, #tpu.memory_space<vmem_shared>> -> memref<2048x64xf32, #tpu.memory_space<vmem_shared>>
      tpu.enqueue_indirect_dma source(%arg9 : memref<80x64xf32, #tpu.memory_space<vmem>>) target(%dma_start3A_221 : memref<2048x64xf32, #tpu.memory_space<vmem_shared>>) offsets(%dma_start3A_218 : memref<80xi32, #tpu.memory_space<vmem>>) semaphore(%arg22 : memref<!tpu.dma_semaphore, #tpu.memory_space<semaphore_mem>>) {add = true}
      %mul3A_222 = arith.constant 5 : i32
      %mul3A_223 = arith.muli %mul3A_161, %mul3A_222 : i32
      %add3A_224 = arith.constant 1 : i32
      %add3A_225 = arith.addi %mul3A_223, %add3A_224 : i32
      %mul3A_226 = arith.constant 80 : i32
      %mul3A_227 = arith.muli %add3A_225, %mul3A_226 : i32
      %dma_start3A_228 = tpu.memref_slice %arg7[%mul3A_227] : memref<2000xi32, #tpu.memory_space<vmem>> -> memref<80xi32, #tpu.memory_space<vmem>>
      %dma_start3A_229 = arith.constant 0 : i32
      %dma_start3A_230 = arith.constant 0 : i32
      %dma_start3A_231 = tpu.memref_slice %arg6[%dma_start3A_229, %dma_start3A_230] : memref<2048x64xf32, #tpu.memory_space<vmem_shared>> -> memref<2048x64xf32, #tpu.memory_space<vmem_shared>>
      tpu.enqueue_indirect_dma source(%arg10 : memref<80x64xf32, #tpu.memory_space<vmem>>) target(%dma_start3A_231 : memref<2048x64xf32, #tpu.memory_space<vmem_shared>>) offsets(%dma_start3A_228 : memref<80xi32, #tpu.memory_space<vmem>>) semaphore(%arg22 : memref<!tpu.dma_semaphore, #tpu.memory_space<semaphore_mem>>) {add = true}
      %mul3A_232 = arith.constant 5 : i32
      %mul3A_233 = arith.muli %mul3A_161, %mul3A_232 : i32
      %add3A_234 = arith.constant 2 : i32
      %add3A_235 = arith.addi %mul3A_233, %add3A_234 : i32
      %mul3A_236 = arith.constant 80 : i32
      %mul3A_237 = arith.muli %add3A_235, %mul3A_236 : i32
      %dma_start3A_238 = tpu.memref_slice %arg7[%mul3A_237] : memref<2000xi32, #tpu.memory_space<vmem>> -> memref<80xi32, #tpu.memory_space<vmem>>
      %dma_start3A_239 = arith.constant 0 : i32
      %dma_start3A_240 = arith.constant 0 : i32
      %dma_start3A_241 = tpu.memref_slice %arg6[%dma_start3A_239, %dma_start3A_240] : memref<2048x64xf32, #tpu.memory_space<vmem_shared>> -> memref<2048x64xf32, #tpu.memory_space<vmem_shared>>
      tpu.enqueue_indirect_dma source(%arg11 : memref<80x64xf32, #tpu.memory_space<vmem>>) target(%dma_start3A_241 : memref<2048x64xf32, #tpu.memory_space<vmem_shared>>) offsets(%dma_start3A_238 : memref<80xi32, #tpu.memory_space<vmem>>) semaphore(%arg22 : memref<!tpu.dma_semaphore, #tpu.memory_space<semaphore_mem>>) {add = true}
      %mul3A_242 = arith.constant 5 : i32
      %mul3A_243 = arith.muli %mul3A_161, %mul3A_242 : i32
      %add3A_244 = arith.constant 3 : i32
      %add3A_245 = arith.addi %mul3A_243, %add3A_244 : i32
      %mul3A_246 = arith.constant 80 : i32
      %mul3A_247 = arith.muli %add3A_245, %mul3A_246 : i32
      %dma_start3A_248 = tpu.memref_slice %arg7[%mul3A_247] : memref<2000xi32, #tpu.memory_space<vmem>> -> memref<80xi32, #tpu.memory_space<vmem>>
      %dma_start3A_249 = arith.constant 0 : i32
      %dma_start3A_250 = arith.constant 0 : i32
      %dma_start3A_251 = tpu.memref_slice %arg6[%dma_start3A_249, %dma_start3A_250] : memref<2048x64xf32, #tpu.memory_space<vmem_shared>> -> memref<2048x64xf32, #tpu.memory_space<vmem_shared>>
      tpu.enqueue_indirect_dma source(%arg12 : memref<80x64xf32, #tpu.memory_space<vmem>>) target(%dma_start3A_251 : memref<2048x64xf32, #tpu.memory_space<vmem_shared>>) offsets(%dma_start3A_248 : memref<80xi32, #tpu.memory_space<vmem>>) semaphore(%arg22 : memref<!tpu.dma_semaphore, #tpu.memory_space<semaphore_mem>>) {add = true}
      %mul3A_252 = arith.constant 5 : i32
      %mul3A_253 = arith.muli %mul3A_161, %mul3A_252 : i32
      %add3A_254 = arith.constant 4 : i32
      %add3A_255 = arith.addi %mul3A_253, %add3A_254 : i32
      %mul3A_256 = arith.constant 80 : i32
      %mul3A_257 = arith.muli %add3A_255, %mul3A_256 : i32
      %dma_start3A_258 = tpu.memref_slice %arg7[%mul3A_257] : memref<2000xi32, #tpu.memory_space<vmem>> -> memref<80xi32, #tpu.memory_space<vmem>>
      %dma_start3A_259 = arith.constant 0 : i32
      %dma_start3A_260 = arith.constant 0 : i32
      %dma_start3A_261 = tpu.memref_slice %arg6[%dma_start3A_259, %dma_start3A_260] : memref<2048x64xf32, #tpu.memory_space<vmem_shared>> -> memref<2048x64xf32, #tpu.memory_space<vmem_shared>>
      tpu.enqueue_indirect_dma source(%arg13 : memref<80x64xf32, #tpu.memory_space<vmem>>) target(%dma_start3A_261 : memref<2048x64xf32, #tpu.memory_space<vmem_shared>>) offsets(%dma_start3A_258 : memref<80xi32, #tpu.memory_space<vmem>>) semaphore(%arg22 : memref<!tpu.dma_semaphore, #tpu.memory_space<semaphore_mem>>) {add = true}
      %dma_wait3A_262 = tpu.memref_slice %arg7[%mul3A_217] : memref<2000xi32, #tpu.memory_space<vmem>> -> memref<80xi32, #tpu.memory_space<vmem>>
      %dma_wait3A_263 = arith.constant 0 : i32
      %dma_wait3A_264 = arith.constant 0 : i32
      %dma_wait3A_265 = tpu.memref_slice %arg6[%dma_wait3A_263, %dma_wait3A_264] : memref<2048x64xf32, #tpu.memory_space<vmem_shared>> -> memref<2048x64xf32, #tpu.memory_space<vmem_shared>>
      tpu.wait_indirect_dma semaphore(%arg22 : memref<!tpu.dma_semaphore, #tpu.memory_space<semaphore_mem>>) src(%arg9 : memref<80x64xf32, #tpu.memory_space<vmem>>) dst(%dma_wait3A_265 : memref<2048x64xf32, #tpu.memory_space<vmem_shared>>)
      %dma_wait3A_266 = tpu.memref_slice %arg7[%mul3A_227] : memref<2000xi32, #tpu.memory_space<vmem>> -> memref<80xi32, #tpu.memory_space<vmem>>
      %dma_wait3A_267 = arith.constant 0 : i32
      %dma_wait3A_268 = arith.constant 0 : i32
      %dma_wait3A_269 = tpu.memref_slice %arg6[%dma_wait3A_267, %dma_wait3A_268] : memref<2048x64xf32, #tpu.memory_space<vmem_shared>> -> memref<2048x64xf32, #tpu.memory_space<vmem_shared>>
      tpu.wait_indirect_dma semaphore(%arg22 : memref<!tpu.dma_semaphore, #tpu.memory_space<semaphore_mem>>) src(%arg10 : memref<80x64xf32, #tpu.memory_space<vmem>>) dst(%dma_wait3A_269 : memref<2048x64xf32, #tpu.memory_space<vmem_shared>>)
      %dma_wait3A_270 = tpu.memref_slice %arg7[%mul3A_237] : memref<2000xi32, #tpu.memory_space<vmem>> -> memref<80xi32, #tpu.memory_space<vmem>>
      %dma_wait3A_271 = arith.constant 0 : i32
      %dma_wait3A_272 = arith.constant 0 : i32
      %dma_wait3A_273 = tpu.memref_slice %arg6[%dma_wait3A_271, %dma_wait3A_272] : memref<2048x64xf32, #tpu.memory_space<vmem_shared>> -> memref<2048x64xf32, #tpu.memory_space<vmem_shared>>
      tpu.wait_indirect_dma semaphore(%arg22 : memref<!tpu.dma_semaphore, #tpu.memory_space<semaphore_mem>>) src(%arg11 : memref<80x64xf32, #tpu.memory_space<vmem>>) dst(%dma_wait3A_273 : memref<2048x64xf32, #tpu.memory_space<vmem_shared>>)
      %dma_wait3A_274 = tpu.memref_slice %arg7[%mul3A_247] : memref<2000xi32, #tpu.memory_space<vmem>> -> memref<80xi32, #tpu.memory_space<vmem>>
      %dma_wait3A_275 = arith.constant 0 : i32
      %dma_wait3A_276 = arith.constant 0 : i32
      %dma_wait3A_277 = tpu.memref_slice %arg6[%dma_wait3A_275, %dma_wait3A_276] : memref<2048x64xf32, #tpu.memory_space<vmem_shared>> -> memref<2048x64xf32, #tpu.memory_space<vmem_shared>>
      tpu.wait_indirect_dma semaphore(%arg22 : memref<!tpu.dma_semaphore, #tpu.memory_space<semaphore_mem>>) src(%arg12 : memref<80x64xf32, #tpu.memory_space<vmem>>) dst(%dma_wait3A_277 : memref<2048x64xf32, #tpu.memory_space<vmem_shared>>)
      %dma_wait3A_278 = tpu.memref_slice %arg7[%mul3A_257] : memref<2000xi32, #tpu.memory_space<vmem>> -> memref<80xi32, #tpu.memory_space<vmem>>
      %dma_wait3A_279 = arith.constant 0 : i32
      %dma_wait3A_280 = arith.constant 0 : i32
      %dma_wait3A_281 = tpu.memref_slice %arg6[%dma_wait3A_279, %dma_wait3A_280] : memref<2048x64xf32, #tpu.memory_space<vmem_shared>> -> memref<2048x64xf32, #tpu.memory_space<vmem_shared>>
      tpu.wait_indirect_dma semaphore(%arg22 : memref<!tpu.dma_semaphore, #tpu.memory_space<semaphore_mem>>) src(%arg13 : memref<80x64xf32, #tpu.memory_space<vmem>>) dst(%dma_wait3A_281 : memref<2048x64xf32, #tpu.memory_space<vmem_shared>>)
      %add3A_282 = arith.constant 2 : i32
      %add3A_283 = arith.addi %mul3A_161, %add3A_282 : i32
      %mul3A_284 = arith.constant 5 : i32
      %mul3A_285 = arith.muli %add3A_283, %mul3A_284 : i32
      %add3A_286 = arith.constant 0 : i32
      %add3A_287 = arith.addi %mul3A_285, %add3A_286 : i32
      %mul3A_288 = arith.constant 80 : i32
      %mul3A_289 = arith.muli %add3A_287, %mul3A_288 : i32
      %dma_start3A_290 = tpu.memref_slice %arg8[%mul3A_289] : memref<2000xi32, #tpu.memory_space<vmem>> -> memref<80xi32, #tpu.memory_space<vmem>>
      %dma_start3A_291 = arith.constant 0 : i32
      %dma_start3A_292 = arith.constant 0 : i32
      %dma_start3A_293 = tpu.memref_slice %arg2[%dma_start3A_291, %dma_start3A_292] : memref<10000x64xf32, #tpu.memory_space<hbm>> -> memref<10000x64xf32, #tpu.memory_space<hbm>>
      tpu.enqueue_indirect_dma source(%dma_start3A_293 : memref<10000x64xf32, #tpu.memory_space<hbm>>) target(%arg9 : memref<80x64xf32, #tpu.memory_space<vmem>>) offsets(%dma_start3A_290 : memref<80xi32, #tpu.memory_space<vmem>>) semaphore(%arg20 : memref<!tpu.dma_semaphore, #tpu.memory_space<semaphore_mem>>)
      %mul3A_294 = arith.constant 5 : i32
      %mul3A_295 = arith.muli %add3A_283, %mul3A_294 : i32
      %add3A_296 = arith.constant 1 : i32
      %add3A_297 = arith.addi %mul3A_295, %add3A_296 : i32
      %mul3A_298 = arith.constant 80 : i32
      %mul3A_299 = arith.muli %add3A_297, %mul3A_298 : i32
      %dma_start3A_300 = tpu.memref_slice %arg8[%mul3A_299] : memref<2000xi32, #tpu.memory_space<vmem>> -> memref<80xi32, #tpu.memory_space<vmem>>
      %dma_start3A_301 = arith.constant 0 : i32
      %dma_start3A_302 = arith.constant 0 : i32
      %dma_start3A_303 = tpu.memref_slice %arg2[%dma_start3A_301, %dma_start3A_302] : memref<10000x64xf32, #tpu.memory_space<hbm>> -> memref<10000x64xf32, #tpu.memory_space<hbm>>
      tpu.enqueue_indirect_dma source(%dma_start3A_303 : memref<10000x64xf32, #tpu.memory_space<hbm>>) target(%arg10 : memref<80x64xf32, #tpu.memory_space<vmem>>) offsets(%dma_start3A_300 : memref<80xi32, #tpu.memory_space<vmem>>) semaphore(%arg20 : memref<!tpu.dma_semaphore, #tpu.memory_space<semaphore_mem>>)
      %mul3A_304 = arith.constant 5 : i32
      %mul3A_305 = arith.muli %add3A_283, %mul3A_304 : i32
      %add3A_306 = arith.constant 2 : i32
      %add3A_307 = arith.addi %mul3A_305, %add3A_306 : i32
      %mul3A_308 = arith.constant 80 : i32
      %mul3A_309 = arith.muli %add3A_307, %mul3A_308 : i32
      %dma_start3A_310 = tpu.memref_slice %arg8[%mul3A_309] : memref<2000xi32, #tpu.memory_space<vmem>> -> memref<80xi32, #tpu.memory_space<vmem>>
      %dma_start3A_311 = arith.constant 0 : i32
      %dma_start3A_312 = arith.constant 0 : i32
      %dma_start3A_313 = tpu.memref_slice %arg2[%dma_start3A_311, %dma_start3A_312] : memref<10000x64xf32, #tpu.memory_space<hbm>> -> memref<10000x64xf32, #tpu.memory_space<hbm>>
      tpu.enqueue_indirect_dma source(%dma_start3A_313 : memref<10000x64xf32, #tpu.memory_space<hbm>>) target(%arg11 : memref<80x64xf32, #tpu.memory_space<vmem>>) offsets(%dma_start3A_310 : memref<80xi32, #tpu.memory_space<vmem>>) semaphore(%arg20 : memref<!tpu.dma_semaphore, #tpu.memory_space<semaphore_mem>>)
      %mul3A_314 = arith.constant 5 : i32
      %mul3A_315 = arith.muli %add3A_283, %mul3A_314 : i32
      %add3A_316 = arith.constant 3 : i32
      %add3A_317 = arith.addi %mul3A_315, %add3A_316 : i32
      %mul3A_318 = arith.constant 80 : i32
      %mul3A_319 = arith.muli %add3A_317, %mul3A_318 : i32
      %dma_start3A_320 = tpu.memref_slice %arg8[%mul3A_319] : memref<2000xi32, #tpu.memory_space<vmem>> -> memref<80xi32, #tpu.memory_space<vmem>>
      %dma_start3A_321 = arith.constant 0 : i32
      %dma_start3A_322 = arith.constant 0 : i32
      %dma_start3A_323 = tpu.memref_slice %arg2[%dma_start3A_321, %dma_start3A_322] : memref<10000x64xf32, #tpu.memory_space<hbm>> -> memref<10000x64xf32, #tpu.memory_space<hbm>>
      tpu.enqueue_indirect_dma source(%dma_start3A_323 : memref<10000x64xf32, #tpu.memory_space<hbm>>) target(%arg12 : memref<80x64xf32, #tpu.memory_space<vmem>>) offsets(%dma_start3A_320 : memref<80xi32, #tpu.memory_space<vmem>>) semaphore(%arg20 : memref<!tpu.dma_semaphore, #tpu.memory_space<semaphore_mem>>)
      %mul3A_324 = arith.constant 5 : i32
      %mul3A_325 = arith.muli %add3A_283, %mul3A_324 : i32
      %add3A_326 = arith.constant 4 : i32
      %add3A_327 = arith.addi %mul3A_325, %add3A_326 : i32
      %mul3A_328 = arith.constant 80 : i32
      %mul3A_329 = arith.muli %add3A_327, %mul3A_328 : i32
      %dma_start3A_330 = tpu.memref_slice %arg8[%mul3A_329] : memref<2000xi32, #tpu.memory_space<vmem>> -> memref<80xi32, #tpu.memory_space<vmem>>
      %dma_start3A_331 = arith.constant 0 : i32
      %dma_start3A_332 = arith.constant 0 : i32
      %dma_start3A_333 = tpu.memref_slice %arg2[%dma_start3A_331, %dma_start3A_332] : memref<10000x64xf32, #tpu.memory_space<hbm>> -> memref<10000x64xf32, #tpu.memory_space<hbm>>
      tpu.enqueue_indirect_dma source(%dma_start3A_333 : memref<10000x64xf32, #tpu.memory_space<hbm>>) target(%arg13 : memref<80x64xf32, #tpu.memory_space<vmem>>) offsets(%dma_start3A_330 : memref<80xi32, #tpu.memory_space<vmem>>) semaphore(%arg20 : memref<!tpu.dma_semaphore, #tpu.memory_space<semaphore_mem>>)
      %add3A_334 = arith.constant 1 : i32
      %add3A_335 = arith.addi %mul3A_161, %add3A_334 : i32
      %mul3A_336 = arith.constant 5 : i32
      %mul3A_337 = arith.muli %add3A_335, %mul3A_336 : i32
      %add3A_338 = arith.constant 0 : i32
      %add3A_339 = arith.addi %mul3A_337, %add3A_338 : i32
      %mul3A_340 = arith.constant 80 : i32
      %mul3A_341 = arith.muli %add3A_339, %mul3A_340 : i32
      %dma_wait3A_342 = tpu.memref_slice %arg8[%mul3A_341] : memref<2000xi32, #tpu.memory_space<vmem>> -> memref<80xi32, #tpu.memory_space<vmem>>
      %dma_wait3A_343 = arith.constant 0 : i32
      %dma_wait3A_344 = arith.constant 0 : i32
      %dma_wait3A_345 = tpu.memref_slice %arg2[%dma_wait3A_343, %dma_wait3A_344] : memref<10000x64xf32, #tpu.memory_space<hbm>> -> memref<10000x64xf32, #tpu.memory_space<hbm>>
      tpu.wait_indirect_dma semaphore(%arg21 : memref<!tpu.dma_semaphore, #tpu.memory_space<semaphore_mem>>) src(%dma_wait3A_345 : memref<10000x64xf32, #tpu.memory_space<hbm>>) dst(%arg14 : memref<80x64xf32, #tpu.memory_space<vmem>>)
      %mul3A_346 = arith.constant 5 : i32
      %mul3A_347 = arith.muli %add3A_335, %mul3A_346 : i32
      %add3A_348 = arith.constant 1 : i32
      %add3A_349 = arith.addi %mul3A_347, %add3A_348 : i32
      %mul3A_350 = arith.constant 80 : i32
      %mul3A_351 = arith.muli %add3A_349, %mul3A_350 : i32
      %dma_wait3A_352 = tpu.memref_slice %arg8[%mul3A_351] : memref<2000xi32, #tpu.memory_space<vmem>> -> memref<80xi32, #tpu.memory_space<vmem>>
      %dma_wait3A_353 = arith.constant 0 : i32
      %dma_wait3A_354 = arith.constant 0 : i32
      %dma_wait3A_355 = tpu.memref_slice %arg2[%dma_wait3A_353, %dma_wait3A_354] : memref<10000x64xf32, #tpu.memory_space<hbm>> -> memref<10000x64xf32, #tpu.memory_space<hbm>>
      tpu.wait_indirect_dma semaphore(%arg21 : memref<!tpu.dma_semaphore, #tpu.memory_space<semaphore_mem>>) src(%dma_wait3A_355 : memref<10000x64xf32, #tpu.memory_space<hbm>>) dst(%arg15 : memref<80x64xf32, #tpu.memory_space<vmem>>)
      %mul3A_356 = arith.constant 5 : i32
      %mul3A_357 = arith.muli %add3A_335, %mul3A_356 : i32
      %add3A_358 = arith.constant 2 : i32
      %add3A_359 = arith.addi %mul3A_357, %add3A_358 : i32
      %mul3A_360 = arith.constant 80 : i32
      %mul3A_361 = arith.muli %add3A_359, %mul3A_360 : i32
      %dma_wait3A_362 = tpu.memref_slice %arg8[%mul3A_361] : memref<2000xi32, #tpu.memory_space<vmem>> -> memref<80xi32, #tpu.memory_space<vmem>>
      %dma_wait3A_363 = arith.constant 0 : i32
      %dma_wait3A_364 = arith.constant 0 : i32
      %dma_wait3A_365 = tpu.memref_slice %arg2[%dma_wait3A_363, %dma_wait3A_364] : memref<10000x64xf32, #tpu.memory_space<hbm>> -> memref<10000x64xf32, #tpu.memory_space<hbm>>
      tpu.wait_indirect_dma semaphore(%arg21 : memref<!tpu.dma_semaphore, #tpu.memory_space<semaphore_mem>>) src(%dma_wait3A_365 : memref<10000x64xf32, #tpu.memory_space<hbm>>) dst(%arg16 : memref<80x64xf32, #tpu.memory_space<vmem>>)
      %mul3A_366 = arith.constant 5 : i32
      %mul3A_367 = arith.muli %add3A_335, %mul3A_366 : i32
      %add3A_368 = arith.constant 3 : i32
      %add3A_369 = arith.addi %mul3A_367, %add3A_368 : i32
      %mul3A_370 = arith.constant 80 : i32
      %mul3A_371 = arith.muli %add3A_369, %mul3A_370 : i32
      %dma_wait3A_372 = tpu.memref_slice %arg8[%mul3A_371] : memref<2000xi32, #tpu.memory_space<vmem>> -> memref<80xi32, #tpu.memory_space<vmem>>
      %dma_wait3A_373 = arith.constant 0 : i32
      %dma_wait3A_374 = arith.constant 0 : i32
      %dma_wait3A_375 = tpu.memref_slice %arg2[%dma_wait3A_373, %dma_wait3A_374] : memref<10000x64xf32, #tpu.memory_space<hbm>> -> memref<10000x64xf32, #tpu.memory_space<hbm>>
      tpu.wait_indirect_dma semaphore(%arg21 : memref<!tpu.dma_semaphore, #tpu.memory_space<semaphore_mem>>) src(%dma_wait3A_375 : memref<10000x64xf32, #tpu.memory_space<hbm>>) dst(%arg17 : memref<80x64xf32, #tpu.memory_space<vmem>>)
      %mul3A_376 = arith.constant 5 : i32
      %mul3A_377 = arith.muli %add3A_335, %mul3A_376 : i32
      %add3A_378 = arith.constant 4 : i32
      %add3A_379 = arith.addi %mul3A_377, %add3A_378 : i32
      %mul3A_380 = arith.constant 80 : i32
      %mul3A_381 = arith.muli %add3A_379, %mul3A_380 : i32
      %dma_wait3A_382 = tpu.memref_slice %arg8[%mul3A_381] : memref<2000xi32, #tpu.memory_space<vmem>> -> memref<80xi32, #tpu.memory_space<vmem>>
      %dma_wait3A_383 = arith.constant 0 : i32
      %dma_wait3A_384 = arith.constant 0 : i32
      %dma_wait3A_385 = tpu.memref_slice %arg2[%dma_wait3A_383, %dma_wait3A_384] : memref<10000x64xf32, #tpu.memory_space<hbm>> -> memref<10000x64xf32, #tpu.memory_space<hbm>>
      tpu.wait_indirect_dma semaphore(%arg21 : memref<!tpu.dma_semaphore, #tpu.memory_space<semaphore_mem>>) src(%dma_wait3A_385 : memref<10000x64xf32, #tpu.memory_space<hbm>>) dst(%arg18 : memref<80x64xf32, #tpu.memory_space<vmem>>)
      %add3A_386 = arith.constant 1 : i32
      %add3A_387 = arith.addi %mul3A_161, %add3A_386 : i32
      %mul3A_388 = arith.constant 5 : i32
      %mul3A_389 = arith.muli %add3A_387, %mul3A_388 : i32
      %add3A_390 = arith.constant 0 : i32
      %add3A_391 = arith.addi %mul3A_389, %add3A_390 : i32
      %mul3A_392 = arith.constant 80 : i32
      %mul3A_393 = arith.muli %add3A_391, %mul3A_392 : i32
      %dma_start3A_394 = tpu.memref_slice %arg7[%mul3A_393] : memref<2000xi32, #tpu.memory_space<vmem>> -> memref<80xi32, #tpu.memory_space<vmem>>
      %dma_start3A_395 = arith.constant 0 : i32
      %dma_start3A_396 = arith.constant 0 : i32
      %dma_start3A_397 = tpu.memref_slice %arg6[%dma_start3A_395, %dma_start3A_396] : memref<2048x64xf32, #tpu.memory_space<vmem_shared>> -> memref<2048x64xf32, #tpu.memory_space<vmem_shared>>
      tpu.enqueue_indirect_dma source(%arg14 : memref<80x64xf32, #tpu.memory_space<vmem>>) target(%dma_start3A_397 : memref<2048x64xf32, #tpu.memory_space<vmem_shared>>) offsets(%dma_start3A_394 : memref<80xi32, #tpu.memory_space<vmem>>) semaphore(%arg23 : memref<!tpu.dma_semaphore, #tpu.memory_space<semaphore_mem>>) {add = true}
      %mul3A_398 = arith.constant 5 : i32
      %mul3A_399 = arith.muli %add3A_387, %mul3A_398 : i32
      %add3A_400 = arith.constant 1 : i32
      %add3A_401 = arith.addi %mul3A_399, %add3A_400 : i32
      %mul3A_402 = arith.constant 80 : i32
      %mul3A_403 = arith.muli %add3A_401, %mul3A_402 : i32
      %dma_start3A_404 = tpu.memref_slice %arg7[%mul3A_403] : memref<2000xi32, #tpu.memory_space<vmem>> -> memref<80xi32, #tpu.memory_space<vmem>>
      %dma_start3A_405 = arith.constant 0 : i32
      %dma_start3A_406 = arith.constant 0 : i32
      %dma_start3A_407 = tpu.memref_slice %arg6[%dma_start3A_405, %dma_start3A_406] : memref<2048x64xf32, #tpu.memory_space<vmem_shared>> -> memref<2048x64xf32, #tpu.memory_space<vmem_shared>>
      tpu.enqueue_indirect_dma source(%arg15 : memref<80x64xf32, #tpu.memory_space<vmem>>) target(%dma_start3A_407 : memref<2048x64xf32, #tpu.memory_space<vmem_shared>>) offsets(%dma_start3A_404 : memref<80xi32, #tpu.memory_space<vmem>>) semaphore(%arg23 : memref<!tpu.dma_semaphore, #tpu.memory_space<semaphore_mem>>) {add = true}
      %mul3A_408 = arith.constant 5 : i32
      %mul3A_409 = arith.muli %add3A_387, %mul3A_408 : i32
      %add3A_410 = arith.constant 2 : i32
      %add3A_411 = arith.addi %mul3A_409, %add3A_410 : i32
      %mul3A_412 = arith.constant 80 : i32
      %mul3A_413 = arith.muli %add3A_411, %mul3A_412 : i32
      %dma_start3A_414 = tpu.memref_slice %arg7[%mul3A_413] : memref<2000xi32, #tpu.memory_space<vmem>> -> memref<80xi32, #tpu.memory_space<vmem>>
      %dma_start3A_415 = arith.constant 0 : i32
      %dma_start3A_416 = arith.constant 0 : i32
      %dma_start3A_417 = tpu.memref_slice %arg6[%dma_start3A_415, %dma_start3A_416] : memref<2048x64xf32, #tpu.memory_space<vmem_shared>> -> memref<2048x64xf32, #tpu.memory_space<vmem_shared>>
      tpu.enqueue_indirect_dma source(%arg16 : memref<80x64xf32, #tpu.memory_space<vmem>>) target(%dma_start3A_417 : memref<2048x64xf32, #tpu.memory_space<vmem_shared>>) offsets(%dma_start3A_414 : memref<80xi32, #tpu.memory_space<vmem>>) semaphore(%arg23 : memref<!tpu.dma_semaphore, #tpu.memory_space<semaphore_mem>>) {add = true}
      %mul3A_418 = arith.constant 5 : i32
      %mul3A_419 = arith.muli %add3A_387, %mul3A_418 : i32
      %add3A_420 = arith.constant 3 : i32
      %add3A_421 = arith.addi %mul3A_419, %add3A_420 : i32
      %mul3A_422 = arith.constant 80 : i32
      %mul3A_423 = arith.muli %add3A_421, %mul3A_422 : i32
      %dma_start3A_424 = tpu.memref_slice %arg7[%mul3A_423] : memref<2000xi32, #tpu.memory_space<vmem>> -> memref<80xi32, #tpu.memory_space<vmem>>
      %dma_start3A_425 = arith.constant 0 : i32
      %dma_start3A_426 = arith.constant 0 : i32
      %dma_start3A_427 = tpu.memref_slice %arg6[%dma_start3A_425, %dma_start3A_426] : memref<2048x64xf32, #tpu.memory_space<vmem_shared>> -> memref<2048x64xf32, #tpu.memory_space<vmem_shared>>
      tpu.enqueue_indirect_dma source(%arg17 : memref<80x64xf32, #tpu.memory_space<vmem>>) target(%dma_start3A_427 : memref<2048x64xf32, #tpu.memory_space<vmem_shared>>) offsets(%dma_start3A_424 : memref<80xi32, #tpu.memory_space<vmem>>) semaphore(%arg23 : memref<!tpu.dma_semaphore, #tpu.memory_space<semaphore_mem>>) {add = true}
      %mul3A_428 = arith.constant 5 : i32
      %mul3A_429 = arith.muli %add3A_387, %mul3A_428 : i32
      %add3A_430 = arith.constant 4 : i32
      %add3A_431 = arith.addi %mul3A_429, %add3A_430 : i32
      %mul3A_432 = arith.constant 80 : i32
      %mul3A_433 = arith.muli %add3A_431, %mul3A_432 : i32
      %dma_start3A_434 = tpu.memref_slice %arg7[%mul3A_433] : memref<2000xi32, #tpu.memory_space<vmem>> -> memref<80xi32, #tpu.memory_space<vmem>>
      %dma_start3A_435 = arith.constant 0 : i32
      %dma_start3A_436 = arith.constant 0 : i32
      %dma_start3A_437 = tpu.memref_slice %arg6[%dma_start3A_435, %dma_start3A_436] : memref<2048x64xf32, #tpu.memory_space<vmem_shared>> -> memref<2048x64xf32, #tpu.memory_space<vmem_shared>>
      tpu.enqueue_indirect_dma source(%arg18 : memref<80x64xf32, #tpu.memory_space<vmem>>) target(%dma_start3A_437 : memref<2048x64xf32, #tpu.memory_space<vmem_shared>>) offsets(%dma_start3A_434 : memref<80xi32, #tpu.memory_space<vmem>>) semaphore(%arg23 : memref<!tpu.dma_semaphore, #tpu.memory_space<semaphore_mem>>) {add = true}
      %dma_wait3A_438 = tpu.memref_slice %arg7[%mul3A_393] : memref<2000xi32, #tpu.memory_space<vmem>> -> memref<80xi32, #tpu.memory_space<vmem>>
      %dma_wait3A_439 = arith.constant 0 : i32
      %dma_wait3A_440 = arith.constant 0 : i32
      %dma_wait3A_441 = tpu.memref_slice %arg6[%dma_wait3A_439, %dma_wait3A_440] : memref<2048x64xf32, #tpu.memory_space<vmem_shared>> -> memref<2048x64xf32, #tpu.memory_space<vmem_shared>>
      tpu.wait_indirect_dma semaphore(%arg23 : memref<!tpu.dma_semaphore, #tpu.memory_space<semaphore_mem>>) src(%arg14 : memref<80x64xf32, #tpu.memory_space<vmem>>) dst(%dma_wait3A_441 : memref<2048x64xf32, #tpu.memory_space<vmem_shared>>)
      %dma_wait3A_442 = tpu.memref_slice %arg7[%mul3A_403] : memref<2000xi32, #tpu.memory_space<vmem>> -> memref<80xi32, #tpu.memory_space<vmem>>
      %dma_wait3A_443 = arith.constant 0 : i32
      %dma_wait3A_444 = arith.constant 0 : i32
      %dma_wait3A_445 = tpu.memref_slice %arg6[%dma_wait3A_443, %dma_wait3A_444] : memref<2048x64xf32, #tpu.memory_space<vmem_shared>> -> memref<2048x64xf32, #tpu.memory_space<vmem_shared>>
      tpu.wait_indirect_dma semaphore(%arg23 : memref<!tpu.dma_semaphore, #tpu.memory_space<semaphore_mem>>) src(%arg15 : memref<80x64xf32, #tpu.memory_space<vmem>>) dst(%dma_wait3A_445 : memref<2048x64xf32, #tpu.memory_space<vmem_shared>>)
      %dma_wait3A_446 = tpu.memref_slice %arg7[%mul3A_413] : memref<2000xi32, #tpu.memory_space<vmem>> -> memref<80xi32, #tpu.memory_space<vmem>>
      %dma_wait3A_447 = arith.constant 0 : i32
      %dma_wait3A_448 = arith.constant 0 : i32
      %dma_wait3A_449 = tpu.memref_slice %arg6[%dma_wait3A_447, %dma_wait3A_448] : memref<2048x64xf32, #tpu.memory_space<vmem_shared>> -> memref<2048x64xf32, #tpu.memory_space<vmem_shared>>
      tpu.wait_indirect_dma semaphore(%arg23 : memref<!tpu.dma_semaphore, #tpu.memory_space<semaphore_mem>>) src(%arg16 : memref<80x64xf32, #tpu.memory_space<vmem>>) dst(%dma_wait3A_449 : memref<2048x64xf32, #tpu.memory_space<vmem_shared>>)
      %dma_wait3A_450 = tpu.memref_slice %arg7[%mul3A_423] : memref<2000xi32, #tpu.memory_space<vmem>> -> memref<80xi32, #tpu.memory_space<vmem>>
      %dma_wait3A_451 = arith.constant 0 : i32
      %dma_wait3A_452 = arith.constant 0 : i32
      %dma_wait3A_453 = tpu.memref_slice %arg6[%dma_wait3A_451, %dma_wait3A_452] : memref<2048x64xf32, #tpu.memory_space<vmem_shared>> -> memref<2048x64xf32, #tpu.memory_space<vmem_shared>>
      tpu.wait_indirect_dma semaphore(%arg23 : memref<!tpu.dma_semaphore, #tpu.memory_space<semaphore_mem>>) src(%arg17 : memref<80x64xf32, #tpu.memory_space<vmem>>) dst(%dma_wait3A_453 : memref<2048x64xf32, #tpu.memory_space<vmem_shared>>)
      %dma_wait3A_454 = tpu.memref_slice %arg7[%mul3A_433] : memref<2000xi32, #tpu.memory_space<vmem>> -> memref<80xi32, #tpu.memory_space<vmem>>
      %dma_wait3A_455 = arith.constant 0 : i32
      %dma_wait3A_456 = arith.constant 0 : i32
      %dma_wait3A_457 = tpu.memref_slice %arg6[%dma_wait3A_455, %dma_wait3A_456] : memref<2048x64xf32, #tpu.memory_space<vmem_shared>> -> memref<2048x64xf32, #tpu.memory_space<vmem_shared>>
      tpu.wait_indirect_dma semaphore(%arg23 : memref<!tpu.dma_semaphore, #tpu.memory_space<semaphore_mem>>) src(%arg18 : memref<80x64xf32, #tpu.memory_space<vmem>>) dst(%dma_wait3A_457 : memref<2048x64xf32, #tpu.memory_space<vmem_shared>>)
      %add3A_458 = arith.constant 3 : i32
      %add3A_459 = arith.addi %mul3A_161, %add3A_458 : i32
      %lt3A = arith.constant 5 : i32
      %lt3A_460 = arith.cmpi slt, %add3A_459, %lt3A : i32
      %convert_element_type3A = arith.extui %lt3A_460 : i1 to i32
      %cond3A = arith.constant 0 : i32
      %cond3A_461 = arith.cmpi ne, %convert_element_type3A, %cond3A : i32
      scf.if %cond3A_461 {
        %add3A_463 = arith.constant 3 : i32
        %add3A_464 = arith.addi %mul3A_161, %add3A_463 : i32
        %mul3A_465 = arith.constant 5 : i32
        %mul3A_466 = arith.muli %add3A_464, %mul3A_465 : i32
        %add3A_467 = arith.constant 0 : i32
        %add3A_468 = arith.addi %mul3A_466, %add3A_467 : i32
        %mul3A_469 = arith.constant 80 : i32
        %mul3A_470 = arith.muli %add3A_468, %mul3A_469 : i32
        %dma_start3A_471 = tpu.memref_slice %arg8[%mul3A_470] : memref<2000xi32, #tpu.memory_space<vmem>> -> memref<80xi32, #tpu.memory_space<vmem>>
        %dma_start3A_472 = arith.constant 0 : i32
        %dma_start3A_473 = arith.constant 0 : i32
        %dma_start3A_474 = tpu.memref_slice %arg2[%dma_start3A_472, %dma_start3A_473] : memref<10000x64xf32, #tpu.memory_space<hbm>> -> memref<10000x64xf32, #tpu.memory_space<hbm>>
        tpu.enqueue_indirect_dma source(%dma_start3A_474 : memref<10000x64xf32, #tpu.memory_space<hbm>>) target(%arg14 : memref<80x64xf32, #tpu.memory_space<vmem>>) offsets(%dma_start3A_471 : memref<80xi32, #tpu.memory_space<vmem>>) semaphore(%arg21 : memref<!tpu.dma_semaphore, #tpu.memory_space<semaphore_mem>>)
        %mul3A_475 = arith.constant 5 : i32
        %mul3A_476 = arith.muli %add3A_464, %mul3A_475 : i32
        %add3A_477 = arith.constant 1 : i32
        %add3A_478 = arith.addi %mul3A_476, %add3A_477 : i32
        %mul3A_479 = arith.constant 80 : i32
        %mul3A_480 = arith.muli %add3A_478, %mul3A_479 : i32
        %dma_start3A_481 = tpu.memref_slice %arg8[%mul3A_480] : memref<2000xi32, #tpu.memory_space<vmem>> -> memref<80xi32, #tpu.memory_space<vmem>>
        %dma_start3A_482 = arith.constant 0 : i32
        %dma_start3A_483 = arith.constant 0 : i32
        %dma_start3A_484 = tpu.memref_slice %arg2[%dma_start3A_482, %dma_start3A_483] : memref<10000x64xf32, #tpu.memory_space<hbm>> -> memref<10000x64xf32, #tpu.memory_space<hbm>>
        tpu.enqueue_indirect_dma source(%dma_start3A_484 : memref<10000x64xf32, #tpu.memory_space<hbm>>) target(%arg15 : memref<80x64xf32, #tpu.memory_space<vmem>>) offsets(%dma_start3A_481 : memref<80xi32, #tpu.memory_space<vmem>>) semaphore(%arg21 : memref<!tpu.dma_semaphore, #tpu.memory_space<semaphore_mem>>)
        %mul3A_485 = arith.constant 5 : i32
        %mul3A_486 = arith.muli %add3A_464, %mul3A_485 : i32
        %add3A_487 = arith.constant 2 : i32
        %add3A_488 = arith.addi %mul3A_486, %add3A_487 : i32
        %mul3A_489 = arith.constant 80 : i32
        %mul3A_490 = arith.muli %add3A_488, %mul3A_489 : i32
        %dma_start3A_491 = tpu.memref_slice %arg8[%mul3A_490] : memref<2000xi32, #tpu.memory_space<vmem>> -> memref<80xi32, #tpu.memory_space<vmem>>
        %dma_start3A_492 = arith.constant 0 : i32
        %dma_start3A_493 = arith.constant 0 : i32
        %dma_start3A_494 = tpu.memref_slice %arg2[%dma_start3A_492, %dma_start3A_493] : memref<10000x64xf32, #tpu.memory_space<hbm>> -> memref<10000x64xf32, #tpu.memory_space<hbm>>
        tpu.enqueue_indirect_dma source(%dma_start3A_494 : memref<10000x64xf32, #tpu.memory_space<hbm>>) target(%arg16 : memref<80x64xf32, #tpu.memory_space<vmem>>) offsets(%dma_start3A_491 : memref<80xi32, #tpu.memory_space<vmem>>) semaphore(%arg21 : memref<!tpu.dma_semaphore, #tpu.memory_space<semaphore_mem>>)
        %mul3A_495 = arith.constant 5 : i32
        %mul3A_496 = arith.muli %add3A_464, %mul3A_495 : i32
        %add3A_497 = arith.constant 3 : i32
        %add3A_498 = arith.addi %mul3A_496, %add3A_497 : i32
        %mul3A_499 = arith.constant 80 : i32
        %mul3A_500 = arith.muli %add3A_498, %mul3A_499 : i32
        %dma_start3A_501 = tpu.memref_slice %arg8[%mul3A_500] : memref<2000xi32, #tpu.memory_space<vmem>> -> memref<80xi32, #tpu.memory_space<vmem>>
        %dma_start3A_502 = arith.constant 0 : i32
        %dma_start3A_503 = arith.constant 0 : i32
        %dma_start3A_504 = tpu.memref_slice %arg2[%dma_start3A_502, %dma_start3A_503] : memref<10000x64xf32, #tpu.memory_space<hbm>> -> memref<10000x64xf32, #tpu.memory_space<hbm>>
        tpu.enqueue_indirect_dma source(%dma_start3A_504 : memref<10000x64xf32, #tpu.memory_space<hbm>>) target(%arg17 : memref<80x64xf32, #tpu.memory_space<vmem>>) offsets(%dma_start3A_501 : memref<80xi32, #tpu.memory_space<vmem>>) semaphore(%arg21 : memref<!tpu.dma_semaphore, #tpu.memory_space<semaphore_mem>>)
        %mul3A_505 = arith.constant 5 : i32
        %mul3A_506 = arith.muli %add3A_464, %mul3A_505 : i32
        %add3A_507 = arith.constant 4 : i32
        %add3A_508 = arith.addi %mul3A_506, %add3A_507 : i32
        %mul3A_509 = arith.constant 80 : i32
        %mul3A_510 = arith.muli %add3A_508, %mul3A_509 : i32
        %dma_start3A_511 = tpu.memref_slice %arg8[%mul3A_510] : memref<2000xi32, #tpu.memory_space<vmem>> -> memref<80xi32, #tpu.memory_space<vmem>>
        %dma_start3A_512 = arith.constant 0 : i32
        %dma_start3A_513 = arith.constant 0 : i32
        %dma_start3A_514 = tpu.memref_slice %arg2[%dma_start3A_512, %dma_start3A_513] : memref<10000x64xf32, #tpu.memory_space<hbm>> -> memref<10000x64xf32, #tpu.memory_space<hbm>>
        tpu.enqueue_indirect_dma source(%dma_start3A_514 : memref<10000x64xf32, #tpu.memory_space<hbm>>) target(%arg18 : memref<80x64xf32, #tpu.memory_space<vmem>>) offsets(%dma_start3A_511 : memref<80xi32, #tpu.memory_space<vmem>>) semaphore(%arg21 : memref<!tpu.dma_semaphore, #tpu.memory_space<semaphore_mem>>)
      } else {
      }
      %scan3A_462 = arith.constant 0 : i32
      scf.yield %scan3A_462 : i32
    }
    %scan3A_75 = arith.constant 2 : i32
    %dma_wait3A = arith.constant 1600 : i32
    %dma_wait3A_76 = tpu.memref_slice %arg8[%dma_wait3A] : memref<2000xi32, #tpu.memory_space<vmem>> -> memref<80xi32, #tpu.memory_space<vmem>>
    %dma_wait3A_77 = arith.constant 0 : i32
    %dma_wait3A_78 = arith.constant 0 : i32
    %dma_wait3A_79 = tpu.memref_slice %arg2[%dma_wait3A_77, %dma_wait3A_78] : memref<10000x64xf32, #tpu.memory_space<hbm>> -> memref<10000x64xf32, #tpu.memory_space<hbm>>
    tpu.wait_indirect_dma semaphore(%arg20 : memref<!tpu.dma_semaphore, #tpu.memory_space<semaphore_mem>>) src(%dma_wait3A_79 : memref<10000x64xf32, #tpu.memory_space<hbm>>) dst(%arg9 : memref<80x64xf32, #tpu.memory_space<vmem>>)
    %dma_wait3A_80 = arith.constant 1680 : i32
    %dma_wait3A_81 = tpu.memref_slice %arg8[%dma_wait3A_80] : memref<2000xi32, #tpu.memory_space<vmem>> -> memref<80xi32, #tpu.memory_space<vmem>>
    %dma_wait3A_82 = arith.constant 0 : i32
    %dma_wait3A_83 = arith.constant 0 : i32
    %dma_wait3A_84 = tpu.memref_slice %arg2[%dma_wait3A_82, %dma_wait3A_83] : memref<10000x64xf32, #tpu.memory_space<hbm>> -> memref<10000x64xf32, #tpu.memory_space<hbm>>
    tpu.wait_indirect_dma semaphore(%arg20 : memref<!tpu.dma_semaphore, #tpu.memory_space<semaphore_mem>>) src(%dma_wait3A_84 : memref<10000x64xf32, #tpu.memory_space<hbm>>) dst(%arg10 : memref<80x64xf32, #tpu.memory_space<vmem>>)
    %dma_wait3A_85 = arith.constant 1760 : i32
    %dma_wait3A_86 = tpu.memref_slice %arg8[%dma_wait3A_85] : memref<2000xi32, #tpu.memory_space<vmem>> -> memref<80xi32, #tpu.memory_space<vmem>>
    %dma_wait3A_87 = arith.constant 0 : i32
    %dma_wait3A_88 = arith.constant 0 : i32
    %dma_wait3A_89 = tpu.memref_slice %arg2[%dma_wait3A_87, %dma_wait3A_88] : memref<10000x64xf32, #tpu.memory_space<hbm>> -> memref<10000x64xf32, #tpu.memory_space<hbm>>
    tpu.wait_indirect_dma semaphore(%arg20 : memref<!tpu.dma_semaphore, #tpu.memory_space<semaphore_mem>>) src(%dma_wait3A_89 : memref<10000x64xf32, #tpu.memory_space<hbm>>) dst(%arg11 : memref<80x64xf32, #tpu.memory_space<vmem>>)
    %dma_wait3A_90 = arith.constant 1840 : i32
    %dma_wait3A_91 = tpu.memref_slice %arg8[%dma_wait3A_90] : memref<2000xi32, #tpu.memory_space<vmem>> -> memref<80xi32, #tpu.memory_space<vmem>>
    %dma_wait3A_92 = arith.constant 0 : i32
    %dma_wait3A_93 = arith.constant 0 : i32
    %dma_wait3A_94 = tpu.memref_slice %arg2[%dma_wait3A_92, %dma_wait3A_93] : memref<10000x64xf32, #tpu.memory_space<hbm>> -> memref<10000x64xf32, #tpu.memory_space<hbm>>
    tpu.wait_indirect_dma semaphore(%arg20 : memref<!tpu.dma_semaphore, #tpu.memory_space<semaphore_mem>>) src(%dma_wait3A_94 : memref<10000x64xf32, #tpu.memory_space<hbm>>) dst(%arg12 : memref<80x64xf32, #tpu.memory_space<vmem>>)
    %dma_wait3A_95 = arith.constant 1920 : i32
    %dma_wait3A_96 = tpu.memref_slice %arg8[%dma_wait3A_95] : memref<2000xi32, #tpu.memory_space<vmem>> -> memref<80xi32, #tpu.memory_space<vmem>>
    %dma_wait3A_97 = arith.constant 0 : i32
    %dma_wait3A_98 = arith.constant 0 : i32
    %dma_wait3A_99 = tpu.memref_slice %arg2[%dma_wait3A_97, %dma_wait3A_98] : memref<10000x64xf32, #tpu.memory_space<hbm>> -> memref<10000x64xf32, #tpu.memory_space<hbm>>
    tpu.wait_indirect_dma semaphore(%arg20 : memref<!tpu.dma_semaphore, #tpu.memory_space<semaphore_mem>>) src(%dma_wait3A_99 : memref<10000x64xf32, #tpu.memory_space<hbm>>) dst(%arg13 : memref<80x64xf32, #tpu.memory_space<vmem>>)
    %dma_start3A_100 = arith.constant 1600 : i32
    %dma_start3A_101 = tpu.memref_slice %arg7[%dma_start3A_100] : memref<2000xi32, #tpu.memory_space<vmem>> -> memref<80xi32, #tpu.memory_space<vmem>>
    %dma_start3A_102 = arith.constant 0 : i32
    %dma_start3A_103 = arith.constant 0 : i32
    %dma_start3A_104 = tpu.memref_slice %arg6[%dma_start3A_102, %dma_start3A_103] : memref<2048x64xf32, #tpu.memory_space<vmem_shared>> -> memref<2048x64xf32, #tpu.memory_space<vmem_shared>>
    tpu.enqueue_indirect_dma source(%arg9 : memref<80x64xf32, #tpu.memory_space<vmem>>) target(%dma_start3A_104 : memref<2048x64xf32, #tpu.memory_space<vmem_shared>>) offsets(%dma_start3A_101 : memref<80xi32, #tpu.memory_space<vmem>>) semaphore(%arg22 : memref<!tpu.dma_semaphore, #tpu.memory_space<semaphore_mem>>) {add = true}
    %dma_start3A_105 = arith.constant 1680 : i32
    %dma_start3A_106 = tpu.memref_slice %arg7[%dma_start3A_105] : memref<2000xi32, #tpu.memory_space<vmem>> -> memref<80xi32, #tpu.memory_space<vmem>>
    %dma_start3A_107 = arith.constant 0 : i32
    %dma_start3A_108 = arith.constant 0 : i32
    %dma_start3A_109 = tpu.memref_slice %arg6[%dma_start3A_107, %dma_start3A_108] : memref<2048x64xf32, #tpu.memory_space<vmem_shared>> -> memref<2048x64xf32, #tpu.memory_space<vmem_shared>>
    tpu.enqueue_indirect_dma source(%arg10 : memref<80x64xf32, #tpu.memory_space<vmem>>) target(%dma_start3A_109 : memref<2048x64xf32, #tpu.memory_space<vmem_shared>>) offsets(%dma_start3A_106 : memref<80xi32, #tpu.memory_space<vmem>>) semaphore(%arg22 : memref<!tpu.dma_semaphore, #tpu.memory_space<semaphore_mem>>) {add = true}
    %dma_start3A_110 = arith.constant 1760 : i32
    %dma_start3A_111 = tpu.memref_slice %arg7[%dma_start3A_110] : memref<2000xi32, #tpu.memory_space<vmem>> -> memref<80xi32, #tpu.memory_space<vmem>>
    %dma_start3A_112 = arith.constant 0 : i32
    %dma_start3A_113 = arith.constant 0 : i32
    %dma_start3A_114 = tpu.memref_slice %arg6[%dma_start3A_112, %dma_start3A_113] : memref<2048x64xf32, #tpu.memory_space<vmem_shared>> -> memref<2048x64xf32, #tpu.memory_space<vmem_shared>>
    tpu.enqueue_indirect_dma source(%arg11 : memref<80x64xf32, #tpu.memory_space<vmem>>) target(%dma_start3A_114 : memref<2048x64xf32, #tpu.memory_space<vmem_shared>>) offsets(%dma_start3A_111 : memref<80xi32, #tpu.memory_space<vmem>>) semaphore(%arg22 : memref<!tpu.dma_semaphore, #tpu.memory_space<semaphore_mem>>) {add = true}
    %dma_start3A_115 = arith.constant 1840 : i32
    %dma_start3A_116 = tpu.memref_slice %arg7[%dma_start3A_115] : memref<2000xi32, #tpu.memory_space<vmem>> -> memref<80xi32, #tpu.memory_space<vmem>>
    %dma_start3A_117 = arith.constant 0 : i32
    %dma_start3A_118 = arith.constant 0 : i32
    %dma_start3A_119 = tpu.memref_slice %arg6[%dma_start3A_117, %dma_start3A_118] : memref<2048x64xf32, #tpu.memory_space<vmem_shared>> -> memref<2048x64xf32, #tpu.memory_space<vmem_shared>>
    tpu.enqueue_indirect_dma source(%arg12 : memref<80x64xf32, #tpu.memory_space<vmem>>) target(%dma_start3A_119 : memref<2048x64xf32, #tpu.memory_space<vmem_shared>>) offsets(%dma_start3A_116 : memref<80xi32, #tpu.memory_space<vmem>>) semaphore(%arg22 : memref<!tpu.dma_semaphore, #tpu.memory_space<semaphore_mem>>) {add = true}
    %dma_start3A_120 = arith.constant 1920 : i32
    %dma_start3A_121 = tpu.memref_slice %arg7[%dma_start3A_120] : memref<2000xi32, #tpu.memory_space<vmem>> -> memref<80xi32, #tpu.memory_space<vmem>>
    %dma_start3A_122 = arith.constant 0 : i32
    %dma_start3A_123 = arith.constant 0 : i32
    %dma_start3A_124 = tpu.memref_slice %arg6[%dma_start3A_122, %dma_start3A_123] : memref<2048x64xf32, #tpu.memory_space<vmem_shared>> -> memref<2048x64xf32, #tpu.memory_space<vmem_shared>>
    tpu.enqueue_indirect_dma source(%arg13 : memref<80x64xf32, #tpu.memory_space<vmem>>) target(%dma_start3A_124 : memref<2048x64xf32, #tpu.memory_space<vmem_shared>>) offsets(%dma_start3A_121 : memref<80xi32, #tpu.memory_space<vmem>>) semaphore(%arg22 : memref<!tpu.dma_semaphore, #tpu.memory_space<semaphore_mem>>) {add = true}
    %dma_wait3A_125 = arith.constant 1600 : i32
    %dma_wait3A_126 = tpu.memref_slice %arg7[%dma_wait3A_125] : memref<2000xi32, #tpu.memory_space<vmem>> -> memref<80xi32, #tpu.memory_space<vmem>>
    %dma_wait3A_127 = arith.constant 0 : i32
    %dma_wait3A_128 = arith.constant 0 : i32
    %dma_wait3A_129 = tpu.memref_slice %arg6[%dma_wait3A_127, %dma_wait3A_128] : memref<2048x64xf32, #tpu.memory_space<vmem_shared>> -> memref<2048x64xf32, #tpu.memory_space<vmem_shared>>
    tpu.wait_indirect_dma semaphore(%arg22 : memref<!tpu.dma_semaphore, #tpu.memory_space<semaphore_mem>>) src(%arg9 : memref<80x64xf32, #tpu.memory_space<vmem>>) dst(%dma_wait3A_129 : memref<2048x64xf32, #tpu.memory_space<vmem_shared>>)
    %dma_wait3A_130 = arith.constant 1680 : i32
    %dma_wait3A_131 = tpu.memref_slice %arg7[%dma_wait3A_130] : memref<2000xi32, #tpu.memory_space<vmem>> -> memref<80xi32, #tpu.memory_space<vmem>>
    %dma_wait3A_132 = arith.constant 0 : i32
    %dma_wait3A_133 = arith.constant 0 : i32
    %dma_wait3A_134 = tpu.memref_slice %arg6[%dma_wait3A_132, %dma_wait3A_133] : memref<2048x64xf32, #tpu.memory_space<vmem_shared>> -> memref<2048x64xf32, #tpu.memory_space<vmem_shared>>
    tpu.wait_indirect_dma semaphore(%arg22 : memref<!tpu.dma_semaphore, #tpu.memory_space<semaphore_mem>>) src(%arg10 : memref<80x64xf32, #tpu.memory_space<vmem>>) dst(%dma_wait3A_134 : memref<2048x64xf32, #tpu.memory_space<vmem_shared>>)
    %dma_wait3A_135 = arith.constant 1760 : i32
    %dma_wait3A_136 = tpu.memref_slice %arg7[%dma_wait3A_135] : memref<2000xi32, #tpu.memory_space<vmem>> -> memref<80xi32, #tpu.memory_space<vmem>>
    %dma_wait3A_137 = arith.constant 0 : i32
    %dma_wait3A_138 = arith.constant 0 : i32
    %dma_wait3A_139 = tpu.memref_slice %arg6[%dma_wait3A_137, %dma_wait3A_138] : memref<2048x64xf32, #tpu.memory_space<vmem_shared>> -> memref<2048x64xf32, #tpu.memory_space<vmem_shared>>
    tpu.wait_indirect_dma semaphore(%arg22 : memref<!tpu.dma_semaphore, #tpu.memory_space<semaphore_mem>>) src(%arg11 : memref<80x64xf32, #tpu.memory_space<vmem>>) dst(%dma_wait3A_139 : memref<2048x64xf32, #tpu.memory_space<vmem_shared>>)
    %dma_wait3A_140 = arith.constant 1840 : i32
    %dma_wait3A_141 = tpu.memref_slice %arg7[%dma_wait3A_140] : memref<2000xi32, #tpu.memory_space<vmem>> -> memref<80xi32, #tpu.memory_space<vmem>>
    %dma_wait3A_142 = arith.constant 0 : i32
    %dma_wait3A_143 = arith.constant 0 : i32
    %dma_wait3A_144 = tpu.memref_slice %arg6[%dma_wait3A_142, %dma_wait3A_143] : memref<2048x64xf32, #tpu.memory_space<vmem_shared>> -> memref<2048x64xf32, #tpu.memory_space<vmem_shared>>
    tpu.wait_indirect_dma semaphore(%arg22 : memref<!tpu.dma_semaphore, #tpu.memory_space<semaphore_mem>>) src(%arg12 : memref<80x64xf32, #tpu.memory_space<vmem>>) dst(%dma_wait3A_144 : memref<2048x64xf32, #tpu.memory_space<vmem_shared>>)
    %dma_wait3A_145 = arith.constant 1920 : i32
    %dma_wait3A_146 = tpu.memref_slice %arg7[%dma_wait3A_145] : memref<2000xi32, #tpu.memory_space<vmem>> -> memref<80xi32, #tpu.memory_space<vmem>>
    %dma_wait3A_147 = arith.constant 0 : i32
    %dma_wait3A_148 = arith.constant 0 : i32
    %dma_wait3A_149 = tpu.memref_slice %arg6[%dma_wait3A_147, %dma_wait3A_148] : memref<2048x64xf32, #tpu.memory_space<vmem_shared>> -> memref<2048x64xf32, #tpu.memory_space<vmem_shared>>
    tpu.wait_indirect_dma semaphore(%arg22 : memref<!tpu.dma_semaphore, #tpu.memory_space<semaphore_mem>>) src(%arg13 : memref<80x64xf32, #tpu.memory_space<vmem>>) dst(%dma_wait3A_149 : memref<2048x64xf32, #tpu.memory_space<vmem_shared>>)
    %barrier3A_150 = arith.constant 0 : index
    tpu.barrier barrier_id(%barrier3A_150)
    %mul3A_151 = arith.constant 128 : i32
    %mul3A_152 = arith.muli %arg1, %mul3A_151 : i32
    %mul3A_153 = arith.constant 2048 : i32
    %mul3A_154 = arith.muli %arg0, %mul3A_153 : i32
    %mul3A_155 = arith.constant 128 : i32
    %mul3A_156 = arith.muli %arg1, %mul3A_155 : i32
    %add3A_157 = arith.addi %mul3A_154, %mul3A_156 : i32
    "tpu.region"() ({
      %run_scoped3A = tpu.sem_alloc : memref<!tpu.dma_semaphore, #tpu.memory_space<semaphore_mem>>
      %dma_start3A_158 = arith.constant 0 : i32
      %dma_start3A_159 = tpu.memref_slice %arg5[%add3A_157, %dma_start3A_158] : memref<4096x64xf32, #tpu.memory_space<hbm>> -> memref<128x64xf32, #tpu.memory_space<hbm>>
      %dma_start3A_160 = arith.constant 0 : i32
      %dma_start3A_161 = tpu.memref_slice %arg6[%mul3A_152, %dma_start3A_160] : memref<2048x64xf32, #tpu.memory_space<vmem_shared>> -> memref<128x64xf32, #tpu.memory_space<vmem_shared>>
      tpu.enqueue_dma source(%dma_start3A_161 : memref<128x64xf32, #tpu.memory_space<vmem_shared>>) target(%dma_start3A_159 : memref<128x64xf32, #tpu.memory_space<hbm>>) target_semaphore(%run_scoped3A : memref<!tpu.dma_semaphore, #tpu.memory_space<semaphore_mem>>)
      %dma_wait3A_162 = arith.constant 0 : i32
      %dma_wait3A_163 = tpu.memref_slice %arg5[%add3A_157, %dma_wait3A_162] : memref<4096x64xf32, #tpu.memory_space<hbm>> -> memref<128x64xf32, #tpu.memory_space<hbm>>
      %dma_wait3A_164 = arith.constant 0 : i32
      %dma_wait3A_165 = tpu.memref_slice %arg6[%mul3A_152, %dma_wait3A_164] : memref<2048x64xf32, #tpu.memory_space<vmem_shared>> -> memref<128x64xf32, #tpu.memory_space<vmem_shared>>
      tpu.wait_dma2 semaphore(%run_scoped3A : memref<!tpu.dma_semaphore, #tpu.memory_space<semaphore_mem>>) src(%dma_wait3A_165 : memref<128x64xf32, #tpu.memory_space<vmem_shared>>) dst(%dma_wait3A_163 : memref<128x64xf32, #tpu.memory_space<hbm>>)
      tpu.yield
    }) : () -> ()
    return
  }
}

module attributes {stable_mosaic.version = 14 : i64} {
  func.func @_tc_proj_body(%arg0: memref<10000x64xf32, #tpu.memory_space<vmem>>, %arg1: memref<10000x128xf32, #tpu.memory_space<vmem>>, %arg2: memref<2000x128xf32, #tpu.memory_space<vmem>>, %arg3: memref<64x192xf32, #tpu.memory_space<vmem>>, %arg4: memref<128x192xf32, #tpu.memory_space<vmem>>, %arg5: memref<128x128xf32, #tpu.memory_space<vmem>>, %arg6: memref<10000x64xf32, #tpu.memory_space<vmem>>, %arg7: memref<10000x64xf32, #tpu.memory_space<vmem>>, %arg8: memref<10000x64xf32, #tpu.memory_space<vmem>>, %arg9: memref<2000x64xf32, #tpu.memory_space<vmem>>, %arg10: memref<2000x64xf32, #tpu.memory_space<vmem>>) attributes {dimension_semantics = [], scalar_prefetch = 0 : i64, scratch_operands = 0 : i64, tpu.core_type = #tpu.core_type<tc>} {
    %get3A = arith.constant 0 : index
    %get3A_0 = arith.constant 0 : index
    %get3A_1 = vector.load %arg0[%get3A, %get3A_0] : memref<10000x64xf32, #tpu.memory_space<vmem>>, vector<10000x64xf32>
    %get3A_2 = arith.constant 0 : index
    %get3A_3 = arith.constant 0 : index
    %get3A_4 = vector.load %arg3[%get3A_2, %get3A_3] : memref<64x192xf32, #tpu.memory_space<vmem>>, vector<64x192xf32>
    %dot_general3A = arith.constant dense<0.000000e+00> : vector<10000x192xf32>
    %dot_general3A_5 = tpu.matmul %get3A_1, %get3A_4, %dot_general3A {dimension_numbers = #tpu.dot_dimension_numbers<[1], [0], [0], [1], [0, 0, 1, 1], [], []>, transpose_lhs_hint = false} : vector<10000x64xf32>, vector<64x192xf32>, vector<10000x192xf32> -> vector<10000x192xf32>
    %get3A_6 = arith.constant 0 : index
    %get3A_7 = arith.constant 0 : index
    %get3A_8 = vector.load %arg1[%get3A_6, %get3A_7] : memref<10000x128xf32, #tpu.memory_space<vmem>>, vector<10000x128xf32>
    %get3A_9 = arith.constant 0 : index
    %get3A_10 = arith.constant 0 : index
    %get3A_11 = vector.load %arg4[%get3A_9, %get3A_10] : memref<128x192xf32, #tpu.memory_space<vmem>>, vector<128x192xf32>
    %dot_general3A_12 = arith.constant dense<0.000000e+00> : vector<10000x192xf32>
    %dot_general3A_13 = tpu.matmul %get3A_8, %get3A_11, %dot_general3A_12 {dimension_numbers = #tpu.dot_dimension_numbers<[1], [0], [0], [1], [0, 0, 1, 1], [], []>, transpose_lhs_hint = false} : vector<10000x128xf32>, vector<128x192xf32>, vector<10000x192xf32> -> vector<10000x192xf32>
    %add3A = arith.addf %dot_general3A_5, %dot_general3A_13 : vector<10000x192xf32>
    %slice3A = vector.extract_strided_slice %add3A {offsets = [0, 0], sizes = [10000, 64], strides = [1, 1]} : vector<10000x192xf32> to vector<10000x64xf32>
    %swap3A = arith.constant 0 : index
    %swap3A_14 = arith.constant 0 : index
    %swap3A_15 = vector.load %arg6[%swap3A, %swap3A_14] : memref<10000x64xf32, #tpu.memory_space<vmem>>, vector<10000x64xf32>
    tpu.vector_store %arg6[%swap3A, %swap3A_14], %slice3A {strides = array<i32>} : memref<10000x64xf32, #tpu.memory_space<vmem>>, vector<10000x64xf32>,
    %slice3A_16 = vector.extract_strided_slice %add3A {offsets = [0, 64], sizes = [10000, 64], strides = [1, 1]} : vector<10000x192xf32> to vector<10000x64xf32>
    %swap3A_17 = arith.constant 0 : index
    %swap3A_18 = arith.constant 0 : index
    %swap3A_19 = vector.load %arg7[%swap3A_17, %swap3A_18] : memref<10000x64xf32, #tpu.memory_space<vmem>>, vector<10000x64xf32>
    tpu.vector_store %arg7[%swap3A_17, %swap3A_18], %slice3A_16 {strides = array<i32>} : memref<10000x64xf32, #tpu.memory_space<vmem>>, vector<10000x64xf32>,
    %slice3A_20 = vector.extract_strided_slice %add3A {offsets = [0, 128], sizes = [10000, 64], strides = [1, 1]} : vector<10000x192xf32> to vector<10000x64xf32>
    %swap3A_21 = arith.constant 0 : index
    %swap3A_22 = arith.constant 0 : index
    %swap3A_23 = vector.load %arg8[%swap3A_21, %swap3A_22] : memref<10000x64xf32, #tpu.memory_space<vmem>>, vector<10000x64xf32>
    tpu.vector_store %arg8[%swap3A_21, %swap3A_22], %slice3A_20 {strides = array<i32>} : memref<10000x64xf32, #tpu.memory_space<vmem>>, vector<10000x64xf32>,
    %get3A_24 = arith.constant 0 : index
    %get3A_25 = arith.constant 0 : index
    %get3A_26 = vector.load %arg2[%get3A_24, %get3A_25] : memref<2000x128xf32, #tpu.memory_space<vmem>>, vector<2000x128xf32>
    %get3A_27 = arith.constant 0 : index
    %get3A_28 = arith.constant 0 : index
    %get3A_29 = vector.load %arg5[%get3A_27, %get3A_28] : memref<128x128xf32, #tpu.memory_space<vmem>>, vector<128x128xf32>
    %dot_general3A_30 = arith.constant dense<0.000000e+00> : vector<2000x128xf32>
    %dot_general3A_31 = tpu.matmul %get3A_26, %get3A_29, %dot_general3A_30 {dimension_numbers = #tpu.dot_dimension_numbers<[1], [0], [0], [1], [0, 0, 1, 1], [], []>, transpose_lhs_hint = false} : vector<2000x128xf32>, vector<128x128xf32>, vector<2000x128xf32> -> vector<2000x128xf32>
    %slice3A_32 = vector.extract_strided_slice %dot_general3A_31 {offsets = [0, 0], sizes = [2000, 64], strides = [1, 1]} : vector<2000x128xf32> to vector<2000x64xf32>
    %swap3A_33 = arith.constant 0 : index
    %swap3A_34 = arith.constant 0 : index
    %swap3A_35 = vector.load %arg9[%swap3A_33, %swap3A_34] : memref<2000x64xf32, #tpu.memory_space<vmem>>, vector<2000x64xf32>
    tpu.vector_store %arg9[%swap3A_33, %swap3A_34], %slice3A_32 {strides = array<i32>} : memref<2000x64xf32, #tpu.memory_space<vmem>>, vector<2000x64xf32>,
    %slice3A_36 = vector.extract_strided_slice %dot_general3A_31 {offsets = [0, 64], sizes = [2000, 64], strides = [1, 1]} : vector<2000x128xf32> to vector<2000x64xf32>
    %swap3A_37 = arith.constant 0 : index
    %swap3A_38 = arith.constant 0 : index
    %swap3A_39 = vector.load %arg10[%swap3A_37, %swap3A_38] : memref<2000x64xf32, #tpu.memory_space<vmem>>, vector<2000x64xf32>
    tpu.vector_store %arg10[%swap3A_37, %swap3A_38], %slice3A_36 {strides = array<i32>} : memref<2000x64xf32, #tpu.memory_space<vmem>>, vector<2000x64xf32>,
    return
  }
}

module attributes {stable_mosaic.version = 14 : i64} {
  func.func @_tc_mid_body(%arg0: memref<10000x64xf32, #tpu.memory_space<vmem>>, %arg1: memref<20480x64xf32, #tpu.memory_space<vmem>>, %arg2: memref<64x64xf32, #tpu.memory_space<vmem>>, %arg3: memref<10000x64xf32, #tpu.memory_space<vmem>>) attributes {dimension_semantics = [], scalar_prefetch = 0 : i64, scratch_operands = 0 : i64, tpu.core_type = #tpu.core_type<tc>} {
    %get3A = arith.constant 0 : index
    %get3A_0 = arith.constant 0 : index
    %get3A_1 = vector.load %arg1[%get3A, %get3A_0] : memref<20480x64xf32, #tpu.memory_space<vmem>>, vector<10000x64xf32>
    %get3A_2 = arith.constant 10240 : index
    %get3A_3 = arith.constant 0 : index
    %get3A_4 = vector.load %arg1[%get3A_2, %get3A_3] : memref<20480x64xf32, #tpu.memory_space<vmem>>, vector<10000x64xf32>
    %add3A = arith.addf %get3A_1, %get3A_4 : vector<10000x64xf32>
    %get3A_5 = arith.constant 0 : index
    %get3A_6 = arith.constant 0 : index
    %get3A_7 = vector.load %arg0[%get3A_5, %get3A_6] : memref<10000x64xf32, #tpu.memory_space<vmem>>, vector<10000x64xf32>
    %add3A_8 = arith.addf %get3A_7, %add3A : vector<10000x64xf32>
    %max3A = arith.constant 0.000000e+00 : f32
    %max3A_9 = vector.broadcast %max3A : f32 to vector<10000x64xf32>
    %max3A_10 = arith.maximumf %add3A_8, %max3A_9 : vector<10000x64xf32>
    %get3A_11 = arith.constant 0 : index
    %get3A_12 = arith.constant 0 : index
    %get3A_13 = vector.load %arg2[%get3A_11, %get3A_12] : memref<64x64xf32, #tpu.memory_space<vmem>>, vector<64x64xf32>
    %dot_general3A = arith.constant dense<0.000000e+00> : vector<10000x64xf32>
    %dot_general3A_14 = tpu.matmul %max3A_10, %get3A_13, %dot_general3A {dimension_numbers = #tpu.dot_dimension_numbers<[1], [0], [0], [1], [0, 0, 1, 1], [], []>, transpose_lhs_hint = false} : vector<10000x64xf32>, vector<64x64xf32>, vector<10000x64xf32> -> vector<10000x64xf32>
    %swap3A = arith.constant 0 : index
    %swap3A_15 = arith.constant 0 : index
    %swap3A_16 = vector.load %arg3[%swap3A, %swap3A_15] : memref<10000x64xf32, #tpu.memory_space<vmem>>, vector<10000x64xf32>
    tpu.vector_store %arg3[%swap3A, %swap3A_15], %dot_general3A_14 {strides = array<i32>} : memref<10000x64xf32, #tpu.memory_space<vmem>>, vector<10000x64xf32>,
    return
  }
}

module attributes {stable_mosaic.version = 14 : i64} {
  func.func @_tc_fin_body(%arg0: memref<2000x64xf32, #tpu.memory_space<vmem>>, %arg1: memref<4096x64xf32, #tpu.memory_space<vmem>>, %arg2: memref<4096x64xf32, #tpu.memory_space<vmem>>, %arg3: memref<64x64xf32, #tpu.memory_space<vmem>>, %arg4: memref<2000x64xf32, #tpu.memory_space<vmem>>) attributes {dimension_semantics = [], scalar_prefetch = 0 : i64, scratch_operands = 0 : i64, tpu.core_type = #tpu.core_type<tc>} {
    %get3A = arith.constant 0 : index
    %get3A_0 = arith.constant 0 : index
    %get3A_1 = vector.load %arg1[%get3A, %get3A_0] : memref<4096x64xf32, #tpu.memory_space<vmem>>, vector<2000x64xf32>
    %get3A_2 = arith.constant 2048 : index
    %get3A_3 = arith.constant 0 : index
    %get3A_4 = vector.load %arg1[%get3A_2, %get3A_3] : memref<4096x64xf32, #tpu.memory_space<vmem>>, vector<2000x64xf32>
    %add3A = arith.addf %get3A_1, %get3A_4 : vector<2000x64xf32>
    %get3A_5 = arith.constant 0 : index
    %get3A_6 = arith.constant 0 : index
    %get3A_7 = vector.load %arg0[%get3A_5, %get3A_6] : memref<2000x64xf32, #tpu.memory_space<vmem>>, vector<2000x64xf32>
    %add3A_8 = arith.addf %get3A_7, %add3A : vector<2000x64xf32>
    %max3A = arith.constant 0.000000e+00 : f32
    %max3A_9 = vector.broadcast %max3A : f32 to vector<2000x64xf32>
    %max3A_10 = arith.maximumf %add3A_8, %max3A_9 : vector<2000x64xf32>
    %get3A_11 = arith.constant 0 : index
    %get3A_12 = arith.constant 0 : index
    %get3A_13 = vector.load %arg2[%get3A_11, %get3A_12] : memref<4096x64xf32, #tpu.memory_space<vmem>>, vector<2000x64xf32>
    %get3A_14 = arith.constant 2048 : index
    %get3A_15 = arith.constant 0 : index
    %get3A_16 = vector.load %arg2[%get3A_14, %get3A_15] : memref<4096x64xf32, #tpu.memory_space<vmem>>, vector<2000x64xf32>
    %add3A_17 = arith.addf %get3A_13, %get3A_16 : vector<2000x64xf32>
    %get3A_18 = arith.constant 0 : index
    %get3A_19 = arith.constant 0 : index
    %get3A_20 = vector.load %arg3[%get3A_18, %get3A_19] : memref<64x64xf32, #tpu.memory_space<vmem>>, vector<64x64xf32>
    %dot_general3A = arith.constant dense<0.000000e+00> : vector<2000x64xf32>
    %dot_general3A_21 = tpu.matmul %max3A_10, %get3A_20, %dot_general3A {dimension_numbers = #tpu.dot_dimension_numbers<[1], [0], [0], [1], [0, 0, 1, 1], [], []>, transpose_lhs_hint = false} : vector<2000x64xf32>, vector<64x64xf32>, vector<2000x64xf32> -> vector<2000x64xf32>
    %add3A_22 = arith.addf %dot_general3A_21, %add3A_17 : vector<2000x64xf32>
    %max3A_23 = arith.constant 0.000000e+00 : f32
    %max3A_24 = vector.broadcast %max3A_23 : f32 to vector<2000x64xf32>
    %max3A_25 = arith.maximumf %add3A_22, %max3A_24 : vector<2000x64xf32>
    %add3A_26 = arith.addf %max3A_25, %max3A_10 : vector<2000x64xf32>
    %swap3A = arith.constant 0 : index
    %swap3A_27 = arith.constant 0 : index
    %swap3A_28 = vector.load %arg4[%swap3A, %swap3A_27] : memref<2000x64xf32, #tpu.memory_space<vmem>>, vector<2000x64xf32>
    tpu.vector_store %arg4[%swap3A, %swap3A_27], %add3A_26 {strides = array<i32>} : memref<2000x64xf32, #tpu.memory_space<vmem>>, vector<2000x64xf32>,
    return
  }
}

</mosaic_0001>

<sc_bundles>
// kernel: kernel.10.cloned.1.call-start
scs
__scs_entry_jumppad:
0x0: {  	(pc) =	sbr.rel $0x88, $3  }
0x1: {  	(tag) =	ssettag $0x0;
	lr =	simm.s32 $0x1  }
0x2: {  	[smem:$0x3F93] =	sst lr;
	_ =	strace $0xD0000000  }
0x3: {  	_ = 	snop  }
0x4: {  	_ = 	snop  }
0x5: {  	_ = 	snop  }
0x6: {  	_ = 	snop  }
0x7: {  	_ = 	snop  }
__scs_overlays_trampoline_lowered:
0x8: {  	[smem:$0x3FA2] =	sst s0  }
0x9: {  	[smem:$0x3FA3] =	sst s1  }
0xa: {  	[smem:$0x3FA4] =	sst s2  }
0xb: {  	[smem:$0x3FA5] =	sst s3  }
0xc: {  	[smem:$0x3FA6] =	sst s4  }
0xd: {  	[smem:$0x3FA7] =	sst s5  }
0xe: {  	[smem:$0x3FA8] =	sst s6  }
0xf: {  	[smem:$0x3FA9] =	sst s7  }
0x10: {  	[smem:$0x3FAA] =	sst s8  }
0x11: {  	[smem:$0x3FAB] =	sst s9;
	s0 =	simm.s32 @!p0 $0x0  }
0x12: {  	s1 =	sld [smem:$0x3F91];
	s0 =	simm.s32 @p0 $0x1  }
0x13: {  	[smem:$0x3FAC] =	sst s0;
	s0 =	simm.s32 @!p1 $0x0  }
0x14: {  	s2 =	sld [smem:$0x3F90];
	s0 =	simm.s32 @p1 $0x1  }
0x15: {  	[smem:$0x3FAD] =	sst s0;
	s0 =	simm.s32 @!p2 $0x0  }
0x16: {  	s3 =	sld [smem:$0x3FDB];
	s0 =	simm.s32 @p2 $0x1  }
0x17: {  	s4 =	simm.s32 $0x1BF5;
	[smem:$0x3FAF] =	sst s0  }
0x18: {  	s0 =	sld [smem:$0x3F92];
	_ =	swait.ge [sflag:s4], $0x0  }
0x19: {  	s7 =	sld [smem:$0x3F93]  }
0x1a: {  	s8 =	sadd.s32 $0xFFFFE003, lr  }
0x1b: {  	s9 =	sadd.s32 $0xFFFFFEF7, lr;
	s5 =	simm.s32 $0xFFFFFFFF;
	p2 =	slt.u32 s8, $0xFFFFF086  }
0x1c: {  	p1 =	slt.u32 s9, $0xF7A;
	s5 =	simm.s32 @!p2 $0x0  }
0x1d: {  	s5 =	simm.s32 @p1 $0x1;
	p0 =	seq.s32 s7, s2  }
0x1e: {  	s7 =	smul.u32 @!p0 $0xF7A, s2;
	p2 =	seq.s32 @!p0 s5, $0x0  }
0x1f: {  	s9 =	smul.u32 $0xF7A, s1;
	s8 =	simm.s32 @!p0 $0x1BF5;
	p2 =	por !p2, p0  }
0x20: {  	[sflag:s8] =	ssyncset.s32 @!p0 $0xFFFFF086;
	s6 =	sadd.s32 @!p0 s3, s7;
	s7 =	simm.s32 @!p0 $0x108  }
0x21: {  	s3 =	sadd.s32 s3, s9;
	s6 =	sadd.s32 @!p0 $0x88, s6;
	s7 =	simm.s32 @p2 $0x1082  }
0x22: {  	[simem:s7], [sflag:s8] =	dma.local @!p0 [hbm:s6], $0xF7A  }
0x23: {  	s9 =	sor.u32 $0xD0000000, s2;
	s6 =	simm.s32 $0x108;
	_ =	swait.ge @!p0 [sflag:s8], $0x0  }
0x24: {  	s3 =	sadd.s32 $0x88, s3;
	s6 =	simm.s32 @!p1 $0x1082;
	[sflag:s4] =	ssyncset.s32 $0xFFFFF086  }
0x25: {  	[simem:s6], [sflag:s4] =	dma.local [hbm:s3], $0xF7A  }
0x26: {  	[smem:$0x3F93] =	sst s1;
	(tag) =	ssettag s2;
	_ =	strace s9  }
0x27: {  	s1 =	sld [smem:$0x3FA3]  }
0x28: {  	s2 =	sld [smem:$0x3FA4]  }
0x29: {  	s4 =	sld [smem:$0x3FA6]  }
0x2a: {  	p0 =	seq.s32 s5, $0x0;
	s5 =	sld [smem:$0x3FA7]  }
0x2b: {  	s6 =	sld [smem:$0x3FA8]  }
0x2c: {  	s7 =	sld [smem:$0x3FA9]  }
0x2d: {  	s3 =	simm.s32 $0x108;
	s8 =	sld [smem:$0x3FAA]  }
0x2e: {  	s3 =	simm.s32 @!p0 $0x1082;
	s9 =	sld [smem:$0x3FAB]  }
0x2f: {  	lr =	sadd.s32 s0, s3;
	s0 =	sld [smem:$0x3FA2]  }
0x30: {  	s3 =	sld [smem:$0x3FA5]  }
0x31: {  	[smem:$0x3FAE] =	sst s10  }
0x32: {  	s10 =	sld [smem:$0x3FAC];
	_ =	sdelay $0x3  }
0x33: {  	p0 =	seq.s32 s10, $0x1;
	s10 =	sld [smem:$0x3FAE];
	_ =	sdelay $0x3  }
0x34: {  	[smem:$0x3FAE] =	sst s10  }
0x35: {  	s10 =	sld [smem:$0x3FAD];
	_ =	sdelay $0x3  }
0x36: {  	p1 =	seq.s32 s10, $0x1;
	s10 =	sld [smem:$0x3FAE];
	_ =	sdelay $0x3  }
0x37: {  	[smem:$0x3FAE] =	sst s10  }
0x38: {  	s10 =	sld [smem:$0x3FAF]  }
0x39: {  	_ = 	snop;
	(pc) =	sbr.ind lr, $3  }
0x3a: {  	_ = 	snop  }
0x3b: {  	_ = 	snop  }
0x3c: {  	p2 =	seq.s32 s10, $0x1;
	s10 =	sld [smem:$0x3FAE]  }
0x3d: {  	_ =	shalt  }
0x3e: {  	_ =	shalt  }
0x3f: {  	_ =	shalt  }
0x40: {  	_ =	shalt  }
0x41: {  	_ =	shalt  }
0x42: {  	_ =	shalt  }
0x43: {  	_ =	shalt  }
0x44: {  	_ =	shalt  }
0x45: {  	_ =	shalt  }
0x46: {  	_ =	shalt  }
0x47: {  	_ =	shalt  }
0x48: {  	_ =	shalt  }
0x49: {  	_ =	shalt  }
0x4a: {  	_ =	shalt  }
0x4b: {  	_ =	shalt  }
0x4c: {  	_ =	shalt  }
0x4d: {  	_ =	shalt  }
0x4e: {  	_ =	shalt  }
0x4f: {  	_ =	shalt  }
0x50: {  	_ =	shalt  }
0x51: {  	_ =	shalt  }
0x52: {  	_ =	shalt  }
0x53: {  	_ =	shalt  }
0x54: {  	_ =	shalt  }
0x55: {  	_ =	shalt  }
0x56: {  	_ =	shalt  }
0x57: {  	_ =	shalt  }
0x58: {  	_ =	shalt  }
0x59: {  	_ =	shalt  }
0x5a: {  	_ =	shalt  }
0x5b: {  	_ =	shalt  }
0x5c: {  	_ =	shalt  }
0x5d: {  	_ =	shalt  }
0x5e: {  	_ =	shalt  }
0x5f: {  	_ =	shalt  }
0x60: {  	_ =	shalt  }
0x61: {  	_ =	shalt  }
0x62: {  	_ =	shalt  }
0x63: {  	_ =	shalt  }
0x64: {  	_ =	shalt  }
0x65: {  	_ =	shalt  }
0x66: {  	_ =	shalt  }
0x67: {  	_ =	shalt  }
0x68: {  	_ =	shalt  }
0x69: {  	_ =	shalt  }
0x6a: {  	_ =	shalt  }
0x6b: {  	_ =	shalt  }
0x6c: {  	_ =	shalt  }
0x6d: {  	_ =	shalt  }
0x6e: {  	_ =	shalt  }
0x6f: {  	_ =	shalt  }
0x70: {  	_ =	shalt  }
0x71: {  	_ =	shalt  }
0x72: {  	_ =	shalt  }
0x73: {  	_ =	shalt  }
0x74: {  	_ =	shalt  }
0x75: {  	_ =	shalt  }
0x76: {  	_ =	shalt  }
0x77: {  	_ =	shalt  }
0x78: {  	_ =	shalt  }
0x79: {  	_ =	shalt  }
0x7a: {  	_ =	shalt  }
0x7b: {  	_ =	shalt  }
0x7c: {  	_ =	shalt  }
0x7d: {  	_ =	shalt  }
0x7e: {  	_ =	shalt  }
0x7f: {  	_ =	shalt  }
0x80: {  	_ =	shalt  }
0x81: {  	_ =	shalt  }
0x82: {  	_ =	shalt  }
0x83: {  	_ =	shalt  }
0x84: {  	_ =	shalt  }
0x85: {  	_ =	shalt  }
0x86: {  	_ =	shalt  }
0x87: {  	_ =	shalt  }
.Lfunc_end0:
.L_simem_size_0:
called_computation.1_lowered:
.L_overlay_start_0:
0x88: {  	s2 =	sld [smem:$0x3FD9]  }
0x89: {  	s3 =	sld [smem:$0x3FFE];
	_ =	sdelay $0x1  }
0x8a: {  	s1 =	srdreg.scid  }
0x8b: {  	s0 =	sand.u32 $0x1, s1  }
0x8c: {  	s17 =	sshll.u32 s0, $0xA;
	s2 =	sadd.s32 s3, s2  }
0x8d: {  	s2 =	sadd.s32 s2, s17  }
0x8e: {  	[smem:$0x3FBA] =	sst s2  }
0x8f: {  	_ = 	snop  }
0x90: {  	s2 =	sld [smem:$0x3FC7]  }
0x91: {  	s18 =	sld [smem:$0x3FC6];
	(tm) =	ssettm $0x1  }
0x92: {  	s4 =	sld [smem:$0x3FFB];
	_ =	sdelay $0x3  }
0x93: {  	_ =	strace s4  }
0x94: {  	s4 =	sld [smem:$0x3FFC];
	_ =	sdelay $0x3  }
0x95: {  	_ =	strace s4  }
0x96: {  	s4 =	sld [smem:$0x3FFD];
	_ =	sdelay $0x3  }
0x97: {  	_ =	strace s4  }
0x98: {  	_ =	strace $0x8FFFFFFF  }
0x99: {  	s19 =	sld [smem:$0x3FDB];
	_ =	sdelay $0x1  }
0x9a: {  	s5 =	simm.s32 $_scs_section_size  }
0x9b: {  	s6 =	simm.s32 $_size__tile_overlayer_lowered;
	s7 =	simm.s32 $_tile_overlayer_lowered  }
0x9c: {  	s22 =	simm.s32 $0x1BFF;
	s21 =	sshll.u32 s7, $0x1;
	s4 =	sadd.s32 s5, s19  }
0x9d: {  	s8 =	simm.s32 $0x0;
	s20 =	sshll.u32 s6, $0x1;
	s6 =	sadd.s32 s21, s4  }
0x9e: {  	[timem:s8], [sflag:s22] =	dma.local [hbm:s6], s20  }
0x9f: {  	_ =	swait.ge [sflag:s22], s20  }
0xa0: {  	s5 =	ssub.s32 $0x0, s20;
	[sflag:s22] =	ssyncset.done $0x0  }
0xa1: {  	[sflag:s22] =	ssyncadd.s32 s5;
	_ =	sdelay $0x1  }
0xa2: {  	s23 =	simm.s32 $0x1B8B  }
0xa3: {  	_ =	swait.ge [sflag:s23], $0x1  }
0xa4: {  	[sflag:s23] =	ssyncset.done $0x0  }
0xa5: {  	s25 =	simm.s32 $0x1B8E;
	s24 =	sld [smem:$0x3FFE];
	[sflag:s23] =	ssyncadd.s32 $0xFFFFFFFF  }
0xa6: {  	s26 =	simm.s32 $execute0_lowered;
	[smem:$0x3FD2] =	sst s25  }
0xa7: {  	s6 =	sshll.u32 s26, $0x1;
	_ =	strace $0x80000049;
	[dreg:$0x1] =	wrdreg $0xFFFFFFFF  }
0xa8: {  	s28 =	simm.s32 $_size_execute0_lowered;
	s4 =	sadd.s32 s4, s6;
	[dreg:$0x0] =	wrdreg $0x0  }
0xa9: {  	s6 =	sshll.u32 s28, $0x1;
	[dreg:$0x2] =	wrdreg s4  }
0xaa: {  	[dreg:$0x3] =	wrdreg s6  }
0xab: {  	[dreg:$0x4] =	wrdreg $0xC0  }
0xac: {  	_ =	task [dreg:s8], $0x5FFFF  }
0xad: {  	[dreg:$0x1] =	wrdreg $0xFFFFFFFF  }
0xae: {  	[dreg:$0x0] =	wrdreg $0x60  }
0xaf: {  	[dreg:$0x2] =	wrdreg s24  }
0xb0: {  	[dreg:$0x3] =	wrdreg s2  }
0xb1: {  	[dreg:$0x4] =	wrdreg s18  }
0xb2: {  	[dreg:$0x5] =	wrdreg $0x0  }
0xb3: {  	[dreg:$0x6] =	wrdreg $0x9  }
0xb4: {  	_ =	task.clear_ibuf [dreg:s8], $0x7FFFF;
	_ =	strace $0x90000049  }
0xb5: {  	s29 =	simm.s32 $0x9;
	_ =	strace $0x8000004B  }
0xb6: {  	_ =	swait.ge [sflag:s29], $0x1  }
0xb7: {  	[sflag:s29] =	ssyncadd.s32 $0xFFFFFFFF  }
0xb8: {  	_ =	strace $0x9000004B  }
0xb9: {  	_ =	sfence  }
0xba: {  	s30 =	sld [smem:$0x0];
	_ =	sdelay $0x2  }
0xbb: {  	s31 =	sshll.u32 s1, $0xD;
	s1 =	sshrl.u32 s1, $0x2  }
0xbc: {  	s3 =	sand.u32 $0x4000, s31;
	s1 =	sadd.s32 s1, s30  }
0xbd: {  	s0 =	sor.u32 s3, s0;
	s1 =	sshll.u32 s1, $0x11  }
0xbe: {  	s0 =	sor.u32 s1, s0  }
0xbf: {  	s0 =	sadd.s32 $0x8F2B, s0  }
0xc0: {  	[sflag:s0] =	ssyncadd.remote.s32 $0x1  }
0xc1: {  	_ =	sfence.sel $0xFFFF  }
0xc2: {  	[dreg:$0x0] =	wrdreg $0xFFFFFFFF;
	(pc) =	sbr.abs _section_cstart, $3  }
0xc3: {  	[dreg:$0x1] =	wrdreg $0xFFFFFFFF  }
0xc4: {  	_ =	task.clear_ibuf [dreg:s8], $0x2FFFF;
	_ =	strace $0x9FFFFFFF  }
0xc5: {  	(tm) =	ssettm $0x7FFFFFFF  }
tec
execute0_lowered:
.L_overlay_start_1:
0x0: {  	(tag) =	ssettag $0x1  }
0x1: {  	s0 =	rddreg [dreg:$0x0]  }
0x2: {  	s2 =	rddreg [dreg:$0x1]  }
0x3: {  	s6 =	rddreg [dreg:$0x2]  }
0x4: {  	s1 =	rddreg [dreg:$0x3];
	s3 =	simm.s32 $0x0  }
0x5: {  	s10 =	stileid.u32;
	s5 =	srdreg.scid;
	s17 =	simm.s32 $0xF7A0  }
0x6: {  	s29 =	simm.s32 $0x6BA0;
	s31 =	simm.s32 $0x7FA0;
	s28 =	simm.s32 $0xA7A0  }
0x7: {  	s30 =	simm.s32 $0x1;
	[smem:$0x7FF] =	sst s3;
	s4 =	sadd.s32 $0x1A00, s0  }
0x8: {  	s5 =	sand.u32 $0x1, s5;
	s7 =	sshll.u32 s10, $0x1;
	s8 =	sshll.u32 s10, $0xA  }
0x9: {  	s19 =	sshll.u32 s10, $0xD;
	_ =	strace $0x8000004A;
	s9 =	ssub.s32 $0x2, s5  }
0xa: {  	s7 =	sor.u32 s5, s7;
	s0 =	sadd.s32 s8, s0;
	s20 =	sshll.u32 s5, $0xE  }
0xb: {  	s5 =	sadd.s32 s19, s1;
	s19 =	simm.s32 $0x2000;
	s18 =	sshrl.u32 s9, $0x1  }
0xc: {  	s7 =	smul.u32 $0xFA, s7;
	s0 =	sadd.s32 s20, s0;
	s23 =	sadd.s32 $0x400, s5  }
0xd: {  	s24 =	sadd.s32 $0x800, s5;
	s25 =	sadd.s32 $0xC00, s5;
	s26 =	sadd.s32 $0x1000, s5  }
0xe: {  	s14 =	sadd.s32 $0x1400, s5;
	s15 =	sadd.s32 $0x1800, s5;
	[dreg:$0x9] =	wrdreg s23  }
0xf: {  	s16 =	sadd.s32 $0x1C00, s5;
	s20 =	simm.s32 $0x27D0;
	[dreg:$0xa] =	wrdreg s24  }
0x10: {  	s8 =	ssub.s32 s9, s18;
	s0 =	sadd.s32 $0x15400, s0;
	[dreg:$0xb] =	wrdreg s25  }
0x11: {  	[dreg:$0xc] =	wrdreg s26;
	s18 =	simm.s32 $0x5;
	s24 =	simm.s32 $0x43A0  }
0x12: {  	s26 =	simm.s32 $0x57A0;
	s23 =	simm.s32 $0x93A0;
	s25 =	simm.s32 $0xCFA0  }
0x13: {  	s9 =	simm.s32 $0x0;
	s2 =	sadd.s32 s2, s7;
	[dreg:$0x7] =	wrdreg s0  }
0x14: {  	s21 =	sadd.s32 s6, s7;
	s22 =	smax.u32 s8, $0x1;
	[dreg:$0x5] =	wrdreg s2  }
0x15: {  	s0 =	simm.s32 $0xE3A0;
	s6 =	simm.s32 $0x3;
	[dreg:$0x6] =	wrdreg s21  }
0x16: {  	s7 =	simm.s32 $0x2;
	s8 =	simm.s32 $0x4;
	[dreg:$0x8] =	wrdreg s22  }
0x17: {  	v0 =	vimm.f32 $0.0e+00;
	s21 =	simm.s32 $0x50;
	s22 =	simm.s32 $0x2FA0;
	s2 =	simm.s32 $0xBBA0  }
.LBB2_1:
0x18: {  	s10 =	sand.u32 $0xF00, s3  }
0x19: {  	s11 =	sand.u32 $0x30, s3;
	s12 =	sshrl.u32 s10, $0x2  }
0x1a: {  	s10 =	simm.s32 $0x40;
	s12 =	sor.u32 s11, s12;
	s11 =	simm.s32 $0x0  }
.LBB2_2:
0x1b: {  	p0 =	sne.s32 s10, $0xFC0  }
0x1c: {  	[tilespmem:s12+$0xF7A0] =	vst v0;
	s11 =	sadd.s32 $0x10, s11;
	s12 =	smov.u32 s10;
	s10 =	sadd.s32 $0x40, s10  }
.Ltmp0:
0x1d: {  	(pc) =	sbr.rel @p0 .LBB2_2-.Ltmp0, $4  }
0x1e: {  	_ = 	snop  }
0x1f: {  	s12 =	sand.u32 $0xF00, s12  }
0x20: {  	s13 =	sand.u32 $0x30, s11;
	s12 =	sshrl.u32 s12, $0x2  }
0x21: {  	s12 =	sor.u32 s13, s12  }
0x22: {  	[tilespmem:s12+$0xF7A0] =	vst v0  }
0x23: {  	[spmem:s5] =	stream.linear.scatter [tilespmem:s17], [sflag:$0x5], $0x400, $0x38;
	[tilespmem:$0xFBA0] =	vst v63  }
0x24: {  	_ =	swait.ge [sflag:s18], $0x400  }
0x25: {  	[sflag:s18] =	ssyncset.done $0x0  }
0x26: {  	s10 =	rddreg [dreg:$0x9];
	[sflag:s18] =	ssyncadd.s32 $0xFFFFFC00  }
0x27: {  	[spmem:s10] =	stream.linear.scatter [tilespmem:s17], [sflag:$0x5], $0x400, $0x38;
	[tilespmem:$0xFBA0] =	vst v63  }
0x28: {  	_ =	swait.ge [sflag:s18], $0x400  }
0x29: {  	[sflag:s18] =	ssyncset.done $0x0  }
0x2a: {  	s13 =	rddreg [dreg:$0xa];
	[sflag:s18] =	ssyncadd.s32 $0xFFFFFC00  }
0x2b: {  	[spmem:s13] =	stream.linear.scatter [tilespmem:s17], [sflag:$0x5], $0x400, $0x38;
	[tilespmem:$0xFBA0] =	vst v63  }
0x2c: {  	_ =	swait.ge [sflag:s18], $0x400  }
0x2d: {  	[sflag:s18] =	ssyncset.done $0x0  }
0x2e: {  	s11 =	rddreg [dreg:$0xb];
	[sflag:s18] =	ssyncadd.s32 $0xFFFFFC00  }
0x2f: {  	[spmem:s11] =	stream.linear.scatter [tilespmem:s17], [sflag:$0x5], $0x400, $0x38;
	[tilespmem:$0xFBA0] =	vst v63  }
0x30: {  	_ =	swait.ge [sflag:s18], $0x400  }
0x31: {  	[sflag:s18] =	ssyncset.done $0x0  }
0x32: {  	s12 =	rddreg [dreg:$0xc];
	[sflag:s18] =	ssyncadd.s32 $0xFFFFFC00  }
0x33: {  	[spmem:s12] =	stream.linear.scatter [tilespmem:s17], [sflag:$0x5], $0x400, $0x38;
	[tilespmem:$0xFBA0] =	vst v63  }
0x34: {  	_ =	swait.ge [sflag:s18], $0x400  }
0x35: {  	[sflag:s18] =	ssyncset.done $0x0  }
0x36: {  	[sflag:s18] =	ssyncadd.s32 $0xFFFFFC00  }
0x37: {  	[spmem:s14] =	stream.linear.scatter [tilespmem:s17], [sflag:$0x5], $0x400, $0x38;
	[tilespmem:$0xFBA0] =	vst v63  }
0x38: {  	_ =	swait.ge [sflag:s18], $0x400  }
0x39: {  	[sflag:s18] =	ssyncset.done $0x0  }
0x3a: {  	[sflag:s18] =	ssyncadd.s32 $0xFFFFFC00  }
0x3b: {  	[spmem:s15] =	stream.linear.scatter [tilespmem:s17], [sflag:$0x5], $0x400, $0x38;
	[tilespmem:$0xFBA0] =	vst v63  }
0x3c: {  	_ =	swait.ge [sflag:s18], $0x400  }
0x3d: {  	[sflag:s18] =	ssyncset.done $0x0  }
0x3e: {  	[sflag:s18] =	ssyncadd.s32 $0xFFFFFC00  }
0x3f: {  	[spmem:s16] =	stream.linear.scatter [tilespmem:s17], [sflag:$0x5], $0x400, $0x38;
	[tilespmem:$0xFBA0] =	vst v63  }
0x40: {  	_ =	swait.ge [sflag:s18], $0x400  }
0x41: {  	[sflag:s18] =	ssyncset.done $0x0  }
0x42: {  	[sflag:s18] =	ssyncadd.s32 $0xFFFFFC00  }
0x43: {  	[bflag:$0x0] =	sbarrier.arrive $0xFFFF  }
0x44: {  	s13 =	rddreg [dreg:$0x5]  }
0x45: {  	[tilespmem:s19], [sflag:$0x5] =	stream.linear.gather [hbm4b:s13+s3], $0x7D0, $0x38;
	[tilespmem:$0xFBA0] =	vst v63  }
0x46: {  	_ =	swait.ge [sflag:s18], $0x7D0  }
0x47: {  	[sflag:s18] =	ssyncset.done $0x0  }
0x48: {  	s11 =	rddreg [dreg:$0x6];
	[sflag:s18] =	ssyncadd.s32 $0xFFFFF830  }
0x49: {  	[tilespmem:s20], [sflag:$0x5] =	stream.linear.gather [hbm4b:s11+s3], $0x7D0, $0x38;
	[tilespmem:$0xFBA0] =	vst v63  }
0x4a: {  	_ =	swait.ge [sflag:s18], $0x7D0  }
0x4b: {  	[sflag:s18] =	ssyncset.done $0x0  }
0x4c: {  	[sflag:s18] =	ssyncadd.s32 $0xFFFFF830  }
0x4d: {  	[tilespmem:s22], [sflag:$0x1] =	stream.indirect.gather [hbm4b:s4+s21], $0x40, s20, s21, $0xb8;
	[tilespmem:$0xFBA0] =	vst v63  }
0x4e: {  	s12 =	simm.s32 $0x2820  }
0x4f: {  	[tilespmem:s24], [sflag:$0x1] =	stream.indirect.gather [hbm4b:s4+s21], $0x40, s12, s21, $0xb8;
	[tilespmem:$0xFBA0] =	vst v63  }
0x50: {  	s13 =	simm.s32 $0x2870  }
0x51: {  	[tilespmem:s26], [sflag:$0x1] =	stream.indirect.gather [hbm4b:s4+s21], $0x40, s13, s21, $0xb8;
	[tilespmem:$0xFBA0] =	vst v63  }
0x52: {  	s11 =	simm.s32 $0x28C0  }
0x53: {  	[tilespmem:s29], [sflag:$0x1] =	stream.indirect.gather [hbm4b:s4+s21], $0x40, s11, s21, $0xb8;
	[tilespmem:$0xFBA0] =	vst v63  }
0x54: {  	s12 =	simm.s32 $0x2910  }
0x55: {  	[tilespmem:s31], [sflag:$0x1] =	stream.indirect.gather [hbm4b:s4+s21], $0x40, s12, s21, $0xb8;
	[tilespmem:$0xFBA0] =	vst v63  }
0x56: {  	s13 =	simm.s32 $0x2960  }
0x57: {  	[tilespmem:s23], [sflag:$0x2] =	stream.indirect.gather [hbm4b:s4+s21], $0x40, s13, s21, $0xb8;
	[tilespmem:$0xFBA0] =	vst v63  }
0x58: {  	s11 =	simm.s32 $0x29B0  }
0x59: {  	[tilespmem:s28], [sflag:$0x2] =	stream.indirect.gather [hbm4b:s4+s21], $0x40, s11, s21, $0xb8;
	[tilespmem:$0xFBA0] =	vst v63  }
0x5a: {  	s12 =	simm.s32 $0x2A00  }
0x5b: {  	[tilespmem:s2], [sflag:$0x2] =	stream.indirect.gather [hbm4b:s4+s21], $0x40, s12, s21, $0xb8;
	[tilespmem:$0xFBA0] =	vst v63  }
0x5c: {  	s13 =	simm.s32 $0x2A50  }
0x5d: {  	[tilespmem:s25], [sflag:$0x2] =	stream.indirect.gather [hbm4b:s4+s21], $0x40, s13, s21, $0xb8;
	[tilespmem:$0xFBA0] =	vst v63  }
0x5e: {  	s11 =	simm.s32 $0x2AA0  }
0x5f: {  	[tilespmem:s0], [sflag:$0x2] =	stream.indirect.gather [hbm4b:s4+s21], $0x40, s11, s21, $0xb8;
	[tilespmem:$0xFBA0] =	vst v63  }
0x60: {  	_ =	swait.ge [sflag:s30], $0x1400  }
0x61: {  	[sflag:s30] =	ssyncset.done $0x0  }
0x62: {  	[sflag:s30] =	ssyncadd.s32 $0xFFFFEC00  }
0x63: {  	_ =	swait.ge [sflag:s30], $0x1400  }
0x64: {  	[sflag:s30] =	ssyncset.done $0x0  }
0x65: {  	[sflag:s30] =	ssyncadd.s32 $0xFFFFEC00  }
0x66: {  	_ =	swait.ge [sflag:s30], $0x1400  }
0x67: {  	[sflag:s30] =	ssyncset.done $0x0  }
0x68: {  	[sflag:s30] =	ssyncadd.s32 $0xFFFFEC00  }
0x69: {  	_ =	swait.ge [sflag:s30], $0x1400  }
0x6a: {  	[sflag:s30] =	ssyncset.done $0x0  }
0x6b: {  	[sflag:s30] =	ssyncadd.s32 $0xFFFFEC00  }
0x6c: {  	_ =	swait.ge [sflag:s30], $0x1400  }
0x6d: {  	[sflag:s30] =	ssyncset.done $0x0  }
0x6e: {  	[sflag:s30] =	ssyncadd.s32 $0xFFFFEC00  }
0x6f: {  	[spmem:s1] =	stream.indirect.scatter.add.f32 [tilespmem:s22], [sflag:$0x3], $0x40, s19, s21, $0xb8;
	[tilespmem:$0xFBA0] =	vst v63  }
0x70: {  	s12 =	simm.s32 $0x2050  }
0x71: {  	[spmem:s1] =	stream.indirect.scatter.add.f32 [tilespmem:s24], [sflag:$0x3], $0x40, s12, s21, $0xb8;
	[tilespmem:$0xFBA0] =	vst v63  }
0x72: {  	s13 =	simm.s32 $0x20A0  }
0x73: {  	[spmem:s1] =	stream.indirect.scatter.add.f32 [tilespmem:s26], [sflag:$0x3], $0x40, s13, s21, $0xb8;
	[tilespmem:$0xFBA0] =	vst v63  }
0x74: {  	s11 =	simm.s32 $0x20F0  }
0x75: {  	[spmem:s1] =	stream.indirect.scatter.add.f32 [tilespmem:s29], [sflag:$0x3], $0x40, s11, s21, $0xb8;
	[tilespmem:$0xFBA0] =	vst v63  }
0x76: {  	s12 =	simm.s32 $0x2140  }
0x77: {  	[spmem:s1] =	stream.indirect.scatter.add.f32 [tilespmem:s31], [sflag:$0x3], $0x40, s12, s21, $0xb8;
	[tilespmem:$0xFBA0] =	vst v63  }
0x78: {  	_ =	swait.ge [sflag:s6], $0x1400  }
0x79: {  	[sflag:s6] =	ssyncset.done $0x0  }
0x7a: {  	[sflag:s6] =	ssyncadd.s32 $0xFFFFEC00  }
0x7b: {  	_ =	swait.ge [sflag:s6], $0x1400  }
0x7c: {  	[sflag:s6] =	ssyncset.done $0x0  }
0x7d: {  	[sflag:s6] =	ssyncadd.s32 $0xFFFFEC00  }
0x7e: {  	_ =	swait.ge [sflag:s6], $0x1400  }
0x7f: {  	[sflag:s6] =	ssyncset.done $0x0  }
0x80: {  	[sflag:s6] =	ssyncadd.s32 $0xFFFFEC00  }
0x81: {  	_ =	swait.ge [sflag:s6], $0x1400  }
0x82: {  	[sflag:s6] =	ssyncset.done $0x0  }
0x83: {  	[sflag:s6] =	ssyncadd.s32 $0xFFFFEC00  }
0x84: {  	_ =	swait.ge [sflag:s6], $0x1400  }
0x85: {  	[sflag:s6] =	ssyncset.done $0x0  }
0x86: {  	s13 =	simm.s32 $0x2AF0;
	[sflag:s6] =	ssyncadd.s32 $0xFFFFEC00  }
0x87: {  	[tilespmem:s22], [sflag:$0x1] =	stream.indirect.gather [hbm4b:s4+s21], $0x40, s13, s21, $0xb8;
	[tilespmem:$0xFBA0] =	vst v63  }
0x88: {  	s11 =	simm.s32 $0x2B40  }
0x89: {  	[tilespmem:s24], [sflag:$0x1] =	stream.indirect.gather [hbm4b:s4+s21], $0x40, s11, s21, $0xb8;
	[tilespmem:$0xFBA0] =	vst v63  }
0x8a: {  	s12 =	simm.s32 $0x2B90  }
0x8b: {  	[tilespmem:s26], [sflag:$0x1] =	stream.indirect.gather [hbm4b:s4+s21], $0x40, s12, s21, $0xb8;
	[tilespmem:$0xFBA0] =	vst v63  }
0x8c: {  	s13 =	simm.s32 $0x2BE0  }
0x8d: {  	[tilespmem:s29], [sflag:$0x1] =	stream.indirect.gather [hbm4b:s4+s21], $0x40, s13, s21, $0xb8;
	[tilespmem:$0xFBA0] =	vst v63  }
0x8e: {  	s11 =	simm.s32 $0x2C30  }
0x8f: {  	[tilespmem:s31], [sflag:$0x1] =	stream.indirect.gather [hbm4b:s4+s21], $0x40, s11, s21, $0xb8;
	[tilespmem:$0xFBA0] =	vst v63  }
0x90: {  	_ =	swait.ge [sflag:s7], $0x1400  }
0x91: {  	[sflag:s7] =	ssyncset.done $0x0  }
0x92: {  	[sflag:s7] =	ssyncadd.s32 $0xFFFFEC00  }
0x93: {  	_ =	swait.ge [sflag:s7], $0x1400  }
0x94: {  	[sflag:s7] =	ssyncset.done $0x0  }
0x95: {  	[sflag:s7] =	ssyncadd.s32 $0xFFFFEC00  }
0x96: {  	_ =	swait.ge [sflag:s7], $0x1400  }
0x97: {  	[sflag:s7] =	ssyncset.done $0x0  }
0x98: {  	[sflag:s7] =	ssyncadd.s32 $0xFFFFEC00  }
0x99: {  	_ =	swait.ge [sflag:s7], $0x1400  }
0x9a: {  	[sflag:s7] =	ssyncset.done $0x0  }
0x9b: {  	[sflag:s7] =	ssyncadd.s32 $0xFFFFEC00  }
0x9c: {  	_ =	swait.ge [sflag:s7], $0x1400  }
0x9d: {  	[sflag:s7] =	ssyncset.done $0x0  }
0x9e: {  	s12 =	simm.s32 $0x2190;
	[sflag:s7] =	ssyncadd.s32 $0xFFFFEC00  }
0x9f: {  	[spmem:s1] =	stream.indirect.scatter.add.f32 [tilespmem:s23], [sflag:$0x4], $0x40, s12, s21, $0xb8;
	[tilespmem:$0xFBA0] =	vst v63  }
0xa0: {  	s13 =	simm.s32 $0x21E0  }
0xa1: {  	[spmem:s1] =	stream.indirect.scatter.add.f32 [tilespmem:s28], [sflag:$0x4], $0x40, s13, s21, $0xb8;
	[tilespmem:$0xFBA0] =	vst v63  }
0xa2: {  	s11 =	simm.s32 $0x2230  }
0xa3: {  	[spmem:s1] =	stream.indirect.scatter.add.f32 [tilespmem:s2], [sflag:$0x4], $0x40, s11, s21, $0xb8;
	[tilespmem:$0xFBA0] =	vst v63  }
0xa4: {  	s12 =	simm.s32 $0x2280  }
0xa5: {  	[spmem:s1] =	stream.indirect.scatter.add.f32 [tilespmem:s25], [sflag:$0x4], $0x40, s12, s21, $0xb8;
	[tilespmem:$0xFBA0] =	vst v63  }
0xa6: {  	s13 =	simm.s32 $0x22D0  }
0xa7: {  	[spmem:s1] =	stream.indirect.scatter.add.f32 [tilespmem:s0], [sflag:$0x4], $0x40, s13, s21, $0xb8;
	[tilespmem:$0xFBA0] =	vst v63  }
0xa8: {  	_ =	swait.ge [sflag:s8], $0x1400  }
0xa9: {  	[sflag:s8] =	ssyncset.done $0x0  }
0xaa: {  	[sflag:s8] =	ssyncadd.s32 $0xFFFFEC00  }
0xab: {  	_ =	swait.ge [sflag:s8], $0x1400  }
0xac: {  	[sflag:s8] =	ssyncset.done $0x0  }
0xad: {  	[sflag:s8] =	ssyncadd.s32 $0xFFFFEC00  }
0xae: {  	_ =	swait.ge [sflag:s8], $0x1400  }
0xaf: {  	[sflag:s8] =	ssyncset.done $0x0  }
0xb0: {  	[sflag:s8] =	ssyncadd.s32 $0xFFFFEC00  }
0xb1: {  	_ =	swait.ge [sflag:s8], $0x1400  }
0xb2: {  	[sflag:s8] =	ssyncset.done $0x0  }
0xb3: {  	[sflag:s8] =	ssyncadd.s32 $0xFFFFEC00  }
0xb4: {  	_ =	swait.ge [sflag:s8], $0x1400  }
0xb5: {  	[sflag:s8] =	ssyncset.done $0x0  }
0xb6: {  	s11 =	simm.s32 $0x2C80;
	[sflag:s8] =	ssyncadd.s32 $0xFFFFEC00  }
0xb7: {  	[tilespmem:s23], [sflag:$0x2] =	stream.indirect.gather [hbm4b:s4+s21], $0x40, s11, s21, $0xb8;
	[tilespmem:$0xFBA0] =	vst v63  }
0xb8: {  	s12 =	simm.s32 $0x2CD0  }
0xb9: {  	[tilespmem:s28], [sflag:$0x2] =	stream.indirect.gather [hbm4b:s4+s21], $0x40, s12, s21, $0xb8;
	[tilespmem:$0xFBA0] =	vst v63  }
0xba: {  	s13 =	simm.s32 $0x2D20  }
0xbb: {  	[tilespmem:s2], [sflag:$0x2] =	stream.indirect.gather [hbm4b:s4+s21], $0x40, s13, s21, $0xb8;
	[tilespmem:$0xFBA0] =	vst v63  }
0xbc: {  	s11 =	simm.s32 $0x2D70  }
0xbd: {  	[tilespmem:s25], [sflag:$0x2] =	stream.indirect.gather [hbm4b:s4+s21], $0x40, s11, s21, $0xb8;
	[tilespmem:$0xFBA0] =	vst v63  }
0xbe: {  	s12 =	simm.s32 $0x2DC0  }
0xbf: {  	[tilespmem:s0], [sflag:$0x2] =	stream.indirect.gather [hbm4b:s4+s21], $0x40, s12, s21, $0xb8;
	[tilespmem:$0xFBA0] =	vst v63  }
0xc0: {  	_ =	swait.ge [sflag:s30], $0x1400  }
0xc1: {  	[sflag:s30] =	ssyncset.done $0x0  }
0xc2: {  	[sflag:s30] =	ssyncadd.s32 $0xFFFFEC00  }
0xc3: {  	_ =	swait.ge [sflag:s30], $0x1400  }
0xc4: {  	[sflag:s30] =	ssyncset.done $0x0  }
0xc5: {  	[sflag:s30] =	ssyncadd.s32 $0xFFFFEC00  }
0xc6: {  	_ =	swait.ge [sflag:s30], $0x1400  }
0xc7: {  	[sflag:s30] =	ssyncset.done $0x0  }
0xc8: {  	[sflag:s30] =	ssyncadd.s32 $0xFFFFEC00  }
0xc9: {  	_ =	swait.ge [sflag:s30], $0x1400  }
0xca: {  	[sflag:s30] =	ssyncset.done $0x0  }
0xcb: {  	[sflag:s30] =	ssyncadd.s32 $0xFFFFEC00  }
0xcc: {  	_ =	swait.ge [sflag:s30], $0x1400  }
0xcd: {  	[sflag:s30] =	ssyncset.done $0x0  }
0xce: {  	s13 =	simm.s32 $0x2320;
	[sflag:s30] =	ssyncadd.s32 $0xFFFFEC00  }
0xcf: {  	[spmem:s1] =	stream.indirect.scatter.add.f32 [tilespmem:s22], [sflag:$0x3], $0x40, s13, s21, $0xb8;
	[tilespmem:$0xFBA0] =	vst v63  }
0xd0: {  	s11 =	simm.s32 $0x2370  }
0xd1: {  	[spmem:s1] =	stream.indirect.scatter.add.f32 [tilespmem:s24], [sflag:$0x3], $0x40, s11, s21, $0xb8;
	[tilespmem:$0xFBA0] =	vst v63  }
0xd2: {  	s12 =	simm.s32 $0x23C0  }
0xd3: {  	[spmem:s1] =	stream.indirect.scatter.add.f32 [tilespmem:s26], [sflag:$0x3], $0x40, s12, s21, $0xb8;
	[tilespmem:$0xFBA0] =	vst v63  }
0xd4: {  	s13 =	simm.s32 $0x2410  }
0xd5: {  	[spmem:s1] =	stream.indirect.scatter.add.f32 [tilespmem:s29], [sflag:$0x3], $0x40, s13, s21, $0xb8;
	[tilespmem:$0xFBA0] =	vst v63  }
0xd6: {  	s11 =	simm.s32 $0x2460  }
0xd7: {  	[spmem:s1] =	stream.indirect.scatter.add.f32 [tilespmem:s31], [sflag:$0x3], $0x40, s11, s21, $0xb8;
	[tilespmem:$0xFBA0] =	vst v63  }
0xd8: {  	_ =	swait.ge [sflag:s6], $0x1400  }
0xd9: {  	[sflag:s6] =	ssyncset.done $0x0  }
0xda: {  	[sflag:s6] =	ssyncadd.s32 $0xFFFFEC00  }
0xdb: {  	_ =	swait.ge [sflag:s6], $0x1400  }
0xdc: {  	[sflag:s6] =	ssyncset.done $0x0  }
0xdd: {  	[sflag:s6] =	ssyncadd.s32 $0xFFFFEC00  }
0xde: {  	_ =	swait.ge [sflag:s6], $0x1400  }
0xdf: {  	[sflag:s6] =	ssyncset.done $0x0  }
0xe0: {  	[sflag:s6] =	ssyncadd.s32 $0xFFFFEC00  }
0xe1: {  	_ =	swait.ge [sflag:s6], $0x1400  }
0xe2: {  	[sflag:s6] =	ssyncset.done $0x0  }
0xe3: {  	[sflag:s6] =	ssyncadd.s32 $0xFFFFEC00  }
0xe4: {  	_ =	swait.ge [sflag:s6], $0x1400  }
0xe5: {  	[sflag:s6] =	ssyncset.done $0x0  }
0xe6: {  	s12 =	simm.s32 $0x2E10;
	[sflag:s6] =	ssyncadd.s32 $0xFFFFEC00  }
0xe7: {  	[tilespmem:s22], [sflag:$0x1] =	stream.indirect.gather [hbm4b:s4+s21], $0x40, s12, s21, $0xb8;
	[tilespmem:$0xFBA0] =	vst v63  }
0xe8: {  	s13 =	simm.s32 $0x2E60  }
0xe9: {  	[tilespmem:s24], [sflag:$0x1] =	stream.indirect.gather [hbm4b:s4+s21], $0x40, s13, s21, $0xb8;
	[tilespmem:$0xFBA0] =	vst v63  }
0xea: {  	s11 =	simm.s32 $0x2EB0  }
0xeb: {  	[tilespmem:s26], [sflag:$0x1] =	stream.indirect.gather [hbm4b:s4+s21], $0x40, s11, s21, $0xb8;
	[tilespmem:$0xFBA0] =	vst v63  }
0xec: {  	s12 =	simm.s32 $0x2F00  }
0xed: {  	[tilespmem:s29], [sflag:$0x1] =	stream.indirect.gather [hbm4b:s4+s21], $0x40, s12, s21, $0xb8;
	[tilespmem:$0xFBA0] =	vst v63  }
0xee: {  	s13 =	simm.s32 $0x2F50  }
0xef: {  	[tilespmem:s31], [sflag:$0x1] =	stream.indirect.gather [hbm4b:s4+s21], $0x40, s13, s21, $0xb8;
	[tilespmem:$0xFBA0] =	vst v63  }
0xf0: {  	_ =	swait.ge [sflag:s7], $0x1400  }
0xf1: {  	[sflag:s7] =	ssyncset.done $0x0  }
0xf2: {  	[sflag:s7] =	ssyncadd.s32 $0xFFFFEC00  }
0xf3: {  	_ =	swait.ge [sflag:s7], $0x1400  }
0xf4: {  	[sflag:s7] =	ssyncset.done $0x0  }
0xf5: {  	[sflag:s7] =	ssyncadd.s32 $0xFFFFEC00  }
0xf6: {  	_ =	swait.ge [sflag:s7], $0x1400  }
0xf7: {  	[sflag:s7] =	ssyncset.done $0x0  }
0xf8: {  	[sflag:s7] =	ssyncadd.s32 $0xFFFFEC00  }
0xf9: {  	_ =	swait.ge [sflag:s7], $0x1400  }
0xfa: {  	[sflag:s7] =	ssyncset.done $0x0  }
0xfb: {  	[sflag:s7] =	ssyncadd.s32 $0xFFFFEC00  }
0xfc: {  	_ =	swait.ge [sflag:s7], $0x1400  }
0xfd: {  	[sflag:s7] =	ssyncset.done $0x0  }
0xfe: {  	s11 =	simm.s32 $0x24B0;
	[sflag:s7] =	ssyncadd.s32 $0xFFFFEC00  }
0xff: {  	[spmem:s1] =	stream.indirect.scatter.add.f32 [tilespmem:s23], [sflag:$0x4], $0x40, s11, s21, $0xb8;
	[tilespmem:$0xFBA0] =	vst v63  }
0x100: {  	s12 =	simm.s32 $0x2500  }
0x101: {  	[spmem:s1] =	stream.indirect.scatter.add.f32 [tilespmem:s28], [sflag:$0x4], $0x40, s12, s21, $0xb8;
	[tilespmem:$0xFBA0] =	vst v63  }
0x102: {  	s13 =	simm.s32 $0x2550  }
0x103: {  	[spmem:s1] =	stream.indirect.scatter.add.f32 [tilespmem:s2], [sflag:$0x4], $0x40, s13, s21, $0xb8;
	[tilespmem:$0xFBA0] =	vst v63  }
0x104: {  	s11 =	simm.s32 $0x25A0  }
0x105: {  	[spmem:s1] =	stream.indirect.scatter.add.f32 [tilespmem:s25], [sflag:$0x4], $0x40, s11, s21, $0xb8;
	[tilespmem:$0xFBA0] =	vst v63  }
0x106: {  	s12 =	simm.s32 $0x25F0  }
0x107: {  	[spmem:s1] =	stream.indirect.scatter.add.f32 [tilespmem:s0], [sflag:$0x4], $0x40, s12, s21, $0xb8;
	[tilespmem:$0xFBA0] =	vst v63  }
0x108: {  	_ =	swait.ge [sflag:s8], $0x1400  }
0x109: {  	[sflag:s8] =	ssyncset.done $0x0  }
0x10a: {  	[sflag:s8] =	ssyncadd.s32 $0xFFFFEC00  }
0x10b: {  	_ =	swait.ge [sflag:s8], $0x1400  }
0x10c: {  	[sflag:s8] =	ssyncset.done $0x0  }
0x10d: {  	[sflag:s8] =	ssyncadd.s32 $0xFFFFEC00  }
0x10e: {  	_ =	swait.ge [sflag:s8], $0x1400  }
0x10f: {  	[sflag:s8] =	ssyncset.done $0x0  }
0x110: {  	[sflag:s8] =	ssyncadd.s32 $0xFFFFEC00  }
0x111: {  	_ =	swait.ge [sflag:s8], $0x1400  }
0x112: {  	[sflag:s8] =	ssyncset.done $0x0  }
0x113: {  	[sflag:s8] =	ssyncadd.s32 $0xFFFFEC00  }
0x114: {  	_ =	swait.ge [sflag:s8], $0x1400  }
0x115: {  	[sflag:s8] =	ssyncset.done $0x0  }
0x116: {  	[sflag:s8] =	ssyncadd.s32 $0xFFFFEC00  }
0x117: {  	_ =	swait.ge [sflag:s30], $0x1400  }
0x118: {  	[sflag:s30] =	ssyncset.done $0x0  }
0x119: {  	[sflag:s30] =	ssyncadd.s32 $0xFFFFEC00  }
0x11a: {  	_ =	swait.ge [sflag:s30], $0x1400  }
0x11b: {  	[sflag:s30] =	ssyncset.done $0x0  }
0x11c: {  	[sflag:s30] =	ssyncadd.s32 $0xFFFFEC00  }
0x11d: {  	_ =	swait.ge [sflag:s30], $0x1400  }
0x11e: {  	[sflag:s30] =	ssyncset.done $0x0  }
0x11f: {  	[sflag:s30] =	ssyncadd.s32 $0xFFFFEC00  }
0x120: {  	_ =	swait.ge [sflag:s30], $0x1400  }
0x121: {  	[sflag:s30] =	ssyncset.done $0x0  }
0x122: {  	[sflag:s30] =	ssyncadd.s32 $0xFFFFEC00  }
0x123: {  	_ =	swait.ge [sflag:s30], $0x1400  }
0x124: {  	[sflag:s30] =	ssyncset.done $0x0  }
0x125: {  	s13 =	simm.s32 $0x2640;
	[sflag:s30] =	ssyncadd.s32 $0xFFFFEC00  }
0x126: {  	[spmem:s1] =	stream.indirect.scatter.add.f32 [tilespmem:s22], [sflag:$0x3], $0x40, s13, s21, $0xb8;
	[tilespmem:$0xFBA0] =	vst v63  }
0x127: {  	s11 =	simm.s32 $0x2690  }
0x128: {  	[spmem:s1] =	stream.indirect.scatter.add.f32 [tilespmem:s24], [sflag:$0x3], $0x40, s11, s21, $0xb8;
	[tilespmem:$0xFBA0] =	vst v63  }
0x129: {  	s12 =	simm.s32 $0x26E0  }
0x12a: {  	[spmem:s1] =	stream.indirect.scatter.add.f32 [tilespmem:s26], [sflag:$0x3], $0x40, s12, s21, $0xb8;
	[tilespmem:$0xFBA0] =	vst v63  }
0x12b: {  	s13 =	simm.s32 $0x2730  }
0x12c: {  	[spmem:s1] =	stream.indirect.scatter.add.f32 [tilespmem:s29], [sflag:$0x3], $0x40, s13, s21, $0xb8;
	[tilespmem:$0xFBA0] =	vst v63  }
0x12d: {  	s11 =	simm.s32 $0x2780  }
0x12e: {  	[spmem:s1] =	stream.indirect.scatter.add.f32 [tilespmem:s31], [sflag:$0x3], $0x40, s11, s21, $0xb8;
	[tilespmem:$0xFBA0] =	vst v63  }
0x12f: {  	_ =	swait.ge [sflag:s6], $0x1400  }
0x130: {  	[sflag:s6] =	ssyncset.done $0x0  }
0x131: {  	[sflag:s6] =	ssyncadd.s32 $0xFFFFEC00  }
0x132: {  	_ =	swait.ge [sflag:s6], $0x1400  }
0x133: {  	[sflag:s6] =	ssyncset.done $0x0  }
0x134: {  	[sflag:s6] =	ssyncadd.s32 $0xFFFFEC00  }
0x135: {  	_ =	swait.ge [sflag:s6], $0x1400  }
0x136: {  	[sflag:s6] =	ssyncset.done $0x0  }
0x137: {  	[sflag:s6] =	ssyncadd.s32 $0xFFFFEC00  }
0x138: {  	_ =	swait.ge [sflag:s6], $0x1400  }
0x139: {  	[sflag:s6] =	ssyncset.done $0x0  }
0x13a: {  	[sflag:s6] =	ssyncadd.s32 $0xFFFFEC00  }
0x13b: {  	_ =	swait.ge [sflag:s6], $0x1400  }
0x13c: {  	[sflag:s6] =	ssyncset.done $0x0  }
0x13d: {  	s12 =	stileid.u32;
	[sflag:s6] =	ssyncadd.s32 $0xFFFFEC00  }
0x13e: {  	s10 =	sshll.u32 s12, $0x6;
	[bflag:$0x0] =	sbarrier.arrive $0xFFFF  }
0x13f: {  	s10 =	sor.u32 $0x1C05, s10;
	s11 =	sshrl.u32 s5, $0x3;
	s13 =	rddreg [dreg:$0x7]  }
0x140: {  	[hbm:s13], [sflag:s10] =	dma.local [spmem:s11], $0x400  }
0x141: {  	_ =	swait.ge [sflag:s18], $0x400  }
0x142: {  	s9 =	sadd.s32 $0x1, s9;
	s13 =	rddreg [dreg:$0x8]  }
0x143: {  	p0 =	sne.s32 s9, s13  }
.Ltmp1:
0x144: {  	_ = 	snop;
	(pc) =	sbr.rel @p0 .LBB2_1-.Ltmp1, $3  }
0x145: {  	_ =	sdelay $0x1  }
0x146: {  	[sflag:s18] =	ssyncset.done $0x0  }
0x147: {  	[sflag:s18] =	ssyncadd.s32 $0xFFFFFC00  }
0x148: {  	_ =	sfence.sel $0x180000  }
0x149: {  	[bflag:$0x0] =	sbarrier.arrive $0xFFFF  }
0x14a: {  	_ =	strace $0x9000004A  }
0x14b: {  	s0 =	stileid.u32;
	[bflag:$0x2] =	sbarrier.arrive $0xFFFF  }
0x14c: {  	p0 =	sne.s32 s0, $0x0;
	s0 =	rddreg [dreg:$0x4]  }
0x14d: {  	s0 =	sadd.s32 @!p0 $0x100000, s0  }
0x14e: {  	[sflag:s0] =	ssyncadd.tile.s32 @!p0 $0x1;
	_ =	shalt  }
.Lfunc_end2:
_tile_overlayer_lowered:
.L_overlay_start_2:
0x14f: {  	(tag) =	ssettag $0x2  }
0x150: {  	s0 =	rddreg [dreg:$0x0];
	s2 =	stileid.u32  }
0x151: {  	s1 =	rddreg [dreg:$0x1];
	p0 =	sne.s32 s2, $0x0  }
0x152: {  	s3 =	rddreg [dreg:$0x2];
	[bflag:$0x3] =	sbarrier.arrive $0xFFFF;
	s2 =	simm.s32 @!p0 $0x1C05  }
0x153: {  	[timem:s3], [sflag:s2] =	dma.local @!p0 [hbm:s0], s1  }
0x154: {  	s0 =	simm.s32 @!p0 $0x5  }
0x155: {  	_ =	swait.ge @!p0 [sflag:s0], s1  }
0x156: {  	s1 =	ssub.s32 @!p0 $0x0, s1;
	[sflag:s0] =	ssyncset.done @!p0 $0x0  }
0x157: {  	[sflag:s0] =	ssyncadd.s32 @!p0 s1  }
0x158: {  	[bflag:$0x3] =	sbarrier.arrive $0xFFFF  }
0x159: {  	_ =	shalt  }

// kernel: kernel.7.cloned.1.call-start
scs
__scs_entry_jumppad:
0x0: {  	(pc) =	sbr.rel $0x88, $3  }
0x1: {  	(tag) =	ssettag $0x0;
	lr =	simm.s32 $0x1  }
0x2: {  	[smem:$0x3F93] =	sst lr;
	_ =	strace $0xD0000000  }
0x3: {  	_ = 	snop  }
0x4: {  	_ = 	snop  }
0x5: {  	_ = 	snop  }
0x6: {  	_ = 	snop  }
0x7: {  	_ = 	snop  }
__scs_overlays_trampoline_lowered:
0x8: {  	[smem:$0x3FA2] =	sst s0  }
0x9: {  	[smem:$0x3FA3] =	sst s1  }
0xa: {  	[smem:$0x3FA4] =	sst s2  }
0xb: {  	[smem:$0x3FA5] =	sst s3  }
0xc: {  	[smem:$0x3FA6] =	sst s4  }
0xd: {  	[smem:$0x3FA7] =	sst s5  }
0xe: {  	[smem:$0x3FA8] =	sst s6  }
0xf: {  	[smem:$0x3FA9] =	sst s7  }
0x10: {  	[smem:$0x3FAA] =	sst s8  }
0x11: {  	[smem:$0x3FAB] =	sst s9;
	s0 =	simm.s32 @!p0 $0x0  }
0x12: {  	s1 =	sld [smem:$0x3F91];
	s0 =	simm.s32 @p0 $0x1  }
0x13: {  	[smem:$0x3FAC] =	sst s0;
	s0 =	simm.s32 @!p1 $0x0  }
0x14: {  	s2 =	sld [smem:$0x3F90];
	s0 =	simm.s32 @p1 $0x1  }
0x15: {  	[smem:$0x3FAD] =	sst s0;
	s0 =	simm.s32 @!p2 $0x0  }
0x16: {  	s3 =	sld [smem:$0x3FDB];
	s0 =	simm.s32 @p2 $0x1  }
0x17: {  	s4 =	simm.s32 $0x1BF5;
	[smem:$0x3FAF] =	sst s0  }
0x18: {  	s0 =	sld [smem:$0x3F92];
	_ =	swait.ge [sflag:s4], $0x0  }
0x19: {  	s7 =	sld [smem:$0x3F93]  }
0x1a: {  	s8 =	sadd.s32 $0xFFFFE003, lr  }
0x1b: {  	s9 =	sadd.s32 $0xFFFFFEF7, lr;
	s5 =	simm.s32 $0xFFFFFFFF;
	p2 =	slt.u32 s8, $0xFFFFF086  }
0x1c: {  	p1 =	slt.u32 s9, $0xF7A;
	s5 =	simm.s32 @!p2 $0x0  }
0x1d: {  	s5 =	simm.s32 @p1 $0x1;
	p0 =	seq.s32 s7, s2  }
0x1e: {  	s7 =	smul.u32 @!p0 $0xF7A, s2;
	p2 =	seq.s32 @!p0 s5, $0x0  }
0x1f: {  	s9 =	smul.u32 $0xF7A, s1;
	s8 =	simm.s32 @!p0 $0x1BF5;
	p2 =	por !p2, p0  }
0x20: {  	[sflag:s8] =	ssyncset.s32 @!p0 $0xFFFFF086;
	s6 =	sadd.s32 @!p0 s3, s7;
	s7 =	simm.s32 @!p0 $0x108  }
0x21: {  	s3 =	sadd.s32 s3, s9;
	s6 =	sadd.s32 @!p0 $0x88, s6;
	s7 =	simm.s32 @p2 $0x1082  }
0x22: {  	[simem:s7], [sflag:s8] =	dma.local @!p0 [hbm:s6], $0xF7A  }
0x23: {  	s9 =	sor.u32 $0xD0000000, s2;
	s6 =	simm.s32 $0x108;
	_ =	swait.ge @!p0 [sflag:s8], $0x0  }
0x24: {  	s3 =	sadd.s32 $0x88, s3;
	s6 =	simm.s32 @!p1 $0x1082;
	[sflag:s4] =	ssyncset.s32 $0xFFFFF086  }
0x25: {  	[simem:s6], [sflag:s4] =	dma.local [hbm:s3], $0xF7A  }
0x26: {  	[smem:$0x3F93] =	sst s1;
	(tag) =	ssettag s2;
	_ =	strace s9  }
0x27: {  	s1 =	sld [smem:$0x3FA3]  }
0x28: {  	s2 =	sld [smem:$0x3FA4]  }
0x29: {  	s4 =	sld [smem:$0x3FA6]  }
0x2a: {  	p0 =	seq.s32 s5, $0x0;
	s5 =	sld [smem:$0x3FA7]  }
0x2b: {  	s6 =	sld [smem:$0x3FA8]  }
0x2c: {  	s7 =	sld [smem:$0x3FA9]  }
0x2d: {  	s3 =	simm.s32 $0x108;
	s8 =	sld [smem:$0x3FAA]  }
0x2e: {  	s3 =	simm.s32 @!p0 $0x1082;
	s9 =	sld [smem:$0x3FAB]  }
0x2f: {  	lr =	sadd.s32 s0, s3;
	s0 =	sld [smem:$0x3FA2]  }
0x30: {  	s3 =	sld [smem:$0x3FA5]  }
0x31: {  	[smem:$0x3FAE] =	sst s10  }
0x32: {  	s10 =	sld [smem:$0x3FAC];
	_ =	sdelay $0x3  }
0x33: {  	p0 =	seq.s32 s10, $0x1;
	s10 =	sld [smem:$0x3FAE];
	_ =	sdelay $0x3  }
0x34: {  	[smem:$0x3FAE] =	sst s10  }
0x35: {  	s10 =	sld [smem:$0x3FAD];
	_ =	sdelay $0x3  }
0x36: {  	p1 =	seq.s32 s10, $0x1;
	s10 =	sld [smem:$0x3FAE];
	_ =	sdelay $0x3  }
0x37: {  	[smem:$0x3FAE] =	sst s10  }
0x38: {  	s10 =	sld [smem:$0x3FAF]  }
0x39: {  	_ = 	snop;
	(pc) =	sbr.ind lr, $3  }
0x3a: {  	_ = 	snop  }
0x3b: {  	_ = 	snop  }
0x3c: {  	p2 =	seq.s32 s10, $0x1;
	s10 =	sld [smem:$0x3FAE]  }
0x3d: {  	_ =	shalt  }
0x3e: {  	_ =	shalt  }
0x3f: {  	_ =	shalt  }
0x40: {  	_ =	shalt  }
0x41: {  	_ =	shalt  }
0x42: {  	_ =	shalt  }
0x43: {  	_ =	shalt  }
0x44: {  	_ =	shalt  }
0x45: {  	_ =	shalt  }
0x46: {  	_ =	shalt  }
0x47: {  	_ =	shalt  }
0x48: {  	_ =	shalt  }
0x49: {  	_ =	shalt  }
0x4a: {  	_ =	shalt  }
0x4b: {  	_ =	shalt  }
0x4c: {  	_ =	shalt  }
0x4d: {  	_ =	shalt  }
0x4e: {  	_ =	shalt  }
0x4f: {  	_ =	shalt  }
0x50: {  	_ =	shalt  }
0x51: {  	_ =	shalt  }
0x52: {  	_ =	shalt  }
0x53: {  	_ =	shalt  }
0x54: {  	_ =	shalt  }
0x55: {  	_ =	shalt  }
0x56: {  	_ =	shalt  }
0x57: {  	_ =	shalt  }
0x58: {  	_ =	shalt  }
0x59: {  	_ =	shalt  }
0x5a: {  	_ =	shalt  }
0x5b: {  	_ =	shalt  }
0x5c: {  	_ =	shalt  }
0x5d: {  	_ =	shalt  }
0x5e: {  	_ =	shalt  }
0x5f: {  	_ =	shalt  }
0x60: {  	_ =	shalt  }
0x61: {  	_ =	shalt  }
0x62: {  	_ =	shalt  }
0x63: {  	_ =	shalt  }
0x64: {  	_ =	shalt  }
0x65: {  	_ =	shalt  }
0x66: {  	_ =	shalt  }
0x67: {  	_ =	shalt  }
0x68: {  	_ =	shalt  }
0x69: {  	_ =	shalt  }
0x6a: {  	_ =	shalt  }
0x6b: {  	_ =	shalt  }
0x6c: {  	_ =	shalt  }
0x6d: {  	_ =	shalt  }
0x6e: {  	_ =	shalt  }
0x6f: {  	_ =	shalt  }
0x70: {  	_ =	shalt  }
0x71: {  	_ =	shalt  }
0x72: {  	_ =	shalt  }
0x73: {  	_ =	shalt  }
0x74: {  	_ =	shalt  }
0x75: {  	_ =	shalt  }
0x76: {  	_ =	shalt  }
0x77: {  	_ =	shalt  }
0x78: {  	_ =	shalt  }
0x79: {  	_ =	shalt  }
0x7a: {  	_ =	shalt  }
0x7b: {  	_ =	shalt  }
0x7c: {  	_ =	shalt  }
0x7d: {  	_ =	shalt  }
0x7e: {  	_ =	shalt  }
0x7f: {  	_ =	shalt  }
0x80: {  	_ =	shalt  }
0x81: {  	_ =	shalt  }
0x82: {  	_ =	shalt  }
0x83: {  	_ =	shalt  }
0x84: {  	_ =	shalt  }
0x85: {  	_ =	shalt  }
0x86: {  	_ =	shalt  }
0x87: {  	_ =	shalt  }
.Lfunc_end0:
.L_simem_size_0:
called_computation_lowered:
.L_overlay_start_0:
0x88: {  	s2 =	sld [smem:$0x3FD9]  }
0x89: {  	s3 =	sld [smem:$0x3FFE];
	_ =	sdelay $0x1  }
0x8a: {  	s1 =	srdreg.scid  }
0x8b: {  	s0 =	sand.u32 $0x1, s1  }
0x8c: {  	s17 =	sshll.u32 s0, $0xA;
	s2 =	sadd.s32 s3, s2  }
0x8d: {  	s2 =	sadd.s32 s2, s17  }
0x8e: {  	[smem:$0x3FBA] =	sst s2  }
0x8f: {  	_ = 	snop  }
0x90: {  	s2 =	sld [smem:$0x3FC7]  }
0x91: {  	s18 =	sld [smem:$0x3FC6]  }
0x92: {  	s4 =	sld [smem:$0x3FC5]  }
0x93: {  	s5 =	sld [smem:$0x3FC4]  }
0x94: {  	s6 =	sld [smem:$0x3FD0];
	(tm) =	ssettm $0x1  }
0x95: {  	s7 =	sld [smem:$0x3FFB];
	_ =	sdelay $0x3  }
0x96: {  	_ =	strace s7  }
0x97: {  	s7 =	sld [smem:$0x3FFC];
	_ =	sdelay $0x3  }
0x98: {  	_ =	strace s7  }
0x99: {  	s7 =	sld [smem:$0x3FFD];
	_ =	sdelay $0x3  }
0x9a: {  	_ =	strace s7  }
0x9b: {  	_ =	strace $0x8FFFFFFF  }
0x9c: {  	s19 =	sld [smem:$0x3FDB];
	_ =	sdelay $0x1  }
0x9d: {  	s8 =	simm.s32 $_scs_section_size  }
0x9e: {  	s9 =	simm.s32 $_size__tile_overlayer_lowered;
	s10 =	simm.s32 $_tile_overlayer_lowered  }
0x9f: {  	s22 =	simm.s32 $0x1BFF;
	s21 =	sshll.u32 s10, $0x1;
	s7 =	sadd.s32 s8, s19  }
0xa0: {  	s11 =	simm.s32 $0x0;
	s20 =	sshll.u32 s9, $0x1;
	s9 =	sadd.s32 s21, s7  }
0xa1: {  	[timem:s11], [sflag:s22] =	dma.local [hbm:s9], s20  }
0xa2: {  	_ =	swait.ge [sflag:s22], s20  }
0xa3: {  	s8 =	ssub.s32 $0x0, s20;
	[sflag:s22] =	ssyncset.done $0x0  }
0xa4: {  	[sflag:s22] =	ssyncadd.s32 s8;
	_ =	sdelay $0x1  }
0xa5: {  	s23 =	simm.s32 $0x1B8B  }
0xa6: {  	_ =	swait.ge [sflag:s23], $0x1  }
0xa7: {  	[sflag:s23] =	ssyncset.done $0x0  }
0xa8: {  	s25 =	simm.s32 $0x1B8E;
	s24 =	sld [smem:$0x3FFE];
	[sflag:s23] =	ssyncadd.s32 $0xFFFFFFFF  }
0xa9: {  	s26 =	simm.s32 $execute0_lowered;
	[smem:$0x3FD2] =	sst s25  }
0xaa: {  	s9 =	sshll.u32 s26, $0x1;
	_ =	strace $0x80000046;
	[dreg:$0x1] =	wrdreg $0xFFFFFFFF  }
0xab: {  	s28 =	simm.s32 $_size_execute0_lowered;
	s7 =	sadd.s32 s7, s9;
	[dreg:$0x0] =	wrdreg $0x0  }
0xac: {  	s9 =	sshll.u32 s28, $0x1;
	[dreg:$0x2] =	wrdreg s7  }
0xad: {  	[dreg:$0x3] =	wrdreg s9  }
0xae: {  	[dreg:$0x4] =	wrdreg $0xC0  }
0xaf: {  	_ =	task [dreg:s11], $0x5FFFF  }
0xb0: {  	[dreg:$0x1] =	wrdreg $0xFFFFFFFF  }
0xb1: {  	[dreg:$0x0] =	wrdreg $0x60  }
0xb2: {  	[dreg:$0x2] =	wrdreg s24  }
0xb3: {  	[dreg:$0x3] =	wrdreg s6  }
0xb4: {  	[dreg:$0x4] =	wrdreg s2  }
0xb5: {  	[dreg:$0x5] =	wrdreg s18  }
0xb6: {  	[dreg:$0x6] =	wrdreg s4  }
0xb7: {  	[dreg:$0x7] =	wrdreg s5  }
0xb8: {  	[dreg:$0x8] =	wrdreg $0x0  }
0xb9: {  	[dreg:$0x9] =	wrdreg $0x20000  }
0xba: {  	[dreg:$0xa] =	wrdreg $0x9  }
0xbb: {  	_ =	task.clear_ibuf [dreg:s11], $0xBFFFF;
	_ =	strace $0x90000046  }
0xbc: {  	s29 =	simm.s32 $0x9;
	_ =	strace $0x80000048  }
0xbd: {  	_ =	swait.ge [sflag:s29], $0x1  }
0xbe: {  	[sflag:s29] =	ssyncadd.s32 $0xFFFFFFFF  }
0xbf: {  	_ =	strace $0x90000048  }
0xc0: {  	_ =	sfence  }
0xc1: {  	s30 =	sld [smem:$0x0];
	_ =	sdelay $0x2  }
0xc2: {  	s31 =	sshll.u32 s1, $0xD;
	s1 =	sshrl.u32 s1, $0x2  }
0xc3: {  	s3 =	sand.u32 $0x4000, s31;
	s1 =	sadd.s32 s1, s30  }
0xc4: {  	s0 =	sor.u32 s3, s0;
	s1 =	sshll.u32 s1, $0x11  }
0xc5: {  	s0 =	sor.u32 s1, s0  }
0xc6: {  	s0 =	sadd.s32 $0x8F2B, s0  }
0xc7: {  	[sflag:s0] =	ssyncadd.remote.s32 $0x1  }
0xc8: {  	_ =	sfence.sel $0xFFFF  }
0xc9: {  	[dreg:$0x0] =	wrdreg $0xFFFFFFFF;
	(pc) =	sbr.abs _section_cstart, $3  }
0xca: {  	[dreg:$0x1] =	wrdreg $0xFFFFFFFF  }
0xcb: {  	_ =	task.clear_ibuf [dreg:s11], $0x2FFFF;
	_ =	strace $0x9FFFFFFF  }
0xcc: {  	(tm) =	ssettm $0x7FFFFFFF  }
0xcd: {  	_ =	shalt  }
tec
execute0_lowered:
.L_overlay_start_1:
0x0: {  	(tag) =	ssettag $0x1  }
0x1: {  	s1 =	rddreg [dreg:$0x0]  }
0x2: {  	s0 =	rddreg [dreg:$0x1]  }
0x3: {  	s2 =	rddreg [dreg:$0x2]  }
0x4: {  	s5 =	rddreg [dreg:$0x3]  }
0x5: {  	s10 =	rddreg [dreg:$0x4]  }
0x6: {  	s11 =	rddreg [dreg:$0x5]  }
0x7: {  	s3 =	rddreg [dreg:$0x6]  }
0x8: {  	s4 =	rddreg [dreg:$0x7];
	s17 =	stileid.u32  }
0x9: {  	s6 =	srdreg.scid;
	s7 =	simm.s32 $0x0;
	s31 =	simm.s32 $0x50  }
0xa: {  	s30 =	simm.s32 $0x1BDC0;
	s29 =	simm.s32 $0x3;
	s12 =	sand.u32 $0x1, s6  }
0xb: {  	s8 =	smul.u32 $0x1400, s17;
	[smem:$0x7FF] =	sst s7;
	s6 =	sadd.s32 $0x15400, s1  }
0xc: {  	s7 =	sadd.s32 $0x1A00, s1;
	s13 =	sshll.u32 s17, $0xA;
	s15 =	smul.u32 $0x28000, s17  }
0xd: {  	s14 =	sshll.u32 s17, $0x1;
	s25 =	sshll.u32 s17, $0xD;
	s9 =	smul.u32 $0x14000, s12  }
0xe: {  	_ =	strace $0x80000047;
	s13 =	sadd.s32 s13, s1;
	s14 =	sor.u32 s12, s14  }
0xf: {  	s23 =	ssub.s32 $0x2, s12;
	s12 =	sshll.u32 s12, $0xE;
	s28 =	smul.u32 $0xFA, s14  }
0x10: {  	s24 =	sshrl.u32 s23, $0x1;
	s26 =	sshrl.u32 s15, $0x2;
	s14 =	smul.u32 $0x4E2, s14  }
0x11: {  	s17 =	sadd.s32 s12, s13;
	s12 =	simm.s32 $0x159C0;
	s2 =	sadd.s32 s2, s28  }
0x12: {  	s13 =	simm.s32 $0x2;
	s15 =	sadd.s32 s5, s28;
	[dreg:$0x9] =	wrdreg s2  }
0x13: {  	s8 =	sadd.s32 s8, s9;
	s18 =	sadd.s32 s10, s14;
	[dreg:$0xa] =	wrdreg s15  }
0x14: {  	s16 =	ssub.s32 s23, s24;
	s19 =	sadd.s32 s11, s14;
	[dreg:$0xb] =	wrdreg s18  }
0x15: {  	s9 =	sadd.s32 s26, s4;
	s20 =	smax.u32 s16, $0x1;
	[dreg:$0xc] =	wrdreg s19  }
0x16: {  	s1 =	sadd.s32 s8, s1;
	s8 =	sadd.s32 s25, s3;
	[dreg:$0xf] =	wrdreg s20  }
0x17: {  	s10 =	simm.s32 $0x145C0;
	s2 =	sadd.s32 $0x50E00, s17;
	[dreg:$0x17] =	wrdreg s8  }
0x18: {  	s14 =	simm.s32 $0x16DC0;
	s1 =	sadd.s32 $0x28E00, s1;
	[dreg:$0xd] =	wrdreg s2  }
0x19: {  	s16 =	simm.s32 $0x181C0;
	s21 =	sadd.s32 $0x400, s8;
	[dreg:$0xe] =	wrdreg s1  }
0x1a: {  	s5 =	simm.s32 $0x1;
	s22 =	sadd.s32 $0x800, s8;
	[dreg:$0x10] =	wrdreg s21  }
0x1b: {  	s11 =	simm.s32 $0x4;
	s23 =	sadd.s32 $0xC00, s8;
	[dreg:$0x11] =	wrdreg s22  }
0x1c: {  	s24 =	sadd.s32 $0x1000, s8;
	s25 =	sadd.s32 $0x1400, s8;
	[dreg:$0x12] =	wrdreg s23  }
.Ltmp0:
0x1d: {  	s26 =	sadd.s32 $0x1800, s8;
	[dreg:$0x13] =	wrdreg s24;
	(pc) =	sbr.rel .LBB2_1-.Ltmp0, $4  }
0x1e: {  	s28 =	sadd.s32 $0x1C00, s8;
	s17 =	simm.s32 $0x195C0;
	[dreg:$0x14] =	wrdreg s25  }
0x1f: {  	s19 =	simm.s32 $0x1A9C0;
	s15 =	simm.s32 $0x0;
	[dreg:$0x15] =	wrdreg s26  }
0x20: {  	[dreg:$0x16] =	wrdreg s28;
	s24 =	simm.s32 $0x1E5C0;
	s25 =	simm.s32 $0x5  }
0x21: {  	v0 =	vimm.f32 $0.0e+00;
	s1 =	simm.s32 $0x11DC0;
	s2 =	simm.s32 $0x131C0;
	s22 =	simm.s32 $0x1D1C0  }
.LBB2_8:
0x22: {  	_ =	swait.ge [sflag:s5], $0x1400  }
0x23: {  	[sflag:s5] =	ssyncset.done $0x0  }
0x24: {  	[sflag:s5] =	ssyncadd.s32 $0xFFFFEC00  }
0x25: {  	_ =	swait.ge [sflag:s5], $0x1400  }
0x26: {  	[sflag:s5] =	ssyncset.done $0x0  }
0x27: {  	[sflag:s5] =	ssyncadd.s32 $0xFFFFEC00  }
0x28: {  	_ =	swait.ge [sflag:s5], $0x1400  }
0x29: {  	[sflag:s5] =	ssyncset.done $0x0  }
0x2a: {  	[sflag:s5] =	ssyncadd.s32 $0xFFFFEC00  }
0x2b: {  	_ =	swait.ge [sflag:s5], $0x1400  }
0x2c: {  	[sflag:s5] =	ssyncset.done $0x0  }
0x2d: {  	[sflag:s5] =	ssyncadd.s32 $0xFFFFEC00  }
0x2e: {  	_ =	swait.ge [sflag:s5], $0x1400  }
0x2f: {  	[sflag:s5] =	ssyncset.done $0x0  }
0x30: {  	s18 =	simm.s32 $0x11C30;
	[sflag:s5] =	ssyncadd.s32 $0xFFFFEC00  }
0x31: {  	[spmem:s4] =	stream.indirect.scatter.add.f32 [tilespmem:s1], [sflag:$0x3], $0x40, s18, s31, $0xb8;
	[tilespmem:$0x1E9C0] =	vst v63  }
0x32: {  	s23 =	simm.s32 $0x11C80  }
0x33: {  	[spmem:s4] =	stream.indirect.scatter.add.f32 [tilespmem:s2], [sflag:$0x3], $0x40, s23, s31, $0xb8;
	[tilespmem:$0x1E9C0] =	vst v63  }
0x34: {  	s26 =	simm.s32 $0x11CD0  }
0x35: {  	[spmem:s4] =	stream.indirect.scatter.add.f32 [tilespmem:s10], [sflag:$0x3], $0x40, s26, s31, $0xb8;
	[tilespmem:$0x1E9C0] =	vst v63  }
0x36: {  	s28 =	simm.s32 $0x11D20  }
0x37: {  	[spmem:s4] =	stream.indirect.scatter.add.f32 [tilespmem:s12], [sflag:$0x3], $0x40, s28, s31, $0xb8;
	[tilespmem:$0x1E9C0] =	vst v63  }
0x38: {  	s20 =	simm.s32 $0x11D70  }
0x39: {  	[spmem:s4] =	stream.indirect.scatter.add.f32 [tilespmem:s14], [sflag:$0x3], $0x40, s20, s31, $0xb8;
	[tilespmem:$0x1E9C0] =	vst v63  }
0x3a: {  	_ =	swait.ge [sflag:s29], $0x1400  }
0x3b: {  	[sflag:s29] =	ssyncset.done $0x0  }
0x3c: {  	[sflag:s29] =	ssyncadd.s32 $0xFFFFEC00  }
0x3d: {  	_ =	swait.ge [sflag:s29], $0x1400  }
0x3e: {  	[sflag:s29] =	ssyncset.done $0x0  }
0x3f: {  	[sflag:s29] =	ssyncadd.s32 $0xFFFFEC00  }
0x40: {  	_ =	swait.ge [sflag:s29], $0x1400  }
0x41: {  	[sflag:s29] =	ssyncset.done $0x0  }
0x42: {  	[sflag:s29] =	ssyncadd.s32 $0xFFFFEC00  }
0x43: {  	_ =	swait.ge [sflag:s29], $0x1400  }
0x44: {  	[sflag:s29] =	ssyncset.done $0x0  }
0x45: {  	[sflag:s29] =	ssyncadd.s32 $0xFFFFEC00  }
0x46: {  	_ =	swait.ge [sflag:s29], $0x1400  }
0x47: {  	[sflag:s29] =	ssyncset.done $0x0  }
0x48: {  	s21 =	stileid.u32;
	[sflag:s29] =	ssyncadd.s32 $0xFFFFEC00  }
0x49: {  	s18 =	sshll.u32 s21, $0x6;
	[bflag:$0x0] =	sbarrier.arrive $0xFFFF  }
0x4a: {  	s18 =	sor.u32 $0x1C05, s18;
	s20 =	sshrl.u32 s8, $0x3;
	s21 =	rddreg [dreg:$0xd]  }
0x4b: {  	[hbm:s21], [sflag:s18] =	dma.local [spmem:s20], $0x400  }
0x4c: {  	_ =	swait.ge [sflag:s25], $0x400  }
0x4d: {  	[sflag:s25] =	ssyncset.done $0x0  }
0x4e: {  	s23 =	sshrl.u32 s9, $0x3;
	s26 =	rddreg [dreg:$0xe];
	[sflag:s25] =	ssyncadd.s32 $0xFFFFFC00  }
0x4f: {  	[hbm:s26], [sflag:s18] =	dma.local [spmem:s23], $0x1400  }
0x50: {  	_ =	swait.ge [sflag:s25], $0x1400  }
0x51: {  	s15 =	sadd.s32 $0x1, s15;
	s28 =	rddreg [dreg:$0xf]  }
0x52: {  	p0 =	sne.s32 s15, s28  }
.Ltmp1:
0x53: {  	_ = 	snop;
	(pc) =	sbr.rel @!p0 .LBB2_9-.Ltmp1, $3  }
0x54: {  	_ =	sdelay $0x1  }
0x55: {  	[sflag:s25] =	ssyncset.done $0x0  }
0x56: {  	[sflag:s25] =	ssyncadd.s32 $0xFFFFEC00  }
.LBB2_1:
0x57: {  	s20 =	simm.s32 $0x0  }
0x58: {  	s18 =	sand.u32 $0xF00, s20  }
0x59: {  	s20 =	sand.u32 $0x30, s20;
	s21 =	sshrl.u32 s18, $0x2  }
0x5a: {  	s18 =	simm.s32 $0x40;
	s21 =	sor.u32 s20, s21;
	s20 =	simm.s32 $0x0  }
.LBB2_2:
0x5b: {  	p0 =	sne.s32 s18, $0xFC0  }
0x5c: {  	[tilespmem:s21+$0x1E5C0] =	vst v0;
	s20 =	sadd.s32 $0x10, s20;
	s21 =	smov.u32 s18;
	s18 =	sadd.s32 $0x40, s18  }
.Ltmp2:
0x5d: {  	(pc) =	sbr.rel @p0 .LBB2_2-.Ltmp2, $4  }
0x5e: {  	_ = 	snop  }
0x5f: {  	s21 =	sand.u32 $0xF00, s21  }
0x60: {  	s23 =	sand.u32 $0x30, s20;
	s21 =	sshrl.u32 s21, $0x2  }
0x61: {  	s21 =	sor.u32 s23, s21  }
0x62: {  	[tilespmem:s21+$0x1E5C0] =	vst v0  }
0x63: {  	[spmem:s8] =	stream.linear.scatter [tilespmem:s24], [sflag:$0x5], $0x400, $0x38;
	[tilespmem:$0x1E9C0] =	vst v63  }
0x64: {  	_ =	swait.ge [sflag:s25], $0x400  }
0x65: {  	[sflag:s25] =	ssyncset.done $0x0  }
0x66: {  	s18 =	rddreg [dreg:$0x10];
	[sflag:s25] =	ssyncadd.s32 $0xFFFFFC00  }
0x67: {  	[spmem:s18] =	stream.linear.scatter [tilespmem:s24], [sflag:$0x5], $0x400, $0x38;
	[tilespmem:$0x1E9C0] =	vst v63  }
0x68: {  	_ =	swait.ge [sflag:s25], $0x400  }
0x69: {  	[sflag:s25] =	ssyncset.done $0x0  }
0x6a: {  	s28 =	rddreg [dreg:$0x11];
	[sflag:s25] =	ssyncadd.s32 $0xFFFFFC00  }
0x6b: {  	[spmem:s28] =	stream.linear.scatter [tilespmem:s24], [sflag:$0x5], $0x400, $0x38;
	[tilespmem:$0x1E9C0] =	vst v63  }
0x6c: {  	_ =	swait.ge [sflag:s25], $0x400  }
0x6d: {  	[sflag:s25] =	ssyncset.done $0x0  }
0x6e: {  	s8 =	rddreg [dreg:$0x12];
	[sflag:s25] =	ssyncadd.s32 $0xFFFFFC00  }
0x6f: {  	[spmem:s8] =	stream.linear.scatter [tilespmem:s24], [sflag:$0x5], $0x400, $0x38;
	[tilespmem:$0x1E9C0] =	vst v63  }
0x70: {  	_ =	swait.ge [sflag:s25], $0x400  }
0x71: {  	[sflag:s25] =	ssyncset.done $0x0  }
0x72: {  	s20 =	rddreg [dreg:$0x13];
	[sflag:s25] =	ssyncadd.s32 $0xFFFFFC00  }
0x73: {  	[spmem:s20] =	stream.linear.scatter [tilespmem:s24], [sflag:$0x5], $0x400, $0x38;
	[tilespmem:$0x1E9C0] =	vst v63  }
0x74: {  	_ =	swait.ge [sflag:s25], $0x400  }
0x75: {  	[sflag:s25] =	ssyncset.done $0x0  }
0x76: {  	s21 =	rddreg [dreg:$0x14];
	[sflag:s25] =	ssyncadd.s32 $0xFFFFFC00  }
0x77: {  	[spmem:s21] =	stream.linear.scatter [tilespmem:s24], [sflag:$0x5], $0x400, $0x38;
	[tilespmem:$0x1E9C0] =	vst v63  }
0x78: {  	_ =	swait.ge [sflag:s25], $0x400  }
0x79: {  	[sflag:s25] =	ssyncset.done $0x0  }
0x7a: {  	s23 =	rddreg [dreg:$0x15];
	[sflag:s25] =	ssyncadd.s32 $0xFFFFFC00  }
0x7b: {  	[spmem:s23] =	stream.linear.scatter [tilespmem:s24], [sflag:$0x5], $0x400, $0x38;
	[tilespmem:$0x1E9C0] =	vst v63  }
0x7c: {  	_ =	swait.ge [sflag:s25], $0x400  }
0x7d: {  	[sflag:s25] =	ssyncset.done $0x0  }
0x7e: {  	s26 =	rddreg [dreg:$0x16];
	[sflag:s25] =	ssyncadd.s32 $0xFFFFFC00  }
0x7f: {  	[spmem:s26] =	stream.linear.scatter [tilespmem:s24], [sflag:$0x5], $0x400, $0x38;
	[tilespmem:$0x1E9C0] =	vst v63  }
0x80: {  	_ =	swait.ge [sflag:s25], $0x400  }
0x81: {  	[sflag:s25] =	ssyncset.done $0x0  }
0x82: {  	s28 =	sadd.s32 $0x0, s9;
	[sflag:s25] =	ssyncadd.s32 $0xFFFFFC00  }
0x83: {  	[spmem:s28] =	stream.linear.scatter [tilespmem:s24], [sflag:$0x5], $0x400, $0x38;
	[tilespmem:$0x1E9C0] =	vst v63  }
0x84: {  	s18 =	simm.s32 $0x1000;
	_ =	swait.ge [sflag:s25], $0x400  }
.LBB2_4:
0x85: {  	s20 =	sshra.s32 s18, $0x2;
	[sflag:s25] =	ssyncset.done $0x0;
	p0 =	sne.s32 s18, $0x27000  }
.Ltmp3:
0x86: {  	s20 =	sadd.s32 s20, s9;
	[sflag:s25] =	ssyncadd.s32 $0xFFFFFC00;
	(pc) =	sbr.rel @p0 .LBB2_4-.Ltmp3, $3  }
0x87: {  	[spmem:s20] =	stream.linear.scatter [tilespmem:s24], [sflag:$0x5], $0x400, $0x38;
	[tilespmem:$0x1E9C0] =	vst v63  }
0x88: {  	s18 =	sadd.s32 $0x1000, s18;
	_ =	sdelay $0x1  }
0x89: {  	_ =	swait.ge [sflag:s25], $0x400  }
0x8a: {  	[sflag:s25] =	ssyncset.done $0x0  }
0x8b: {  	[sflag:s25] =	ssyncadd.s32 $0xFFFFFC00  }
0x8c: {  	[bflag:$0x0] =	sbarrier.arrive $0xFFFF  }
0x8d: {  	s18 =	simm.s32 $0x0;
	s8 =	simm.s32 $0xC000;
	s20 =	rddreg [dreg:$0x9]  }
0x8e: {  	[tilespmem:s8], [sflag:$0x5] =	stream.linear.gather [hbm4b:s20+s18], $0x7D0, $0x38;
	[tilespmem:$0x1E9C0] =	vst v63  }
0x8f: {  	_ =	swait.ge [sflag:s25], $0x7D0  }
0x90: {  	[sflag:s25] =	ssyncset.done $0x0  }
0x91: {  	s21 =	simm.s32 $0xC7D0;
	s8 =	rddreg [dreg:$0xa];
	[sflag:s25] =	ssyncadd.s32 $0xFFFFF830  }
0x92: {  	[tilespmem:s21], [sflag:$0x5] =	stream.linear.gather [hbm4b:s8+s18], $0x7D0, $0x38;
	[tilespmem:$0x1E9C0] =	vst v63  }
0x93: {  	_ =	swait.ge [sflag:s25], $0x7D0  }
0x94: {  	[sflag:s25] =	ssyncset.done $0x0  }
0x95: {  	s28 =	simm.s32 $0xCFA0;
	s23 =	rddreg [dreg:$0xb];
	[sflag:s25] =	ssyncadd.s32 $0xFFFFF830  }
0x96: {  	[tilespmem:s28], [sflag:$0x5] =	stream.linear.gather [hbm4b:s23+s18], $0x2710, $0x38;
	[tilespmem:$0x1E9C0] =	vst v63  }
0x97: {  	_ =	swait.ge [sflag:s25], $0x2710  }
0x98: {  	[sflag:s25] =	ssyncset.done $0x0  }
0x99: {  	s23 =	simm.s32 $0xF6B0;
	s8 =	rddreg [dreg:$0xc];
	[sflag:s25] =	ssyncadd.s32 $0xFFFFD8F0  }
0x9a: {  	[tilespmem:s23], [sflag:$0x5] =	stream.linear.gather [hbm4b:s8+s18], $0x2710, $0x38;
	[tilespmem:$0x1E9C0] =	vst v63  }
0x9b: {  	_ =	swait.ge [sflag:s25], $0x2710  }
0x9c: {  	[sflag:s25] =	ssyncset.done $0x0  }
0x9d: {  	s21 =	simm.s32 $0xC7D0;
	[sflag:s25] =	ssyncadd.s32 $0xFFFFD8F0  }
0x9e: {  	[tilespmem:s1], [sflag:$0x1] =	stream.indirect.gather [hbm4b:s6+s31], $0x40, s21, s31, $0xb8;
	[tilespmem:$0x1E9C0] =	vst v63  }
0x9f: {  	s28 =	simm.s32 $0xC820  }
0xa0: {  	[tilespmem:s2], [sflag:$0x1] =	stream.indirect.gather [hbm4b:s6+s31], $0x40, s28, s31, $0xb8;
	[tilespmem:$0x1E9C0] =	vst v63  }
0xa1: {  	s20 =	simm.s32 $0xC870  }
0xa2: {  	[tilespmem:s10], [sflag:$0x1] =	stream.indirect.gather [hbm4b:s6+s31], $0x40, s20, s31, $0xb8;
	[tilespmem:$0x1E9C0] =	vst v63  }
0xa3: {  	s21 =	simm.s32 $0xC8C0  }
0xa4: {  	[tilespmem:s12], [sflag:$0x1] =	stream.indirect.gather [hbm4b:s6+s31], $0x40, s21, s31, $0xb8;
	[tilespmem:$0x1E9C0] =	vst v63  }
0xa5: {  	s23 =	simm.s32 $0xC910  }
0xa6: {  	[tilespmem:s14], [sflag:$0x1] =	stream.indirect.gather [hbm4b:s6+s31], $0x40, s23, s31, $0xb8;
	[tilespmem:$0x1E9C0] =	vst v63  }
0xa7: {  	s28 =	simm.s32 $0xC960  }
0xa8: {  	[tilespmem:s16], [sflag:$0x2] =	stream.indirect.gather [hbm4b:s6+s31], $0x40, s28, s31, $0xb8;
	[tilespmem:$0x1E9C0] =	vst v63  }
0xa9: {  	s20 =	simm.s32 $0xC9B0  }
0xaa: {  	[tilespmem:s17], [sflag:$0x2] =	stream.indirect.gather [hbm4b:s6+s31], $0x40, s20, s31, $0xb8;
	[tilespmem:$0x1E9C0] =	vst v63  }
0xab: {  	s21 =	simm.s32 $0xCA00  }
0xac: {  	[tilespmem:s19], [sflag:$0x2] =	stream.indirect.gather [hbm4b:s6+s31], $0x40, s21, s31, $0xb8;
	[tilespmem:$0x1E9C0] =	vst v63  }
0xad: {  	s23 =	simm.s32 $0xCA50  }
0xae: {  	[tilespmem:s30], [sflag:$0x2] =	stream.indirect.gather [hbm4b:s6+s31], $0x40, s23, s31, $0xb8;
	[tilespmem:$0x1E9C0] =	vst v63  }
0xaf: {  	s28 =	simm.s32 $0xCAA0  }
0xb0: {  	[tilespmem:s22], [sflag:$0x2] =	stream.indirect.gather [hbm4b:s6+s31], $0x40, s28, s31, $0xb8;
	[tilespmem:$0x1E9C0] =	vst v63  }
0xb1: {  	_ =	swait.ge [sflag:s5], $0x1400  }
0xb2: {  	[sflag:s5] =	ssyncset.done $0x0  }
0xb3: {  	[sflag:s5] =	ssyncadd.s32 $0xFFFFEC00  }
0xb4: {  	_ =	swait.ge [sflag:s5], $0x1400  }
0xb5: {  	[sflag:s5] =	ssyncset.done $0x0  }
0xb6: {  	[sflag:s5] =	ssyncadd.s32 $0xFFFFEC00  }
0xb7: {  	_ =	swait.ge [sflag:s5], $0x1400  }
0xb8: {  	[sflag:s5] =	ssyncset.done $0x0  }
0xb9: {  	[sflag:s5] =	ssyncadd.s32 $0xFFFFEC00  }
0xba: {  	_ =	swait.ge [sflag:s5], $0x1400  }
0xbb: {  	[sflag:s5] =	ssyncset.done $0x0  }
0xbc: {  	[sflag:s5] =	ssyncadd.s32 $0xFFFFEC00  }
0xbd: {  	_ =	swait.ge [sflag:s5], $0x1400  }
0xbe: {  	[sflag:s5] =	ssyncset.done $0x0  }
0xbf: {  	s26 =	simm.s32 $0xC000;
	[sflag:s5] =	ssyncadd.s32 $0xFFFFEC00  }
0xc0: {  	[spmem:s3] =	stream.indirect.scatter.add.f32 [tilespmem:s1], [sflag:$0x3], $0x40, s26, s31, $0xb8;
	[tilespmem:$0x1E9C0] =	vst v63  }
0xc1: {  	s20 =	simm.s32 $0xC050  }
0xc2: {  	[spmem:s3] =	stream.indirect.scatter.add.f32 [tilespmem:s2], [sflag:$0x3], $0x40, s20, s31, $0xb8;
	[tilespmem:$0x1E9C0] =	vst v63  }
0xc3: {  	s21 =	simm.s32 $0xC0A0  }
0xc4: {  	[spmem:s3] =	stream.indirect.scatter.add.f32 [tilespmem:s10], [sflag:$0x3], $0x40, s21, s31, $0xb8;
	[tilespmem:$0x1E9C0] =	vst v63  }
0xc5: {  	s23 =	simm.s32 $0xC0F0  }
0xc6: {  	[spmem:s3] =	stream.indirect.scatter.add.f32 [tilespmem:s12], [sflag:$0x3], $0x40, s23, s31, $0xb8;
	[tilespmem:$0x1E9C0] =	vst v63  }
0xc7: {  	s26 =	simm.s32 $0xC140  }
0xc8: {  	[spmem:s3] =	stream.indirect.scatter.add.f32 [tilespmem:s14], [sflag:$0x3], $0x40, s26, s31, $0xb8;
	[tilespmem:$0x1E9C0] =	vst v63  }
0xc9: {  	_ =	swait.ge [sflag:s29], $0x1400  }
0xca: {  	[sflag:s29] =	ssyncset.done $0x0  }
0xcb: {  	[sflag:s29] =	ssyncadd.s32 $0xFFFFEC00  }
0xcc: {  	_ =	swait.ge [sflag:s29], $0x1400  }
0xcd: {  	[sflag:s29] =	ssyncset.done $0x0  }
0xce: {  	[sflag:s29] =	ssyncadd.s32 $0xFFFFEC00  }
0xcf: {  	_ =	swait.ge [sflag:s29], $0x1400  }
0xd0: {  	[sflag:s29] =	ssyncset.done $0x0  }
0xd1: {  	[sflag:s29] =	ssyncadd.s32 $0xFFFFEC00  }
0xd2: {  	_ =	swait.ge [sflag:s29], $0x1400  }
0xd3: {  	[sflag:s29] =	ssyncset.done $0x0  }
0xd4: {  	[sflag:s29] =	ssyncadd.s32 $0xFFFFEC00  }
0xd5: {  	_ =	swait.ge [sflag:s29], $0x1400  }
0xd6: {  	[sflag:s29] =	ssyncset.done $0x0  }
0xd7: {  	s28 =	simm.s32 $0xCAF0;
	[sflag:s29] =	ssyncadd.s32 $0xFFFFEC00  }
0xd8: {  	[tilespmem:s1], [sflag:$0x1] =	stream.indirect.gather [hbm4b:s6+s31], $0x40, s28, s31, $0xb8;
	[tilespmem:$0x1E9C0] =	vst v63  }
0xd9: {  	s20 =	simm.s32 $0xCB40  }
0xda: {  	[tilespmem:s2], [sflag:$0x1] =	stream.indirect.gather [hbm4b:s6+s31], $0x40, s20, s31, $0xb8;
	[tilespmem:$0x1E9C0] =	vst v63  }
0xdb: {  	s21 =	simm.s32 $0xCB90  }
0xdc: {  	[tilespmem:s10], [sflag:$0x1] =	stream.indirect.gather [hbm4b:s6+s31], $0x40, s21, s31, $0xb8;
	[tilespmem:$0x1E9C0] =	vst v63  }
0xdd: {  	s23 =	simm.s32 $0xCBE0  }
0xde: {  	[tilespmem:s12], [sflag:$0x1] =	stream.indirect.gather [hbm4b:s6+s31], $0x40, s23, s31, $0xb8;
	[tilespmem:$0x1E9C0] =	vst v63  }
0xdf: {  	s26 =	simm.s32 $0xCC30  }
0xe0: {  	[tilespmem:s14], [sflag:$0x1] =	stream.indirect.gather [hbm4b:s6+s31], $0x40, s26, s31, $0xb8;
	[tilespmem:$0x1E9C0] =	vst v63  }
0xe1: {  	_ =	swait.ge [sflag:s13], $0x1400  }
0xe2: {  	[sflag:s13] =	ssyncset.done $0x0  }
0xe3: {  	[sflag:s13] =	ssyncadd.s32 $0xFFFFEC00  }
0xe4: {  	_ =	swait.ge [sflag:s13], $0x1400  }
0xe5: {  	[sflag:s13] =	ssyncset.done $0x0  }
0xe6: {  	[sflag:s13] =	ssyncadd.s32 $0xFFFFEC00  }
0xe7: {  	_ =	swait.ge [sflag:s13], $0x1400  }
0xe8: {  	[sflag:s13] =	ssyncset.done $0x0  }
0xe9: {  	[sflag:s13] =	ssyncadd.s32 $0xFFFFEC00  }
0xea: {  	_ =	swait.ge [sflag:s13], $0x1400  }
0xeb: {  	[sflag:s13] =	ssyncset.done $0x0  }
0xec: {  	[sflag:s13] =	ssyncadd.s32 $0xFFFFEC00  }
0xed: {  	_ =	swait.ge [sflag:s13], $0x1400  }
0xee: {  	[sflag:s13] =	ssyncset.done $0x0  }
0xef: {  	s28 =	simm.s32 $0xC190;
	[sflag:s13] =	ssyncadd.s32 $0xFFFFEC00  }
0xf0: {  	[spmem:s3] =	stream.indirect.scatter.add.f32 [tilespmem:s16], [sflag:$0x4], $0x40, s28, s31, $0xb8;
	[tilespmem:$0x1E9C0] =	vst v63  }
0xf1: {  	s20 =	simm.s32 $0xC1E0  }
0xf2: {  	[spmem:s3] =	stream.indirect.scatter.add.f32 [tilespmem:s17], [sflag:$0x4], $0x40, s20, s31, $0xb8;
	[tilespmem:$0x1E9C0] =	vst v63  }
0xf3: {  	s21 =	simm.s32 $0xC230  }
0xf4: {  	[spmem:s3] =	stream.indirect.scatter.add.f32 [tilespmem:s19], [sflag:$0x4], $0x40, s21, s31, $0xb8;
	[tilespmem:$0x1E9C0] =	vst v63  }
0xf5: {  	s23 =	simm.s32 $0xC280  }
0xf6: {  	[spmem:s3] =	stream.indirect.scatter.add.f32 [tilespmem:s30], [sflag:$0x4], $0x40, s23, s31, $0xb8;
	[tilespmem:$0x1E9C0] =	vst v63  }
0xf7: {  	s26 =	simm.s32 $0xC2D0  }
0xf8: {  	[spmem:s3] =	stream.indirect.scatter.add.f32 [tilespmem:s22], [sflag:$0x4], $0x40, s26, s31, $0xb8;
	[tilespmem:$0x1E9C0] =	vst v63  }
0xf9: {  	_ =	swait.ge [sflag:s11], $0x1400  }
0xfa: {  	[sflag:s11] =	ssyncset.done $0x0  }
0xfb: {  	[sflag:s11] =	ssyncadd.s32 $0xFFFFEC00  }
0xfc: {  	_ =	swait.ge [sflag:s11], $0x1400  }
0xfd: {  	[sflag:s11] =	ssyncset.done $0x0  }
0xfe: {  	[sflag:s11] =	ssyncadd.s32 $0xFFFFEC00  }
0xff: {  	_ =	swait.ge [sflag:s11], $0x1400  }
0x100: {  	[sflag:s11] =	ssyncset.done $0x0  }
0x101: {  	[sflag:s11] =	ssyncadd.s32 $0xFFFFEC00  }
0x102: {  	_ =	swait.ge [sflag:s11], $0x1400  }
0x103: {  	[sflag:s11] =	ssyncset.done $0x0  }
0x104: {  	[sflag:s11] =	ssyncadd.s32 $0xFFFFEC00  }
0x105: {  	_ =	swait.ge [sflag:s11], $0x1400  }
0x106: {  	[sflag:s11] =	ssyncset.done $0x0  }
0x107: {  	s28 =	simm.s32 $0xCC80;
	[sflag:s11] =	ssyncadd.s32 $0xFFFFEC00  }
0x108: {  	[tilespmem:s16], [sflag:$0x2] =	stream.indirect.gather [hbm4b:s6+s31], $0x40, s28, s31, $0xb8;
	[tilespmem:$0x1E9C0] =	vst v63  }
0x109: {  	s8 =	simm.s32 $0xCCD0  }
0x10a: {  	[tilespmem:s17], [sflag:$0x2] =	stream.indirect.gather [hbm4b:s6+s31], $0x40, s8, s31, $0xb8;
	[tilespmem:$0x1E9C0] =	vst v63  }
0x10b: {  	s8 =	simm.s32 $0xCD20  }
0x10c: {  	[tilespmem:s19], [sflag:$0x2] =	stream.indirect.gather [hbm4b:s6+s31], $0x40, s8, s31, $0xb8;
	[tilespmem:$0x1E9C0] =	vst v63  }
0x10d: {  	s8 =	simm.s32 $0xCD70  }
0x10e: {  	[tilespmem:s30], [sflag:$0x2] =	stream.indirect.gather [hbm4b:s6+s31], $0x40, s8, s31, $0xb8;
	[tilespmem:$0x1E9C0] =	vst v63  }
0x10f: {  	s8 =	simm.s32 $0xCDC0  }
0x110: {  	[tilespmem:s22], [sflag:$0x2] =	stream.indirect.gather [hbm4b:s6+s31], $0x40, s8, s31, $0xb8;
	[tilespmem:$0x1E9C0] =	vst v63  }
0x111: {  	_ =	swait.ge [sflag:s5], $0x1400  }
0x112: {  	[sflag:s5] =	ssyncset.done $0x0  }
0x113: {  	[sflag:s5] =	ssyncadd.s32 $0xFFFFEC00  }
0x114: {  	_ =	swait.ge [sflag:s5], $0x1400  }
0x115: {  	[sflag:s5] =	ssyncset.done $0x0  }
0x116: {  	[sflag:s5] =	ssyncadd.s32 $0xFFFFEC00  }
0x117: {  	_ =	swait.ge [sflag:s5], $0x1400  }
0x118: {  	[sflag:s5] =	ssyncset.done $0x0  }
0x119: {  	[sflag:s5] =	ssyncadd.s32 $0xFFFFEC00  }
0x11a: {  	_ =	swait.ge [sflag:s5], $0x1400  }
0x11b: {  	[sflag:s5] =	ssyncset.done $0x0  }
0x11c: {  	[sflag:s5] =	ssyncadd.s32 $0xFFFFEC00  }
0x11d: {  	_ =	swait.ge [sflag:s5], $0x1400  }
0x11e: {  	[sflag:s5] =	ssyncset.done $0x0  }
0x11f: {  	s28 =	simm.s32 $0xC320;
	[sflag:s5] =	ssyncadd.s32 $0xFFFFEC00  }
0x120: {  	[spmem:s3] =	stream.indirect.scatter.add.f32 [tilespmem:s1], [sflag:$0x3], $0x40, s28, s31, $0xb8;
	[tilespmem:$0x1E9C0] =	vst v63  }
0x121: {  	s8 =	simm.s32 $0xC370  }
0x122: {  	[spmem:s3] =	stream.indirect.scatter.add.f32 [tilespmem:s2], [sflag:$0x3], $0x40, s8, s31, $0xb8;
	[tilespmem:$0x1E9C0] =	vst v63  }
0x123: {  	s8 =	simm.s32 $0xC3C0  }
0x124: {  	[spmem:s3] =	stream.indirect.scatter.add.f32 [tilespmem:s10], [sflag:$0x3], $0x40, s8, s31, $0xb8;
	[tilespmem:$0x1E9C0] =	vst v63  }
0x125: {  	s8 =	simm.s32 $0xC410  }
0x126: {  	[spmem:s3] =	stream.indirect.scatter.add.f32 [tilespmem:s12], [sflag:$0x3], $0x40, s8, s31, $0xb8;
	[tilespmem:$0x1E9C0] =	vst v63  }
0x127: {  	s8 =	simm.s32 $0xC460  }
0x128: {  	[spmem:s3] =	stream.indirect.scatter.add.f32 [tilespmem:s14], [sflag:$0x3], $0x40, s8, s31, $0xb8;
	[tilespmem:$0x1E9C0] =	vst v63  }
0x129: {  	_ =	swait.ge [sflag:s29], $0x1400  }
0x12a: {  	[sflag:s29] =	ssyncset.done $0x0  }
0x12b: {  	[sflag:s29] =	ssyncadd.s32 $0xFFFFEC00  }
0x12c: {  	_ =	swait.ge [sflag:s29], $0x1400  }
0x12d: {  	[sflag:s29] =	ssyncset.done $0x0  }
0x12e: {  	[sflag:s29] =	ssyncadd.s32 $0xFFFFEC00  }
0x12f: {  	_ =	swait.ge [sflag:s29], $0x1400  }
0x130: {  	[sflag:s29] =	ssyncset.done $0x0  }
0x131: {  	[sflag:s29] =	ssyncadd.s32 $0xFFFFEC00  }
0x132: {  	_ =	swait.ge [sflag:s29], $0x1400  }
0x133: {  	[sflag:s29] =	ssyncset.done $0x0  }
0x134: {  	[sflag:s29] =	ssyncadd.s32 $0xFFFFEC00  }
0x135: {  	_ =	swait.ge [sflag:s29], $0x1400  }
0x136: {  	[sflag:s29] =	ssyncset.done $0x0  }
0x137: {  	s8 =	simm.s32 $0xCE10;
	[sflag:s29] =	ssyncadd.s32 $0xFFFFEC00  }
0x138: {  	[tilespmem:s1], [sflag:$0x1] =	stream.indirect.gather [hbm4b:s6+s31], $0x40, s8, s31, $0xb8;
	[tilespmem:$0x1E9C0] =	vst v63  }
0x139: {  	s8 =	simm.s32 $0xCE60  }
0x13a: {  	[tilespmem:s2], [sflag:$0x1] =	stream.indirect.gather [hbm4b:s6+s31], $0x40, s8, s31, $0xb8;
	[tilespmem:$0x1E9C0] =	vst v63  }
0x13b: {  	s8 =	simm.s32 $0xCEB0  }
0x13c: {  	[tilespmem:s10], [sflag:$0x1] =	stream.indirect.gather [hbm4b:s6+s31], $0x40, s8, s31, $0xb8;
	[tilespmem:$0x1E9C0] =	vst v63  }
0x13d: {  	s8 =	simm.s32 $0xCF00  }
0x13e: {  	[tilespmem:s12], [sflag:$0x1] =	stream.indirect.gather [hbm4b:s6+s31], $0x40, s8, s31, $0xb8;
	[tilespmem:$0x1E9C0] =	vst v63  }
0x13f: {  	s8 =	simm.s32 $0xCF50  }
0x140: {  	[tilespmem:s14], [sflag:$0x1] =	stream.indirect.gather [hbm4b:s6+s31], $0x40, s8, s31, $0xb8;
	[tilespmem:$0x1E9C0] =	vst v63  }
0x141: {  	_ =	swait.ge [sflag:s13], $0x1400  }
0x142: {  	[sflag:s13] =	ssyncset.done $0x0  }
0x143: {  	[sflag:s13] =	ssyncadd.s32 $0xFFFFEC00  }
0x144: {  	_ =	swait.ge [sflag:s13], $0x1400  }
0x145: {  	[sflag:s13] =	ssyncset.done $0x0  }
0x146: {  	[sflag:s13] =	ssyncadd.s32 $0xFFFFEC00  }
0x147: {  	_ =	swait.ge [sflag:s13], $0x1400  }
0x148: {  	[sflag:s13] =	ssyncset.done $0x0  }
0x149: {  	[sflag:s13] =	ssyncadd.s32 $0xFFFFEC00  }
0x14a: {  	_ =	swait.ge [sflag:s13], $0x1400  }
0x14b: {  	[sflag:s13] =	ssyncset.done $0x0  }
0x14c: {  	[sflag:s13] =	ssyncadd.s32 $0xFFFFEC00  }
0x14d: {  	_ =	swait.ge [sflag:s13], $0x1400  }
0x14e: {  	[sflag:s13] =	ssyncset.done $0x0  }
0x14f: {  	s8 =	simm.s32 $0xC4B0;
	[sflag:s13] =	ssyncadd.s32 $0xFFFFEC00  }
0x150: {  	[spmem:s3] =	stream.indirect.scatter.add.f32 [tilespmem:s16], [sflag:$0x4], $0x40, s8, s31, $0xb8;
	[tilespmem:$0x1E9C0] =	vst v63  }
0x151: {  	s8 =	simm.s32 $0xC500  }
0x152: {  	[spmem:s3] =	stream.indirect.scatter.add.f32 [tilespmem:s17], [sflag:$0x4], $0x40, s8, s31, $0xb8;
	[tilespmem:$0x1E9C0] =	vst v63  }
0x153: {  	s8 =	simm.s32 $0xC550  }
0x154: {  	[spmem:s3] =	stream.indirect.scatter.add.f32 [tilespmem:s19], [sflag:$0x4], $0x40, s8, s31, $0xb8;
	[tilespmem:$0x1E9C0] =	vst v63  }
0x155: {  	s8 =	simm.s32 $0xC5A0  }
0x156: {  	[spmem:s3] =	stream.indirect.scatter.add.f32 [tilespmem:s30], [sflag:$0x4], $0x40, s8, s31, $0xb8;
	[tilespmem:$0x1E9C0] =	vst v63  }
0x157: {  	s8 =	simm.s32 $0xC5F0  }
0x158: {  	[spmem:s3] =	stream.indirect.scatter.add.f32 [tilespmem:s22], [sflag:$0x4], $0x40, s8, s31, $0xb8;
	[tilespmem:$0x1E9C0] =	vst v63  }
0x159: {  	_ =	swait.ge [sflag:s11], $0x1400  }
0x15a: {  	[sflag:s11] =	ssyncset.done $0x0  }
0x15b: {  	[sflag:s11] =	ssyncadd.s32 $0xFFFFEC00  }
0x15c: {  	_ =	swait.ge [sflag:s11], $0x1400  }
0x15d: {  	[sflag:s11] =	ssyncset.done $0x0  }
0x15e: {  	[sflag:s11] =	ssyncadd.s32 $0xFFFFEC00  }
0x15f: {  	_ =	swait.ge [sflag:s11], $0x1400  }
0x160: {  	[sflag:s11] =	ssyncset.done $0x0  }
0x161: {  	[sflag:s11] =	ssyncadd.s32 $0xFFFFEC00  }
0x162: {  	_ =	swait.ge [sflag:s11], $0x1400  }
0x163: {  	[sflag:s11] =	ssyncset.done $0x0  }
0x164: {  	[sflag:s11] =	ssyncadd.s32 $0xFFFFEC00  }
0x165: {  	_ =	swait.ge [sflag:s11], $0x1400  }
0x166: {  	[sflag:s11] =	ssyncset.done $0x0  }
0x167: {  	[sflag:s11] =	ssyncadd.s32 $0xFFFFEC00  }
0x168: {  	_ =	swait.ge [sflag:s5], $0x1400  }
0x169: {  	[sflag:s5] =	ssyncset.done $0x0  }
0x16a: {  	[sflag:s5] =	ssyncadd.s32 $0xFFFFEC00  }
0x16b: {  	_ =	swait.ge [sflag:s5], $0x1400  }
0x16c: {  	[sflag:s5] =	ssyncset.done $0x0  }
0x16d: {  	[sflag:s5] =	ssyncadd.s32 $0xFFFFEC00  }
0x16e: {  	_ =	swait.ge [sflag:s5], $0x1400  }
0x16f: {  	[sflag:s5] =	ssyncset.done $0x0  }
0x170: {  	[sflag:s5] =	ssyncadd.s32 $0xFFFFEC00  }
0x171: {  	_ =	swait.ge [sflag:s5], $0x1400  }
0x172: {  	[sflag:s5] =	ssyncset.done $0x0  }
0x173: {  	[sflag:s5] =	ssyncadd.s32 $0xFFFFEC00  }
0x174: {  	_ =	swait.ge [sflag:s5], $0x1400  }
0x175: {  	[sflag:s5] =	ssyncset.done $0x0  }
0x176: {  	s8 =	simm.s32 $0xC640;
	[sflag:s5] =	ssyncadd.s32 $0xFFFFEC00  }
0x177: {  	[spmem:s3] =	stream.indirect.scatter.add.f32 [tilespmem:s1], [sflag:$0x3], $0x40, s8, s31, $0xb8;
	[tilespmem:$0x1E9C0] =	vst v63  }
0x178: {  	s8 =	simm.s32 $0xC690  }
0x179: {  	[spmem:s3] =	stream.indirect.scatter.add.f32 [tilespmem:s2], [sflag:$0x3], $0x40, s8, s31, $0xb8;
	[tilespmem:$0x1E9C0] =	vst v63  }
0x17a: {  	s8 =	simm.s32 $0xC6E0  }
0x17b: {  	[spmem:s3] =	stream.indirect.scatter.add.f32 [tilespmem:s10], [sflag:$0x3], $0x40, s8, s31, $0xb8;
	[tilespmem:$0x1E9C0] =	vst v63  }
0x17c: {  	s8 =	simm.s32 $0xC730  }
0x17d: {  	[spmem:s3] =	stream.indirect.scatter.add.f32 [tilespmem:s12], [sflag:$0x3], $0x40, s8, s31, $0xb8;
	[tilespmem:$0x1E9C0] =	vst v63  }
0x17e: {  	s8 =	simm.s32 $0xC780  }
0x17f: {  	[spmem:s3] =	stream.indirect.scatter.add.f32 [tilespmem:s14], [sflag:$0x3], $0x40, s8, s31, $0xb8;
	[tilespmem:$0x1E9C0] =	vst v63  }
0x180: {  	_ =	swait.ge [sflag:s29], $0x1400  }
0x181: {  	[sflag:s29] =	ssyncset.done $0x0  }
0x182: {  	[sflag:s29] =	ssyncadd.s32 $0xFFFFEC00  }
0x183: {  	_ =	swait.ge [sflag:s29], $0x1400  }
0x184: {  	[sflag:s29] =	ssyncset.done $0x0  }
0x185: {  	[sflag:s29] =	ssyncadd.s32 $0xFFFFEC00  }
0x186: {  	_ =	swait.ge [sflag:s29], $0x1400  }
0x187: {  	[sflag:s29] =	ssyncset.done $0x0  }
0x188: {  	[sflag:s29] =	ssyncadd.s32 $0xFFFFEC00  }
0x189: {  	_ =	swait.ge [sflag:s29], $0x1400  }
0x18a: {  	[sflag:s29] =	ssyncset.done $0x0  }
0x18b: {  	[sflag:s29] =	ssyncadd.s32 $0xFFFFEC00  }
0x18c: {  	_ =	swait.ge [sflag:s29], $0x1400  }
0x18d: {  	[sflag:s29] =	ssyncset.done $0x0  }
0x18e: {  	s8 =	simm.s32 $0xC000;
	[sflag:s29] =	ssyncadd.s32 $0xFFFFEC00  }
0x18f: {  	[tilespmem:s1], [sflag:$0x1] =	stream.indirect.gather [hbm4b:s0+s31], $0x40, s8, s31, $0xb8;
	[tilespmem:$0x1E9C0] =	vst v63  }
0x190: {  	s8 =	simm.s32 $0xC050  }
0x191: {  	[tilespmem:s2], [sflag:$0x1] =	stream.indirect.gather [hbm4b:s0+s31], $0x40, s8, s31, $0xb8;
	[tilespmem:$0x1E9C0] =	vst v63  }
0x192: {  	s8 =	simm.s32 $0xC0A0  }
0x193: {  	[tilespmem:s10], [sflag:$0x1] =	stream.indirect.gather [hbm4b:s0+s31], $0x40, s8, s31, $0xb8;
	[tilespmem:$0x1E9C0] =	vst v63  }
0x194: {  	s8 =	simm.s32 $0xC0F0  }
0x195: {  	[tilespmem:s12], [sflag:$0x1] =	stream.indirect.gather [hbm4b:s0+s31], $0x40, s8, s31, $0xb8;
	[tilespmem:$0x1E9C0] =	vst v63  }
0x196: {  	s8 =	simm.s32 $0xC140  }
0x197: {  	[tilespmem:s14], [sflag:$0x1] =	stream.indirect.gather [hbm4b:s0+s31], $0x40, s8, s31, $0xb8;
	[tilespmem:$0x1E9C0] =	vst v63  }
0x198: {  	s8 =	simm.s32 $0xC190  }
0x199: {  	[tilespmem:s16], [sflag:$0x2] =	stream.indirect.gather [hbm4b:s0+s31], $0x40, s8, s31, $0xb8;
	[tilespmem:$0x1E9C0] =	vst v63  }
0x19a: {  	_ = 	snop  }
0x19b: {  	[tilespmem:s17], [sflag:$0x2] =	stream.indirect.gather [hbm4b:s0+s31], $0x40, s20, s31, $0xb8;
	[tilespmem:$0x1E9C0] =	vst v63  }
0x19c: {  	_ = 	snop  }
0x19d: {  	[tilespmem:s19], [sflag:$0x2] =	stream.indirect.gather [hbm4b:s0+s31], $0x40, s21, s31, $0xb8;
	[tilespmem:$0x1E9C0] =	vst v63  }
0x19e: {  	_ = 	snop  }
0x19f: {  	[tilespmem:s30], [sflag:$0x2] =	stream.indirect.gather [hbm4b:s0+s31], $0x40, s23, s31, $0xb8;
	[tilespmem:$0x1E9C0] =	vst v63  }
0x1a0: {  	_ = 	snop  }
0x1a1: {  	[tilespmem:s22], [sflag:$0x2] =	stream.indirect.gather [hbm4b:s0+s31], $0x40, s26, s31, $0xb8;
	[tilespmem:$0x1E9C0] =	vst v63  }
0x1a2: {  	_ =	swait.ge [sflag:s5], $0x1400  }
0x1a3: {  	[sflag:s5] =	ssyncset.done $0x0  }
0x1a4: {  	[sflag:s5] =	ssyncadd.s32 $0xFFFFEC00  }
0x1a5: {  	_ =	swait.ge [sflag:s5], $0x1400  }
0x1a6: {  	[sflag:s5] =	ssyncset.done $0x0  }
0x1a7: {  	[sflag:s5] =	ssyncadd.s32 $0xFFFFEC00  }
0x1a8: {  	_ =	swait.ge [sflag:s5], $0x1400  }
0x1a9: {  	[sflag:s5] =	ssyncset.done $0x0  }
0x1aa: {  	[sflag:s5] =	ssyncadd.s32 $0xFFFFEC00  }
0x1ab: {  	_ =	swait.ge [sflag:s5], $0x1400  }
0x1ac: {  	[sflag:s5] =	ssyncset.done $0x0  }
0x1ad: {  	[sflag:s5] =	ssyncadd.s32 $0xFFFFEC00  }
0x1ae: {  	_ =	swait.ge [sflag:s5], $0x1400  }
0x1af: {  	[sflag:s5] =	ssyncset.done $0x0  }
0x1b0: {  	s20 =	simm.s32 $0xC7D0;
	[sflag:s5] =	ssyncadd.s32 $0xFFFFEC00  }
0x1b1: {  	[spmem:s4] =	stream.indirect.scatter.add.f32 [tilespmem:s1], [sflag:$0x3], $0x40, s20, s31, $0xb8;
	[tilespmem:$0x1E9C0] =	vst v63  }
0x1b2: {  	s21 =	simm.s32 $0xC820  }
0x1b3: {  	[spmem:s4] =	stream.indirect.scatter.add.f32 [tilespmem:s2], [sflag:$0x3], $0x40, s21, s31, $0xb8;
	[tilespmem:$0x1E9C0] =	vst v63  }
0x1b4: {  	s23 =	simm.s32 $0xC870  }
0x1b5: {  	[spmem:s4] =	stream.indirect.scatter.add.f32 [tilespmem:s10], [sflag:$0x3], $0x40, s23, s31, $0xb8;
	[tilespmem:$0x1E9C0] =	vst v63  }
0x1b6: {  	s26 =	simm.s32 $0xC8C0  }
0x1b7: {  	[spmem:s4] =	stream.indirect.scatter.add.f32 [tilespmem:s12], [sflag:$0x3], $0x40, s26, s31, $0xb8;
	[tilespmem:$0x1E9C0] =	vst v63  }
0x1b8: {  	s20 =	simm.s32 $0xC910  }
0x1b9: {  	[spmem:s4] =	stream.indirect.scatter.add.f32 [tilespmem:s14], [sflag:$0x3], $0x40, s20, s31, $0xb8;
	[tilespmem:$0x1E9C0] =	vst v63  }
0x1ba: {  	_ =	swait.ge [sflag:s29], $0x1400  }
0x1bb: {  	[sflag:s29] =	ssyncset.done $0x0  }
0x1bc: {  	[sflag:s29] =	ssyncadd.s32 $0xFFFFEC00  }
0x1bd: {  	_ =	swait.ge [sflag:s29], $0x1400  }
0x1be: {  	[sflag:s29] =	ssyncset.done $0x0  }
0x1bf: {  	[sflag:s29] =	ssyncadd.s32 $0xFFFFEC00  }
0x1c0: {  	_ =	swait.ge [sflag:s29], $0x1400  }
0x1c1: {  	[sflag:s29] =	ssyncset.done $0x0  }
0x1c2: {  	[sflag:s29] =	ssyncadd.s32 $0xFFFFEC00  }
0x1c3: {  	_ =	swait.ge [sflag:s29], $0x1400  }
0x1c4: {  	[sflag:s29] =	ssyncset.done $0x0  }
0x1c5: {  	[sflag:s29] =	ssyncadd.s32 $0xFFFFEC00  }
0x1c6: {  	_ =	swait.ge [sflag:s29], $0x1400  }
0x1c7: {  	[sflag:s29] =	ssyncset.done $0x0  }
0x1c8: {  	[sflag:s29] =	ssyncadd.s32 $0xFFFFEC00  }
0x1c9: {  	[tilespmem:s1], [sflag:$0x1] =	stream.indirect.gather [hbm4b:s0+s31], $0x40, s28, s31, $0xb8;
	[tilespmem:$0x1E9C0] =	vst v63  }
0x1ca: {  	s21 =	simm.s32 $0xC370  }
0x1cb: {  	[tilespmem:s2], [sflag:$0x1] =	stream.indirect.gather [hbm4b:s0+s31], $0x40, s21, s31, $0xb8;
	[tilespmem:$0x1E9C0] =	vst v63  }
0x1cc: {  	s23 =	simm.s32 $0xC3C0  }
0x1cd: {  	[tilespmem:s10], [sflag:$0x1] =	stream.indirect.gather [hbm4b:s0+s31], $0x40, s23, s31, $0xb8;
	[tilespmem:$0x1E9C0] =	vst v63  }
0x1ce: {  	s26 =	simm.s32 $0xC410  }
0x1cf: {  	[tilespmem:s12], [sflag:$0x1] =	stream.indirect.gather [hbm4b:s0+s31], $0x40, s26, s31, $0xb8;
	[tilespmem:$0x1E9C0] =	vst v63  }
0x1d0: {  	s28 =	simm.s32 $0xC460  }
0x1d1: {  	[tilespmem:s14], [sflag:$0x1] =	stream.indirect.gather [hbm4b:s0+s31], $0x40, s28, s31, $0xb8;
	[tilespmem:$0x1E9C0] =	vst v63  }
0x1d2: {  	_ =	swait.ge [sflag:s13], $0x1400  }
0x1d3: {  	[sflag:s13] =	ssyncset.done $0x0  }
0x1d4: {  	[sflag:s13] =	ssyncadd.s32 $0xFFFFEC00  }
0x1d5: {  	_ =	swait.ge [sflag:s13], $0x1400  }
0x1d6: {  	[sflag:s13] =	ssyncset.done $0x0  }
0x1d7: {  	[sflag:s13] =	ssyncadd.s32 $0xFFFFEC00  }
0x1d8: {  	_ =	swait.ge [sflag:s13], $0x1400  }
0x1d9: {  	[sflag:s13] =	ssyncset.done $0x0  }
0x1da: {  	[sflag:s13] =	ssyncadd.s32 $0xFFFFEC00  }
0x1db: {  	_ =	swait.ge [sflag:s13], $0x1400  }
0x1dc: {  	[sflag:s13] =	ssyncset.done $0x0  }
0x1dd: {  	[sflag:s13] =	ssyncadd.s32 $0xFFFFEC00  }
0x1de: {  	_ =	swait.ge [sflag:s13], $0x1400  }
0x1df: {  	[sflag:s13] =	ssyncset.done $0x0  }
0x1e0: {  	s20 =	simm.s32 $0xC960;
	[sflag:s13] =	ssyncadd.s32 $0xFFFFEC00  }
0x1e1: {  	[spmem:s4] =	stream.indirect.scatter.add.f32 [tilespmem:s16], [sflag:$0x4], $0x40, s20, s31, $0xb8;
	[tilespmem:$0x1E9C0] =	vst v63  }
0x1e2: {  	s21 =	simm.s32 $0xC9B0  }
0x1e3: {  	[spmem:s4] =	stream.indirect.scatter.add.f32 [tilespmem:s17], [sflag:$0x4], $0x40, s21, s31, $0xb8;
	[tilespmem:$0x1E9C0] =	vst v63  }
0x1e4: {  	s23 =	simm.s32 $0xCA00  }
0x1e5: {  	[spmem:s4] =	stream.indirect.scatter.add.f32 [tilespmem:s19], [sflag:$0x4], $0x40, s23, s31, $0xb8;
	[tilespmem:$0x1E9C0] =	vst v63  }
0x1e6: {  	s26 =	simm.s32 $0xCA50  }
0x1e7: {  	[spmem:s4] =	stream.indirect.scatter.add.f32 [tilespmem:s30], [sflag:$0x4], $0x40, s26, s31, $0xb8;
	[tilespmem:$0x1E9C0] =	vst v63  }
0x1e8: {  	s28 =	simm.s32 $0xCAA0  }
0x1e9: {  	[spmem:s4] =	stream.indirect.scatter.add.f32 [tilespmem:s22], [sflag:$0x4], $0x40, s28, s31, $0xb8;
	[tilespmem:$0x1E9C0] =	vst v63  }
0x1ea: {  	_ =	swait.ge [sflag:s11], $0x1400  }
0x1eb: {  	[sflag:s11] =	ssyncset.done $0x0  }
0x1ec: {  	[sflag:s11] =	ssyncadd.s32 $0xFFFFEC00  }
0x1ed: {  	_ =	swait.ge [sflag:s11], $0x1400  }
0x1ee: {  	[sflag:s11] =	ssyncset.done $0x0  }
0x1ef: {  	[sflag:s11] =	ssyncadd.s32 $0xFFFFEC00  }
0x1f0: {  	_ =	swait.ge [sflag:s11], $0x1400  }
0x1f1: {  	[sflag:s11] =	ssyncset.done $0x0  }
0x1f2: {  	[sflag:s11] =	ssyncadd.s32 $0xFFFFEC00  }
0x1f3: {  	_ =	swait.ge [sflag:s11], $0x1400  }
0x1f4: {  	[sflag:s11] =	ssyncset.done $0x0  }
0x1f5: {  	[sflag:s11] =	ssyncadd.s32 $0xFFFFEC00  }
0x1f6: {  	_ =	swait.ge [sflag:s11], $0x1400  }
0x1f7: {  	[sflag:s11] =	ssyncset.done $0x0  }
0x1f8: {  	s20 =	simm.s32 $0xC4B0;
	[sflag:s11] =	ssyncadd.s32 $0xFFFFEC00  }
0x1f9: {  	[tilespmem:s16], [sflag:$0x2] =	stream.indirect.gather [hbm4b:s0+s31], $0x40, s20, s31, $0xb8;
	[tilespmem:$0x1E9C0] =	vst v63  }
0x1fa: {  	s21 =	simm.s32 $0xC500  }
0x1fb: {  	[tilespmem:s17], [sflag:$0x2] =	stream.indirect.gather [hbm4b:s0+s31], $0x40, s21, s31, $0xb8;
	[tilespmem:$0x1E9C0] =	vst v63  }
0x1fc: {  	s23 =	simm.s32 $0xC550  }
0x1fd: {  	[tilespmem:s19], [sflag:$0x2] =	stream.indirect.gather [hbm4b:s0+s31], $0x40, s23, s31, $0xb8;
	[tilespmem:$0x1E9C0] =	vst v63  }
0x1fe: {  	s26 =	simm.s32 $0xC5A0  }
0x1ff: {  	[tilespmem:s30], [sflag:$0x2] =	stream.indirect.gather [hbm4b:s0+s31], $0x40, s26, s31, $0xb8;
	[tilespmem:$0x1E9C0] =	vst v63  }
0x200: {  	s28 =	simm.s32 $0xC5F0  }
0x201: {  	[tilespmem:s22], [sflag:$0x2] =	stream.indirect.gather [hbm4b:s0+s31], $0x40, s28, s31, $0xb8;
	[tilespmem:$0x1E9C0] =	vst v63  }
0x202: {  	_ =	swait.ge [sflag:s5], $0x1400  }
0x203: {  	[sflag:s5] =	ssyncset.done $0x0  }
0x204: {  	[sflag:s5] =	ssyncadd.s32 $0xFFFFEC00  }
0x205: {  	_ =	swait.ge [sflag:s5], $0x1400  }
0x206: {  	[sflag:s5] =	ssyncset.done $0x0  }
0x207: {  	[sflag:s5] =	ssyncadd.s32 $0xFFFFEC00  }
0x208: {  	_ =	swait.ge [sflag:s5], $0x1400  }
0x209: {  	[sflag:s5] =	ssyncset.done $0x0  }
0x20a: {  	[sflag:s5] =	ssyncadd.s32 $0xFFFFEC00  }
0x20b: {  	_ =	swait.ge [sflag:s5], $0x1400  }
0x20c: {  	[sflag:s5] =	ssyncset.done $0x0  }
0x20d: {  	[sflag:s5] =	ssyncadd.s32 $0xFFFFEC00  }
0x20e: {  	_ =	swait.ge [sflag:s5], $0x1400  }
0x20f: {  	[sflag:s5] =	ssyncset.done $0x0  }
0x210: {  	s20 =	simm.s32 $0xCAF0;
	[sflag:s5] =	ssyncadd.s32 $0xFFFFEC00  }
0x211: {  	[spmem:s4] =	stream.indirect.scatter.add.f32 [tilespmem:s1], [sflag:$0x3], $0x40, s20, s31, $0xb8;
	[tilespmem:$0x1E9C0] =	vst v63  }
0x212: {  	s21 =	simm.s32 $0xCB40  }
0x213: {  	[spmem:s4] =	stream.indirect.scatter.add.f32 [tilespmem:s2], [sflag:$0x3], $0x40, s21, s31, $0xb8;
	[tilespmem:$0x1E9C0] =	vst v63  }
0x214: {  	s23 =	simm.s32 $0xCB90  }
0x215: {  	[spmem:s4] =	stream.indirect.scatter.add.f32 [tilespmem:s10], [sflag:$0x3], $0x40, s23, s31, $0xb8;
	[tilespmem:$0x1E9C0] =	vst v63  }
0x216: {  	s26 =	simm.s32 $0xCBE0  }
0x217: {  	[spmem:s4] =	stream.indirect.scatter.add.f32 [tilespmem:s12], [sflag:$0x3], $0x40, s26, s31, $0xb8;
	[tilespmem:$0x1E9C0] =	vst v63  }
0x218: {  	s28 =	simm.s32 $0xCC30  }
0x219: {  	[spmem:s4] =	stream.indirect.scatter.add.f32 [tilespmem:s14], [sflag:$0x3], $0x40, s28, s31, $0xb8;
	[tilespmem:$0x1E9C0] =	vst v63  }
0x21a: {  	_ =	swait.ge [sflag:s29], $0x1400  }
0x21b: {  	[sflag:s29] =	ssyncset.done $0x0  }
0x21c: {  	[sflag:s29] =	ssyncadd.s32 $0xFFFFEC00  }
0x21d: {  	_ =	swait.ge [sflag:s29], $0x1400  }
0x21e: {  	[sflag:s29] =	ssyncset.done $0x0  }
0x21f: {  	[sflag:s29] =	ssyncadd.s32 $0xFFFFEC00  }
0x220: {  	_ =	swait.ge [sflag:s29], $0x1400  }
0x221: {  	[sflag:s29] =	ssyncset.done $0x0  }
0x222: {  	[sflag:s29] =	ssyncadd.s32 $0xFFFFEC00  }
0x223: {  	_ =	swait.ge [sflag:s29], $0x1400  }
0x224: {  	[sflag:s29] =	ssyncset.done $0x0  }
0x225: {  	[sflag:s29] =	ssyncadd.s32 $0xFFFFEC00  }
0x226: {  	_ =	swait.ge [sflag:s29], $0x1400  }
0x227: {  	[sflag:s29] =	ssyncset.done $0x0  }
0x228: {  	s20 =	simm.s32 $0xC640;
	[sflag:s29] =	ssyncadd.s32 $0xFFFFEC00  }
0x229: {  	[tilespmem:s1], [sflag:$0x1] =	stream.indirect.gather [hbm4b:s0+s31], $0x40, s20, s31, $0xb8;
	[tilespmem:$0x1E9C0] =	vst v63  }
0x22a: {  	s21 =	simm.s32 $0xC690  }
0x22b: {  	[tilespmem:s2], [sflag:$0x1] =	stream.indirect.gather [hbm4b:s0+s31], $0x40, s21, s31, $0xb8;
	[tilespmem:$0x1E9C0] =	vst v63  }
0x22c: {  	s23 =	simm.s32 $0xC6E0  }
0x22d: {  	[tilespmem:s10], [sflag:$0x1] =	stream.indirect.gather [hbm4b:s0+s31], $0x40, s23, s31, $0xb8;
	[tilespmem:$0x1E9C0] =	vst v63  }
0x22e: {  	s26 =	simm.s32 $0xC730  }
0x22f: {  	[tilespmem:s12], [sflag:$0x1] =	stream.indirect.gather [hbm4b:s0+s31], $0x40, s26, s31, $0xb8;
	[tilespmem:$0x1E9C0] =	vst v63  }
0x230: {  	s28 =	simm.s32 $0xC780  }
0x231: {  	[tilespmem:s14], [sflag:$0x1] =	stream.indirect.gather [hbm4b:s0+s31], $0x40, s28, s31, $0xb8;
	[tilespmem:$0x1E9C0] =	vst v63  }
0x232: {  	_ =	swait.ge [sflag:s13], $0x1400  }
0x233: {  	[sflag:s13] =	ssyncset.done $0x0  }
0x234: {  	[sflag:s13] =	ssyncadd.s32 $0xFFFFEC00  }
0x235: {  	_ =	swait.ge [sflag:s13], $0x1400  }
0x236: {  	[sflag:s13] =	ssyncset.done $0x0  }
0x237: {  	[sflag:s13] =	ssyncadd.s32 $0xFFFFEC00  }
0x238: {  	_ =	swait.ge [sflag:s13], $0x1400  }
0x239: {  	[sflag:s13] =	ssyncset.done $0x0  }
0x23a: {  	[sflag:s13] =	ssyncadd.s32 $0xFFFFEC00  }
0x23b: {  	_ =	swait.ge [sflag:s13], $0x1400  }
0x23c: {  	[sflag:s13] =	ssyncset.done $0x0  }
0x23d: {  	[sflag:s13] =	ssyncadd.s32 $0xFFFFEC00  }
0x23e: {  	_ =	swait.ge [sflag:s13], $0x1400  }
0x23f: {  	[sflag:s13] =	ssyncset.done $0x0  }
0x240: {  	s20 =	simm.s32 $0xCC80;
	[sflag:s13] =	ssyncadd.s32 $0xFFFFEC00  }
0x241: {  	[spmem:s4] =	stream.indirect.scatter.add.f32 [tilespmem:s16], [sflag:$0x4], $0x40, s20, s31, $0xb8;
	[tilespmem:$0x1E9C0] =	vst v63  }
0x242: {  	s21 =	simm.s32 $0xCCD0  }
0x243: {  	[spmem:s4] =	stream.indirect.scatter.add.f32 [tilespmem:s17], [sflag:$0x4], $0x40, s21, s31, $0xb8;
	[tilespmem:$0x1E9C0] =	vst v63  }
0x244: {  	s23 =	simm.s32 $0xCD20  }
0x245: {  	[spmem:s4] =	stream.indirect.scatter.add.f32 [tilespmem:s19], [sflag:$0x4], $0x40, s23, s31, $0xb8;
	[tilespmem:$0x1E9C0] =	vst v63  }
0x246: {  	s26 =	simm.s32 $0xCD70  }
0x247: {  	[spmem:s4] =	stream.indirect.scatter.add.f32 [tilespmem:s30], [sflag:$0x4], $0x40, s26, s31, $0xb8;
	[tilespmem:$0x1E9C0] =	vst v63  }
0x248: {  	s28 =	simm.s32 $0xCDC0  }
0x249: {  	[spmem:s4] =	stream.indirect.scatter.add.f32 [tilespmem:s22], [sflag:$0x4], $0x40, s28, s31, $0xb8;
	[tilespmem:$0x1E9C0] =	vst v63  }
0x24a: {  	_ =	swait.ge [sflag:s11], $0x1400  }
0x24b: {  	[sflag:s11] =	ssyncset.done $0x0  }
0x24c: {  	[sflag:s11] =	ssyncadd.s32 $0xFFFFEC00  }
0x24d: {  	_ =	swait.ge [sflag:s11], $0x1400  }
0x24e: {  	[sflag:s11] =	ssyncset.done $0x0  }
0x24f: {  	[sflag:s11] =	ssyncadd.s32 $0xFFFFEC00  }
0x250: {  	_ =	swait.ge [sflag:s11], $0x1400  }
0x251: {  	[sflag:s11] =	ssyncset.done $0x0  }
0x252: {  	[sflag:s11] =	ssyncadd.s32 $0xFFFFEC00  }
0x253: {  	_ =	swait.ge [sflag:s11], $0x1400  }
0x254: {  	[sflag:s11] =	ssyncset.done $0x0  }
0x255: {  	[sflag:s11] =	ssyncadd.s32 $0xFFFFEC00  }
0x256: {  	_ =	swait.ge [sflag:s11], $0x1400  }
0x257: {  	[sflag:s11] =	ssyncset.done $0x0  }
0x258: {  	[sflag:s11] =	ssyncadd.s32 $0xFFFFEC00  }
0x259: {  	_ =	swait.ge [sflag:s5], $0x1400  }
0x25a: {  	[sflag:s5] =	ssyncset.done $0x0  }
0x25b: {  	[sflag:s5] =	ssyncadd.s32 $0xFFFFEC00  }
0x25c: {  	_ =	swait.ge [sflag:s5], $0x1400  }
0x25d: {  	[sflag:s5] =	ssyncset.done $0x0  }
0x25e: {  	[sflag:s5] =	ssyncadd.s32 $0xFFFFEC00  }
0x25f: {  	_ =	swait.ge [sflag:s5], $0x1400  }
0x260: {  	[sflag:s5] =	ssyncset.done $0x0  }
0x261: {  	[sflag:s5] =	ssyncadd.s32 $0xFFFFEC00  }
0x262: {  	_ =	swait.ge [sflag:s5], $0x1400  }
0x263: {  	[sflag:s5] =	ssyncset.done $0x0  }
0x264: {  	[sflag:s5] =	ssyncadd.s32 $0xFFFFEC00  }
0x265: {  	_ =	swait.ge [sflag:s5], $0x1400  }
0x266: {  	[sflag:s5] =	ssyncset.done $0x0  }
0x267: {  	s20 =	simm.s32 $0xCE10;
	[sflag:s5] =	ssyncadd.s32 $0xFFFFEC00  }
0x268: {  	[spmem:s4] =	stream.indirect.scatter.add.f32 [tilespmem:s1], [sflag:$0x3], $0x40, s20, s31, $0xb8;
	[tilespmem:$0x1E9C0] =	vst v63  }
0x269: {  	s21 =	simm.s32 $0xCE60  }
0x26a: {  	[spmem:s4] =	stream.indirect.scatter.add.f32 [tilespmem:s2], [sflag:$0x3], $0x40, s21, s31, $0xb8;
	[tilespmem:$0x1E9C0] =	vst v63  }
0x26b: {  	s23 =	simm.s32 $0xCEB0  }
0x26c: {  	[spmem:s4] =	stream.indirect.scatter.add.f32 [tilespmem:s10], [sflag:$0x3], $0x40, s23, s31, $0xb8;
	[tilespmem:$0x1E9C0] =	vst v63  }
0x26d: {  	s26 =	simm.s32 $0xCF00  }
0x26e: {  	[spmem:s4] =	stream.indirect.scatter.add.f32 [tilespmem:s12], [sflag:$0x3], $0x40, s26, s31, $0xb8;
	[tilespmem:$0x1E9C0] =	vst v63  }
0x26f: {  	s28 =	simm.s32 $0xCF50  }
0x270: {  	[spmem:s4] =	stream.indirect.scatter.add.f32 [tilespmem:s14], [sflag:$0x3], $0x40, s28, s31, $0xb8;
	[tilespmem:$0x1E9C0] =	vst v63  }
0x271: {  	_ =	swait.ge [sflag:s29], $0x1400  }
0x272: {  	[sflag:s29] =	ssyncset.done $0x0  }
0x273: {  	[sflag:s29] =	ssyncadd.s32 $0xFFFFEC00  }
0x274: {  	_ =	swait.ge [sflag:s29], $0x1400  }
0x275: {  	[sflag:s29] =	ssyncset.done $0x0  }
0x276: {  	[sflag:s29] =	ssyncadd.s32 $0xFFFFEC00  }
0x277: {  	_ =	swait.ge [sflag:s29], $0x1400  }
0x278: {  	[sflag:s29] =	ssyncset.done $0x0  }
0x279: {  	[sflag:s29] =	ssyncadd.s32 $0xFFFFEC00  }
0x27a: {  	_ =	swait.ge [sflag:s29], $0x1400  }
0x27b: {  	[sflag:s29] =	ssyncset.done $0x0  }
0x27c: {  	[sflag:s29] =	ssyncadd.s32 $0xFFFFEC00  }
0x27d: {  	_ =	swait.ge [sflag:s29], $0x1400  }
0x27e: {  	[sflag:s29] =	ssyncset.done $0x0  }
0x27f: {  	s20 =	simm.s32 $0xCFA0;
	[sflag:s29] =	ssyncadd.s32 $0xFFFFEC00  }
0x280: {  	[tilespmem:s1], [sflag:$0x1] =	stream.indirect.gather [hbm4b:s7+s31], $0x40, s20, s31, $0xb8;
	[tilespmem:$0x1E9C0] =	vst v63  }
0x281: {  	s21 =	simm.s32 $0xCFF0  }
0x282: {  	[tilespmem:s2], [sflag:$0x1] =	stream.indirect.gather [hbm4b:s7+s31], $0x40, s21, s31, $0xb8;
	[tilespmem:$0x1E9C0] =	vst v63  }
0x283: {  	s23 =	simm.s32 $0xD040  }
0x284: {  	[tilespmem:s10], [sflag:$0x1] =	stream.indirect.gather [hbm4b:s7+s31], $0x40, s23, s31, $0xb8;
	[tilespmem:$0x1E9C0] =	vst v63  }
0x285: {  	s26 =	simm.s32 $0xD090  }
0x286: {  	[tilespmem:s12], [sflag:$0x1] =	stream.indirect.gather [hbm4b:s7+s31], $0x40, s26, s31, $0xb8;
	[tilespmem:$0x1E9C0] =	vst v63  }
0x287: {  	s28 =	simm.s32 $0xD0E0  }
0x288: {  	[tilespmem:s14], [sflag:$0x1] =	stream.indirect.gather [hbm4b:s7+s31], $0x40, s28, s31, $0xb8;
	[tilespmem:$0x1E9C0] =	vst v63  }
0x289: {  	s20 =	simm.s32 $0xD130  }
0x28a: {  	[tilespmem:s16], [sflag:$0x2] =	stream.indirect.gather [hbm4b:s7+s31], $0x40, s20, s31, $0xb8;
	[tilespmem:$0x1E9C0] =	vst v63  }
0x28b: {  	s21 =	simm.s32 $0xD180  }
0x28c: {  	[tilespmem:s17], [sflag:$0x2] =	stream.indirect.gather [hbm4b:s7+s31], $0x40, s21, s31, $0xb8;
	[tilespmem:$0x1E9C0] =	vst v63  }
0x28d: {  	s23 =	simm.s32 $0xD1D0  }
0x28e: {  	[tilespmem:s19], [sflag:$0x2] =	stream.indirect.gather [hbm4b:s7+s31], $0x40, s23, s31, $0xb8;
	[tilespmem:$0x1E9C0] =	vst v63  }
0x28f: {  	s26 =	simm.s32 $0xD220  }
0x290: {  	[tilespmem:s30], [sflag:$0x2] =	stream.indirect.gather [hbm4b:s7+s31], $0x40, s26, s31, $0xb8;
	[tilespmem:$0x1E9C0] =	vst v63  }
0x291: {  	s8 =	rddreg [dreg:$0x17];
	s28 =	simm.s32 $0xD270  }
0x292: {  	[tilespmem:s22], [sflag:$0x2] =	stream.indirect.gather [hbm4b:s7+s31], $0x40, s28, s31, $0xb8;
	[tilespmem:$0x1E9C0] =	vst v63  }
.LBB2_6:
0x293: {  	_ =	swait.ge [sflag:s5], $0x1400  }
0x294: {  	[sflag:s5] =	ssyncset.done $0x0  }
0x295: {  	[sflag:s5] =	ssyncadd.s32 $0xFFFFEC00  }
0x296: {  	_ =	swait.ge [sflag:s5], $0x1400  }
0x297: {  	[sflag:s5] =	ssyncset.done $0x0  }
0x298: {  	[sflag:s5] =	ssyncadd.s32 $0xFFFFEC00  }
0x299: {  	_ =	swait.ge [sflag:s5], $0x1400  }
0x29a: {  	[sflag:s5] =	ssyncset.done $0x0  }
0x29b: {  	[sflag:s5] =	ssyncadd.s32 $0xFFFFEC00  }
0x29c: {  	_ =	swait.ge [sflag:s5], $0x1400  }
0x29d: {  	[sflag:s5] =	ssyncset.done $0x0  }
0x29e: {  	[sflag:s5] =	ssyncadd.s32 $0xFFFFEC00  }
0x29f: {  	_ =	swait.ge [sflag:s5], $0x1400  }
0x2a0: {  	s20 =	sshra.s32 s18, $0x2;
	[sflag:s5] =	ssyncset.done $0x0  }
0x2a1: {  	s21 =	sadd.s32 $0xF6B0, s20;
	[sflag:s5] =	ssyncadd.s32 $0xFFFFEC00  }
0x2a2: {  	[spmem:s4] =	stream.indirect.scatter.add.f32 [tilespmem:s1], [sflag:$0x3], $0x40, s21, s31, $0xb8;
	[tilespmem:$0x1E9C0] =	vst v63  }
0x2a3: {  	s26 =	sadd.s32 $0xF700, s20  }
0x2a4: {  	[spmem:s4] =	stream.indirect.scatter.add.f32 [tilespmem:s2], [sflag:$0x3], $0x40, s26, s31, $0xb8;
	[tilespmem:$0x1E9C0] =	vst v63  }
0x2a5: {  	s28 =	sadd.s32 $0xF750, s20  }
0x2a6: {  	[spmem:s4] =	stream.indirect.scatter.add.f32 [tilespmem:s10], [sflag:$0x3], $0x40, s28, s31, $0xb8;
	[tilespmem:$0x1E9C0] =	vst v63  }
0x2a7: {  	s23 =	sadd.s32 $0xF7A0, s20  }
0x2a8: {  	[spmem:s4] =	stream.indirect.scatter.add.f32 [tilespmem:s12], [sflag:$0x3], $0x40, s23, s31, $0xb8;
	[tilespmem:$0x1E9C0] =	vst v63  }
0x2a9: {  	s26 =	sadd.s32 $0xF7F0, s20  }
0x2aa: {  	[spmem:s4] =	stream.indirect.scatter.add.f32 [tilespmem:s14], [sflag:$0x3], $0x40, s26, s31, $0xb8;
	[tilespmem:$0x1E9C0] =	vst v63  }
0x2ab: {  	_ =	swait.ge [sflag:s29], $0x1400  }
0x2ac: {  	[sflag:s29] =	ssyncset.done $0x0  }
0x2ad: {  	[sflag:s29] =	ssyncadd.s32 $0xFFFFEC00  }
0x2ae: {  	_ =	swait.ge [sflag:s29], $0x1400  }
0x2af: {  	[sflag:s29] =	ssyncset.done $0x0  }
0x2b0: {  	[sflag:s29] =	ssyncadd.s32 $0xFFFFEC00  }
0x2b1: {  	_ =	swait.ge [sflag:s29], $0x1400  }
0x2b2: {  	[sflag:s29] =	ssyncset.done $0x0  }
0x2b3: {  	[sflag:s29] =	ssyncadd.s32 $0xFFFFEC00  }
0x2b4: {  	_ =	swait.ge [sflag:s29], $0x1400  }
0x2b5: {  	[sflag:s29] =	ssyncset.done $0x0  }
0x2b6: {  	[sflag:s29] =	ssyncadd.s32 $0xFFFFEC00  }
0x2b7: {  	_ =	swait.ge [sflag:s29], $0x1400  }
0x2b8: {  	[sflag:s29] =	ssyncset.done $0x0  }
0x2b9: {  	s28 =	sadd.s32 $0xD2C0, s20;
	[sflag:s29] =	ssyncadd.s32 $0xFFFFEC00  }
0x2ba: {  	[tilespmem:s1], [sflag:$0x1] =	stream.indirect.gather [hbm4b:s7+s31], $0x40, s28, s31, $0xb8;
	[tilespmem:$0x1E9C0] =	vst v63  }
0x2bb: {  	s23 =	sadd.s32 $0xD310, s20  }
0x2bc: {  	[tilespmem:s2], [sflag:$0x1] =	stream.indirect.gather [hbm4b:s7+s31], $0x40, s23, s31, $0xb8;
	[tilespmem:$0x1E9C0] =	vst v63  }
0x2bd: {  	s26 =	sadd.s32 $0xD360, s20  }
0x2be: {  	[tilespmem:s10], [sflag:$0x1] =	stream.indirect.gather [hbm4b:s7+s31], $0x40, s26, s31, $0xb8;
	[tilespmem:$0x1E9C0] =	vst v63  }
0x2bf: {  	s28 =	sadd.s32 $0xD3B0, s20  }
0x2c0: {  	[tilespmem:s12], [sflag:$0x1] =	stream.indirect.gather [hbm4b:s7+s31], $0x40, s28, s31, $0xb8;
	[tilespmem:$0x1E9C0] =	vst v63  }
0x2c1: {  	s23 =	sadd.s32 $0xD400, s20  }
0x2c2: {  	[tilespmem:s14], [sflag:$0x1] =	stream.indirect.gather [hbm4b:s7+s31], $0x40, s23, s31, $0xb8;
	[tilespmem:$0x1E9C0] =	vst v63  }
0x2c3: {  	_ =	swait.ge [sflag:s13], $0x1400  }
0x2c4: {  	[sflag:s13] =	ssyncset.done $0x0  }
0x2c5: {  	[sflag:s13] =	ssyncadd.s32 $0xFFFFEC00  }
0x2c6: {  	_ =	swait.ge [sflag:s13], $0x1400  }
0x2c7: {  	[sflag:s13] =	ssyncset.done $0x0  }
0x2c8: {  	[sflag:s13] =	ssyncadd.s32 $0xFFFFEC00  }
0x2c9: {  	_ =	swait.ge [sflag:s13], $0x1400  }
0x2ca: {  	[sflag:s13] =	ssyncset.done $0x0  }
0x2cb: {  	[sflag:s13] =	ssyncadd.s32 $0xFFFFEC00  }
0x2cc: {  	_ =	swait.ge [sflag:s13], $0x1400  }
0x2cd: {  	[sflag:s13] =	ssyncset.done $0x0  }
0x2ce: {  	[sflag:s13] =	ssyncadd.s32 $0xFFFFEC00  }
0x2cf: {  	_ =	swait.ge [sflag:s13], $0x1400  }
0x2d0: {  	[sflag:s13] =	ssyncset.done $0x0  }
0x2d1: {  	s26 =	sadd.s32 $0xF840, s20;
	[sflag:s13] =	ssyncadd.s32 $0xFFFFEC00  }
0x2d2: {  	[spmem:s4] =	stream.indirect.scatter.add.f32 [tilespmem:s16], [sflag:$0x4], $0x40, s26, s31, $0xb8;
	[tilespmem:$0x1E9C0] =	vst v63  }
0x2d3: {  	s28 =	sadd.s32 $0xF890, s20  }
0x2d4: {  	[spmem:s4] =	stream.indirect.scatter.add.f32 [tilespmem:s17], [sflag:$0x4], $0x40, s28, s31, $0xb8;
	[tilespmem:$0x1E9C0] =	vst v63  }
0x2d5: {  	s23 =	sadd.s32 $0xF8E0, s20  }
0x2d6: {  	[spmem:s4] =	stream.indirect.scatter.add.f32 [tilespmem:s19], [sflag:$0x4], $0x40, s23, s31, $0xb8;
	[tilespmem:$0x1E9C0] =	vst v63  }
0x2d7: {  	s26 =	sadd.s32 $0xF930, s20  }
0x2d8: {  	[spmem:s4] =	stream.indirect.scatter.add.f32 [tilespmem:s30], [sflag:$0x4], $0x40, s26, s31, $0xb8;
	[tilespmem:$0x1E9C0] =	vst v63  }
0x2d9: {  	s28 =	sadd.s32 $0xF980, s20  }
0x2da: {  	[spmem:s4] =	stream.indirect.scatter.add.f32 [tilespmem:s22], [sflag:$0x4], $0x40, s28, s31, $0xb8;
	[tilespmem:$0x1E9C0] =	vst v63  }
0x2db: {  	_ =	swait.ge [sflag:s11], $0x1400  }
0x2dc: {  	[sflag:s11] =	ssyncset.done $0x0  }
0x2dd: {  	[sflag:s11] =	ssyncadd.s32 $0xFFFFEC00  }
0x2de: {  	_ =	swait.ge [sflag:s11], $0x1400  }
0x2df: {  	[sflag:s11] =	ssyncset.done $0x0  }
0x2e0: {  	[sflag:s11] =	ssyncadd.s32 $0xFFFFEC00  }
0x2e1: {  	_ =	swait.ge [sflag:s11], $0x1400  }
0x2e2: {  	[sflag:s11] =	ssyncset.done $0x0  }
0x2e3: {  	[sflag:s11] =	ssyncadd.s32 $0xFFFFEC00  }
0x2e4: {  	p0 =	seq.s32 s18, $0x8980;
	_ =	swait.ge [sflag:s11], $0x1400  }
.Ltmp4:
0x2e5: {  	[sflag:s11] =	ssyncset.done $0x0;
	(pc) =	sbr.rel @p0 .LBB2_8-.Ltmp4, $4  }
0x2e6: {  	[sflag:s11] =	ssyncadd.s32 $0xFFFFEC00  }
0x2e7: {  	_ =	swait.ge [sflag:s11], $0x1400  }
0x2e8: {  	[sflag:s11] =	ssyncset.done $0x0  }
0x2e9: {  	[sflag:s11] =	ssyncadd.s32 $0xFFFFEC00  }
0x2ea: {  	s21 =	sadd.s32 $0xD450, s20  }
0x2eb: {  	[tilespmem:s16], [sflag:$0x2] =	stream.indirect.gather [hbm4b:s7+s31], $0x40, s21, s31, $0xb8;
	[tilespmem:$0x1E9C0] =	vst v63  }
0x2ec: {  	s28 =	sadd.s32 $0xD4A0, s20  }
0x2ed: {  	[tilespmem:s17], [sflag:$0x2] =	stream.indirect.gather [hbm4b:s7+s31], $0x40, s28, s31, $0xb8;
	[tilespmem:$0x1E9C0] =	vst v63  }
0x2ee: {  	s23 =	sadd.s32 $0xD4F0, s20  }
0x2ef: {  	[tilespmem:s19], [sflag:$0x2] =	stream.indirect.gather [hbm4b:s7+s31], $0x40, s23, s31, $0xb8;
	[tilespmem:$0x1E9C0] =	vst v63  }
.Ltmp5:
0x2f0: {  	_ = 	snop;
	(pc) =	sbr.rel .LBB2_6-.Ltmp5, $4  }
0x2f1: {  	s26 =	sadd.s32 $0xD540, s20  }
0x2f2: {  	[tilespmem:s30], [sflag:$0x2] =	stream.indirect.gather [hbm4b:s7+s31], $0x40, s26, s31, $0xb8;
	[tilespmem:$0x1E9C0] =	vst v63  }
0x2f3: {  	s18 =	sadd.s32 $0xC80, s18;
	s28 =	sadd.s32 $0xD590, s20  }
0x2f4: {  	[tilespmem:s22], [sflag:$0x2] =	stream.indirect.gather [hbm4b:s7+s31], $0x40, s28, s31, $0xb8;
	[tilespmem:$0x1E9C0] =	vst v63  }
.LBB2_9:
0x2f5: {  	_ =	sfence.sel $0x180000  }
0x2f6: {  	[bflag:$0x0] =	sbarrier.arrive $0xFFFF  }
0x2f7: {  	_ =	strace $0x90000047  }
0x2f8: {  	s0 =	stileid.u32;
	[bflag:$0x2] =	sbarrier.arrive $0xFFFF  }
0x2f9: {  	p0 =	sne.s32 s0, $0x0;
	s0 =	rddreg [dreg:$0x8]  }
0x2fa: {  	s0 =	sadd.s32 @!p0 $0x100000, s0  }
0x2fb: {  	[sflag:s0] =	ssyncadd.tile.s32 @!p0 $0x1;
	_ =	shalt  }
.Lfunc_end2:
_tile_overlayer_lowered:
.L_overlay_start_2:
0x2fc: {  	(tag) =	ssettag $0x2  }
0x2fd: {  	s0 =	rddreg [dreg:$0x0];
	s2 =	stileid.u32  }
0x2fe: {  	s1 =	rddreg [dreg:$0x1];
	p0 =	sne.s32 s2, $0x0  }
0x2ff: {  	s3 =	rddreg [dreg:$0x2];
	[bflag:$0x3] =	sbarrier.arrive $0xFFFF;
	s2 =	simm.s32 @!p0 $0x1C05  }
0x300: {  	[timem:s3], [sflag:s2] =	dma.local @!p0 [hbm:s0], s1  }
0x301: {  	s0 =	simm.s32 @!p0 $0x5  }
0x302: {  	_ =	swait.ge @!p0 [sflag:s0], s1  }
0x303: {  	s1 =	ssub.s32 @!p0 $0x0, s1;
	[sflag:s0] =	ssyncset.done @!p0 $0x0  }
0x304: {  	[sflag:s0] =	ssyncadd.s32 @!p0 s1  }
0x305: {  	[bflag:$0x3] =	sbarrier.arrive $0xFFFF  }
0x306: {  	_ =	shalt  }

</sc_bundles>
